<compile_context>
chip_gen: v7x
topology: tpu7x:2x2x1
jax: 0.10.2.dev20260603
libtpu: 0.0.44.dev20260713+nightly
codegen_flags: <defaults>
</compile_context>

<pallas_src>
import jax
import jax.numpy as jnp
from jax import lax
from jax.experimental import pallas as pl
from jax.experimental.pallas import tpu as pltpu
from jax.experimental.pallas import tpu_sc as plsc

V = 1_000_000
NC = 2
NS = 16
L = 16
NW = NC * NS

CHUNK = 62_976
VPAD = NS * CHUNK
NWAVE = 12
WAVE = CHUNK // NWAVE
SUM_U = 8

B_TOT = 4096 * 200
ROWS = B_TOT // 128
ROWS_W = ROWS // NW
G = 40
NG = ROWS_W // G

_LN2 = 0.6931471805599453
_P4 = (-0.05545986968073571, 0.44050704554227527, -1.4552065437591728,
       2.806994158628966, -1.7367654165499555)


def _log_from_bits(v, ln_s):
    bits = lax.bitcast_convert_type(v, jnp.int32)
    e = lax.shift_right_arithmetic(bits, 23) - 127
    m_bits = lax.bitwise_or(lax.bitwise_and(bits, 0x007FFFFF), 0x3F800000)
    m = lax.bitcast_convert_type(m_bits, jnp.float32)
    p = jnp.float32(_P4[0])
    for c in _P4[1:-1]:
        p = p * m + jnp.float32(c)
    p = p * m + (jnp.float32(_P4[-1]) - ln_s)
    return e.astype(jnp.float32) * jnp.float32(_LN2) + p


def _body(idx_hbm, probs_hbm, out_hbm,
          table_sp, part_sp, buf_a, buf_b, idx_v, vals_v, pvt_v, pall_v,
          sem_a, sem_b, sem_stage, sem_idx, sem_g0, sem_g1, sem_out):
    cid = lax.axis_index("c")
    sid = lax.axis_index("s")
    wid = sid * NC + cid
    obase = wid * ROWS_W

    h_idx = pltpu.async_copy(idx_hbm.at[pl.ds(obase, ROWS_W)], idx_v, sem_idx)

    base = sid * CHUNK
    pltpu.async_copy(probs_hbm.at[pl.ds(base, CHUNK)],
                     table_sp.at[pl.ds(base, CHUNK)], sem_stage).wait()

    plsc.subcore_barrier()

    h_idx.wait()
    sems_g = (sem_g0, sem_g1)

    def fire_group(g):
        s = sems_g[g % 2]

        def fire(r, c):
            row = g * G + r
            pltpu.async_copy(table_sp.at[idx_v.at[row]], vals_v.at[row], s)
            return c
        lax.fori_loop(0, G, fire, 0)

    fire_group(0)
    fire_group(1)

    sbase = base
    sets = (buf_a, buf_b)
    sems = (sem_a, sem_b)

    def fire_wave(w):
        pltpu.async_copy(
            table_sp.at[pl.ds(sbase + w * WAVE, WAVE)],
            sets[w % 2], sems[w % 2])

    fire_wave(0)
    accs = [jnp.zeros((L,), jnp.float32) for _ in range(4)]
    for w in range(NWAVE):
        if w + 1 < NWAVE:
            fire_wave(w + 1)
        bset = sets[w % 2]
        pltpu.make_async_copy(
            probs_hbm.at[pl.ds(0, WAVE)], bset, sems[w % 2]).wait()

        def sum_step(i, a):
            o = i * (SUM_U * L)
            for u in range(SUM_U):
                a = tuple(
                    a[j] + bset[pl.ds(o + u * L, L)] if j == (u % 4) else a[j]
                    for j in range(4))
            return a
        accs = list(lax.fori_loop(0, WAVE // (SUM_U * L), sum_step,
                                  tuple(accs)))

    acc = (accs[0] + accs[1]) + (accs[2] + accs[3])
    pvt_v[...] = acc
    pltpu.sync_copy(pvt_v, part_sp.at[sid])

    plsc.subcore_barrier()

    pltpu.sync_copy(part_sp, pall_v)
    tot = pall_v[0]
    for t in range(1, NS):
        tot = tot + pall_v[t]
    s_scalar = tot[0]
    for i in range(1, L):
        s_scalar = s_scalar + tot[i]
    ln_s = _log_from_bits(jnp.full((L,), s_scalar, jnp.float32),
                          jnp.zeros((L,), jnp.float32))

    for g in range(NG):
        pltpu.make_async_copy(
            out_hbm.at[pl.ds(obase + g * G, G)],
            vals_v.at[pl.ds(g * G, G)], sems_g[g % 2]).wait()
        if g + 2 < NG:
            fire_group(g + 2)

        def log_row(r, carry):
            row = g * G + r
            for c in range(128 // L):
                v = vals_v[row, pl.ds(c * L, L)]
                vals_v[row, pl.ds(c * L, L)] = _log_from_bits(v, ln_s)
            return carry
        lax.fori_loop(0, G, log_row, 0)

        pltpu.async_copy(vals_v.at[pl.ds(g * G, G)],
                         out_hbm.at[pl.ds(obase + g * G, G)], sem_out)

    pltpu.make_async_copy(out_hbm.at[pl.ds(obase, ROWS_W)],
                          vals_v, sem_out).wait()


@jax.jit
def kernel(indices, probs):
    idx2d = indices.reshape(ROWS, 128)
    probs_pad = jnp.pad(probs, (0, VPAD - V))
    mesh = plsc.VectorSubcoreMesh(core_axis_name="c", subcore_axis_name="s")
    fn = pl.kernel(
        _body,
        out_type=jax.ShapeDtypeStruct((ROWS, 128), jnp.float32),
        mesh=mesh,
        scratch_types=[
            pltpu.VMEM_SHARED((VPAD,), jnp.float32),
            pltpu.VMEM_SHARED((NS, L), jnp.float32),
            pltpu.VMEM((WAVE,), jnp.float32),
            pltpu.VMEM((WAVE,), jnp.float32),
            pltpu.VMEM((ROWS_W, 128), jnp.int32),
            pltpu.VMEM((ROWS_W, 128), jnp.float32),
            pltpu.VMEM((L,), jnp.float32),
            pltpu.VMEM((NS, L), jnp.float32),
        ] + [pltpu.SemaphoreType.DMA] * 7,
    )
    out = fn(idx2d, probs_pad)
    return out.reshape(4096, 200)

# --- scband reference (transcript-rebuilt; emitter-appended) ---
"""Pipeline reference for scband-log-uniform-sampler-70463233459004 (READ-ONLY COPY).

The authoritative reference and input builder live on the scoring server;
editing this copy changes nothing except your own understanding.
"""

import jax, jax.numpy as jnp
import numpy as np

NUM_CLASSES = 1000000
CLAMP_MIN = 1e-10


def setup_inputs(seed: int = 0) -> dict:
    key = jax.random.key(seed)
    indices = jax.random.randint(key, (4096, 200), 0, NUM_CLASSES, dtype=jnp.int32)
    # Materialize the (non-learned but stored) categorical distribution exactly as the
    # torch __init__ does, in float32 (torch default dtype).
    ws = jnp.arange(NUM_CLASSES, dtype=jnp.float32)
    dist = (jnp.log1p(ws + 1.0) - jnp.log1p(ws)) / jnp.log1p(jnp.float32(NUM_CLASSES))
    dist = jnp.clip(dist, CLAMP_MIN, None)
    dist = dist / dist.sum()
    return {"indices": indices, "probs": dist}


def reference(indices, probs):
    # torch.distributions.Categorical(probs=p).log_prob(idx):
    #   logits = log(p / p.sum())  (p already normalized here) ; log_prob = logits[idx]
    probs_norm = probs / probs.sum()
    logits = jnp.log(probs_norm)
    return jnp.take(logits, indices, axis=0)

if __name__ == "__main__":
    import jax
    _d = setup_inputs()
    print(jax.jit(kernel)(*tuple(_d.values())))

</pallas_src>

<mosaic_0001>
#map = affine_map<(d0, d1) -> (0, 0)>
#map1 = affine_map<(d0, d1) -> (0)>
module attributes {stable_mosaic.version = 14 : i64} {
  func.func @_body(%arg0: i32, %arg1: i32, %arg2: memref<6400x128xi32, #tpu.memory_space<hbm>>, %arg3: memref<1007616xf32, #tpu.memory_space<hbm>>, %arg4: memref<6400x128xf32, #tpu.memory_space<hbm>>, %arg5: memref<1007616xf32, #tpu.memory_space<vmem_shared>>, %arg6: memref<16x16xf32, #tpu.memory_space<vmem_shared>>, %arg7: memref<5248xf32, #tpu.memory_space<vmem>>, %arg8: memref<5248xf32, #tpu.memory_space<vmem>>, %arg9: memref<200x128xi32, #tpu.memory_space<vmem>>, %arg10: memref<200x128xf32, #tpu.memory_space<vmem>>, %arg11: memref<16xf32, #tpu.memory_space<vmem>>, %arg12: memref<16x16xf32, #tpu.memory_space<vmem>>, %arg13: memref<!tpu.dma_semaphore, #tpu.memory_space<semaphore_mem>>, %arg14: memref<!tpu.dma_semaphore, #tpu.memory_space<semaphore_mem>>, %arg15: memref<!tpu.dma_semaphore, #tpu.memory_space<semaphore_mem>>, %arg16: memref<!tpu.dma_semaphore, #tpu.memory_space<semaphore_mem>>, %arg17: memref<!tpu.dma_semaphore, #tpu.memory_space<semaphore_mem>>, %arg18: memref<!tpu.dma_semaphore, #tpu.memory_space<semaphore_mem>>, %arg19: memref<!tpu.dma_semaphore, #tpu.memory_space<semaphore_mem>>) attributes {dimension_semantics = [#tpu.dimension_semantics<core_parallel>, #tpu.dimension_semantics<subcore_parallel>], iteration_bounds = array<i64: 2, 16>, scalar_prefetch = 0 : i64, scratch_operands = 15 : i64, tpu.core_type = #tpu.core_type<sc_vector_subcore>, window_params = [{transform_indices = #map}, {transform_indices = #map1}, {transform_indices = #map}]} {
    %mul3A = arith.constant 2 : i32
    %mul3A_0 = arith.muli %arg1, %mul3A : i32
    %add3A = arith.addi %mul3A_0, %arg0 : i32
    %mul3A_1 = arith.constant 200 : i32
    %mul3A_2 = arith.muli %add3A, %mul3A_1 : i32
    %dma_start3A = arith.constant 0 : i32
    %dma_start3A_3 = tpu.memref_slice %arg2[%mul3A_2, %dma_start3A] : memref<6400x128xi32, #tpu.memory_space<hbm>> -> memref<200x128xi32, #tpu.memory_space<hbm>>
    %dma_start3A_4 = arith.constant 0 : i32
    %dma_start3A_5 = tpu.memref_slice %arg2[%mul3A_2, %dma_start3A_4] : memref<6400x128xi32, #tpu.memory_space<hbm>> -> memref<200x128xi32, #tpu.memory_space<hbm>>
    tpu.enqueue_dma source(%dma_start3A_5 : memref<200x128xi32, #tpu.memory_space<hbm>>) target(%arg9 : memref<200x128xi32, #tpu.memory_space<vmem>>) target_semaphore(%arg16 : memref<!tpu.dma_semaphore, #tpu.memory_space<semaphore_mem>>)
    %mul3A_6 = arith.constant 62976 : i32
    %mul3A_7 = arith.muli %arg1, %mul3A_6 : i32
    %dma_start3A_8 = tpu.memref_slice %arg5[%mul3A_7] : memref<1007616xf32, #tpu.memory_space<vmem_shared>> -> memref<62976xf32, #tpu.memory_space<vmem_shared>>
    %dma_start3A_9 = tpu.memref_slice %arg3[%mul3A_7] : memref<1007616xf32, #tpu.memory_space<hbm>> -> memref<62976xf32, #tpu.memory_space<hbm>>
    tpu.enqueue_dma source(%dma_start3A_9 : memref<62976xf32, #tpu.memory_space<hbm>>) target(%dma_start3A_8 : memref<62976xf32, #tpu.memory_space<vmem_shared>>) target_semaphore(%arg15 : memref<!tpu.dma_semaphore, #tpu.memory_space<semaphore_mem>>)
    %dma_wait3A = tpu.memref_slice %arg5[%mul3A_7] : memref<1007616xf32, #tpu.memory_space<vmem_shared>> -> memref<62976xf32, #tpu.memory_space<vmem_shared>>
    %dma_wait3A_10 = tpu.memref_slice %arg3[%mul3A_7] : memref<1007616xf32, #tpu.memory_space<hbm>> -> memref<62976xf32, #tpu.memory_space<hbm>>
    tpu.wait_dma2 semaphore(%arg15 : memref<!tpu.dma_semaphore, #tpu.memory_space<semaphore_mem>>) src(%dma_wait3A_10 : memref<62976xf32, #tpu.memory_space<hbm>>) dst(%dma_wait3A : memref<62976xf32, #tpu.memory_space<vmem_shared>>)
    %barrier3A = arith.constant 0 : index
    tpu.barrier barrier_id(%barrier3A)
    %dma_wait3A_11 = arith.constant 0 : i32
    %dma_wait3A_12 = tpu.memref_slice %arg2[%mul3A_2, %dma_wait3A_11] : memref<6400x128xi32, #tpu.memory_space<hbm>> -> memref<200x128xi32, #tpu.memory_space<hbm>>
    %dma_wait3A_13 = arith.constant 0 : i32
    %dma_wait3A_14 = tpu.memref_slice %arg2[%mul3A_2, %dma_wait3A_13] : memref<6400x128xi32, #tpu.memory_space<hbm>> -> memref<200x128xi32, #tpu.memory_space<hbm>>
    tpu.wait_dma2 semaphore(%arg16 : memref<!tpu.dma_semaphore, #tpu.memory_space<semaphore_mem>>) src(%dma_wait3A_14 : memref<200x128xi32, #tpu.memory_space<hbm>>) dst(%arg9 : memref<200x128xi32, #tpu.memory_space<vmem>>)
    %scan3A = arith.constant 0 : i32
    %scan3A_15 = arith.constant 0 : i32
    %scan3A_16 = arith.constant 40 : i32
    %scan3A_17 = arith.addi %scan3A_15, %scan3A_16 : i32
    %scan3A_18 = arith.constant 1 : i32
    scf.for %scan3A_554 = %scan3A_15 to %scan3A_17 step %scan3A_18  : i32 {
      %add3A_555 = arith.constant 0 : i32
      %add3A_556 = arith.addi %add3A_555, %scan3A_554 : i32
      %dma_start3A_557 = arith.constant 0 : i32
      %dma_start3A_558 = tpu.memref_slice %arg10[%add3A_556, %dma_start3A_557] : memref<200x128xf32, #tpu.memory_space<vmem>> -> memref<1x128xf32, #tpu.memory_space<vmem>>
      %dma_start3A_559 = tpu.memref_squeeze %dma_start3A_558 : memref<1x128xf32, #tpu.memory_space<vmem>> -> memref<128xf32, #tpu.memory_space<vmem>>
      %dma_start3A_560 = arith.constant 0 : i32
      %dma_start3A_561 = tpu.memref_slice %arg9[%add3A_556, %dma_start3A_560] : memref<200x128xi32, #tpu.memory_space<vmem>> -> memref<1x128xi32, #tpu.memory_space<vmem>>
      %dma_start3A_562 = tpu.memref_squeeze %dma_start3A_561 : memref<1x128xi32, #tpu.memory_space<vmem>> -> memref<128xi32, #tpu.memory_space<vmem>>
      %dma_start3A_563 = arith.constant 0 : i32
      %dma_start3A_564 = tpu.memref_slice %arg5[%dma_start3A_563] : memref<1007616xf32, #tpu.memory_space<vmem_shared>> -> memref<1007616xf32, #tpu.memory_space<vmem_shared>>
      tpu.enqueue_indirect_dma source(%dma_start3A_564 : memref<1007616xf32, #tpu.memory_space<vmem_shared>>) target(%dma_start3A_559 : memref<128xf32, #tpu.memory_space<vmem>>) offsets(%dma_start3A_562 : memref<128xi32, #tpu.memory_space<vmem>>) semaphore(%arg17 : memref<!tpu.dma_semaphore, #tpu.memory_space<semaphore_mem>>)
    }
    %scan3A_19 = arith.constant 40 : i32
    %scan3A_20 = arith.constant 0 : i32
    %scan3A_21 = arith.constant 0 : i32
    %scan3A_22 = arith.constant 40 : i32
    %scan3A_23 = arith.addi %scan3A_21, %scan3A_22 : i32
    %scan3A_24 = arith.constant 1 : i32
    scf.for %scan3A_554 = %scan3A_21 to %scan3A_23 step %scan3A_24  : i32 {
      %add3A_555 = arith.constant 40 : i32
      %add3A_556 = arith.addi %add3A_555, %scan3A_554 : i32
      %dma_start3A_557 = arith.constant 0 : i32
      %dma_start3A_558 = tpu.memref_slice %arg10[%add3A_556, %dma_start3A_557] : memref<200x128xf32, #tpu.memory_space<vmem>> -> memref<1x128xf32, #tpu.memory_space<vmem>>
      %dma_start3A_559 = tpu.memref_squeeze %dma_start3A_558 : memref<1x128xf32, #tpu.memory_space<vmem>> -> memref<128xf32, #tpu.memory_space<vmem>>
      %dma_start3A_560 = arith.constant 0 : i32
      %dma_start3A_561 = tpu.memref_slice %arg9[%add3A_556, %dma_start3A_560] : memref<200x128xi32, #tpu.memory_space<vmem>> -> memref<1x128xi32, #tpu.memory_space<vmem>>
      %dma_start3A_562 = tpu.memref_squeeze %dma_start3A_561 : memref<1x128xi32, #tpu.memory_space<vmem>> -> memref<128xi32, #tpu.memory_space<vmem>>
      %dma_start3A_563 = arith.constant 0 : i32
      %dma_start3A_564 = tpu.memref_slice %arg5[%dma_start3A_563] : memref<1007616xf32, #tpu.memory_space<vmem_shared>> -> memref<1007616xf32, #tpu.memory_space<vmem_shared>>
      tpu.enqueue_indirect_dma source(%dma_start3A_564 : memref<1007616xf32, #tpu.memory_space<vmem_shared>>) target(%dma_start3A_559 : memref<128xf32, #tpu.memory_space<vmem>>) offsets(%dma_start3A_562 : memref<128xi32, #tpu.memory_space<vmem>>) semaphore(%arg18 : memref<!tpu.dma_semaphore, #tpu.memory_space<semaphore_mem>>)
    }
    %scan3A_25 = arith.constant 40 : i32
    %add3A_26 = arith.constant 0 : i32
    %add3A_27 = arith.addi %mul3A_7, %add3A_26 : i32
    %dma_start3A_28 = tpu.memref_slice %arg5[%add3A_27] : memref<1007616xf32, #tpu.memory_space<vmem_shared>> -> memref<5248xf32, #tpu.memory_space<vmem_shared>>
    %dma_start3A_29 = tpu.memref_slice %arg5[%add3A_27] : memref<1007616xf32, #tpu.memory_space<vmem_shared>> -> memref<5248xf32, #tpu.memory_space<vmem_shared>>
    tpu.enqueue_dma source(%dma_start3A_29 : memref<5248xf32, #tpu.memory_space<vmem_shared>>) target(%arg7 : memref<5248xf32, #tpu.memory_space<vmem>>) target_semaphore(%arg13 : memref<!tpu.dma_semaphore, #tpu.memory_space<semaphore_mem>>)
    %broadcast_in_dim3A = arith.constant 0.000000e+00 : f32
    %broadcast_in_dim3A_30 = vector.broadcast %broadcast_in_dim3A : f32 to vector<16xf32>
    %broadcast_in_dim3A_31 = arith.constant 0.000000e+00 : f32
    %broadcast_in_dim3A_32 = vector.broadcast %broadcast_in_dim3A_31 : f32 to vector<16xf32>
    %broadcast_in_dim3A_33 = arith.constant 0.000000e+00 : f32
    %broadcast_in_dim3A_34 = vector.broadcast %broadcast_in_dim3A_33 : f32 to vector<16xf32>
    %broadcast_in_dim3A_35 = arith.constant 0.000000e+00 : f32
    %broadcast_in_dim3A_36 = vector.broadcast %broadcast_in_dim3A_35 : f32 to vector<16xf32>
    %add3A_37 = arith.constant 5248 : i32
    %add3A_38 = arith.addi %mul3A_7, %add3A_37 : i32
    %dma_start3A_39 = tpu.memref_slice %arg5[%add3A_38] : memref<1007616xf32, #tpu.memory_space<vmem_shared>> -> memref<5248xf32, #tpu.memory_space<vmem_shared>>
    %dma_start3A_40 = tpu.memref_slice %arg5[%add3A_38] : memref<1007616xf32, #tpu.memory_space<vmem_shared>> -> memref<5248xf32, #tpu.memory_space<vmem_shared>>
    tpu.enqueue_dma source(%dma_start3A_40 : memref<5248xf32, #tpu.memory_space<vmem_shared>>) target(%arg8 : memref<5248xf32, #tpu.memory_space<vmem>>) target_semaphore(%arg14 : memref<!tpu.dma_semaphore, #tpu.memory_space<semaphore_mem>>)
    %dma_wait3A_41 = arith.constant 0 : i32
    %dma_wait3A_42 = tpu.memref_slice %arg3[%dma_wait3A_41] : memref<1007616xf32, #tpu.memory_space<hbm>> -> memref<5248xf32, #tpu.memory_space<hbm>>
    %dma_wait3A_43 = arith.constant 0 : i32
    %dma_wait3A_44 = tpu.memref_slice %arg3[%dma_wait3A_43] : memref<1007616xf32, #tpu.memory_space<hbm>> -> memref<5248xf32, #tpu.memory_space<hbm>>
    tpu.wait_dma2 semaphore(%arg13 : memref<!tpu.dma_semaphore, #tpu.memory_space<semaphore_mem>>) src(%dma_wait3A_44 : memref<5248xf32, #tpu.memory_space<hbm>>) dst(%arg7 : memref<5248xf32, #tpu.memory_space<vmem>>)
    %scan3A_45 = arith.constant 0 : i32
    %scan3A_46 = arith.constant 41 : i32
    %scan3A_47 = arith.addi %scan3A_45, %scan3A_46 : i32
    %scan3A_48 = arith.constant 1 : i32
    %scan3A_49:4 = scf.for %scan3A_554 = %scan3A_45 to %scan3A_47 step %scan3A_48 iter_args(%scan3A_555 = %broadcast_in_dim3A_30, %scan3A_556 = %broadcast_in_dim3A_32, %scan3A_557 = %broadcast_in_dim3A_34, %scan3A_558 = %broadcast_in_dim3A_36) -> (vector<16xf32>, vector<16xf32>, vector<16xf32>, vector<16xf32>)  : i32 {
      %mul3A_559 = arith.constant 128 : i32
      %mul3A_560 = arith.muli %scan3A_554, %mul3A_559 : i32
      %add3A_561 = arith.constant 0 : i32
      %add3A_562 = arith.addi %mul3A_560, %add3A_561 : i32
      %get3A_563 = arith.index_cast %add3A_562 : i32 to index
      %get3A_564 = tpu.vector_load %arg7[%get3A_563] {strides = array<i32>} : memref<5248xf32, #tpu.memory_space<vmem>>, vector<16xf32>,
      %get3A_565 = vector.shape_cast %get3A_564 : vector<16xf32> to vector<16xf32>
      %add3A_566 = arith.addf %scan3A_555, %get3A_565 : vector<16xf32>
      %add3A_567 = arith.constant 16 : i32
      %add3A_568 = arith.addi %mul3A_560, %add3A_567 : i32
      %get3A_569 = arith.index_cast %add3A_568 : i32 to index
      %get3A_570 = tpu.vector_load %arg7[%get3A_569] {strides = array<i32>} : memref<5248xf32, #tpu.memory_space<vmem>>, vector<16xf32>,
      %get3A_571 = vector.shape_cast %get3A_570 : vector<16xf32> to vector<16xf32>
      %add3A_572 = arith.addf %scan3A_556, %get3A_571 : vector<16xf32>
      %add3A_573 = arith.constant 32 : i32
      %add3A_574 = arith.addi %mul3A_560, %add3A_573 : i32
      %get3A_575 = arith.index_cast %add3A_574 : i32 to index
      %get3A_576 = tpu.vector_load %arg7[%get3A_575] {strides = array<i32>} : memref<5248xf32, #tpu.memory_space<vmem>>, vector<16xf32>,
      %get3A_577 = vector.shape_cast %get3A_576 : vector<16xf32> to vector<16xf32>
      %add3A_578 = arith.addf %scan3A_557, %get3A_577 : vector<16xf32>
      %add3A_579 = arith.constant 48 : i32
      %add3A_580 = arith.addi %mul3A_560, %add3A_579 : i32
      %get3A_581 = arith.index_cast %add3A_580 : i32 to index
      %get3A_582 = tpu.vector_load %arg7[%get3A_581] {strides = array<i32>} : memref<5248xf32, #tpu.memory_space<vmem>>, vector<16xf32>,
      %get3A_583 = vector.shape_cast %get3A_582 : vector<16xf32> to vector<16xf32>
      %add3A_584 = arith.addf %scan3A_558, %get3A_583 : vector<16xf32>
      %add3A_585 = arith.constant 64 : i32
      %add3A_586 = arith.addi %mul3A_560, %add3A_585 : i32
      %get3A_587 = arith.index_cast %add3A_586 : i32 to index
      %get3A_588 = tpu.vector_load %arg7[%get3A_587] {strides = array<i32>} : memref<5248xf32, #tpu.memory_space<vmem>>, vector<16xf32>,
      %get3A_589 = vector.shape_cast %get3A_588 : vector<16xf32> to vector<16xf32>
      %add3A_590 = arith.addf %add3A_566, %get3A_589 : vector<16xf32>
      %add3A_591 = arith.constant 80 : i32
      %add3A_592 = arith.addi %mul3A_560, %add3A_591 : i32
      %get3A_593 = arith.index_cast %add3A_592 : i32 to index
      %get3A_594 = tpu.vector_load %arg7[%get3A_593] {strides = array<i32>} : memref<5248xf32, #tpu.memory_space<vmem>>, vector<16xf32>,
      %get3A_595 = vector.shape_cast %get3A_594 : vector<16xf32> to vector<16xf32>
      %add3A_596 = arith.addf %add3A_572, %get3A_595 : vector<16xf32>
      %add3A_597 = arith.constant 96 : i32
      %add3A_598 = arith.addi %mul3A_560, %add3A_597 : i32
      %get3A_599 = arith.index_cast %add3A_598 : i32 to index
      %get3A_600 = tpu.vector_load %arg7[%get3A_599] {strides = array<i32>} : memref<5248xf32, #tpu.memory_space<vmem>>, vector<16xf32>,
      %get3A_601 = vector.shape_cast %get3A_600 : vector<16xf32> to vector<16xf32>
      %add3A_602 = arith.addf %add3A_578, %get3A_601 : vector<16xf32>
      %add3A_603 = arith.constant 112 : i32
      %add3A_604 = arith.addi %mul3A_560, %add3A_603 : i32
      %get3A_605 = arith.index_cast %add3A_604 : i32 to index
      %get3A_606 = tpu.vector_load %arg7[%get3A_605] {strides = array<i32>} : memref<5248xf32, #tpu.memory_space<vmem>>, vector<16xf32>,
      %get3A_607 = vector.shape_cast %get3A_606 : vector<16xf32> to vector<16xf32>
      %add3A_608 = arith.addf %add3A_584, %get3A_607 : vector<16xf32>
      scf.yield %add3A_590, %add3A_596, %add3A_602, %add3A_608 : vector<16xf32>, vector<16xf32>, vector<16xf32>, vector<16xf32>
    }
    %scan3A_50 = arith.constant 41 : i32
    %add3A_51 = arith.constant 10496 : i32
    %add3A_52 = arith.addi %mul3A_7, %add3A_51 : i32
    %dma_start3A_53 = tpu.memref_slice %arg5[%add3A_52] : memref<1007616xf32, #tpu.memory_space<vmem_shared>> -> memref<5248xf32, #tpu.memory_space<vmem_shared>>
    %dma_start3A_54 = tpu.memref_slice %arg5[%add3A_52] : memref<1007616xf32, #tpu.memory_space<vmem_shared>> -> memref<5248xf32, #tpu.memory_space<vmem_shared>>
    tpu.enqueue_dma source(%dma_start3A_54 : memref<5248xf32, #tpu.memory_space<vmem_shared>>) target(%arg7 : memref<5248xf32, #tpu.memory_space<vmem>>) target_semaphore(%arg13 : memref<!tpu.dma_semaphore, #tpu.memory_space<semaphore_mem>>)
    %dma_wait3A_55 = arith.constant 0 : i32
    %dma_wait3A_56 = tpu.memref_slice %arg3[%dma_wait3A_55] : memref<1007616xf32, #tpu.memory_space<hbm>> -> memref<5248xf32, #tpu.memory_space<hbm>>
    %dma_wait3A_57 = arith.constant 0 : i32
    %dma_wait3A_58 = tpu.memref_slice %arg3[%dma_wait3A_57] : memref<1007616xf32, #tpu.memory_space<hbm>> -> memref<5248xf32, #tpu.memory_space<hbm>>
    tpu.wait_dma2 semaphore(%arg14 : memref<!tpu.dma_semaphore, #tpu.memory_space<semaphore_mem>>) src(%dma_wait3A_58 : memref<5248xf32, #tpu.memory_space<hbm>>) dst(%arg8 : memref<5248xf32, #tpu.memory_space<vmem>>)
    %scan3A_59 = arith.constant 0 : i32
    %scan3A_60 = arith.constant 41 : i32
    %scan3A_61 = arith.addi %scan3A_59, %scan3A_60 : i32
    %scan3A_62 = arith.constant 1 : i32
    %scan3A_63:4 = scf.for %scan3A_554 = %scan3A_59 to %scan3A_61 step %scan3A_62 iter_args(%scan3A_555 = %scan3A_49#0, %scan3A_556 = %scan3A_49#1, %scan3A_557 = %scan3A_49#2, %scan3A_558 = %scan3A_49#3) -> (vector<16xf32>, vector<16xf32>, vector<16xf32>, vector<16xf32>)  : i32 {
      %mul3A_559 = arith.constant 128 : i32
      %mul3A_560 = arith.muli %scan3A_554, %mul3A_559 : i32
      %add3A_561 = arith.constant 0 : i32
      %add3A_562 = arith.addi %mul3A_560, %add3A_561 : i32
      %get3A_563 = arith.index_cast %add3A_562 : i32 to index
      %get3A_564 = tpu.vector_load %arg8[%get3A_563] {strides = array<i32>} : memref<5248xf32, #tpu.memory_space<vmem>>, vector<16xf32>,
      %get3A_565 = vector.shape_cast %get3A_564 : vector<16xf32> to vector<16xf32>
      %add3A_566 = arith.addf %scan3A_555, %get3A_565 : vector<16xf32>
      %add3A_567 = arith.constant 16 : i32
      %add3A_568 = arith.addi %mul3A_560, %add3A_567 : i32
      %get3A_569 = arith.index_cast %add3A_568 : i32 to index
      %get3A_570 = tpu.vector_load %arg8[%get3A_569] {strides = array<i32>} : memref<5248xf32, #tpu.memory_space<vmem>>, vector<16xf32>,
      %get3A_571 = vector.shape_cast %get3A_570 : vector<16xf32> to vector<16xf32>
      %add3A_572 = arith.addf %scan3A_556, %get3A_571 : vector<16xf32>
      %add3A_573 = arith.constant 32 : i32
      %add3A_574 = arith.addi %mul3A_560, %add3A_573 : i32
      %get3A_575 = arith.index_cast %add3A_574 : i32 to index
      %get3A_576 = tpu.vector_load %arg8[%get3A_575] {strides = array<i32>} : memref<5248xf32, #tpu.memory_space<vmem>>, vector<16xf32>,
      %get3A_577 = vector.shape_cast %get3A_576 : vector<16xf32> to vector<16xf32>
      %add3A_578 = arith.addf %scan3A_557, %get3A_577 : vector<16xf32>
      %add3A_579 = arith.constant 48 : i32
      %add3A_580 = arith.addi %mul3A_560, %add3A_579 : i32
      %get3A_581 = arith.index_cast %add3A_580 : i32 to index
      %get3A_582 = tpu.vector_load %arg8[%get3A_581] {strides = array<i32>} : memref<5248xf32, #tpu.memory_space<vmem>>, vector<16xf32>,
      %get3A_583 = vector.shape_cast %get3A_582 : vector<16xf32> to vector<16xf32>
      %add3A_584 = arith.addf %scan3A_558, %get3A_583 : vector<16xf32>
      %add3A_585 = arith.constant 64 : i32
      %add3A_586 = arith.addi %mul3A_560, %add3A_585 : i32
      %get3A_587 = arith.index_cast %add3A_586 : i32 to index
      %get3A_588 = tpu.vector_load %arg8[%get3A_587] {strides = array<i32>} : memref<5248xf32, #tpu.memory_space<vmem>>, vector<16xf32>,
      %get3A_589 = vector.shape_cast %get3A_588 : vector<16xf32> to vector<16xf32>
      %add3A_590 = arith.addf %add3A_566, %get3A_589 : vector<16xf32>
      %add3A_591 = arith.constant 80 : i32
      %add3A_592 = arith.addi %mul3A_560, %add3A_591 : i32
      %get3A_593 = arith.index_cast %add3A_592 : i32 to index
      %get3A_594 = tpu.vector_load %arg8[%get3A_593] {strides = array<i32>} : memref<5248xf32, #tpu.memory_space<vmem>>, vector<16xf32>,
      %get3A_595 = vector.shape_cast %get3A_594 : vector<16xf32> to vector<16xf32>
      %add3A_596 = arith.addf %add3A_572, %get3A_595 : vector<16xf32>
      %add3A_597 = arith.constant 96 : i32
      %add3A_598 = arith.addi %mul3A_560, %add3A_597 : i32
      %get3A_599 = arith.index_cast %add3A_598 : i32 to index
      %get3A_600 = tpu.vector_load %arg8[%get3A_599] {strides = array<i32>} : memref<5248xf32, #tpu.memory_space<vmem>>, vector<16xf32>,
      %get3A_601 = vector.shape_cast %get3A_600 : vector<16xf32> to vector<16xf32>
      %add3A_602 = arith.addf %add3A_578, %get3A_601 : vector<16xf32>
      %add3A_603 = arith.constant 112 : i32
      %add3A_604 = arith.addi %mul3A_560, %add3A_603 : i32
      %get3A_605 = arith.index_cast %add3A_604 : i32 to index
      %get3A_606 = tpu.vector_load %arg8[%get3A_605] {strides = array<i32>} : memref<5248xf32, #tpu.memory_space<vmem>>, vector<16xf32>,
      %get3A_607 = vector.shape_cast %get3A_606 : vector<16xf32> to vector<16xf32>
      %add3A_608 = arith.addf %add3A_584, %get3A_607 : vector<16xf32>
      scf.yield %add3A_590, %add3A_596, %add3A_602, %add3A_608 : vector<16xf32>, vector<16xf32>, vector<16xf32>, vector<16xf32>
    }
    %scan3A_64 = arith.constant 41 : i32
    %add3A_65 = arith.constant 15744 : i32
    %add3A_66 = arith.addi %mul3A_7, %add3A_65 : i32
    %dma_start3A_67 = tpu.memref_slice %arg5[%add3A_66] : memref<1007616xf32, #tpu.memory_space<vmem_shared>> -> memref<5248xf32, #tpu.memory_space<vmem_shared>>
    %dma_start3A_68 = tpu.memref_slice %arg5[%add3A_66] : memref<1007616xf32, #tpu.memory_space<vmem_shared>> -> memref<5248xf32, #tpu.memory_space<vmem_shared>>
    tpu.enqueue_dma source(%dma_start3A_68 : memref<5248xf32, #tpu.memory_space<vmem_shared>>) target(%arg8 : memref<5248xf32, #tpu.memory_space<vmem>>) target_semaphore(%arg14 : memref<!tpu.dma_semaphore, #tpu.memory_space<semaphore_mem>>)
    %dma_wait3A_69 = arith.constant 0 : i32
    %dma_wait3A_70 = tpu.memref_slice %arg3[%dma_wait3A_69] : memref<1007616xf32, #tpu.memory_space<hbm>> -> memref<5248xf32, #tpu.memory_space<hbm>>
    %dma_wait3A_71 = arith.constant 0 : i32
    %dma_wait3A_72 = tpu.memref_slice %arg3[%dma_wait3A_71] : memref<1007616xf32, #tpu.memory_space<hbm>> -> memref<5248xf32, #tpu.memory_space<hbm>>
    tpu.wait_dma2 semaphore(%arg13 : memref<!tpu.dma_semaphore, #tpu.memory_space<semaphore_mem>>) src(%dma_wait3A_72 : memref<5248xf32, #tpu.memory_space<hbm>>) dst(%arg7 : memref<5248xf32, #tpu.memory_space<vmem>>)
    %scan3A_73 = arith.constant 0 : i32
    %scan3A_74 = arith.constant 41 : i32
    %scan3A_75 = arith.addi %scan3A_73, %scan3A_74 : i32
    %scan3A_76 = arith.constant 1 : i32
    %scan3A_77:4 = scf.for %scan3A_554 = %scan3A_73 to %scan3A_75 step %scan3A_76 iter_args(%scan3A_555 = %scan3A_63#0, %scan3A_556 = %scan3A_63#1, %scan3A_557 = %scan3A_63#2, %scan3A_558 = %scan3A_63#3) -> (vector<16xf32>, vector<16xf32>, vector<16xf32>, vector<16xf32>)  : i32 {
      %mul3A_559 = arith.constant 128 : i32
      %mul3A_560 = arith.muli %scan3A_554, %mul3A_559 : i32
      %add3A_561 = arith.constant 0 : i32
      %add3A_562 = arith.addi %mul3A_560, %add3A_561 : i32
      %get3A_563 = arith.index_cast %add3A_562 : i32 to index
      %get3A_564 = tpu.vector_load %arg7[%get3A_563] {strides = array<i32>} : memref<5248xf32, #tpu.memory_space<vmem>>, vector<16xf32>,
      %get3A_565 = vector.shape_cast %get3A_564 : vector<16xf32> to vector<16xf32>
      %add3A_566 = arith.addf %scan3A_555, %get3A_565 : vector<16xf32>
      %add3A_567 = arith.constant 16 : i32
      %add3A_568 = arith.addi %mul3A_560, %add3A_567 : i32
      %get3A_569 = arith.index_cast %add3A_568 : i32 to index
      %get3A_570 = tpu.vector_load %arg7[%get3A_569] {strides = array<i32>} : memref<5248xf32, #tpu.memory_space<vmem>>, vector<16xf32>,
      %get3A_571 = vector.shape_cast %get3A_570 : vector<16xf32> to vector<16xf32>
      %add3A_572 = arith.addf %scan3A_556, %get3A_571 : vector<16xf32>
      %add3A_573 = arith.constant 32 : i32
      %add3A_574 = arith.addi %mul3A_560, %add3A_573 : i32
      %get3A_575 = arith.index_cast %add3A_574 : i32 to index
      %get3A_576 = tpu.vector_load %arg7[%get3A_575] {strides = array<i32>} : memref<5248xf32, #tpu.memory_space<vmem>>, vector<16xf32>,
      %get3A_577 = vector.shape_cast %get3A_576 : vector<16xf32> to vector<16xf32>
      %add3A_578 = arith.addf %scan3A_557, %get3A_577 : vector<16xf32>
      %add3A_579 = arith.constant 48 : i32
      %add3A_580 = arith.addi %mul3A_560, %add3A_579 : i32
      %get3A_581 = arith.index_cast %add3A_580 : i32 to index
      %get3A_582 = tpu.vector_load %arg7[%get3A_581] {strides = array<i32>} : memref<5248xf32, #tpu.memory_space<vmem>>, vector<16xf32>,
      %get3A_583 = vector.shape_cast %get3A_582 : vector<16xf32> to vector<16xf32>
      %add3A_584 = arith.addf %scan3A_558, %get3A_583 : vector<16xf32>
      %add3A_585 = arith.constant 64 : i32
      %add3A_586 = arith.addi %mul3A_560, %add3A_585 : i32
      %get3A_587 = arith.index_cast %add3A_586 : i32 to index
      %get3A_588 = tpu.vector_load %arg7[%get3A_587] {strides = array<i32>} : memref<5248xf32, #tpu.memory_space<vmem>>, vector<16xf32>,
      %get3A_589 = vector.shape_cast %get3A_588 : vector<16xf32> to vector<16xf32>
      %add3A_590 = arith.addf %add3A_566, %get3A_589 : vector<16xf32>
      %add3A_591 = arith.constant 80 : i32
      %add3A_592 = arith.addi %mul3A_560, %add3A_591 : i32
      %get3A_593 = arith.index_cast %add3A_592 : i32 to index
      %get3A_594 = tpu.vector_load %arg7[%get3A_593] {strides = array<i32>} : memref<5248xf32, #tpu.memory_space<vmem>>, vector<16xf32>,
      %get3A_595 = vector.shape_cast %get3A_594 : vector<16xf32> to vector<16xf32>
      %add3A_596 = arith.addf %add3A_572, %get3A_595 : vector<16xf32>
      %add3A_597 = arith.constant 96 : i32
      %add3A_598 = arith.addi %mul3A_560, %add3A_597 : i32
      %get3A_599 = arith.index_cast %add3A_598 : i32 to index
      %get3A_600 = tpu.vector_load %arg7[%get3A_599] {strides = array<i32>} : memref<5248xf32, #tpu.memory_space<vmem>>, vector<16xf32>,
      %get3A_601 = vector.shape_cast %get3A_600 : vector<16xf32> to vector<16xf32>
      %add3A_602 = arith.addf %add3A_578, %get3A_601 : vector<16xf32>
      %add3A_603 = arith.constant 112 : i32
      %add3A_604 = arith.addi %mul3A_560, %add3A_603 : i32
      %get3A_605 = arith.index_cast %add3A_604 : i32 to index
      %get3A_606 = tpu.vector_load %arg7[%get3A_605] {strides = array<i32>} : memref<5248xf32, #tpu.memory_space<vmem>>, vector<16xf32>,
      %get3A_607 = vector.shape_cast %get3A_606 : vector<16xf32> to vector<16xf32>
      %add3A_608 = arith.addf %add3A_584, %get3A_607 : vector<16xf32>
      scf.yield %add3A_590, %add3A_596, %add3A_602, %add3A_608 : vector<16xf32>, vector<16xf32>, vector<16xf32>, vector<16xf32>
    }
    %scan3A_78 = arith.constant 41 : i32
    %add3A_79 = arith.constant 20992 : i32
    %add3A_80 = arith.addi %mul3A_7, %add3A_79 : i32
    %dma_start3A_81 = tpu.memref_slice %arg5[%add3A_80] : memref<1007616xf32, #tpu.memory_space<vmem_shared>> -> memref<5248xf32, #tpu.memory_space<vmem_shared>>
    %dma_start3A_82 = tpu.memref_slice %arg5[%add3A_80] : memref<1007616xf32, #tpu.memory_space<vmem_shared>> -> memref<5248xf32, #tpu.memory_space<vmem_shared>>
    tpu.enqueue_dma source(%dma_start3A_82 : memref<5248xf32, #tpu.memory_space<vmem_shared>>) target(%arg7 : memref<5248xf32, #tpu.memory_space<vmem>>) target_semaphore(%arg13 : memref<!tpu.dma_semaphore, #tpu.memory_space<semaphore_mem>>)
    %dma_wait3A_83 = arith.constant 0 : i32
    %dma_wait3A_84 = tpu.memref_slice %arg3[%dma_wait3A_83] : memref<1007616xf32, #tpu.memory_space<hbm>> -> memref<5248xf32, #tpu.memory_space<hbm>>
    %dma_wait3A_85 = arith.constant 0 : i32
    %dma_wait3A_86 = tpu.memref_slice %arg3[%dma_wait3A_85] : memref<1007616xf32, #tpu.memory_space<hbm>> -> memref<5248xf32, #tpu.memory_space<hbm>>
    tpu.wait_dma2 semaphore(%arg14 : memref<!tpu.dma_semaphore, #tpu.memory_space<semaphore_mem>>) src(%dma_wait3A_86 : memref<5248xf32, #tpu.memory_space<hbm>>) dst(%arg8 : memref<5248xf32, #tpu.memory_space<vmem>>)
    %scan3A_87 = arith.constant 0 : i32
    %scan3A_88 = arith.constant 41 : i32
    %scan3A_89 = arith.addi %scan3A_87, %scan3A_88 : i32
    %scan3A_90 = arith.constant 1 : i32
    %scan3A_91:4 = scf.for %scan3A_554 = %scan3A_87 to %scan3A_89 step %scan3A_90 iter_args(%scan3A_555 = %scan3A_77#0, %scan3A_556 = %scan3A_77#1, %scan3A_557 = %scan3A_77#2, %scan3A_558 = %scan3A_77#3) -> (vector<16xf32>, vector<16xf32>, vector<16xf32>, vector<16xf32>)  : i32 {
      %mul3A_559 = arith.constant 128 : i32
      %mul3A_560 = arith.muli %scan3A_554, %mul3A_559 : i32
      %add3A_561 = arith.constant 0 : i32
      %add3A_562 = arith.addi %mul3A_560, %add3A_561 : i32
      %get3A_563 = arith.index_cast %add3A_562 : i32 to index
      %get3A_564 = tpu.vector_load %arg8[%get3A_563] {strides = array<i32>} : memref<5248xf32, #tpu.memory_space<vmem>>, vector<16xf32>,
      %get3A_565 = vector.shape_cast %get3A_564 : vector<16xf32> to vector<16xf32>
      %add3A_566 = arith.addf %scan3A_555, %get3A_565 : vector<16xf32>
      %add3A_567 = arith.constant 16 : i32
      %add3A_568 = arith.addi %mul3A_560, %add3A_567 : i32
      %get3A_569 = arith.index_cast %add3A_568 : i32 to index
      %get3A_570 = tpu.vector_load %arg8[%get3A_569] {strides = array<i32>} : memref<5248xf32, #tpu.memory_space<vmem>>, vector<16xf32>,
      %get3A_571 = vector.shape_cast %get3A_570 : vector<16xf32> to vector<16xf32>
      %add3A_572 = arith.addf %scan3A_556, %get3A_571 : vector<16xf32>
      %add3A_573 = arith.constant 32 : i32
      %add3A_574 = arith.addi %mul3A_560, %add3A_573 : i32
      %get3A_575 = arith.index_cast %add3A_574 : i32 to index
      %get3A_576 = tpu.vector_load %arg8[%get3A_575] {strides = array<i32>} : memref<5248xf32, #tpu.memory_space<vmem>>, vector<16xf32>,
      %get3A_577 = vector.shape_cast %get3A_576 : vector<16xf32> to vector<16xf32>
      %add3A_578 = arith.addf %scan3A_557, %get3A_577 : vector<16xf32>
      %add3A_579 = arith.constant 48 : i32
      %add3A_580 = arith.addi %mul3A_560, %add3A_579 : i32
      %get3A_581 = arith.index_cast %add3A_580 : i32 to index
      %get3A_582 = tpu.vector_load %arg8[%get3A_581] {strides = array<i32>} : memref<5248xf32, #tpu.memory_space<vmem>>, vector<16xf32>,
      %get3A_583 = vector.shape_cast %get3A_582 : vector<16xf32> to vector<16xf32>
      %add3A_584 = arith.addf %scan3A_558, %get3A_583 : vector<16xf32>
      %add3A_585 = arith.constant 64 : i32
      %add3A_586 = arith.addi %mul3A_560, %add3A_585 : i32
      %get3A_587 = arith.index_cast %add3A_586 : i32 to index
      %get3A_588 = tpu.vector_load %arg8[%get3A_587] {strides = array<i32>} : memref<5248xf32, #tpu.memory_space<vmem>>, vector<16xf32>,
      %get3A_589 = vector.shape_cast %get3A_588 : vector<16xf32> to vector<16xf32>
      %add3A_590 = arith.addf %add3A_566, %get3A_589 : vector<16xf32>
      %add3A_591 = arith.constant 80 : i32
      %add3A_592 = arith.addi %mul3A_560, %add3A_591 : i32
      %get3A_593 = arith.index_cast %add3A_592 : i32 to index
      %get3A_594 = tpu.vector_load %arg8[%get3A_593] {strides = array<i32>} : memref<5248xf32, #tpu.memory_space<vmem>>, vector<16xf32>,
      %get3A_595 = vector.shape_cast %get3A_594 : vector<16xf32> to vector<16xf32>
      %add3A_596 = arith.addf %add3A_572, %get3A_595 : vector<16xf32>
      %add3A_597 = arith.constant 96 : i32
      %add3A_598 = arith.addi %mul3A_560, %add3A_597 : i32
      %get3A_599 = arith.index_cast %add3A_598 : i32 to index
      %get3A_600 = tpu.vector_load %arg8[%get3A_599] {strides = array<i32>} : memref<5248xf32, #tpu.memory_space<vmem>>, vector<16xf32>,
      %get3A_601 = vector.shape_cast %get3A_600 : vector<16xf32> to vector<16xf32>
      %add3A_602 = arith.addf %add3A_578, %get3A_601 : vector<16xf32>
      %add3A_603 = arith.constant 112 : i32
      %add3A_604 = arith.addi %mul3A_560, %add3A_603 : i32
      %get3A_605 = arith.index_cast %add3A_604 : i32 to index
      %get3A_606 = tpu.vector_load %arg8[%get3A_605] {strides = array<i32>} : memref<5248xf32, #tpu.memory_space<vmem>>, vector<16xf32>,
      %get3A_607 = vector.shape_cast %get3A_606 : vector<16xf32> to vector<16xf32>
      %add3A_608 = arith.addf %add3A_584, %get3A_607 : vector<16xf32>
      scf.yield %add3A_590, %add3A_596, %add3A_602, %add3A_608 : vector<16xf32>, vector<16xf32>, vector<16xf32>, vector<16xf32>
    }
    %scan3A_92 = arith.constant 41 : i32
    %add3A_93 = arith.constant 26240 : i32
    %add3A_94 = arith.addi %mul3A_7, %add3A_93 : i32
    %dma_start3A_95 = tpu.memref_slice %arg5[%add3A_94] : memref<1007616xf32, #tpu.memory_space<vmem_shared>> -> memref<5248xf32, #tpu.memory_space<vmem_shared>>
    %dma_start3A_96 = tpu.memref_slice %arg5[%add3A_94] : memref<1007616xf32, #tpu.memory_space<vmem_shared>> -> memref<5248xf32, #tpu.memory_space<vmem_shared>>
    tpu.enqueue_dma source(%dma_start3A_96 : memref<5248xf32, #tpu.memory_space<vmem_shared>>) target(%arg8 : memref<5248xf32, #tpu.memory_space<vmem>>) target_semaphore(%arg14 : memref<!tpu.dma_semaphore, #tpu.memory_space<semaphore_mem>>)
    %dma_wait3A_97 = arith.constant 0 : i32
    %dma_wait3A_98 = tpu.memref_slice %arg3[%dma_wait3A_97] : memref<1007616xf32, #tpu.memory_space<hbm>> -> memref<5248xf32, #tpu.memory_space<hbm>>
    %dma_wait3A_99 = arith.constant 0 : i32
    %dma_wait3A_100 = tpu.memref_slice %arg3[%dma_wait3A_99] : memref<1007616xf32, #tpu.memory_space<hbm>> -> memref<5248xf32, #tpu.memory_space<hbm>>
    tpu.wait_dma2 semaphore(%arg13 : memref<!tpu.dma_semaphore, #tpu.memory_space<semaphore_mem>>) src(%dma_wait3A_100 : memref<5248xf32, #tpu.memory_space<hbm>>) dst(%arg7 : memref<5248xf32, #tpu.memory_space<vmem>>)
    %scan3A_101 = arith.constant 0 : i32
    %scan3A_102 = arith.constant 41 : i32
    %scan3A_103 = arith.addi %scan3A_101, %scan3A_102 : i32
    %scan3A_104 = arith.constant 1 : i32
    %scan3A_105:4 = scf.for %scan3A_554 = %scan3A_101 to %scan3A_103 step %scan3A_104 iter_args(%scan3A_555 = %scan3A_91#0, %scan3A_556 = %scan3A_91#1, %scan3A_557 = %scan3A_91#2, %scan3A_558 = %scan3A_91#3) -> (vector<16xf32>, vector<16xf32>, vector<16xf32>, vector<16xf32>)  : i32 {
      %mul3A_559 = arith.constant 128 : i32
      %mul3A_560 = arith.muli %scan3A_554, %mul3A_559 : i32
      %add3A_561 = arith.constant 0 : i32
      %add3A_562 = arith.addi %mul3A_560, %add3A_561 : i32
      %get3A_563 = arith.index_cast %add3A_562 : i32 to index
      %get3A_564 = tpu.vector_load %arg7[%get3A_563] {strides = array<i32>} : memref<5248xf32, #tpu.memory_space<vmem>>, vector<16xf32>,
      %get3A_565 = vector.shape_cast %get3A_564 : vector<16xf32> to vector<16xf32>
      %add3A_566 = arith.addf %scan3A_555, %get3A_565 : vector<16xf32>
      %add3A_567 = arith.constant 16 : i32
      %add3A_568 = arith.addi %mul3A_560, %add3A_567 : i32
      %get3A_569 = arith.index_cast %add3A_568 : i32 to index
      %get3A_570 = tpu.vector_load %arg7[%get3A_569] {strides = array<i32>} : memref<5248xf32, #tpu.memory_space<vmem>>, vector<16xf32>,
      %get3A_571 = vector.shape_cast %get3A_570 : vector<16xf32> to vector<16xf32>
      %add3A_572 = arith.addf %scan3A_556, %get3A_571 : vector<16xf32>
      %add3A_573 = arith.constant 32 : i32
      %add3A_574 = arith.addi %mul3A_560, %add3A_573 : i32
      %get3A_575 = arith.index_cast %add3A_574 : i32 to index
      %get3A_576 = tpu.vector_load %arg7[%get3A_575] {strides = array<i32>} : memref<5248xf32, #tpu.memory_space<vmem>>, vector<16xf32>,
      %get3A_577 = vector.shape_cast %get3A_576 : vector<16xf32> to vector<16xf32>
      %add3A_578 = arith.addf %scan3A_557, %get3A_577 : vector<16xf32>
      %add3A_579 = arith.constant 48 : i32
      %add3A_580 = arith.addi %mul3A_560, %add3A_579 : i32
      %get3A_581 = arith.index_cast %add3A_580 : i32 to index
      %get3A_582 = tpu.vector_load %arg7[%get3A_581] {strides = array<i32>} : memref<5248xf32, #tpu.memory_space<vmem>>, vector<16xf32>,
      %get3A_583 = vector.shape_cast %get3A_582 : vector<16xf32> to vector<16xf32>
      %add3A_584 = arith.addf %scan3A_558, %get3A_583 : vector<16xf32>
      %add3A_585 = arith.constant 64 : i32
      %add3A_586 = arith.addi %mul3A_560, %add3A_585 : i32
      %get3A_587 = arith.index_cast %add3A_586 : i32 to index
      %get3A_588 = tpu.vector_load %arg7[%get3A_587] {strides = array<i32>} : memref<5248xf32, #tpu.memory_space<vmem>>, vector<16xf32>,
      %get3A_589 = vector.shape_cast %get3A_588 : vector<16xf32> to vector<16xf32>
      %add3A_590 = arith.addf %add3A_566, %get3A_589 : vector<16xf32>
      %add3A_591 = arith.constant 80 : i32
      %add3A_592 = arith.addi %mul3A_560, %add3A_591 : i32
      %get3A_593 = arith.index_cast %add3A_592 : i32 to index
      %get3A_594 = tpu.vector_load %arg7[%get3A_593] {strides = array<i32>} : memref<5248xf32, #tpu.memory_space<vmem>>, vector<16xf32>,
      %get3A_595 = vector.shape_cast %get3A_594 : vector<16xf32> to vector<16xf32>
      %add3A_596 = arith.addf %add3A_572, %get3A_595 : vector<16xf32>
      %add3A_597 = arith.constant 96 : i32
      %add3A_598 = arith.addi %mul3A_560, %add3A_597 : i32
      %get3A_599 = arith.index_cast %add3A_598 : i32 to index
      %get3A_600 = tpu.vector_load %arg7[%get3A_599] {strides = array<i32>} : memref<5248xf32, #tpu.memory_space<vmem>>, vector<16xf32>,
      %get3A_601 = vector.shape_cast %get3A_600 : vector<16xf32> to vector<16xf32>
      %add3A_602 = arith.addf %add3A_578, %get3A_601 : vector<16xf32>
      %add3A_603 = arith.constant 112 : i32
      %add3A_604 = arith.addi %mul3A_560, %add3A_603 : i32
      %get3A_605 = arith.index_cast %add3A_604 : i32 to index
      %get3A_606 = tpu.vector_load %arg7[%get3A_605] {strides = array<i32>} : memref<5248xf32, #tpu.memory_space<vmem>>, vector<16xf32>,
      %get3A_607 = vector.shape_cast %get3A_606 : vector<16xf32> to vector<16xf32>
      %add3A_608 = arith.addf %add3A_584, %get3A_607 : vector<16xf32>
      scf.yield %add3A_590, %add3A_596, %add3A_602, %add3A_608 : vector<16xf32>, vector<16xf32>, vector<16xf32>, vector<16xf32>
    }
    %scan3A_106 = arith.constant 41 : i32
    %add3A_107 = arith.constant 31488 : i32
    %add3A_108 = arith.addi %mul3A_7, %add3A_107 : i32
    %dma_start3A_109 = tpu.memref_slice %arg5[%add3A_108] : memref<1007616xf32, #tpu.memory_space<vmem_shared>> -> memref<5248xf32, #tpu.memory_space<vmem_shared>>
    %dma_start3A_110 = tpu.memref_slice %arg5[%add3A_108] : memref<1007616xf32, #tpu.memory_space<vmem_shared>> -> memref<5248xf32, #tpu.memory_space<vmem_shared>>
    tpu.enqueue_dma source(%dma_start3A_110 : memref<5248xf32, #tpu.memory_space<vmem_shared>>) target(%arg7 : memref<5248xf32, #tpu.memory_space<vmem>>) target_semaphore(%arg13 : memref<!tpu.dma_semaphore, #tpu.memory_space<semaphore_mem>>)
    %dma_wait3A_111 = arith.constant 0 : i32
    %dma_wait3A_112 = tpu.memref_slice %arg3[%dma_wait3A_111] : memref<1007616xf32, #tpu.memory_space<hbm>> -> memref<5248xf32, #tpu.memory_space<hbm>>
    %dma_wait3A_113 = arith.constant 0 : i32
    %dma_wait3A_114 = tpu.memref_slice %arg3[%dma_wait3A_113] : memref<1007616xf32, #tpu.memory_space<hbm>> -> memref<5248xf32, #tpu.memory_space<hbm>>
    tpu.wait_dma2 semaphore(%arg14 : memref<!tpu.dma_semaphore, #tpu.memory_space<semaphore_mem>>) src(%dma_wait3A_114 : memref<5248xf32, #tpu.memory_space<hbm>>) dst(%arg8 : memref<5248xf32, #tpu.memory_space<vmem>>)
    %scan3A_115 = arith.constant 0 : i32
    %scan3A_116 = arith.constant 41 : i32
    %scan3A_117 = arith.addi %scan3A_115, %scan3A_116 : i32
    %scan3A_118 = arith.constant 1 : i32
    %scan3A_119:4 = scf.for %scan3A_554 = %scan3A_115 to %scan3A_117 step %scan3A_118 iter_args(%scan3A_555 = %scan3A_105#0, %scan3A_556 = %scan3A_105#1, %scan3A_557 = %scan3A_105#2, %scan3A_558 = %scan3A_105#3) -> (vector<16xf32>, vector<16xf32>, vector<16xf32>, vector<16xf32>)  : i32 {
      %mul3A_559 = arith.constant 128 : i32
      %mul3A_560 = arith.muli %scan3A_554, %mul3A_559 : i32
      %add3A_561 = arith.constant 0 : i32
      %add3A_562 = arith.addi %mul3A_560, %add3A_561 : i32
      %get3A_563 = arith.index_cast %add3A_562 : i32 to index
      %get3A_564 = tpu.vector_load %arg8[%get3A_563] {strides = array<i32>} : memref<5248xf32, #tpu.memory_space<vmem>>, vector<16xf32>,
      %get3A_565 = vector.shape_cast %get3A_564 : vector<16xf32> to vector<16xf32>
      %add3A_566 = arith.addf %scan3A_555, %get3A_565 : vector<16xf32>
      %add3A_567 = arith.constant 16 : i32
      %add3A_568 = arith.addi %mul3A_560, %add3A_567 : i32
      %get3A_569 = arith.index_cast %add3A_568 : i32 to index
      %get3A_570 = tpu.vector_load %arg8[%get3A_569] {strides = array<i32>} : memref<5248xf32, #tpu.memory_space<vmem>>, vector<16xf32>,
      %get3A_571 = vector.shape_cast %get3A_570 : vector<16xf32> to vector<16xf32>
      %add3A_572 = arith.addf %scan3A_556, %get3A_571 : vector<16xf32>
      %add3A_573 = arith.constant 32 : i32
      %add3A_574 = arith.addi %mul3A_560, %add3A_573 : i32
      %get3A_575 = arith.index_cast %add3A_574 : i32 to index
      %get3A_576 = tpu.vector_load %arg8[%get3A_575] {strides = array<i32>} : memref<5248xf32, #tpu.memory_space<vmem>>, vector<16xf32>,
      %get3A_577 = vector.shape_cast %get3A_576 : vector<16xf32> to vector<16xf32>
      %add3A_578 = arith.addf %scan3A_557, %get3A_577 : vector<16xf32>
      %add3A_579 = arith.constant 48 : i32
      %add3A_580 = arith.addi %mul3A_560, %add3A_579 : i32
      %get3A_581 = arith.index_cast %add3A_580 : i32 to index
      %get3A_582 = tpu.vector_load %arg8[%get3A_581] {strides = array<i32>} : memref<5248xf32, #tpu.memory_space<vmem>>, vector<16xf32>,
      %get3A_583 = vector.shape_cast %get3A_582 : vector<16xf32> to vector<16xf32>
      %add3A_584 = arith.addf %scan3A_558, %get3A_583 : vector<16xf32>
      %add3A_585 = arith.constant 64 : i32
      %add3A_586 = arith.addi %mul3A_560, %add3A_585 : i32
      %get3A_587 = arith.index_cast %add3A_586 : i32 to index
      %get3A_588 = tpu.vector_load %arg8[%get3A_587] {strides = array<i32>} : memref<5248xf32, #tpu.memory_space<vmem>>, vector<16xf32>,
      %get3A_589 = vector.shape_cast %get3A_588 : vector<16xf32> to vector<16xf32>
      %add3A_590 = arith.addf %add3A_566, %get3A_589 : vector<16xf32>
      %add3A_591 = arith.constant 80 : i32
      %add3A_592 = arith.addi %mul3A_560, %add3A_591 : i32
      %get3A_593 = arith.index_cast %add3A_592 : i32 to index
      %get3A_594 = tpu.vector_load %arg8[%get3A_593] {strides = array<i32>} : memref<5248xf32, #tpu.memory_space<vmem>>, vector<16xf32>,
      %get3A_595 = vector.shape_cast %get3A_594 : vector<16xf32> to vector<16xf32>
      %add3A_596 = arith.addf %add3A_572, %get3A_595 : vector<16xf32>
      %add3A_597 = arith.constant 96 : i32
      %add3A_598 = arith.addi %mul3A_560, %add3A_597 : i32
      %get3A_599 = arith.index_cast %add3A_598 : i32 to index
      %get3A_600 = tpu.vector_load %arg8[%get3A_599] {strides = array<i32>} : memref<5248xf32, #tpu.memory_space<vmem>>, vector<16xf32>,
      %get3A_601 = vector.shape_cast %get3A_600 : vector<16xf32> to vector<16xf32>
      %add3A_602 = arith.addf %add3A_578, %get3A_601 : vector<16xf32>
      %add3A_603 = arith.constant 112 : i32
      %add3A_604 = arith.addi %mul3A_560, %add3A_603 : i32
      %get3A_605 = arith.index_cast %add3A_604 : i32 to index
      %get3A_606 = tpu.vector_load %arg8[%get3A_605] {strides = array<i32>} : memref<5248xf32, #tpu.memory_space<vmem>>, vector<16xf32>,
      %get3A_607 = vector.shape_cast %get3A_606 : vector<16xf32> to vector<16xf32>
      %add3A_608 = arith.addf %add3A_584, %get3A_607 : vector<16xf32>
      scf.yield %add3A_590, %add3A_596, %add3A_602, %add3A_608 : vector<16xf32>, vector<16xf32>, vector<16xf32>, vector<16xf32>
    }
    %scan3A_120 = arith.constant 41 : i32
    %add3A_121 = arith.constant 36736 : i32
    %add3A_122 = arith.addi %mul3A_7, %add3A_121 : i32
    %dma_start3A_123 = tpu.memref_slice %arg5[%add3A_122] : memref<1007616xf32, #tpu.memory_space<vmem_shared>> -> memref<5248xf32, #tpu.memory_space<vmem_shared>>
    %dma_start3A_124 = tpu.memref_slice %arg5[%add3A_122] : memref<1007616xf32, #tpu.memory_space<vmem_shared>> -> memref<5248xf32, #tpu.memory_space<vmem_shared>>
    tpu.enqueue_dma source(%dma_start3A_124 : memref<5248xf32, #tpu.memory_space<vmem_shared>>) target(%arg8 : memref<5248xf32, #tpu.memory_space<vmem>>) target_semaphore(%arg14 : memref<!tpu.dma_semaphore, #tpu.memory_space<semaphore_mem>>)
    %dma_wait3A_125 = arith.constant 0 : i32
    %dma_wait3A_126 = tpu.memref_slice %arg3[%dma_wait3A_125] : memref<1007616xf32, #tpu.memory_space<hbm>> -> memref<5248xf32, #tpu.memory_space<hbm>>
    %dma_wait3A_127 = arith.constant 0 : i32
    %dma_wait3A_128 = tpu.memref_slice %arg3[%dma_wait3A_127] : memref<1007616xf32, #tpu.memory_space<hbm>> -> memref<5248xf32, #tpu.memory_space<hbm>>
    tpu.wait_dma2 semaphore(%arg13 : memref<!tpu.dma_semaphore, #tpu.memory_space<semaphore_mem>>) src(%dma_wait3A_128 : memref<5248xf32, #tpu.memory_space<hbm>>) dst(%arg7 : memref<5248xf32, #tpu.memory_space<vmem>>)
    %scan3A_129 = arith.constant 0 : i32
    %scan3A_130 = arith.constant 41 : i32
    %scan3A_131 = arith.addi %scan3A_129, %scan3A_130 : i32
    %scan3A_132 = arith.constant 1 : i32
    %scan3A_133:4 = scf.for %scan3A_554 = %scan3A_129 to %scan3A_131 step %scan3A_132 iter_args(%scan3A_555 = %scan3A_119#0, %scan3A_556 = %scan3A_119#1, %scan3A_557 = %scan3A_119#2, %scan3A_558 = %scan3A_119#3) -> (vector<16xf32>, vector<16xf32>, vector<16xf32>, vector<16xf32>)  : i32 {
      %mul3A_559 = arith.constant 128 : i32
      %mul3A_560 = arith.muli %scan3A_554, %mul3A_559 : i32
      %add3A_561 = arith.constant 0 : i32
      %add3A_562 = arith.addi %mul3A_560, %add3A_561 : i32
      %get3A_563 = arith.index_cast %add3A_562 : i32 to index
      %get3A_564 = tpu.vector_load %arg7[%get3A_563] {strides = array<i32>} : memref<5248xf32, #tpu.memory_space<vmem>>, vector<16xf32>,
      %get3A_565 = vector.shape_cast %get3A_564 : vector<16xf32> to vector<16xf32>
      %add3A_566 = arith.addf %scan3A_555, %get3A_565 : vector<16xf32>
      %add3A_567 = arith.constant 16 : i32
      %add3A_568 = arith.addi %mul3A_560, %add3A_567 : i32
      %get3A_569 = arith.index_cast %add3A_568 : i32 to index
      %get3A_570 = tpu.vector_load %arg7[%get3A_569] {strides = array<i32>} : memref<5248xf32, #tpu.memory_space<vmem>>, vector<16xf32>,
      %get3A_571 = vector.shape_cast %get3A_570 : vector<16xf32> to vector<16xf32>
      %add3A_572 = arith.addf %scan3A_556, %get3A_571 : vector<16xf32>
      %add3A_573 = arith.constant 32 : i32
      %add3A_574 = arith.addi %mul3A_560, %add3A_573 : i32
      %get3A_575 = arith.index_cast %add3A_574 : i32 to index
      %get3A_576 = tpu.vector_load %arg7[%get3A_575] {strides = array<i32>} : memref<5248xf32, #tpu.memory_space<vmem>>, vector<16xf32>,
      %get3A_577 = vector.shape_cast %get3A_576 : vector<16xf32> to vector<16xf32>
      %add3A_578 = arith.addf %scan3A_557, %get3A_577 : vector<16xf32>
      %add3A_579 = arith.constant 48 : i32
      %add3A_580 = arith.addi %mul3A_560, %add3A_579 : i32
      %get3A_581 = arith.index_cast %add3A_580 : i32 to index
      %get3A_582 = tpu.vector_load %arg7[%get3A_581] {strides = array<i32>} : memref<5248xf32, #tpu.memory_space<vmem>>, vector<16xf32>,
      %get3A_583 = vector.shape_cast %get3A_582 : vector<16xf32> to vector<16xf32>
      %add3A_584 = arith.addf %scan3A_558, %get3A_583 : vector<16xf32>
      %add3A_585 = arith.constant 64 : i32
      %add3A_586 = arith.addi %mul3A_560, %add3A_585 : i32
      %get3A_587 = arith.index_cast %add3A_586 : i32 to index
      %get3A_588 = tpu.vector_load %arg7[%get3A_587] {strides = array<i32>} : memref<5248xf32, #tpu.memory_space<vmem>>, vector<16xf32>,
      %get3A_589 = vector.shape_cast %get3A_588 : vector<16xf32> to vector<16xf32>
      %add3A_590 = arith.addf %add3A_566, %get3A_589 : vector<16xf32>
      %add3A_591 = arith.constant 80 : i32
      %add3A_592 = arith.addi %mul3A_560, %add3A_591 : i32
      %get3A_593 = arith.index_cast %add3A_592 : i32 to index
      %get3A_594 = tpu.vector_load %arg7[%get3A_593] {strides = array<i32>} : memref<5248xf32, #tpu.memory_space<vmem>>, vector<16xf32>,
      %get3A_595 = vector.shape_cast %get3A_594 : vector<16xf32> to vector<16xf32>
      %add3A_596 = arith.addf %add3A_572, %get3A_595 : vector<16xf32>
      %add3A_597 = arith.constant 96 : i32
      %add3A_598 = arith.addi %mul3A_560, %add3A_597 : i32
      %get3A_599 = arith.index_cast %add3A_598 : i32 to index
      %get3A_600 = tpu.vector_load %arg7[%get3A_599] {strides = array<i32>} : memref<5248xf32, #tpu.memory_space<vmem>>, vector<16xf32>,
      %get3A_601 = vector.shape_cast %get3A_600 : vector<16xf32> to vector<16xf32>
      %add3A_602 = arith.addf %add3A_578, %get3A_601 : vector<16xf32>
      %add3A_603 = arith.constant 112 : i32
      %add3A_604 = arith.addi %mul3A_560, %add3A_603 : i32
      %get3A_605 = arith.index_cast %add3A_604 : i32 to index
      %get3A_606 = tpu.vector_load %arg7[%get3A_605] {strides = array<i32>} : memref<5248xf32, #tpu.memory_space<vmem>>, vector<16xf32>,
      %get3A_607 = vector.shape_cast %get3A_606 : vector<16xf32> to vector<16xf32>
      %add3A_608 = arith.addf %add3A_584, %get3A_607 : vector<16xf32>
      scf.yield %add3A_590, %add3A_596, %add3A_602, %add3A_608 : vector<16xf32>, vector<16xf32>, vector<16xf32>, vector<16xf32>
    }
    %scan3A_134 = arith.constant 41 : i32
    %add3A_135 = arith.constant 41984 : i32
    %add3A_136 = arith.addi %mul3A_7, %add3A_135 : i32
    %dma_start3A_137 = tpu.memref_slice %arg5[%add3A_136] : memref<1007616xf32, #tpu.memory_space<vmem_shared>> -> memref<5248xf32, #tpu.memory_space<vmem_shared>>
    %dma_start3A_138 = tpu.memref_slice %arg5[%add3A_136] : memref<1007616xf32, #tpu.memory_space<vmem_shared>> -> memref<5248xf32, #tpu.memory_space<vmem_shared>>
    tpu.enqueue_dma source(%dma_start3A_138 : memref<5248xf32, #tpu.memory_space<vmem_shared>>) target(%arg7 : memref<5248xf32, #tpu.memory_space<vmem>>) target_semaphore(%arg13 : memref<!tpu.dma_semaphore, #tpu.memory_space<semaphore_mem>>)
    %dma_wait3A_139 = arith.constant 0 : i32
    %dma_wait3A_140 = tpu.memref_slice %arg3[%dma_wait3A_139] : memref<1007616xf32, #tpu.memory_space<hbm>> -> memref<5248xf32, #tpu.memory_space<hbm>>
    %dma_wait3A_141 = arith.constant 0 : i32
    %dma_wait3A_142 = tpu.memref_slice %arg3[%dma_wait3A_141] : memref<1007616xf32, #tpu.memory_space<hbm>> -> memref<5248xf32, #tpu.memory_space<hbm>>
    tpu.wait_dma2 semaphore(%arg14 : memref<!tpu.dma_semaphore, #tpu.memory_space<semaphore_mem>>) src(%dma_wait3A_142 : memref<5248xf32, #tpu.memory_space<hbm>>) dst(%arg8 : memref<5248xf32, #tpu.memory_space<vmem>>)
    %scan3A_143 = arith.constant 0 : i32
    %scan3A_144 = arith.constant 41 : i32
    %scan3A_145 = arith.addi %scan3A_143, %scan3A_144 : i32
    %scan3A_146 = arith.constant 1 : i32
    %scan3A_147:4 = scf.for %scan3A_554 = %scan3A_143 to %scan3A_145 step %scan3A_146 iter_args(%scan3A_555 = %scan3A_133#0, %scan3A_556 = %scan3A_133#1, %scan3A_557 = %scan3A_133#2, %scan3A_558 = %scan3A_133#3) -> (vector<16xf32>, vector<16xf32>, vector<16xf32>, vector<16xf32>)  : i32 {
      %mul3A_559 = arith.constant 128 : i32
      %mul3A_560 = arith.muli %scan3A_554, %mul3A_559 : i32
      %add3A_561 = arith.constant 0 : i32
      %add3A_562 = arith.addi %mul3A_560, %add3A_561 : i32
      %get3A_563 = arith.index_cast %add3A_562 : i32 to index
      %get3A_564 = tpu.vector_load %arg8[%get3A_563] {strides = array<i32>} : memref<5248xf32, #tpu.memory_space<vmem>>, vector<16xf32>,
      %get3A_565 = vector.shape_cast %get3A_564 : vector<16xf32> to vector<16xf32>
      %add3A_566 = arith.addf %scan3A_555, %get3A_565 : vector<16xf32>
      %add3A_567 = arith.constant 16 : i32
      %add3A_568 = arith.addi %mul3A_560, %add3A_567 : i32
      %get3A_569 = arith.index_cast %add3A_568 : i32 to index
      %get3A_570 = tpu.vector_load %arg8[%get3A_569] {strides = array<i32>} : memref<5248xf32, #tpu.memory_space<vmem>>, vector<16xf32>,
      %get3A_571 = vector.shape_cast %get3A_570 : vector<16xf32> to vector<16xf32>
      %add3A_572 = arith.addf %scan3A_556, %get3A_571 : vector<16xf32>
      %add3A_573 = arith.constant 32 : i32
      %add3A_574 = arith.addi %mul3A_560, %add3A_573 : i32
      %get3A_575 = arith.index_cast %add3A_574 : i32 to index
      %get3A_576 = tpu.vector_load %arg8[%get3A_575] {strides = array<i32>} : memref<5248xf32, #tpu.memory_space<vmem>>, vector<16xf32>,
      %get3A_577 = vector.shape_cast %get3A_576 : vector<16xf32> to vector<16xf32>
      %add3A_578 = arith.addf %scan3A_557, %get3A_577 : vector<16xf32>
      %add3A_579 = arith.constant 48 : i32
      %add3A_580 = arith.addi %mul3A_560, %add3A_579 : i32
      %get3A_581 = arith.index_cast %add3A_580 : i32 to index
      %get3A_582 = tpu.vector_load %arg8[%get3A_581] {strides = array<i32>} : memref<5248xf32, #tpu.memory_space<vmem>>, vector<16xf32>,
      %get3A_583 = vector.shape_cast %get3A_582 : vector<16xf32> to vector<16xf32>
      %add3A_584 = arith.addf %scan3A_558, %get3A_583 : vector<16xf32>
      %add3A_585 = arith.constant 64 : i32
      %add3A_586 = arith.addi %mul3A_560, %add3A_585 : i32
      %get3A_587 = arith.index_cast %add3A_586 : i32 to index
      %get3A_588 = tpu.vector_load %arg8[%get3A_587] {strides = array<i32>} : memref<5248xf32, #tpu.memory_space<vmem>>, vector<16xf32>,
      %get3A_589 = vector.shape_cast %get3A_588 : vector<16xf32> to vector<16xf32>
      %add3A_590 = arith.addf %add3A_566, %get3A_589 : vector<16xf32>
      %add3A_591 = arith.constant 80 : i32
      %add3A_592 = arith.addi %mul3A_560, %add3A_591 : i32
      %get3A_593 = arith.index_cast %add3A_592 : i32 to index
      %get3A_594 = tpu.vector_load %arg8[%get3A_593] {strides = array<i32>} : memref<5248xf32, #tpu.memory_space<vmem>>, vector<16xf32>,
      %get3A_595 = vector.shape_cast %get3A_594 : vector<16xf32> to vector<16xf32>
      %add3A_596 = arith.addf %add3A_572, %get3A_595 : vector<16xf32>
      %add3A_597 = arith.constant 96 : i32
      %add3A_598 = arith.addi %mul3A_560, %add3A_597 : i32
      %get3A_599 = arith.index_cast %add3A_598 : i32 to index
      %get3A_600 = tpu.vector_load %arg8[%get3A_599] {strides = array<i32>} : memref<5248xf32, #tpu.memory_space<vmem>>, vector<16xf32>,
      %get3A_601 = vector.shape_cast %get3A_600 : vector<16xf32> to vector<16xf32>
      %add3A_602 = arith.addf %add3A_578, %get3A_601 : vector<16xf32>
      %add3A_603 = arith.constant 112 : i32
      %add3A_604 = arith.addi %mul3A_560, %add3A_603 : i32
      %get3A_605 = arith.index_cast %add3A_604 : i32 to index
      %get3A_606 = tpu.vector_load %arg8[%get3A_605] {strides = array<i32>} : memref<5248xf32, #tpu.memory_space<vmem>>, vector<16xf32>,
      %get3A_607 = vector.shape_cast %get3A_606 : vector<16xf32> to vector<16xf32>
      %add3A_608 = arith.addf %add3A_584, %get3A_607 : vector<16xf32>
      scf.yield %add3A_590, %add3A_596, %add3A_602, %add3A_608 : vector<16xf32>, vector<16xf32>, vector<16xf32>, vector<16xf32>
    }
    %scan3A_148 = arith.constant 41 : i32
    %add3A_149 = arith.constant 47232 : i32
    %add3A_150 = arith.addi %mul3A_7, %add3A_149 : i32
    %dma_start3A_151 = tpu.memref_slice %arg5[%add3A_150] : memref<1007616xf32, #tpu.memory_space<vmem_shared>> -> memref<5248xf32, #tpu.memory_space<vmem_shared>>
    %dma_start3A_152 = tpu.memref_slice %arg5[%add3A_150] : memref<1007616xf32, #tpu.memory_space<vmem_shared>> -> memref<5248xf32, #tpu.memory_space<vmem_shared>>
    tpu.enqueue_dma source(%dma_start3A_152 : memref<5248xf32, #tpu.memory_space<vmem_shared>>) target(%arg8 : memref<5248xf32, #tpu.memory_space<vmem>>) target_semaphore(%arg14 : memref<!tpu.dma_semaphore, #tpu.memory_space<semaphore_mem>>)
    %dma_wait3A_153 = arith.constant 0 : i32
    %dma_wait3A_154 = tpu.memref_slice %arg3[%dma_wait3A_153] : memref<1007616xf32, #tpu.memory_space<hbm>> -> memref<5248xf32, #tpu.memory_space<hbm>>
    %dma_wait3A_155 = arith.constant 0 : i32
    %dma_wait3A_156 = tpu.memref_slice %arg3[%dma_wait3A_155] : memref<1007616xf32, #tpu.memory_space<hbm>> -> memref<5248xf32, #tpu.memory_space<hbm>>
    tpu.wait_dma2 semaphore(%arg13 : memref<!tpu.dma_semaphore, #tpu.memory_space<semaphore_mem>>) src(%dma_wait3A_156 : memref<5248xf32, #tpu.memory_space<hbm>>) dst(%arg7 : memref<5248xf32, #tpu.memory_space<vmem>>)
    %scan3A_157 = arith.constant 0 : i32
    %scan3A_158 = arith.constant 41 : i32
    %scan3A_159 = arith.addi %scan3A_157, %scan3A_158 : i32
    %scan3A_160 = arith.constant 1 : i32
    %scan3A_161:4 = scf.for %scan3A_554 = %scan3A_157 to %scan3A_159 step %scan3A_160 iter_args(%scan3A_555 = %scan3A_147#0, %scan3A_556 = %scan3A_147#1, %scan3A_557 = %scan3A_147#2, %scan3A_558 = %scan3A_147#3) -> (vector<16xf32>, vector<16xf32>, vector<16xf32>, vector<16xf32>)  : i32 {
      %mul3A_559 = arith.constant 128 : i32
      %mul3A_560 = arith.muli %scan3A_554, %mul3A_559 : i32
      %add3A_561 = arith.constant 0 : i32
      %add3A_562 = arith.addi %mul3A_560, %add3A_561 : i32
      %get3A_563 = arith.index_cast %add3A_562 : i32 to index
      %get3A_564 = tpu.vector_load %arg7[%get3A_563] {strides = array<i32>} : memref<5248xf32, #tpu.memory_space<vmem>>, vector<16xf32>,
      %get3A_565 = vector.shape_cast %get3A_564 : vector<16xf32> to vector<16xf32>
      %add3A_566 = arith.addf %scan3A_555, %get3A_565 : vector<16xf32>
      %add3A_567 = arith.constant 16 : i32
      %add3A_568 = arith.addi %mul3A_560, %add3A_567 : i32
      %get3A_569 = arith.index_cast %add3A_568 : i32 to index
      %get3A_570 = tpu.vector_load %arg7[%get3A_569] {strides = array<i32>} : memref<5248xf32, #tpu.memory_space<vmem>>, vector<16xf32>,
      %get3A_571 = vector.shape_cast %get3A_570 : vector<16xf32> to vector<16xf32>
      %add3A_572 = arith.addf %scan3A_556, %get3A_571 : vector<16xf32>
      %add3A_573 = arith.constant 32 : i32
      %add3A_574 = arith.addi %mul3A_560, %add3A_573 : i32
      %get3A_575 = arith.index_cast %add3A_574 : i32 to index
      %get3A_576 = tpu.vector_load %arg7[%get3A_575] {strides = array<i32>} : memref<5248xf32, #tpu.memory_space<vmem>>, vector<16xf32>,
      %get3A_577 = vector.shape_cast %get3A_576 : vector<16xf32> to vector<16xf32>
      %add3A_578 = arith.addf %scan3A_557, %get3A_577 : vector<16xf32>
      %add3A_579 = arith.constant 48 : i32
      %add3A_580 = arith.addi %mul3A_560, %add3A_579 : i32
      %get3A_581 = arith.index_cast %add3A_580 : i32 to index
      %get3A_582 = tpu.vector_load %arg7[%get3A_581] {strides = array<i32>} : memref<5248xf32, #tpu.memory_space<vmem>>, vector<16xf32>,
      %get3A_583 = vector.shape_cast %get3A_582 : vector<16xf32> to vector<16xf32>
      %add3A_584 = arith.addf %scan3A_558, %get3A_583 : vector<16xf32>
      %add3A_585 = arith.constant 64 : i32
      %add3A_586 = arith.addi %mul3A_560, %add3A_585 : i32
      %get3A_587 = arith.index_cast %add3A_586 : i32 to index
      %get3A_588 = tpu.vector_load %arg7[%get3A_587] {strides = array<i32>} : memref<5248xf32, #tpu.memory_space<vmem>>, vector<16xf32>,
      %get3A_589 = vector.shape_cast %get3A_588 : vector<16xf32> to vector<16xf32>
      %add3A_590 = arith.addf %add3A_566, %get3A_589 : vector<16xf32>
      %add3A_591 = arith.constant 80 : i32
      %add3A_592 = arith.addi %mul3A_560, %add3A_591 : i32
      %get3A_593 = arith.index_cast %add3A_592 : i32 to index
      %get3A_594 = tpu.vector_load %arg7[%get3A_593] {strides = array<i32>} : memref<5248xf32, #tpu.memory_space<vmem>>, vector<16xf32>,
      %get3A_595 = vector.shape_cast %get3A_594 : vector<16xf32> to vector<16xf32>
      %add3A_596 = arith.addf %add3A_572, %get3A_595 : vector<16xf32>
      %add3A_597 = arith.constant 96 : i32
      %add3A_598 = arith.addi %mul3A_560, %add3A_597 : i32
      %get3A_599 = arith.index_cast %add3A_598 : i32 to index
      %get3A_600 = tpu.vector_load %arg7[%get3A_599] {strides = array<i32>} : memref<5248xf32, #tpu.memory_space<vmem>>, vector<16xf32>,
      %get3A_601 = vector.shape_cast %get3A_600 : vector<16xf32> to vector<16xf32>
      %add3A_602 = arith.addf %add3A_578, %get3A_601 : vector<16xf32>
      %add3A_603 = arith.constant 112 : i32
      %add3A_604 = arith.addi %mul3A_560, %add3A_603 : i32
      %get3A_605 = arith.index_cast %add3A_604 : i32 to index
      %get3A_606 = tpu.vector_load %arg7[%get3A_605] {strides = array<i32>} : memref<5248xf32, #tpu.memory_space<vmem>>, vector<16xf32>,
      %get3A_607 = vector.shape_cast %get3A_606 : vector<16xf32> to vector<16xf32>
      %add3A_608 = arith.addf %add3A_584, %get3A_607 : vector<16xf32>
      scf.yield %add3A_590, %add3A_596, %add3A_602, %add3A_608 : vector<16xf32>, vector<16xf32>, vector<16xf32>, vector<16xf32>
    }
    %scan3A_162 = arith.constant 41 : i32
    %add3A_163 = arith.constant 52480 : i32
    %add3A_164 = arith.addi %mul3A_7, %add3A_163 : i32
    %dma_start3A_165 = tpu.memref_slice %arg5[%add3A_164] : memref<1007616xf32, #tpu.memory_space<vmem_shared>> -> memref<5248xf32, #tpu.memory_space<vmem_shared>>
    %dma_start3A_166 = tpu.memref_slice %arg5[%add3A_164] : memref<1007616xf32, #tpu.memory_space<vmem_shared>> -> memref<5248xf32, #tpu.memory_space<vmem_shared>>
    tpu.enqueue_dma source(%dma_start3A_166 : memref<5248xf32, #tpu.memory_space<vmem_shared>>) target(%arg7 : memref<5248xf32, #tpu.memory_space<vmem>>) target_semaphore(%arg13 : memref<!tpu.dma_semaphore, #tpu.memory_space<semaphore_mem>>)
    %dma_wait3A_167 = arith.constant 0 : i32
    %dma_wait3A_168 = tpu.memref_slice %arg3[%dma_wait3A_167] : memref<1007616xf32, #tpu.memory_space<hbm>> -> memref<5248xf32, #tpu.memory_space<hbm>>
    %dma_wait3A_169 = arith.constant 0 : i32
    %dma_wait3A_170 = tpu.memref_slice %arg3[%dma_wait3A_169] : memref<1007616xf32, #tpu.memory_space<hbm>> -> memref<5248xf32, #tpu.memory_space<hbm>>
    tpu.wait_dma2 semaphore(%arg14 : memref<!tpu.dma_semaphore, #tpu.memory_space<semaphore_mem>>) src(%dma_wait3A_170 : memref<5248xf32, #tpu.memory_space<hbm>>) dst(%arg8 : memref<5248xf32, #tpu.memory_space<vmem>>)
    %scan3A_171 = arith.constant 0 : i32
    %scan3A_172 = arith.constant 41 : i32
    %scan3A_173 = arith.addi %scan3A_171, %scan3A_172 : i32
    %scan3A_174 = arith.constant 1 : i32
    %scan3A_175:4 = scf.for %scan3A_554 = %scan3A_171 to %scan3A_173 step %scan3A_174 iter_args(%scan3A_555 = %scan3A_161#0, %scan3A_556 = %scan3A_161#1, %scan3A_557 = %scan3A_161#2, %scan3A_558 = %scan3A_161#3) -> (vector<16xf32>, vector<16xf32>, vector<16xf32>, vector<16xf32>)  : i32 {
      %mul3A_559 = arith.constant 128 : i32
      %mul3A_560 = arith.muli %scan3A_554, %mul3A_559 : i32
      %add3A_561 = arith.constant 0 : i32
      %add3A_562 = arith.addi %mul3A_560, %add3A_561 : i32
      %get3A_563 = arith.index_cast %add3A_562 : i32 to index
      %get3A_564 = tpu.vector_load %arg8[%get3A_563] {strides = array<i32>} : memref<5248xf32, #tpu.memory_space<vmem>>, vector<16xf32>,
      %get3A_565 = vector.shape_cast %get3A_564 : vector<16xf32> to vector<16xf32>
      %add3A_566 = arith.addf %scan3A_555, %get3A_565 : vector<16xf32>
      %add3A_567 = arith.constant 16 : i32
      %add3A_568 = arith.addi %mul3A_560, %add3A_567 : i32
      %get3A_569 = arith.index_cast %add3A_568 : i32 to index
      %get3A_570 = tpu.vector_load %arg8[%get3A_569] {strides = array<i32>} : memref<5248xf32, #tpu.memory_space<vmem>>, vector<16xf32>,
      %get3A_571 = vector.shape_cast %get3A_570 : vector<16xf32> to vector<16xf32>
      %add3A_572 = arith.addf %scan3A_556, %get3A_571 : vector<16xf32>
      %add3A_573 = arith.constant 32 : i32
      %add3A_574 = arith.addi %mul3A_560, %add3A_573 : i32
      %get3A_575 = arith.index_cast %add3A_574 : i32 to index
      %get3A_576 = tpu.vector_load %arg8[%get3A_575] {strides = array<i32>} : memref<5248xf32, #tpu.memory_space<vmem>>, vector<16xf32>,
      %get3A_577 = vector.shape_cast %get3A_576 : vector<16xf32> to vector<16xf32>
      %add3A_578 = arith.addf %scan3A_557, %get3A_577 : vector<16xf32>
      %add3A_579 = arith.constant 48 : i32
      %add3A_580 = arith.addi %mul3A_560, %add3A_579 : i32
      %get3A_581 = arith.index_cast %add3A_580 : i32 to index
      %get3A_582 = tpu.vector_load %arg8[%get3A_581] {strides = array<i32>} : memref<5248xf32, #tpu.memory_space<vmem>>, vector<16xf32>,
      %get3A_583 = vector.shape_cast %get3A_582 : vector<16xf32> to vector<16xf32>
      %add3A_584 = arith.addf %scan3A_558, %get3A_583 : vector<16xf32>
      %add3A_585 = arith.constant 64 : i32
      %add3A_586 = arith.addi %mul3A_560, %add3A_585 : i32
      %get3A_587 = arith.index_cast %add3A_586 : i32 to index
      %get3A_588 = tpu.vector_load %arg8[%get3A_587] {strides = array<i32>} : memref<5248xf32, #tpu.memory_space<vmem>>, vector<16xf32>,
      %get3A_589 = vector.shape_cast %get3A_588 : vector<16xf32> to vector<16xf32>
      %add3A_590 = arith.addf %add3A_566, %get3A_589 : vector<16xf32>
      %add3A_591 = arith.constant 80 : i32
      %add3A_592 = arith.addi %mul3A_560, %add3A_591 : i32
      %get3A_593 = arith.index_cast %add3A_592 : i32 to index
      %get3A_594 = tpu.vector_load %arg8[%get3A_593] {strides = array<i32>} : memref<5248xf32, #tpu.memory_space<vmem>>, vector<16xf32>,
      %get3A_595 = vector.shape_cast %get3A_594 : vector<16xf32> to vector<16xf32>
      %add3A_596 = arith.addf %add3A_572, %get3A_595 : vector<16xf32>
      %add3A_597 = arith.constant 96 : i32
      %add3A_598 = arith.addi %mul3A_560, %add3A_597 : i32
      %get3A_599 = arith.index_cast %add3A_598 : i32 to index
      %get3A_600 = tpu.vector_load %arg8[%get3A_599] {strides = array<i32>} : memref<5248xf32, #tpu.memory_space<vmem>>, vector<16xf32>,
      %get3A_601 = vector.shape_cast %get3A_600 : vector<16xf32> to vector<16xf32>
      %add3A_602 = arith.addf %add3A_578, %get3A_601 : vector<16xf32>
      %add3A_603 = arith.constant 112 : i32
      %add3A_604 = arith.addi %mul3A_560, %add3A_603 : i32
      %get3A_605 = arith.index_cast %add3A_604 : i32 to index
      %get3A_606 = tpu.vector_load %arg8[%get3A_605] {strides = array<i32>} : memref<5248xf32, #tpu.memory_space<vmem>>, vector<16xf32>,
      %get3A_607 = vector.shape_cast %get3A_606 : vector<16xf32> to vector<16xf32>
      %add3A_608 = arith.addf %add3A_584, %get3A_607 : vector<16xf32>
      scf.yield %add3A_590, %add3A_596, %add3A_602, %add3A_608 : vector<16xf32>, vector<16xf32>, vector<16xf32>, vector<16xf32>
    }
    %scan3A_176 = arith.constant 41 : i32
    %add3A_177 = arith.constant 57728 : i32
    %add3A_178 = arith.addi %mul3A_7, %add3A_177 : i32
    %dma_start3A_179 = tpu.memref_slice %arg5[%add3A_178] : memref<1007616xf32, #tpu.memory_space<vmem_shared>> -> memref<5248xf32, #tpu.memory_space<vmem_shared>>
    %dma_start3A_180 = tpu.memref_slice %arg5[%add3A_178] : memref<1007616xf32, #tpu.memory_space<vmem_shared>> -> memref<5248xf32, #tpu.memory_space<vmem_shared>>
    tpu.enqueue_dma source(%dma_start3A_180 : memref<5248xf32, #tpu.memory_space<vmem_shared>>) target(%arg8 : memref<5248xf32, #tpu.memory_space<vmem>>) target_semaphore(%arg14 : memref<!tpu.dma_semaphore, #tpu.memory_space<semaphore_mem>>)
    %dma_wait3A_181 = arith.constant 0 : i32
    %dma_wait3A_182 = tpu.memref_slice %arg3[%dma_wait3A_181] : memref<1007616xf32, #tpu.memory_space<hbm>> -> memref<5248xf32, #tpu.memory_space<hbm>>
    %dma_wait3A_183 = arith.constant 0 : i32
    %dma_wait3A_184 = tpu.memref_slice %arg3[%dma_wait3A_183] : memref<1007616xf32, #tpu.memory_space<hbm>> -> memref<5248xf32, #tpu.memory_space<hbm>>
    tpu.wait_dma2 semaphore(%arg13 : memref<!tpu.dma_semaphore, #tpu.memory_space<semaphore_mem>>) src(%dma_wait3A_184 : memref<5248xf32, #tpu.memory_space<hbm>>) dst(%arg7 : memref<5248xf32, #tpu.memory_space<vmem>>)
    %scan3A_185 = arith.constant 0 : i32
    %scan3A_186 = arith.constant 41 : i32
    %scan3A_187 = arith.addi %scan3A_185, %scan3A_186 : i32
    %scan3A_188 = arith.constant 1 : i32
    %scan3A_189:4 = scf.for %scan3A_554 = %scan3A_185 to %scan3A_187 step %scan3A_188 iter_args(%scan3A_555 = %scan3A_175#0, %scan3A_556 = %scan3A_175#1, %scan3A_557 = %scan3A_175#2, %scan3A_558 = %scan3A_175#3) -> (vector<16xf32>, vector<16xf32>, vector<16xf32>, vector<16xf32>)  : i32 {
      %mul3A_559 = arith.constant 128 : i32
      %mul3A_560 = arith.muli %scan3A_554, %mul3A_559 : i32
      %add3A_561 = arith.constant 0 : i32
      %add3A_562 = arith.addi %mul3A_560, %add3A_561 : i32
      %get3A_563 = arith.index_cast %add3A_562 : i32 to index
      %get3A_564 = tpu.vector_load %arg7[%get3A_563] {strides = array<i32>} : memref<5248xf32, #tpu.memory_space<vmem>>, vector<16xf32>,
      %get3A_565 = vector.shape_cast %get3A_564 : vector<16xf32> to vector<16xf32>
      %add3A_566 = arith.addf %scan3A_555, %get3A_565 : vector<16xf32>
      %add3A_567 = arith.constant 16 : i32
      %add3A_568 = arith.addi %mul3A_560, %add3A_567 : i32
      %get3A_569 = arith.index_cast %add3A_568 : i32 to index
      %get3A_570 = tpu.vector_load %arg7[%get3A_569] {strides = array<i32>} : memref<5248xf32, #tpu.memory_space<vmem>>, vector<16xf32>,
      %get3A_571 = vector.shape_cast %get3A_570 : vector<16xf32> to vector<16xf32>
      %add3A_572 = arith.addf %scan3A_556, %get3A_571 : vector<16xf32>
      %add3A_573 = arith.constant 32 : i32
      %add3A_574 = arith.addi %mul3A_560, %add3A_573 : i32
      %get3A_575 = arith.index_cast %add3A_574 : i32 to index
      %get3A_576 = tpu.vector_load %arg7[%get3A_575] {strides = array<i32>} : memref<5248xf32, #tpu.memory_space<vmem>>, vector<16xf32>,
      %get3A_577 = vector.shape_cast %get3A_576 : vector<16xf32> to vector<16xf32>
      %add3A_578 = arith.addf %scan3A_557, %get3A_577 : vector<16xf32>
      %add3A_579 = arith.constant 48 : i32
      %add3A_580 = arith.addi %mul3A_560, %add3A_579 : i32
      %get3A_581 = arith.index_cast %add3A_580 : i32 to index
      %get3A_582 = tpu.vector_load %arg7[%get3A_581] {strides = array<i32>} : memref<5248xf32, #tpu.memory_space<vmem>>, vector<16xf32>,
      %get3A_583 = vector.shape_cast %get3A_582 : vector<16xf32> to vector<16xf32>
      %add3A_584 = arith.addf %scan3A_558, %get3A_583 : vector<16xf32>
      %add3A_585 = arith.constant 64 : i32
      %add3A_586 = arith.addi %mul3A_560, %add3A_585 : i32
      %get3A_587 = arith.index_cast %add3A_586 : i32 to index
      %get3A_588 = tpu.vector_load %arg7[%get3A_587] {strides = array<i32>} : memref<5248xf32, #tpu.memory_space<vmem>>, vector<16xf32>,
      %get3A_589 = vector.shape_cast %get3A_588 : vector<16xf32> to vector<16xf32>
      %add3A_590 = arith.addf %add3A_566, %get3A_589 : vector<16xf32>
      %add3A_591 = arith.constant 80 : i32
      %add3A_592 = arith.addi %mul3A_560, %add3A_591 : i32
      %get3A_593 = arith.index_cast %add3A_592 : i32 to index
      %get3A_594 = tpu.vector_load %arg7[%get3A_593] {strides = array<i32>} : memref<5248xf32, #tpu.memory_space<vmem>>, vector<16xf32>,
      %get3A_595 = vector.shape_cast %get3A_594 : vector<16xf32> to vector<16xf32>
      %add3A_596 = arith.addf %add3A_572, %get3A_595 : vector<16xf32>
      %add3A_597 = arith.constant 96 : i32
      %add3A_598 = arith.addi %mul3A_560, %add3A_597 : i32
      %get3A_599 = arith.index_cast %add3A_598 : i32 to index
      %get3A_600 = tpu.vector_load %arg7[%get3A_599] {strides = array<i32>} : memref<5248xf32, #tpu.memory_space<vmem>>, vector<16xf32>,
      %get3A_601 = vector.shape_cast %get3A_600 : vector<16xf32> to vector<16xf32>
      %add3A_602 = arith.addf %add3A_578, %get3A_601 : vector<16xf32>
      %add3A_603 = arith.constant 112 : i32
      %add3A_604 = arith.addi %mul3A_560, %add3A_603 : i32
      %get3A_605 = arith.index_cast %add3A_604 : i32 to index
      %get3A_606 = tpu.vector_load %arg7[%get3A_605] {strides = array<i32>} : memref<5248xf32, #tpu.memory_space<vmem>>, vector<16xf32>,
      %get3A_607 = vector.shape_cast %get3A_606 : vector<16xf32> to vector<16xf32>
      %add3A_608 = arith.addf %add3A_584, %get3A_607 : vector<16xf32>
      scf.yield %add3A_590, %add3A_596, %add3A_602, %add3A_608 : vector<16xf32>, vector<16xf32>, vector<16xf32>, vector<16xf32>
    }
    %scan3A_190 = arith.constant 41 : i32
    %dma_wait3A_191 = arith.constant 0 : i32
    %dma_wait3A_192 = tpu.memref_slice %arg3[%dma_wait3A_191] : memref<1007616xf32, #tpu.memory_space<hbm>> -> memref<5248xf32, #tpu.memory_space<hbm>>
    %dma_wait3A_193 = arith.constant 0 : i32
    %dma_wait3A_194 = tpu.memref_slice %arg3[%dma_wait3A_193] : memref<1007616xf32, #tpu.memory_space<hbm>> -> memref<5248xf32, #tpu.memory_space<hbm>>
    tpu.wait_dma2 semaphore(%arg14 : memref<!tpu.dma_semaphore, #tpu.memory_space<semaphore_mem>>) src(%dma_wait3A_194 : memref<5248xf32, #tpu.memory_space<hbm>>) dst(%arg8 : memref<5248xf32, #tpu.memory_space<vmem>>)
    %scan3A_195 = arith.constant 0 : i32
    %scan3A_196 = arith.constant 41 : i32
    %scan3A_197 = arith.addi %scan3A_195, %scan3A_196 : i32
    %scan3A_198 = arith.constant 1 : i32
    %scan3A_199:4 = scf.for %scan3A_554 = %scan3A_195 to %scan3A_197 step %scan3A_198 iter_args(%scan3A_555 = %scan3A_189#0, %scan3A_556 = %scan3A_189#1, %scan3A_557 = %scan3A_189#2, %scan3A_558 = %scan3A_189#3) -> (vector<16xf32>, vector<16xf32>, vector<16xf32>, vector<16xf32>)  : i32 {
      %mul3A_559 = arith.constant 128 : i32
      %mul3A_560 = arith.muli %scan3A_554, %mul3A_559 : i32
      %add3A_561 = arith.constant 0 : i32
      %add3A_562 = arith.addi %mul3A_560, %add3A_561 : i32
      %get3A_563 = arith.index_cast %add3A_562 : i32 to index
      %get3A_564 = tpu.vector_load %arg8[%get3A_563] {strides = array<i32>} : memref<5248xf32, #tpu.memory_space<vmem>>, vector<16xf32>,
      %get3A_565 = vector.shape_cast %get3A_564 : vector<16xf32> to vector<16xf32>
      %add3A_566 = arith.addf %scan3A_555, %get3A_565 : vector<16xf32>
      %add3A_567 = arith.constant 16 : i32
      %add3A_568 = arith.addi %mul3A_560, %add3A_567 : i32
      %get3A_569 = arith.index_cast %add3A_568 : i32 to index
      %get3A_570 = tpu.vector_load %arg8[%get3A_569] {strides = array<i32>} : memref<5248xf32, #tpu.memory_space<vmem>>, vector<16xf32>,
      %get3A_571 = vector.shape_cast %get3A_570 : vector<16xf32> to vector<16xf32>
      %add3A_572 = arith.addf %scan3A_556, %get3A_571 : vector<16xf32>
      %add3A_573 = arith.constant 32 : i32
      %add3A_574 = arith.addi %mul3A_560, %add3A_573 : i32
      %get3A_575 = arith.index_cast %add3A_574 : i32 to index
      %get3A_576 = tpu.vector_load %arg8[%get3A_575] {strides = array<i32>} : memref<5248xf32, #tpu.memory_space<vmem>>, vector<16xf32>,
      %get3A_577 = vector.shape_cast %get3A_576 : vector<16xf32> to vector<16xf32>
      %add3A_578 = arith.addf %scan3A_557, %get3A_577 : vector<16xf32>
      %add3A_579 = arith.constant 48 : i32
      %add3A_580 = arith.addi %mul3A_560, %add3A_579 : i32
      %get3A_581 = arith.index_cast %add3A_580 : i32 to index
      %get3A_582 = tpu.vector_load %arg8[%get3A_581] {strides = array<i32>} : memref<5248xf32, #tpu.memory_space<vmem>>, vector<16xf32>,
      %get3A_583 = vector.shape_cast %get3A_582 : vector<16xf32> to vector<16xf32>
      %add3A_584 = arith.addf %scan3A_558, %get3A_583 : vector<16xf32>
      %add3A_585 = arith.constant 64 : i32
      %add3A_586 = arith.addi %mul3A_560, %add3A_585 : i32
      %get3A_587 = arith.index_cast %add3A_586 : i32 to index
      %get3A_588 = tpu.vector_load %arg8[%get3A_587] {strides = array<i32>} : memref<5248xf32, #tpu.memory_space<vmem>>, vector<16xf32>,
      %get3A_589 = vector.shape_cast %get3A_588 : vector<16xf32> to vector<16xf32>
      %add3A_590 = arith.addf %add3A_566, %get3A_589 : vector<16xf32>
      %add3A_591 = arith.constant 80 : i32
      %add3A_592 = arith.addi %mul3A_560, %add3A_591 : i32
      %get3A_593 = arith.index_cast %add3A_592 : i32 to index
      %get3A_594 = tpu.vector_load %arg8[%get3A_593] {strides = array<i32>} : memref<5248xf32, #tpu.memory_space<vmem>>, vector<16xf32>,
      %get3A_595 = vector.shape_cast %get3A_594 : vector<16xf32> to vector<16xf32>
      %add3A_596 = arith.addf %add3A_572, %get3A_595 : vector<16xf32>
      %add3A_597 = arith.constant 96 : i32
      %add3A_598 = arith.addi %mul3A_560, %add3A_597 : i32
      %get3A_599 = arith.index_cast %add3A_598 : i32 to index
      %get3A_600 = tpu.vector_load %arg8[%get3A_599] {strides = array<i32>} : memref<5248xf32, #tpu.memory_space<vmem>>, vector<16xf32>,
      %get3A_601 = vector.shape_cast %get3A_600 : vector<16xf32> to vector<16xf32>
      %add3A_602 = arith.addf %add3A_578, %get3A_601 : vector<16xf32>
      %add3A_603 = arith.constant 112 : i32
      %add3A_604 = arith.addi %mul3A_560, %add3A_603 : i32
      %get3A_605 = arith.index_cast %add3A_604 : i32 to index
      %get3A_606 = tpu.vector_load %arg8[%get3A_605] {strides = array<i32>} : memref<5248xf32, #tpu.memory_space<vmem>>, vector<16xf32>,
      %get3A_607 = vector.shape_cast %get3A_606 : vector<16xf32> to vector<16xf32>
      %add3A_608 = arith.addf %add3A_584, %get3A_607 : vector<16xf32>
      scf.yield %add3A_590, %add3A_596, %add3A_602, %add3A_608 : vector<16xf32>, vector<16xf32>, vector<16xf32>, vector<16xf32>
    }
    %scan3A_200 = arith.constant 41 : i32
    %add3A_201 = arith.addf %scan3A_199#0, %scan3A_199#1 : vector<16xf32>
    %add3A_202 = arith.addf %scan3A_199#2, %scan3A_199#3 : vector<16xf32>
    %add3A_203 = arith.addf %add3A_201, %add3A_202 : vector<16xf32>
    %swap3A = arith.constant 0 : index
    %swap3A_204 = tpu.vector_load %arg11[%swap3A] {strides = array<i32>} : memref<16xf32, #tpu.memory_space<vmem>>, vector<16xf32>,
    %swap3A_205 = vector.shape_cast %swap3A_204 : vector<16xf32> to vector<16xf32>
    %swap3A_206 = vector.shape_cast %add3A_203 : vector<16xf32> to vector<16xf32>
    tpu.vector_store %arg11[%swap3A], %swap3A_206 {strides = array<i32>} : memref<16xf32, #tpu.memory_space<vmem>>, vector<16xf32>,
    "tpu.region"() ({
      %run_scoped3A = tpu.sem_alloc : memref<!tpu.dma_semaphore, #tpu.memory_space<semaphore_mem>>
      %dma_start3A_554 = arith.constant 0 : i32
      %dma_start3A_555 = tpu.memref_slice %arg6[%arg1, %dma_start3A_554] : memref<16x16xf32, #tpu.memory_space<vmem_shared>> -> memref<1x16xf32, #tpu.memory_space<vmem_shared>>
      %dma_start3A_556 = tpu.memref_squeeze %dma_start3A_555 : memref<1x16xf32, #tpu.memory_space<vmem_shared>> -> memref<16xf32, #tpu.memory_space<vmem_shared>>
      %dma_start3A_557 = arith.constant 0 : i32
      %dma_start3A_558 = tpu.memref_slice %arg6[%arg1, %dma_start3A_557] : memref<16x16xf32, #tpu.memory_space<vmem_shared>> -> memref<1x16xf32, #tpu.memory_space<vmem_shared>>
      %dma_start3A_559 = tpu.memref_squeeze %dma_start3A_558 : memref<1x16xf32, #tpu.memory_space<vmem_shared>> -> memref<16xf32, #tpu.memory_space<vmem_shared>>
      tpu.enqueue_dma source(%arg11 : memref<16xf32, #tpu.memory_space<vmem>>) target(%dma_start3A_559 : memref<16xf32, #tpu.memory_space<vmem_shared>>) target_semaphore(%run_scoped3A : memref<!tpu.dma_semaphore, #tpu.memory_space<semaphore_mem>>)
      %dma_wait3A_560 = arith.constant 0 : i32
      %dma_wait3A_561 = tpu.memref_slice %arg6[%arg1, %dma_wait3A_560] : memref<16x16xf32, #tpu.memory_space<vmem_shared>> -> memref<1x16xf32, #tpu.memory_space<vmem_shared>>
      %dma_wait3A_562 = tpu.memref_squeeze %dma_wait3A_561 : memref<1x16xf32, #tpu.memory_space<vmem_shared>> -> memref<16xf32, #tpu.memory_space<vmem_shared>>
      %dma_wait3A_563 = arith.constant 0 : i32
      %dma_wait3A_564 = tpu.memref_slice %arg6[%arg1, %dma_wait3A_563] : memref<16x16xf32, #tpu.memory_space<vmem_shared>> -> memref<1x16xf32, #tpu.memory_space<vmem_shared>>
      %dma_wait3A_565 = tpu.memref_squeeze %dma_wait3A_564 : memref<1x16xf32, #tpu.memory_space<vmem_shared>> -> memref<16xf32, #tpu.memory_space<vmem_shared>>
      tpu.wait_dma2 semaphore(%run_scoped3A : memref<!tpu.dma_semaphore, #tpu.memory_space<semaphore_mem>>) src(%arg11 : memref<16xf32, #tpu.memory_space<vmem>>) dst(%dma_wait3A_565 : memref<16xf32, #tpu.memory_space<vmem_shared>>)
      tpu.yield
    }) : () -> ()
    %barrier3A_207 = arith.constant 0 : index
    tpu.barrier barrier_id(%barrier3A_207)
    "tpu.region"() ({
      %run_scoped3A = tpu.sem_alloc : memref<!tpu.dma_semaphore, #tpu.memory_space<semaphore_mem>>
      tpu.enqueue_dma source(%arg6 : memref<16x16xf32, #tpu.memory_space<vmem_shared>>) target(%arg12 : memref<16x16xf32, #tpu.memory_space<vmem>>) target_semaphore(%run_scoped3A : memref<!tpu.dma_semaphore, #tpu.memory_space<semaphore_mem>>)
      tpu.wait_dma2 semaphore(%run_scoped3A : memref<!tpu.dma_semaphore, #tpu.memory_space<semaphore_mem>>) src(%arg6 : memref<16x16xf32, #tpu.memory_space<vmem_shared>>) dst(%arg12 : memref<16x16xf32, #tpu.memory_space<vmem>>)
      tpu.yield
    }) : () -> ()
    %get3A = arith.constant 0 : i32
    %get3A_208 = arith.index_cast %get3A : i32 to index
    %get3A_209 = arith.constant 0 : index
    %get3A_210 = tpu.vector_load %arg12[%get3A_208, %get3A_209] {strides = array<i32>} : memref<16x16xf32, #tpu.memory_space<vmem>>, vector<1x16xf32>,
    %get3A_211 = vector.shape_cast %get3A_210 : vector<1x16xf32> to vector<16xf32>
    %get3A_212 = arith.constant 1 : i32
    %get3A_213 = arith.index_cast %get3A_212 : i32 to index
    %get3A_214 = arith.constant 0 : index
    %get3A_215 = tpu.vector_load %arg12[%get3A_213, %get3A_214] {strides = array<i32>} : memref<16x16xf32, #tpu.memory_space<vmem>>, vector<1x16xf32>,
    %get3A_216 = vector.shape_cast %get3A_215 : vector<1x16xf32> to vector<16xf32>
    %add3A_217 = arith.addf %get3A_211, %get3A_216 : vector<16xf32>
    %get3A_218 = arith.constant 2 : i32
    %get3A_219 = arith.index_cast %get3A_218 : i32 to index
    %get3A_220 = arith.constant 0 : index
    %get3A_221 = tpu.vector_load %arg12[%get3A_219, %get3A_220] {strides = array<i32>} : memref<16x16xf32, #tpu.memory_space<vmem>>, vector<1x16xf32>,
    %get3A_222 = vector.shape_cast %get3A_221 : vector<1x16xf32> to vector<16xf32>
    %add3A_223 = arith.addf %add3A_217, %get3A_222 : vector<16xf32>
    %get3A_224 = arith.constant 3 : i32
    %get3A_225 = arith.index_cast %get3A_224 : i32 to index
    %get3A_226 = arith.constant 0 : index
    %get3A_227 = tpu.vector_load %arg12[%get3A_225, %get3A_226] {strides = array<i32>} : memref<16x16xf32, #tpu.memory_space<vmem>>, vector<1x16xf32>,
    %get3A_228 = vector.shape_cast %get3A_227 : vector<1x16xf32> to vector<16xf32>
    %add3A_229 = arith.addf %add3A_223, %get3A_228 : vector<16xf32>
    %get3A_230 = arith.constant 4 : i32
    %get3A_231 = arith.index_cast %get3A_230 : i32 to index
    %get3A_232 = arith.constant 0 : index
    %get3A_233 = tpu.vector_load %arg12[%get3A_231, %get3A_232] {strides = array<i32>} : memref<16x16xf32, #tpu.memory_space<vmem>>, vector<1x16xf32>,
    %get3A_234 = vector.shape_cast %get3A_233 : vector<1x16xf32> to vector<16xf32>
    %add3A_235 = arith.addf %add3A_229, %get3A_234 : vector<16xf32>
    %get3A_236 = arith.constant 5 : i32
    %get3A_237 = arith.index_cast %get3A_236 : i32 to index
    %get3A_238 = arith.constant 0 : index
    %get3A_239 = tpu.vector_load %arg12[%get3A_237, %get3A_238] {strides = array<i32>} : memref<16x16xf32, #tpu.memory_space<vmem>>, vector<1x16xf32>,
    %get3A_240 = vector.shape_cast %get3A_239 : vector<1x16xf32> to vector<16xf32>
    %add3A_241 = arith.addf %add3A_235, %get3A_240 : vector<16xf32>
    %get3A_242 = arith.constant 6 : i32
    %get3A_243 = arith.index_cast %get3A_242 : i32 to index
    %get3A_244 = arith.constant 0 : index
    %get3A_245 = tpu.vector_load %arg12[%get3A_243, %get3A_244] {strides = array<i32>} : memref<16x16xf32, #tpu.memory_space<vmem>>, vector<1x16xf32>,
    %get3A_246 = vector.shape_cast %get3A_245 : vector<1x16xf32> to vector<16xf32>
    %add3A_247 = arith.addf %add3A_241, %get3A_246 : vector<16xf32>
    %get3A_248 = arith.constant 7 : i32
    %get3A_249 = arith.index_cast %get3A_248 : i32 to index
    %get3A_250 = arith.constant 0 : index
    %get3A_251 = tpu.vector_load %arg12[%get3A_249, %get3A_250] {strides = array<i32>} : memref<16x16xf32, #tpu.memory_space<vmem>>, vector<1x16xf32>,
    %get3A_252 = vector.shape_cast %get3A_251 : vector<1x16xf32> to vector<16xf32>
    %add3A_253 = arith.addf %add3A_247, %get3A_252 : vector<16xf32>
    %get3A_254 = arith.constant 8 : i32
    %get3A_255 = arith.index_cast %get3A_254 : i32 to index
    %get3A_256 = arith.constant 0 : index
    %get3A_257 = tpu.vector_load %arg12[%get3A_255, %get3A_256] {strides = array<i32>} : memref<16x16xf32, #tpu.memory_space<vmem>>, vector<1x16xf32>,
    %get3A_258 = vector.shape_cast %get3A_257 : vector<1x16xf32> to vector<16xf32>
    %add3A_259 = arith.addf %add3A_253, %get3A_258 : vector<16xf32>
    %get3A_260 = arith.constant 9 : i32
    %get3A_261 = arith.index_cast %get3A_260 : i32 to index
    %get3A_262 = arith.constant 0 : index
    %get3A_263 = tpu.vector_load %arg12[%get3A_261, %get3A_262] {strides = array<i32>} : memref<16x16xf32, #tpu.memory_space<vmem>>, vector<1x16xf32>,
    %get3A_264 = vector.shape_cast %get3A_263 : vector<1x16xf32> to vector<16xf32>
    %add3A_265 = arith.addf %add3A_259, %get3A_264 : vector<16xf32>
    %get3A_266 = arith.constant 10 : i32
    %get3A_267 = arith.index_cast %get3A_266 : i32 to index
    %get3A_268 = arith.constant 0 : index
    %get3A_269 = tpu.vector_load %arg12[%get3A_267, %get3A_268] {strides = array<i32>} : memref<16x16xf32, #tpu.memory_space<vmem>>, vector<1x16xf32>,
    %get3A_270 = vector.shape_cast %get3A_269 : vector<1x16xf32> to vector<16xf32>
    %add3A_271 = arith.addf %add3A_265, %get3A_270 : vector<16xf32>
    %get3A_272 = arith.constant 11 : i32
    %get3A_273 = arith.index_cast %get3A_272 : i32 to index
    %get3A_274 = arith.constant 0 : index
    %get3A_275 = tpu.vector_load %arg12[%get3A_273, %get3A_274] {strides = array<i32>} : memref<16x16xf32, #tpu.memory_space<vmem>>, vector<1x16xf32>,
    %get3A_276 = vector.shape_cast %get3A_275 : vector<1x16xf32> to vector<16xf32>
    %add3A_277 = arith.addf %add3A_271, %get3A_276 : vector<16xf32>
    %get3A_278 = arith.constant 12 : i32
    %get3A_279 = arith.index_cast %get3A_278 : i32 to index
    %get3A_280 = arith.constant 0 : index
    %get3A_281 = tpu.vector_load %arg12[%get3A_279, %get3A_280] {strides = array<i32>} : memref<16x16xf32, #tpu.memory_space<vmem>>, vector<1x16xf32>,
    %get3A_282 = vector.shape_cast %get3A_281 : vector<1x16xf32> to vector<16xf32>
    %add3A_283 = arith.addf %add3A_277, %get3A_282 : vector<16xf32>
    %get3A_284 = arith.constant 13 : i32
    %get3A_285 = arith.index_cast %get3A_284 : i32 to index
    %get3A_286 = arith.constant 0 : index
    %get3A_287 = tpu.vector_load %arg12[%get3A_285, %get3A_286] {strides = array<i32>} : memref<16x16xf32, #tpu.memory_space<vmem>>, vector<1x16xf32>,
    %get3A_288 = vector.shape_cast %get3A_287 : vector<1x16xf32> to vector<16xf32>
    %add3A_289 = arith.addf %add3A_283, %get3A_288 : vector<16xf32>
    %get3A_290 = arith.constant 14 : i32
    %get3A_291 = arith.index_cast %get3A_290 : i32 to index
    %get3A_292 = arith.constant 0 : index
    %get3A_293 = tpu.vector_load %arg12[%get3A_291, %get3A_292] {strides = array<i32>} : memref<16x16xf32, #tpu.memory_space<vmem>>, vector<1x16xf32>,
    %get3A_294 = vector.shape_cast %get3A_293 : vector<1x16xf32> to vector<16xf32>
    %add3A_295 = arith.addf %add3A_289, %get3A_294 : vector<16xf32>
    %get3A_296 = arith.constant 15 : i32
    %get3A_297 = arith.index_cast %get3A_296 : i32 to index
    %get3A_298 = arith.constant 0 : index
    %get3A_299 = tpu.vector_load %arg12[%get3A_297, %get3A_298] {strides = array<i32>} : memref<16x16xf32, #tpu.memory_space<vmem>>, vector<1x16xf32>,
    %get3A_300 = vector.shape_cast %get3A_299 : vector<1x16xf32> to vector<16xf32>
    %add3A_301 = arith.addf %add3A_295, %get3A_300 : vector<16xf32>
    %slice3A = vector.extract_strided_slice %add3A_301 {offsets = [0], sizes = [1], strides = [1]} : vector<16xf32> to vector<1xf32>
    %squeeze3A = vector.extract %slice3A[0] : f32 from vector<1xf32>
    %slice3A_302 = vector.extract_strided_slice %add3A_301 {offsets = [1], sizes = [1], strides = [1]} : vector<16xf32> to vector<1xf32>
    %squeeze3A_303 = vector.extract %slice3A_302[0] : f32 from vector<1xf32>
    %add3A_304 = arith.addf %squeeze3A, %squeeze3A_303 : f32
    %slice3A_305 = vector.extract_strided_slice %add3A_301 {offsets = [2], sizes = [1], strides = [1]} : vector<16xf32> to vector<1xf32>
    %squeeze3A_306 = vector.extract %slice3A_305[0] : f32 from vector<1xf32>
    %add3A_307 = arith.addf %add3A_304, %squeeze3A_306 : f32
    %slice3A_308 = vector.extract_strided_slice %add3A_301 {offsets = [3], sizes = [1], strides = [1]} : vector<16xf32> to vector<1xf32>
    %squeeze3A_309 = vector.extract %slice3A_308[0] : f32 from vector<1xf32>
    %add3A_310 = arith.addf %add3A_307, %squeeze3A_309 : f32
    %slice3A_311 = vector.extract_strided_slice %add3A_301 {offsets = [4], sizes = [1], strides = [1]} : vector<16xf32> to vector<1xf32>
    %squeeze3A_312 = vector.extract %slice3A_311[0] : f32 from vector<1xf32>
    %add3A_313 = arith.addf %add3A_310, %squeeze3A_312 : f32
    %slice3A_314 = vector.extract_strided_slice %add3A_301 {offsets = [5], sizes = [1], strides = [1]} : vector<16xf32> to vector<1xf32>
    %squeeze3A_315 = vector.extract %slice3A_314[0] : f32 from vector<1xf32>
    %add3A_316 = arith.addf %add3A_313, %squeeze3A_315 : f32
    %slice3A_317 = vector.extract_strided_slice %add3A_301 {offsets = [6], sizes = [1], strides = [1]} : vector<16xf32> to vector<1xf32>
    %squeeze3A_318 = vector.extract %slice3A_317[0] : f32 from vector<1xf32>
    %add3A_319 = arith.addf %add3A_316, %squeeze3A_318 : f32
    %slice3A_320 = vector.extract_strided_slice %add3A_301 {offsets = [7], sizes = [1], strides = [1]} : vector<16xf32> to vector<1xf32>
    %squeeze3A_321 = vector.extract %slice3A_320[0] : f32 from vector<1xf32>
    %add3A_322 = arith.addf %add3A_319, %squeeze3A_321 : f32
    %slice3A_323 = vector.extract_strided_slice %add3A_301 {offsets = [8], sizes = [1], strides = [1]} : vector<16xf32> to vector<1xf32>
    %squeeze3A_324 = vector.extract %slice3A_323[0] : f32 from vector<1xf32>
    %add3A_325 = arith.addf %add3A_322, %squeeze3A_324 : f32
    %slice3A_326 = vector.extract_strided_slice %add3A_301 {offsets = [9], sizes = [1], strides = [1]} : vector<16xf32> to vector<1xf32>
    %squeeze3A_327 = vector.extract %slice3A_326[0] : f32 from vector<1xf32>
    %add3A_328 = arith.addf %add3A_325, %squeeze3A_327 : f32
    %slice3A_329 = vector.extract_strided_slice %add3A_301 {offsets = [10], sizes = [1], strides = [1]} : vector<16xf32> to vector<1xf32>
    %squeeze3A_330 = vector.extract %slice3A_329[0] : f32 from vector<1xf32>
    %add3A_331 = arith.addf %add3A_328, %squeeze3A_330 : f32
    %slice3A_332 = vector.extract_strided_slice %add3A_301 {offsets = [11], sizes = [1], strides = [1]} : vector<16xf32> to vector<1xf32>
    %squeeze3A_333 = vector.extract %slice3A_332[0] : f32 from vector<1xf32>
    %add3A_334 = arith.addf %add3A_331, %squeeze3A_333 : f32
    %slice3A_335 = vector.extract_strided_slice %add3A_301 {offsets = [12], sizes = [1], strides = [1]} : vector<16xf32> to vector<1xf32>
    %squeeze3A_336 = vector.extract %slice3A_335[0] : f32 from vector<1xf32>
    %add3A_337 = arith.addf %add3A_334, %squeeze3A_336 : f32
    %slice3A_338 = vector.extract_strided_slice %add3A_301 {offsets = [13], sizes = [1], strides = [1]} : vector<16xf32> to vector<1xf32>
    %squeeze3A_339 = vector.extract %slice3A_338[0] : f32 from vector<1xf32>
    %add3A_340 = arith.addf %add3A_337, %squeeze3A_339 : f32
    %slice3A_341 = vector.extract_strided_slice %add3A_301 {offsets = [14], sizes = [1], strides = [1]} : vector<16xf32> to vector<1xf32>
    %squeeze3A_342 = vector.extract %slice3A_341[0] : f32 from vector<1xf32>
    %add3A_343 = arith.addf %add3A_340, %squeeze3A_342 : f32
    %slice3A_344 = vector.extract_strided_slice %add3A_301 {offsets = [15], sizes = [1], strides = [1]} : vector<16xf32> to vector<1xf32>
    %squeeze3A_345 = vector.extract %slice3A_344[0] : f32 from vector<1xf32>
    %add3A_346 = arith.addf %add3A_343, %squeeze3A_345 : f32
    %broadcast_in_dim3A_347 = vector.broadcast %add3A_346 : f32 to vector<16xf32>
    %broadcast_in_dim3A_348 = arith.constant 0.000000e+00 : f32
    %broadcast_in_dim3A_349 = vector.broadcast %broadcast_in_dim3A_348 : f32 to vector<16xf32>
    %bitcast_convert_type3A = tpu.bitcast %broadcast_in_dim3A_347 : vector<16xf32> -> vector<16xi32>
    %shift_right_arithmetic3A = arith.constant 23 : i32
    %shift_right_arithmetic3A_350 = vector.broadcast %shift_right_arithmetic3A : i32 to vector<16xi32>
    %shift_right_arithmetic3A_351 = arith.shrsi %bitcast_convert_type3A, %shift_right_arithmetic3A_350 : vector<16xi32>
    %sub3A = arith.constant 127 : i32
    %sub3A_352 = vector.broadcast %sub3A : i32 to vector<16xi32>
    %sub3A_353 = arith.subi %shift_right_arithmetic3A_351, %sub3A_352 : vector<16xi32>
    %and3A = arith.constant 8388607 : i32
    %and3A_354 = vector.broadcast %and3A : i32 to vector<16xi32>
    %and3A_355 = arith.andi %bitcast_convert_type3A, %and3A_354 : vector<16xi32>
    %or3A = arith.constant 1065353216 : i32
    %or3A_356 = vector.broadcast %or3A : i32 to vector<16xi32>
    %or3A_357 = arith.ori %and3A_355, %or3A_356 : vector<16xi32>
    %bitcast_convert_type3A_358 = tpu.bitcast %or3A_357 : vector<16xi32> -> vector<16xf32>
    %mul3A_359 = arith.constant -0.0554598682 : f32
    %mul3A_360 = vector.broadcast %mul3A_359 : f32 to vector<16xf32>
    %mul3A_361 = arith.mulf %mul3A_360, %bitcast_convert_type3A_358 : vector<16xf32>
    %add3A_362 = arith.constant 0.440507054 : f32
    %add3A_363 = vector.broadcast %add3A_362 : f32 to vector<16xf32>
    %add3A_364 = arith.addf %mul3A_361, %add3A_363 : vector<16xf32>
    %mul3A_365 = arith.mulf %add3A_364, %bitcast_convert_type3A_358 : vector<16xf32>
    %add3A_366 = arith.constant -1.45520651 : f32
    %add3A_367 = vector.broadcast %add3A_366 : f32 to vector<16xf32>
    %add3A_368 = arith.addf %mul3A_365, %add3A_367 : vector<16xf32>
    %mul3A_369 = arith.mulf %add3A_368, %bitcast_convert_type3A_358 : vector<16xf32>
    %add3A_370 = arith.constant 2.8069942 : f32
    %add3A_371 = vector.broadcast %add3A_370 : f32 to vector<16xf32>
    %add3A_372 = arith.addf %mul3A_369, %add3A_371 : vector<16xf32>
    %mul3A_373 = arith.mulf %add3A_372, %bitcast_convert_type3A_358 : vector<16xf32>
    %sub3A_374 = arith.constant -1.73676538 : f32
    %sub3A_375 = vector.broadcast %sub3A_374 : f32 to vector<16xf32>
    %sub3A_376 = arith.subf %sub3A_375, %broadcast_in_dim3A_349 : vector<16xf32>
    %add3A_377 = arith.addf %mul3A_373, %sub3A_376 : vector<16xf32>
    %convert_element_type3A = arith.sitofp %sub3A_353 : vector<16xi32> to vector<16xf32>
    %mul3A_378 = arith.constant 0.693147182 : f32
    %mul3A_379 = vector.broadcast %mul3A_378 : f32 to vector<16xf32>
    %mul3A_380 = arith.mulf %convert_element_type3A, %mul3A_379 : vector<16xf32>
    %add3A_381 = arith.addf %mul3A_380, %add3A_377 : vector<16xf32>
    %add3A_382 = arith.constant 0 : i32
    %add3A_383 = arith.addi %mul3A_2, %add3A_382 : i32
    %dma_wait3A_384 = arith.constant 0 : i32
    %dma_wait3A_385 = arith.constant 0 : i32
    %dma_wait3A_386 = tpu.memref_slice %arg10[%dma_wait3A_384, %dma_wait3A_385] : memref<200x128xf32, #tpu.memory_space<vmem>> -> memref<40x128xf32, #tpu.memory_space<vmem>>
    %dma_wait3A_387 = arith.constant 0 : i32
    %dma_wait3A_388 = tpu.memref_slice %arg4[%add3A_383, %dma_wait3A_387] : memref<6400x128xf32, #tpu.memory_space<hbm>> -> memref<40x128xf32, #tpu.memory_space<hbm>>
    %dma_wait3A_389 = arith.constant 0 : i32
    %dma_wait3A_390 = arith.constant 0 : i32
    %dma_wait3A_391 = tpu.memref_slice %arg10[%dma_wait3A_389, %dma_wait3A_390] : memref<200x128xf32, #tpu.memory_space<vmem>> -> memref<40x128xf32, #tpu.memory_space<vmem>>
    %dma_wait3A_392 = arith.constant 0 : i32
    %dma_wait3A_393 = tpu.memref_slice %arg4[%add3A_383, %dma_wait3A_392] : memref<6400x128xf32, #tpu.memory_space<hbm>> -> memref<40x128xf32, #tpu.memory_space<hbm>>
    tpu.wait_dma2 semaphore(%arg17 : memref<!tpu.dma_semaphore, #tpu.memory_space<semaphore_mem>>) src(%dma_wait3A_393 : memref<40x128xf32, #tpu.memory_space<hbm>>) dst(%dma_wait3A_391 : memref<40x128xf32, #tpu.memory_space<vmem>>)
    %scan3A_394 = arith.constant 0 : i32
    %scan3A_395 = arith.constant 0 : i32
    %scan3A_396 = arith.constant 40 : i32
    %scan3A_397 = arith.addi %scan3A_395, %scan3A_396 : i32
    %scan3A_398 = arith.constant 1 : i32
    scf.for %scan3A_554 = %scan3A_395 to %scan3A_397 step %scan3A_398  : i32 {
      %add3A_555 = arith.constant 80 : i32
      %add3A_556 = arith.addi %add3A_555, %scan3A_554 : i32
      %dma_start3A_557 = arith.constant 0 : i32
      %dma_start3A_558 = tpu.memref_slice %arg10[%add3A_556, %dma_start3A_557] : memref<200x128xf32, #tpu.memory_space<vmem>> -> memref<1x128xf32, #tpu.memory_space<vmem>>
      %dma_start3A_559 = tpu.memref_squeeze %dma_start3A_558 : memref<1x128xf32, #tpu.memory_space<vmem>> -> memref<128xf32, #tpu.memory_space<vmem>>
      %dma_start3A_560 = arith.constant 0 : i32
      %dma_start3A_561 = tpu.memref_slice %arg9[%add3A_556, %dma_start3A_560] : memref<200x128xi32, #tpu.memory_space<vmem>> -> memref<1x128xi32, #tpu.memory_space<vmem>>
      %dma_start3A_562 = tpu.memref_squeeze %dma_start3A_561 : memref<1x128xi32, #tpu.memory_space<vmem>> -> memref<128xi32, #tpu.memory_space<vmem>>
      %dma_start3A_563 = arith.constant 0 : i32
      %dma_start3A_564 = tpu.memref_slice %arg5[%dma_start3A_563] : memref<1007616xf32, #tpu.memory_space<vmem_shared>> -> memref<1007616xf32, #tpu.memory_space<vmem_shared>>
      tpu.enqueue_indirect_dma source(%dma_start3A_564 : memref<1007616xf32, #tpu.memory_space<vmem_shared>>) target(%dma_start3A_559 : memref<128xf32, #tpu.memory_space<vmem>>) offsets(%dma_start3A_562 : memref<128xi32, #tpu.memory_space<vmem>>) semaphore(%arg17 : memref<!tpu.dma_semaphore, #tpu.memory_space<semaphore_mem>>)
    }
    %scan3A_399 = arith.constant 40 : i32
    %scan3A_400 = arith.constant 0 : i32
    %scan3A_401 = arith.constant 0 : i32
    %scan3A_402 = arith.constant 40 : i32
    %scan3A_403 = arith.addi %scan3A_401, %scan3A_402 : i32
    %scan3A_404 = arith.constant 1 : i32
    scf.for %scan3A_554 = %scan3A_401 to %scan3A_403 step %scan3A_404  : i32 {
      %add3A_555 = arith.constant 0 : i32
      %add3A_556 = arith.addi %add3A_555, %scan3A_554 : i32
      %get3A_557 = arith.index_cast %add3A_556 : i32 to index
      %get3A_558 = arith.constant 0 : index
      %get3A_559 = tpu.vector_load %arg10[%get3A_557, %get3A_558] {strides = array<i32>} : memref<200x128xf32, #tpu.memory_space<vmem>>, vector<1x16xf32>,
      %get3A_560 = vector.shape_cast %get3A_559 : vector<1x16xf32> to vector<16xf32>
      %bitcast_convert_type3A_561 = tpu.bitcast %get3A_560 : vector<16xf32> -> vector<16xi32>
      %shift_right_arithmetic3A_562 = arith.constant 23 : i32
      %shift_right_arithmetic3A_563 = vector.broadcast %shift_right_arithmetic3A_562 : i32 to vector<16xi32>
      %shift_right_arithmetic3A_564 = arith.shrsi %bitcast_convert_type3A_561, %shift_right_arithmetic3A_563 : vector<16xi32>
      %sub3A_565 = arith.constant 127 : i32
      %sub3A_566 = vector.broadcast %sub3A_565 : i32 to vector<16xi32>
      %sub3A_567 = arith.subi %shift_right_arithmetic3A_564, %sub3A_566 : vector<16xi32>
      %and3A_568 = arith.constant 8388607 : i32
      %and3A_569 = vector.broadcast %and3A_568 : i32 to vector<16xi32>
      %and3A_570 = arith.andi %bitcast_convert_type3A_561, %and3A_569 : vector<16xi32>
      %or3A_571 = arith.constant 1065353216 : i32
      %or3A_572 = vector.broadcast %or3A_571 : i32 to vector<16xi32>
      %or3A_573 = arith.ori %and3A_570, %or3A_572 : vector<16xi32>
      %bitcast_convert_type3A_574 = tpu.bitcast %or3A_573 : vector<16xi32> -> vector<16xf32>
      %mul3A_575 = arith.constant -0.0554598682 : f32
      %mul3A_576 = vector.broadcast %mul3A_575 : f32 to vector<16xf32>
      %mul3A_577 = arith.mulf %mul3A_576, %bitcast_convert_type3A_574 : vector<16xf32>
      %add3A_578 = arith.constant 0.440507054 : f32
      %add3A_579 = vector.broadcast %add3A_578 : f32 to vector<16xf32>
      %add3A_580 = arith.addf %mul3A_577, %add3A_579 : vector<16xf32>
      %mul3A_581 = arith.mulf %add3A_580, %bitcast_convert_type3A_574 : vector<16xf32>
      %add3A_582 = arith.constant -1.45520651 : f32
      %add3A_583 = vector.broadcast %add3A_582 : f32 to vector<16xf32>
      %add3A_584 = arith.addf %mul3A_581, %add3A_583 : vector<16xf32>
      %mul3A_585 = arith.mulf %add3A_584, %bitcast_convert_type3A_574 : vector<16xf32>
      %add3A_586 = arith.constant 2.8069942 : f32
      %add3A_587 = vector.broadcast %add3A_586 : f32 to vector<16xf32>
      %add3A_588 = arith.addf %mul3A_585, %add3A_587 : vector<16xf32>
      %mul3A_589 = arith.mulf %add3A_588, %bitcast_convert_type3A_574 : vector<16xf32>
      %sub3A_590 = arith.constant -1.73676538 : f32
      %sub3A_591 = vector.broadcast %sub3A_590 : f32 to vector<16xf32>
      %sub3A_592 = arith.subf %sub3A_591, %add3A_381 : vector<16xf32>
      %add3A_593 = arith.addf %mul3A_589, %sub3A_592 : vector<16xf32>
      %convert_element_type3A_594 = arith.sitofp %sub3A_567 : vector<16xi32> to vector<16xf32>
      %mul3A_595 = arith.constant 0.693147182 : f32
      %mul3A_596 = vector.broadcast %mul3A_595 : f32 to vector<16xf32>
      %mul3A_597 = arith.mulf %convert_element_type3A_594, %mul3A_596 : vector<16xf32>
      %add3A_598 = arith.addf %mul3A_597, %add3A_593 : vector<16xf32>
      %swap3A_599 = arith.index_cast %add3A_556 : i32 to index
      %swap3A_600 = arith.constant 0 : index
      %swap3A_601 = tpu.vector_load %arg10[%swap3A_599, %swap3A_600] {strides = array<i32>} : memref<200x128xf32, #tpu.memory_space<vmem>>, vector<1x16xf32>,
      %swap3A_602 = vector.shape_cast %swap3A_601 : vector<1x16xf32> to vector<16xf32>
      %swap3A_603 = vector.shape_cast %add3A_598 : vector<16xf32> to vector<1x16xf32>
      tpu.vector_store %arg10[%swap3A_599, %swap3A_600], %swap3A_603 {strides = array<i32>} : memref<200x128xf32, #tpu.memory_space<vmem>>, vector<1x16xf32>,
      %get3A_604 = arith.index_cast %add3A_556 : i32 to index
      %get3A_605 = arith.constant 16 : index
      %get3A_606 = tpu.vector_load %arg10[%get3A_604, %get3A_605] {strides = array<i32>} : memref<200x128xf32, #tpu.memory_space<vmem>>, vector<1x16xf32>,
      %get3A_607 = vector.shape_cast %get3A_606 : vector<1x16xf32> to vector<16xf32>
      %bitcast_convert_type3A_608 = tpu.bitcast %get3A_607 : vector<16xf32> -> vector<16xi32>
      %shift_right_arithmetic3A_609 = arith.constant 23 : i32
      %shift_right_arithmetic3A_610 = vector.broadcast %shift_right_arithmetic3A_609 : i32 to vector<16xi32>
      %shift_right_arithmetic3A_611 = arith.shrsi %bitcast_convert_type3A_608, %shift_right_arithmetic3A_610 : vector<16xi32>
      %sub3A_612 = arith.constant 127 : i32
      %sub3A_613 = vector.broadcast %sub3A_612 : i32 to vector<16xi32>
      %sub3A_614 = arith.subi %shift_right_arithmetic3A_611, %sub3A_613 : vector<16xi32>
      %and3A_615 = arith.constant 8388607 : i32
      %and3A_616 = vector.broadcast %and3A_615 : i32 to vector<16xi32>
      %and3A_617 = arith.andi %bitcast_convert_type3A_608, %and3A_616 : vector<16xi32>
      %or3A_618 = arith.constant 1065353216 : i32
      %or3A_619 = vector.broadcast %or3A_618 : i32 to vector<16xi32>
      %or3A_620 = arith.ori %and3A_617, %or3A_619 : vector<16xi32>
      %bitcast_convert_type3A_621 = tpu.bitcast %or3A_620 : vector<16xi32> -> vector<16xf32>
      %mul3A_622 = arith.constant -0.0554598682 : f32
      %mul3A_623 = vector.broadcast %mul3A_622 : f32 to vector<16xf32>
      %mul3A_624 = arith.mulf %mul3A_623, %bitcast_convert_type3A_621 : vector<16xf32>
      %add3A_625 = arith.constant 0.440507054 : f32
      %add3A_626 = vector.broadcast %add3A_625 : f32 to vector<16xf32>
      %add3A_627 = arith.addf %mul3A_624, %add3A_626 : vector<16xf32>
      %mul3A_628 = arith.mulf %add3A_627, %bitcast_convert_type3A_621 : vector<16xf32>
      %add3A_629 = arith.constant -1.45520651 : f32
      %add3A_630 = vector.broadcast %add3A_629 : f32 to vector<16xf32>
      %add3A_631 = arith.addf %mul3A_628, %add3A_630 : vector<16xf32>
      %mul3A_632 = arith.mulf %add3A_631, %bitcast_convert_type3A_621 : vector<16xf32>
      %add3A_633 = arith.constant 2.8069942 : f32
      %add3A_634 = vector.broadcast %add3A_633 : f32 to vector<16xf32>
      %add3A_635 = arith.addf %mul3A_632, %add3A_634 : vector<16xf32>
      %mul3A_636 = arith.mulf %add3A_635, %bitcast_convert_type3A_621 : vector<16xf32>
      %sub3A_637 = arith.constant -1.73676538 : f32
      %sub3A_638 = vector.broadcast %sub3A_637 : f32 to vector<16xf32>
      %sub3A_639 = arith.subf %sub3A_638, %add3A_381 : vector<16xf32>
      %add3A_640 = arith.addf %mul3A_636, %sub3A_639 : vector<16xf32>
      %convert_element_type3A_641 = arith.sitofp %sub3A_614 : vector<16xi32> to vector<16xf32>
      %mul3A_642 = arith.constant 0.693147182 : f32
      %mul3A_643 = vector.broadcast %mul3A_642 : f32 to vector<16xf32>
      %mul3A_644 = arith.mulf %convert_element_type3A_641, %mul3A_643 : vector<16xf32>
      %add3A_645 = arith.addf %mul3A_644, %add3A_640 : vector<16xf32>
      %swap3A_646 = arith.index_cast %add3A_556 : i32 to index
      %swap3A_647 = arith.constant 16 : index
      %swap3A_648 = tpu.vector_load %arg10[%swap3A_646, %swap3A_647] {strides = array<i32>} : memref<200x128xf32, #tpu.memory_space<vmem>>, vector<1x16xf32>,
      %swap3A_649 = vector.shape_cast %swap3A_648 : vector<1x16xf32> to vector<16xf32>
      %swap3A_650 = vector.shape_cast %add3A_645 : vector<16xf32> to vector<1x16xf32>
      tpu.vector_store %arg10[%swap3A_646, %swap3A_647], %swap3A_650 {strides = array<i32>} : memref<200x128xf32, #tpu.memory_space<vmem>>, vector<1x16xf32>,
      %get3A_651 = arith.index_cast %add3A_556 : i32 to index
      %get3A_652 = arith.constant 32 : index
      %get3A_653 = tpu.vector_load %arg10[%get3A_651, %get3A_652] {strides = array<i32>} : memref<200x128xf32, #tpu.memory_space<vmem>>, vector<1x16xf32>,
      %get3A_654 = vector.shape_cast %get3A_653 : vector<1x16xf32> to vector<16xf32>
      %bitcast_convert_type3A_655 = tpu.bitcast %get3A_654 : vector<16xf32> -> vector<16xi32>
      %shift_right_arithmetic3A_656 = arith.constant 23 : i32
      %shift_right_arithmetic3A_657 = vector.broadcast %shift_right_arithmetic3A_656 : i32 to vector<16xi32>
      %shift_right_arithmetic3A_658 = arith.shrsi %bitcast_convert_type3A_655, %shift_right_arithmetic3A_657 : vector<16xi32>
      %sub3A_659 = arith.constant 127 : i32
      %sub3A_660 = vector.broadcast %sub3A_659 : i32 to vector<16xi32>
      %sub3A_661 = arith.subi %shift_right_arithmetic3A_658, %sub3A_660 : vector<16xi32>
      %and3A_662 = arith.constant 8388607 : i32
      %and3A_663 = vector.broadcast %and3A_662 : i32 to vector<16xi32>
      %and3A_664 = arith.andi %bitcast_convert_type3A_655, %and3A_663 : vector<16xi32>
      %or3A_665 = arith.constant 1065353216 : i32
      %or3A_666 = vector.broadcast %or3A_665 : i32 to vector<16xi32>
      %or3A_667 = arith.ori %and3A_664, %or3A_666 : vector<16xi32>
      %bitcast_convert_type3A_668 = tpu.bitcast %or3A_667 : vector<16xi32> -> vector<16xf32>
      %mul3A_669 = arith.constant -0.0554598682 : f32
      %mul3A_670 = vector.broadcast %mul3A_669 : f32 to vector<16xf32>
      %mul3A_671 = arith.mulf %mul3A_670, %bitcast_convert_type3A_668 : vector<16xf32>
      %add3A_672 = arith.constant 0.440507054 : f32
      %add3A_673 = vector.broadcast %add3A_672 : f32 to vector<16xf32>
      %add3A_674 = arith.addf %mul3A_671, %add3A_673 : vector<16xf32>
      %mul3A_675 = arith.mulf %add3A_674, %bitcast_convert_type3A_668 : vector<16xf32>
      %add3A_676 = arith.constant -1.45520651 : f32
      %add3A_677 = vector.broadcast %add3A_676 : f32 to vector<16xf32>
      %add3A_678 = arith.addf %mul3A_675, %add3A_677 : vector<16xf32>
      %mul3A_679 = arith.mulf %add3A_678, %bitcast_convert_type3A_668 : vector<16xf32>
      %add3A_680 = arith.constant 2.8069942 : f32
      %add3A_681 = vector.broadcast %add3A_680 : f32 to vector<16xf32>
      %add3A_682 = arith.addf %mul3A_679, %add3A_681 : vector<16xf32>
      %mul3A_683 = arith.mulf %add3A_682, %bitcast_convert_type3A_668 : vector<16xf32>
      %sub3A_684 = arith.constant -1.73676538 : f32
      %sub3A_685 = vector.broadcast %sub3A_684 : f32 to vector<16xf32>
      %sub3A_686 = arith.subf %sub3A_685, %add3A_381 : vector<16xf32>
      %add3A_687 = arith.addf %mul3A_683, %sub3A_686 : vector<16xf32>
      %convert_element_type3A_688 = arith.sitofp %sub3A_661 : vector<16xi32> to vector<16xf32>
      %mul3A_689 = arith.constant 0.693147182 : f32
      %mul3A_690 = vector.broadcast %mul3A_689 : f32 to vector<16xf32>
      %mul3A_691 = arith.mulf %convert_element_type3A_688, %mul3A_690 : vector<16xf32>
      %add3A_692 = arith.addf %mul3A_691, %add3A_687 : vector<16xf32>
      %swap3A_693 = arith.index_cast %add3A_556 : i32 to index
      %swap3A_694 = arith.constant 32 : index
      %swap3A_695 = tpu.vector_load %arg10[%swap3A_693, %swap3A_694] {strides = array<i32>} : memref<200x128xf32, #tpu.memory_space<vmem>>, vector<1x16xf32>,
      %swap3A_696 = vector.shape_cast %swap3A_695 : vector<1x16xf32> to vector<16xf32>
      %swap3A_697 = vector.shape_cast %add3A_692 : vector<16xf32> to vector<1x16xf32>
      tpu.vector_store %arg10[%swap3A_693, %swap3A_694], %swap3A_697 {strides = array<i32>} : memref<200x128xf32, #tpu.memory_space<vmem>>, vector<1x16xf32>,
      %get3A_698 = arith.index_cast %add3A_556 : i32 to index
      %get3A_699 = arith.constant 48 : index
      %get3A_700 = tpu.vector_load %arg10[%get3A_698, %get3A_699] {strides = array<i32>} : memref<200x128xf32, #tpu.memory_space<vmem>>, vector<1x16xf32>,
      %get3A_701 = vector.shape_cast %get3A_700 : vector<1x16xf32> to vector<16xf32>
      %bitcast_convert_type3A_702 = tpu.bitcast %get3A_701 : vector<16xf32> -> vector<16xi32>
      %shift_right_arithmetic3A_703 = arith.constant 23 : i32
      %shift_right_arithmetic3A_704 = vector.broadcast %shift_right_arithmetic3A_703 : i32 to vector<16xi32>
      %shift_right_arithmetic3A_705 = arith.shrsi %bitcast_convert_type3A_702, %shift_right_arithmetic3A_704 : vector<16xi32>
      %sub3A_706 = arith.constant 127 : i32
      %sub3A_707 = vector.broadcast %sub3A_706 : i32 to vector<16xi32>
      %sub3A_708 = arith.subi %shift_right_arithmetic3A_705, %sub3A_707 : vector<16xi32>
      %and3A_709 = arith.constant 8388607 : i32
      %and3A_710 = vector.broadcast %and3A_709 : i32 to vector<16xi32>
      %and3A_711 = arith.andi %bitcast_convert_type3A_702, %and3A_710 : vector<16xi32>
      %or3A_712 = arith.constant 1065353216 : i32
      %or3A_713 = vector.broadcast %or3A_712 : i32 to vector<16xi32>
      %or3A_714 = arith.ori %and3A_711, %or3A_713 : vector<16xi32>
      %bitcast_convert_type3A_715 = tpu.bitcast %or3A_714 : vector<16xi32> -> vector<16xf32>
      %mul3A_716 = arith.constant -0.0554598682 : f32
      %mul3A_717 = vector.broadcast %mul3A_716 : f32 to vector<16xf32>
      %mul3A_718 = arith.mulf %mul3A_717, %bitcast_convert_type3A_715 : vector<16xf32>
      %add3A_719 = arith.constant 0.440507054 : f32
      %add3A_720 = vector.broadcast %add3A_719 : f32 to vector<16xf32>
      %add3A_721 = arith.addf %mul3A_718, %add3A_720 : vector<16xf32>
      %mul3A_722 = arith.mulf %add3A_721, %bitcast_convert_type3A_715 : vector<16xf32>
      %add3A_723 = arith.constant -1.45520651 : f32
      %add3A_724 = vector.broadcast %add3A_723 : f32 to vector<16xf32>
      %add3A_725 = arith.addf %mul3A_722, %add3A_724 : vector<16xf32>
      %mul3A_726 = arith.mulf %add3A_725, %bitcast_convert_type3A_715 : vector<16xf32>
      %add3A_727 = arith.constant 2.8069942 : f32
      %add3A_728 = vector.broadcast %add3A_727 : f32 to vector<16xf32>
      %add3A_729 = arith.addf %mul3A_726, %add3A_728 : vector<16xf32>
      %mul3A_730 = arith.mulf %add3A_729, %bitcast_convert_type3A_715 : vector<16xf32>
      %sub3A_731 = arith.constant -1.73676538 : f32
      %sub3A_732 = vector.broadcast %sub3A_731 : f32 to vector<16xf32>
      %sub3A_733 = arith.subf %sub3A_732, %add3A_381 : vector<16xf32>
      %add3A_734 = arith.addf %mul3A_730, %sub3A_733 : vector<16xf32>
      %convert_element_type3A_735 = arith.sitofp %sub3A_708 : vector<16xi32> to vector<16xf32>
      %mul3A_736 = arith.constant 0.693147182 : f32
      %mul3A_737 = vector.broadcast %mul3A_736 : f32 to vector<16xf32>
      %mul3A_738 = arith.mulf %convert_element_type3A_735, %mul3A_737 : vector<16xf32>
      %add3A_739 = arith.addf %mul3A_738, %add3A_734 : vector<16xf32>
      %swap3A_740 = arith.index_cast %add3A_556 : i32 to index
      %swap3A_741 = arith.constant 48 : index
      %swap3A_742 = tpu.vector_load %arg10[%swap3A_740, %swap3A_741] {strides = array<i32>} : memref<200x128xf32, #tpu.memory_space<vmem>>, vector<1x16xf32>,
      %swap3A_743 = vector.shape_cast %swap3A_742 : vector<1x16xf32> to vector<16xf32>
      %swap3A_744 = vector.shape_cast %add3A_739 : vector<16xf32> to vector<1x16xf32>
      tpu.vector_store %arg10[%swap3A_740, %swap3A_741], %swap3A_744 {strides = array<i32>} : memref<200x128xf32, #tpu.memory_space<vmem>>, vector<1x16xf32>,
      %get3A_745 = arith.index_cast %add3A_556 : i32 to index
      %get3A_746 = arith.constant 64 : index
      %get3A_747 = tpu.vector_load %arg10[%get3A_745, %get3A_746] {strides = array<i32>} : memref<200x128xf32, #tpu.memory_space<vmem>>, vector<1x16xf32>,
      %get3A_748 = vector.shape_cast %get3A_747 : vector<1x16xf32> to vector<16xf32>
      %bitcast_convert_type3A_749 = tpu.bitcast %get3A_748 : vector<16xf32> -> vector<16xi32>
      %shift_right_arithmetic3A_750 = arith.constant 23 : i32
      %shift_right_arithmetic3A_751 = vector.broadcast %shift_right_arithmetic3A_750 : i32 to vector<16xi32>
      %shift_right_arithmetic3A_752 = arith.shrsi %bitcast_convert_type3A_749, %shift_right_arithmetic3A_751 : vector<16xi32>
      %sub3A_753 = arith.constant 127 : i32
      %sub3A_754 = vector.broadcast %sub3A_753 : i32 to vector<16xi32>
      %sub3A_755 = arith.subi %shift_right_arithmetic3A_752, %sub3A_754 : vector<16xi32>
      %and3A_756 = arith.constant 8388607 : i32
      %and3A_757 = vector.broadcast %and3A_756 : i32 to vector<16xi32>
      %and3A_758 = arith.andi %bitcast_convert_type3A_749, %and3A_757 : vector<16xi32>
      %or3A_759 = arith.constant 1065353216 : i32
      %or3A_760 = vector.broadcast %or3A_759 : i32 to vector<16xi32>
      %or3A_761 = arith.ori %and3A_758, %or3A_760 : vector<16xi32>
      %bitcast_convert_type3A_762 = tpu.bitcast %or3A_761 : vector<16xi32> -> vector<16xf32>
      %mul3A_763 = arith.constant -0.0554598682 : f32
      %mul3A_764 = vector.broadcast %mul3A_763 : f32 to vector<16xf32>
      %mul3A_765 = arith.mulf %mul3A_764, %bitcast_convert_type3A_762 : vector<16xf32>
      %add3A_766 = arith.constant 0.440507054 : f32
      %add3A_767 = vector.broadcast %add3A_766 : f32 to vector<16xf32>
      %add3A_768 = arith.addf %mul3A_765, %add3A_767 : vector<16xf32>
      %mul3A_769 = arith.mulf %add3A_768, %bitcast_convert_type3A_762 : vector<16xf32>
      %add3A_770 = arith.constant -1.45520651 : f32
      %add3A_771 = vector.broadcast %add3A_770 : f32 to vector<16xf32>
      %add3A_772 = arith.addf %mul3A_769, %add3A_771 : vector<16xf32>
      %mul3A_773 = arith.mulf %add3A_772, %bitcast_convert_type3A_762 : vector<16xf32>
      %add3A_774 = arith.constant 2.8069942 : f32
      %add3A_775 = vector.broadcast %add3A_774 : f32 to vector<16xf32>
      %add3A_776 = arith.addf %mul3A_773, %add3A_775 : vector<16xf32>
      %mul3A_777 = arith.mulf %add3A_776, %bitcast_convert_type3A_762 : vector<16xf32>
      %sub3A_778 = arith.constant -1.73676538 : f32
      %sub3A_779 = vector.broadcast %sub3A_778 : f32 to vector<16xf32>
      %sub3A_780 = arith.subf %sub3A_779, %add3A_381 : vector<16xf32>
      %add3A_781 = arith.addf %mul3A_777, %sub3A_780 : vector<16xf32>
      %convert_element_type3A_782 = arith.sitofp %sub3A_755 : vector<16xi32> to vector<16xf32>
      %mul3A_783 = arith.constant 0.693147182 : f32
      %mul3A_784 = vector.broadcast %mul3A_783 : f32 to vector<16xf32>
      %mul3A_785 = arith.mulf %convert_element_type3A_782, %mul3A_784 : vector<16xf32>
      %add3A_786 = arith.addf %mul3A_785, %add3A_781 : vector<16xf32>
      %swap3A_787 = arith.index_cast %add3A_556 : i32 to index
      %swap3A_788 = arith.constant 64 : index
      %swap3A_789 = tpu.vector_load %arg10[%swap3A_787, %swap3A_788] {strides = array<i32>} : memref<200x128xf32, #tpu.memory_space<vmem>>, vector<1x16xf32>,
      %swap3A_790 = vector.shape_cast %swap3A_789 : vector<1x16xf32> to vector<16xf32>
      %swap3A_791 = vector.shape_cast %add3A_786 : vector<16xf32> to vector<1x16xf32>
      tpu.vector_store %arg10[%swap3A_787, %swap3A_788], %swap3A_791 {strides = array<i32>} : memref<200x128xf32, #tpu.memory_space<vmem>>, vector<1x16xf32>,
      %get3A_792 = arith.index_cast %add3A_556 : i32 to index
      %get3A_793 = arith.constant 80 : index
      %get3A_794 = tpu.vector_load %arg10[%get3A_792, %get3A_793] {strides = array<i32>} : memref<200x128xf32, #tpu.memory_space<vmem>>, vector<1x16xf32>,
      %get3A_795 = vector.shape_cast %get3A_794 : vector<1x16xf32> to vector<16xf32>
      %bitcast_convert_type3A_796 = tpu.bitcast %get3A_795 : vector<16xf32> -> vector<16xi32>
      %shift_right_arithmetic3A_797 = arith.constant 23 : i32
      %shift_right_arithmetic3A_798 = vector.broadcast %shift_right_arithmetic3A_797 : i32 to vector<16xi32>
      %shift_right_arithmetic3A_799 = arith.shrsi %bitcast_convert_type3A_796, %shift_right_arithmetic3A_798 : vector<16xi32>
      %sub3A_800 = arith.constant 127 : i32
      %sub3A_801 = vector.broadcast %sub3A_800 : i32 to vector<16xi32>
      %sub3A_802 = arith.subi %shift_right_arithmetic3A_799, %sub3A_801 : vector<16xi32>
      %and3A_803 = arith.constant 8388607 : i32
      %and3A_804 = vector.broadcast %and3A_803 : i32 to vector<16xi32>
      %and3A_805 = arith.andi %bitcast_convert_type3A_796, %and3A_804 : vector<16xi32>
      %or3A_806 = arith.constant 1065353216 : i32
      %or3A_807 = vector.broadcast %or3A_806 : i32 to vector<16xi32>
      %or3A_808 = arith.ori %and3A_805, %or3A_807 : vector<16xi32>
      %bitcast_convert_type3A_809 = tpu.bitcast %or3A_808 : vector<16xi32> -> vector<16xf32>
      %mul3A_810 = arith.constant -0.0554598682 : f32
      %mul3A_811 = vector.broadcast %mul3A_810 : f32 to vector<16xf32>
      %mul3A_812 = arith.mulf %mul3A_811, %bitcast_convert_type3A_809 : vector<16xf32>
      %add3A_813 = arith.constant 0.440507054 : f32
      %add3A_814 = vector.broadcast %add3A_813 : f32 to vector<16xf32>
      %add3A_815 = arith.addf %mul3A_812, %add3A_814 : vector<16xf32>
      %mul3A_816 = arith.mulf %add3A_815, %bitcast_convert_type3A_809 : vector<16xf32>
      %add3A_817 = arith.constant -1.45520651 : f32
      %add3A_818 = vector.broadcast %add3A_817 : f32 to vector<16xf32>
      %add3A_819 = arith.addf %mul3A_816, %add3A_818 : vector<16xf32>
      %mul3A_820 = arith.mulf %add3A_819, %bitcast_convert_type3A_809 : vector<16xf32>
      %add3A_821 = arith.constant 2.8069942 : f32
      %add3A_822 = vector.broadcast %add3A_821 : f32 to vector<16xf32>
      %add3A_823 = arith.addf %mul3A_820, %add3A_822 : vector<16xf32>
      %mul3A_824 = arith.mulf %add3A_823, %bitcast_convert_type3A_809 : vector<16xf32>
      %sub3A_825 = arith.constant -1.73676538 : f32
      %sub3A_826 = vector.broadcast %sub3A_825 : f32 to vector<16xf32>
      %sub3A_827 = arith.subf %sub3A_826, %add3A_381 : vector<16xf32>
      %add3A_828 = arith.addf %mul3A_824, %sub3A_827 : vector<16xf32>
      %convert_element_type3A_829 = arith.sitofp %sub3A_802 : vector<16xi32> to vector<16xf32>
      %mul3A_830 = arith.constant 0.693147182 : f32
      %mul3A_831 = vector.broadcast %mul3A_830 : f32 to vector<16xf32>
      %mul3A_832 = arith.mulf %convert_element_type3A_829, %mul3A_831 : vector<16xf32>
      %add3A_833 = arith.addf %mul3A_832, %add3A_828 : vector<16xf32>
      %swap3A_834 = arith.index_cast %add3A_556 : i32 to index
      %swap3A_835 = arith.constant 80 : index
      %swap3A_836 = tpu.vector_load %arg10[%swap3A_834, %swap3A_835] {strides = array<i32>} : memref<200x128xf32, #tpu.memory_space<vmem>>, vector<1x16xf32>,
      %swap3A_837 = vector.shape_cast %swap3A_836 : vector<1x16xf32> to vector<16xf32>
      %swap3A_838 = vector.shape_cast %add3A_833 : vector<16xf32> to vector<1x16xf32>
      tpu.vector_store %arg10[%swap3A_834, %swap3A_835], %swap3A_838 {strides = array<i32>} : memref<200x128xf32, #tpu.memory_space<vmem>>, vector<1x16xf32>,
      %get3A_839 = arith.index_cast %add3A_556 : i32 to index
      %get3A_840 = arith.constant 96 : index
      %get3A_841 = tpu.vector_load %arg10[%get3A_839, %get3A_840] {strides = array<i32>} : memref<200x128xf32, #tpu.memory_space<vmem>>, vector<1x16xf32>,
      %get3A_842 = vector.shape_cast %get3A_841 : vector<1x16xf32> to vector<16xf32>
      %bitcast_convert_type3A_843 = tpu.bitcast %get3A_842 : vector<16xf32> -> vector<16xi32>
      %shift_right_arithmetic3A_844 = arith.constant 23 : i32
      %shift_right_arithmetic3A_845 = vector.broadcast %shift_right_arithmetic3A_844 : i32 to vector<16xi32>
      %shift_right_arithmetic3A_846 = arith.shrsi %bitcast_convert_type3A_843, %shift_right_arithmetic3A_845 : vector<16xi32>
      %sub3A_847 = arith.constant 127 : i32
      %sub3A_848 = vector.broadcast %sub3A_847 : i32 to vector<16xi32>
      %sub3A_849 = arith.subi %shift_right_arithmetic3A_846, %sub3A_848 : vector<16xi32>
      %and3A_850 = arith.constant 8388607 : i32
      %and3A_851 = vector.broadcast %and3A_850 : i32 to vector<16xi32>
      %and3A_852 = arith.andi %bitcast_convert_type3A_843, %and3A_851 : vector<16xi32>
      %or3A_853 = arith.constant 1065353216 : i32
      %or3A_854 = vector.broadcast %or3A_853 : i32 to vector<16xi32>
      %or3A_855 = arith.ori %and3A_852, %or3A_854 : vector<16xi32>
      %bitcast_convert_type3A_856 = tpu.bitcast %or3A_855 : vector<16xi32> -> vector<16xf32>
      %mul3A_857 = arith.constant -0.0554598682 : f32
      %mul3A_858 = vector.broadcast %mul3A_857 : f32 to vector<16xf32>
      %mul3A_859 = arith.mulf %mul3A_858, %bitcast_convert_type3A_856 : vector<16xf32>
      %add3A_860 = arith.constant 0.440507054 : f32
      %add3A_861 = vector.broadcast %add3A_860 : f32 to vector<16xf32>
      %add3A_862 = arith.addf %mul3A_859, %add3A_861 : vector<16xf32>
      %mul3A_863 = arith.mulf %add3A_862, %bitcast_convert_type3A_856 : vector<16xf32>
      %add3A_864 = arith.constant -1.45520651 : f32
      %add3A_865 = vector.broadcast %add3A_864 : f32 to vector<16xf32>
      %add3A_866 = arith.addf %mul3A_863, %add3A_865 : vector<16xf32>
      %mul3A_867 = arith.mulf %add3A_866, %bitcast_convert_type3A_856 : vector<16xf32>
      %add3A_868 = arith.constant 2.8069942 : f32
      %add3A_869 = vector.broadcast %add3A_868 : f32 to vector<16xf32>
      %add3A_870 = arith.addf %mul3A_867, %add3A_869 : vector<16xf32>
      %mul3A_871 = arith.mulf %add3A_870, %bitcast_convert_type3A_856 : vector<16xf32>
      %sub3A_872 = arith.constant -1.73676538 : f32
      %sub3A_873 = vector.broadcast %sub3A_872 : f32 to vector<16xf32>
      %sub3A_874 = arith.subf %sub3A_873, %add3A_381 : vector<16xf32>
      %add3A_875 = arith.addf %mul3A_871, %sub3A_874 : vector<16xf32>
      %convert_element_type3A_876 = arith.sitofp %sub3A_849 : vector<16xi32> to vector<16xf32>
      %mul3A_877 = arith.constant 0.693147182 : f32
      %mul3A_878 = vector.broadcast %mul3A_877 : f32 to vector<16xf32>
      %mul3A_879 = arith.mulf %convert_element_type3A_876, %mul3A_878 : vector<16xf32>
      %add3A_880 = arith.addf %mul3A_879, %add3A_875 : vector<16xf32>
      %swap3A_881 = arith.index_cast %add3A_556 : i32 to index
      %swap3A_882 = arith.constant 96 : index
      %swap3A_883 = tpu.vector_load %arg10[%swap3A_881, %swap3A_882] {strides = array<i32>} : memref<200x128xf32, #tpu.memory_space<vmem>>, vector<1x16xf32>,
      %swap3A_884 = vector.shape_cast %swap3A_883 : vector<1x16xf32> to vector<16xf32>
      %swap3A_885 = vector.shape_cast %add3A_880 : vector<16xf32> to vector<1x16xf32>
      tpu.vector_store %arg10[%swap3A_881, %swap3A_882], %swap3A_885 {strides = array<i32>} : memref<200x128xf32, #tpu.memory_space<vmem>>, vector<1x16xf32>,
      %get3A_886 = arith.index_cast %add3A_556 : i32 to index
      %get3A_887 = arith.constant 112 : index
      %get3A_888 = tpu.vector_load %arg10[%get3A_886, %get3A_887] {strides = array<i32>} : memref<200x128xf32, #tpu.memory_space<vmem>>, vector<1x16xf32>,
      %get3A_889 = vector.shape_cast %get3A_888 : vector<1x16xf32> to vector<16xf32>
      %bitcast_convert_type3A_890 = tpu.bitcast %get3A_889 : vector<16xf32> -> vector<16xi32>
      %shift_right_arithmetic3A_891 = arith.constant 23 : i32
      %shift_right_arithmetic3A_892 = vector.broadcast %shift_right_arithmetic3A_891 : i32 to vector<16xi32>
      %shift_right_arithmetic3A_893 = arith.shrsi %bitcast_convert_type3A_890, %shift_right_arithmetic3A_892 : vector<16xi32>
      %sub3A_894 = arith.constant 127 : i32
      %sub3A_895 = vector.broadcast %sub3A_894 : i32 to vector<16xi32>
      %sub3A_896 = arith.subi %shift_right_arithmetic3A_893, %sub3A_895 : vector<16xi32>
      %and3A_897 = arith.constant 8388607 : i32
      %and3A_898 = vector.broadcast %and3A_897 : i32 to vector<16xi32>
      %and3A_899 = arith.andi %bitcast_convert_type3A_890, %and3A_898 : vector<16xi32>
      %or3A_900 = arith.constant 1065353216 : i32
      %or3A_901 = vector.broadcast %or3A_900 : i32 to vector<16xi32>
      %or3A_902 = arith.ori %and3A_899, %or3A_901 : vector<16xi32>
      %bitcast_convert_type3A_903 = tpu.bitcast %or3A_902 : vector<16xi32> -> vector<16xf32>
      %mul3A_904 = arith.constant -0.0554598682 : f32
      %mul3A_905 = vector.broadcast %mul3A_904 : f32 to vector<16xf32>
      %mul3A_906 = arith.mulf %mul3A_905, %bitcast_convert_type3A_903 : vector<16xf32>
      %add3A_907 = arith.constant 0.440507054 : f32
      %add3A_908 = vector.broadcast %add3A_907 : f32 to vector<16xf32>
      %add3A_909 = arith.addf %mul3A_906, %add3A_908 : vector<16xf32>
      %mul3A_910 = arith.mulf %add3A_909, %bitcast_convert_type3A_903 : vector<16xf32>
      %add3A_911 = arith.constant -1.45520651 : f32
      %add3A_912 = vector.broadcast %add3A_911 : f32 to vector<16xf32>
      %add3A_913 = arith.addf %mul3A_910, %add3A_912 : vector<16xf32>
      %mul3A_914 = arith.mulf %add3A_913, %bitcast_convert_type3A_903 : vector<16xf32>
      %add3A_915 = arith.constant 2.8069942 : f32
      %add3A_916 = vector.broadcast %add3A_915 : f32 to vector<16xf32>
      %add3A_917 = arith.addf %mul3A_914, %add3A_916 : vector<16xf32>
      %mul3A_918 = arith.mulf %add3A_917, %bitcast_convert_type3A_903 : vector<16xf32>
      %sub3A_919 = arith.constant -1.73676538 : f32
      %sub3A_920 = vector.broadcast %sub3A_919 : f32 to vector<16xf32>
      %sub3A_921 = arith.subf %sub3A_920, %add3A_381 : vector<16xf32>
      %add3A_922 = arith.addf %mul3A_918, %sub3A_921 : vector<16xf32>
      %convert_element_type3A_923 = arith.sitofp %sub3A_896 : vector<16xi32> to vector<16xf32>
      %mul3A_924 = arith.constant 0.693147182 : f32
      %mul3A_925 = vector.broadcast %mul3A_924 : f32 to vector<16xf32>
      %mul3A_926 = arith.mulf %convert_element_type3A_923, %mul3A_925 : vector<16xf32>
      %add3A_927 = arith.addf %mul3A_926, %add3A_922 : vector<16xf32>
      %swap3A_928 = arith.index_cast %add3A_556 : i32 to index
      %swap3A_929 = arith.constant 112 : index
      %swap3A_930 = tpu.vector_load %arg10[%swap3A_928, %swap3A_929] {strides = array<i32>} : memref<200x128xf32, #tpu.memory_space<vmem>>, vector<1x16xf32>,
      %swap3A_931 = vector.shape_cast %swap3A_930 : vector<1x16xf32> to vector<16xf32>
      %swap3A_932 = vector.shape_cast %add3A_927 : vector<16xf32> to vector<1x16xf32>
      tpu.vector_store %arg10[%swap3A_928, %swap3A_929], %swap3A_932 {strides = array<i32>} : memref<200x128xf32, #tpu.memory_space<vmem>>, vector<1x16xf32>,
    }
    %scan3A_405 = arith.constant 40 : i32
    %add3A_406 = arith.constant 0 : i32
    %add3A_407 = arith.addi %mul3A_2, %add3A_406 : i32
    %dma_start3A_408 = arith.constant 0 : i32
    %dma_start3A_409 = arith.constant 0 : i32
    %dma_start3A_410 = tpu.memref_slice %arg10[%dma_start3A_408, %dma_start3A_409] : memref<200x128xf32, #tpu.memory_space<vmem>> -> memref<40x128xf32, #tpu.memory_space<vmem>>
    %dma_start3A_411 = arith.constant 0 : i32
    %dma_start3A_412 = tpu.memref_slice %arg4[%add3A_407, %dma_start3A_411] : memref<6400x128xf32, #tpu.memory_space<hbm>> -> memref<40x128xf32, #tpu.memory_space<hbm>>
    %dma_start3A_413 = arith.constant 0 : i32
    %dma_start3A_414 = tpu.memref_slice %arg4[%add3A_407, %dma_start3A_413] : memref<6400x128xf32, #tpu.memory_space<hbm>> -> memref<40x128xf32, #tpu.memory_space<hbm>>
    %dma_start3A_415 = arith.constant 0 : i32
    %dma_start3A_416 = arith.constant 0 : i32
    %dma_start3A_417 = tpu.memref_slice %arg10[%dma_start3A_415, %dma_start3A_416] : memref<200x128xf32, #tpu.memory_space<vmem>> -> memref<40x128xf32, #tpu.memory_space<vmem>>
    tpu.enqueue_dma source(%dma_start3A_417 : memref<40x128xf32, #tpu.memory_space<vmem>>) target(%dma_start3A_414 : memref<40x128xf32, #tpu.memory_space<hbm>>) target_semaphore(%arg19 : memref<!tpu.dma_semaphore, #tpu.memory_space<semaphore_mem>>)
    %add3A_418 = arith.constant 40 : i32
    %add3A_419 = arith.addi %mul3A_2, %add3A_418 : i32
    %dma_wait3A_420 = arith.constant 40 : i32
    %dma_wait3A_421 = arith.constant 0 : i32
    %dma_wait3A_422 = tpu.memref_slice %arg10[%dma_wait3A_420, %dma_wait3A_421] : memref<200x128xf32, #tpu.memory_space<vmem>> -> memref<40x128xf32, #tpu.memory_space<vmem>>
    %dma_wait3A_423 = arith.constant 0 : i32
    %dma_wait3A_424 = tpu.memref_slice %arg4[%add3A_419, %dma_wait3A_423] : memref<6400x128xf32, #tpu.memory_space<hbm>> -> memref<40x128xf32, #tpu.memory_space<hbm>>
    %dma_wait3A_425 = arith.constant 40 : i32
    %dma_wait3A_426 = arith.constant 0 : i32
    %dma_wait3A_427 = tpu.memref_slice %arg10[%dma_wait3A_425, %dma_wait3A_426] : memref<200x128xf32, #tpu.memory_space<vmem>> -> memref<40x128xf32, #tpu.memory_space<vmem>>
    %dma_wait3A_428 = arith.constant 0 : i32
    %dma_wait3A_429 = tpu.memref_slice %arg4[%add3A_419, %dma_wait3A_428] : memref<6400x128xf32, #tpu.memory_space<hbm>> -> memref<40x128xf32, #tpu.memory_space<hbm>>
    tpu.wait_dma2 semaphore(%arg18 : memref<!tpu.dma_semaphore, #tpu.memory_space<semaphore_mem>>) src(%dma_wait3A_429 : memref<40x128xf32, #tpu.memory_space<hbm>>) dst(%dma_wait3A_427 : memref<40x128xf32, #tpu.memory_space<vmem>>)
    %scan3A_430 = arith.constant 0 : i32
    %scan3A_431 = arith.constant 0 : i32
    %scan3A_432 = arith.constant 40 : i32
    %scan3A_433 = arith.addi %scan3A_431, %scan3A_432 : i32
    %scan3A_434 = arith.constant 1 : i32
    scf.for %scan3A_554 = %scan3A_431 to %scan3A_433 step %scan3A_434  : i32 {
      %add3A_555 = arith.constant 120 : i32
      %add3A_556 = arith.addi %add3A_555, %scan3A_554 : i32
      %dma_start3A_557 = arith.constant 0 : i32
      %dma_start3A_558 = tpu.memref_slice %arg10[%add3A_556, %dma_start3A_557] : memref<200x128xf32, #tpu.memory_space<vmem>> -> memref<1x128xf32, #tpu.memory_space<vmem>>
      %dma_start3A_559 = tpu.memref_squeeze %dma_start3A_558 : memref<1x128xf32, #tpu.memory_space<vmem>> -> memref<128xf32, #tpu.memory_space<vmem>>
      %dma_start3A_560 = arith.constant 0 : i32
      %dma_start3A_561 = tpu.memref_slice %arg9[%add3A_556, %dma_start3A_560] : memref<200x128xi32, #tpu.memory_space<vmem>> -> memref<1x128xi32, #tpu.memory_space<vmem>>
      %dma_start3A_562 = tpu.memref_squeeze %dma_start3A_561 : memref<1x128xi32, #tpu.memory_space<vmem>> -> memref<128xi32, #tpu.memory_space<vmem>>
      %dma_start3A_563 = arith.constant 0 : i32
      %dma_start3A_564 = tpu.memref_slice %arg5[%dma_start3A_563] : memref<1007616xf32, #tpu.memory_space<vmem_shared>> -> memref<1007616xf32, #tpu.memory_space<vmem_shared>>
      tpu.enqueue_indirect_dma source(%dma_start3A_564 : memref<1007616xf32, #tpu.memory_space<vmem_shared>>) target(%dma_start3A_559 : memref<128xf32, #tpu.memory_space<vmem>>) offsets(%dma_start3A_562 : memref<128xi32, #tpu.memory_space<vmem>>) semaphore(%arg18 : memref<!tpu.dma_semaphore, #tpu.memory_space<semaphore_mem>>)
    }
    %scan3A_435 = arith.constant 40 : i32
    %scan3A_436 = arith.constant 0 : i32
    %scan3A_437 = arith.constant 0 : i32
    %scan3A_438 = arith.constant 40 : i32
    %scan3A_439 = arith.addi %scan3A_437, %scan3A_438 : i32
    %scan3A_440 = arith.constant 1 : i32
    scf.for %scan3A_554 = %scan3A_437 to %scan3A_439 step %scan3A_440  : i32 {
      %add3A_555 = arith.constant 40 : i32
      %add3A_556 = arith.addi %add3A_555, %scan3A_554 : i32
      %get3A_557 = arith.index_cast %add3A_556 : i32 to index
      %get3A_558 = arith.constant 0 : index
      %get3A_559 = tpu.vector_load %arg10[%get3A_557, %get3A_558] {strides = array<i32>} : memref<200x128xf32, #tpu.memory_space<vmem>>, vector<1x16xf32>,
      %get3A_560 = vector.shape_cast %get3A_559 : vector<1x16xf32> to vector<16xf32>
      %bitcast_convert_type3A_561 = tpu.bitcast %get3A_560 : vector<16xf32> -> vector<16xi32>
      %shift_right_arithmetic3A_562 = arith.constant 23 : i32
      %shift_right_arithmetic3A_563 = vector.broadcast %shift_right_arithmetic3A_562 : i32 to vector<16xi32>
      %shift_right_arithmetic3A_564 = arith.shrsi %bitcast_convert_type3A_561, %shift_right_arithmetic3A_563 : vector<16xi32>
      %sub3A_565 = arith.constant 127 : i32
      %sub3A_566 = vector.broadcast %sub3A_565 : i32 to vector<16xi32>
      %sub3A_567 = arith.subi %shift_right_arithmetic3A_564, %sub3A_566 : vector<16xi32>
      %and3A_568 = arith.constant 8388607 : i32
      %and3A_569 = vector.broadcast %and3A_568 : i32 to vector<16xi32>
      %and3A_570 = arith.andi %bitcast_convert_type3A_561, %and3A_569 : vector<16xi32>
      %or3A_571 = arith.constant 1065353216 : i32
      %or3A_572 = vector.broadcast %or3A_571 : i32 to vector<16xi32>
      %or3A_573 = arith.ori %and3A_570, %or3A_572 : vector<16xi32>
      %bitcast_convert_type3A_574 = tpu.bitcast %or3A_573 : vector<16xi32> -> vector<16xf32>
      %mul3A_575 = arith.constant -0.0554598682 : f32
      %mul3A_576 = vector.broadcast %mul3A_575 : f32 to vector<16xf32>
      %mul3A_577 = arith.mulf %mul3A_576, %bitcast_convert_type3A_574 : vector<16xf32>
      %add3A_578 = arith.constant 0.440507054 : f32
      %add3A_579 = vector.broadcast %add3A_578 : f32 to vector<16xf32>
      %add3A_580 = arith.addf %mul3A_577, %add3A_579 : vector<16xf32>
      %mul3A_581 = arith.mulf %add3A_580, %bitcast_convert_type3A_574 : vector<16xf32>
      %add3A_582 = arith.constant -1.45520651 : f32
      %add3A_583 = vector.broadcast %add3A_582 : f32 to vector<16xf32>
      %add3A_584 = arith.addf %mul3A_581, %add3A_583 : vector<16xf32>
      %mul3A_585 = arith.mulf %add3A_584, %bitcast_convert_type3A_574 : vector<16xf32>
      %add3A_586 = arith.constant 2.8069942 : f32
      %add3A_587 = vector.broadcast %add3A_586 : f32 to vector<16xf32>
      %add3A_588 = arith.addf %mul3A_585, %add3A_587 : vector<16xf32>
      %mul3A_589 = arith.mulf %add3A_588, %bitcast_convert_type3A_574 : vector<16xf32>
      %sub3A_590 = arith.constant -1.73676538 : f32
      %sub3A_591 = vector.broadcast %sub3A_590 : f32 to vector<16xf32>
      %sub3A_592 = arith.subf %sub3A_591, %add3A_381 : vector<16xf32>
      %add3A_593 = arith.addf %mul3A_589, %sub3A_592 : vector<16xf32>
      %convert_element_type3A_594 = arith.sitofp %sub3A_567 : vector<16xi32> to vector<16xf32>
      %mul3A_595 = arith.constant 0.693147182 : f32
      %mul3A_596 = vector.broadcast %mul3A_595 : f32 to vector<16xf32>
      %mul3A_597 = arith.mulf %convert_element_type3A_594, %mul3A_596 : vector<16xf32>
      %add3A_598 = arith.addf %mul3A_597, %add3A_593 : vector<16xf32>
      %swap3A_599 = arith.index_cast %add3A_556 : i32 to index
      %swap3A_600 = arith.constant 0 : index
      %swap3A_601 = tpu.vector_load %arg10[%swap3A_599, %swap3A_600] {strides = array<i32>} : memref<200x128xf32, #tpu.memory_space<vmem>>, vector<1x16xf32>,
      %swap3A_602 = vector.shape_cast %swap3A_601 : vector<1x16xf32> to vector<16xf32>
      %swap3A_603 = vector.shape_cast %add3A_598 : vector<16xf32> to vector<1x16xf32>
      tpu.vector_store %arg10[%swap3A_599, %swap3A_600], %swap3A_603 {strides = array<i32>} : memref<200x128xf32, #tpu.memory_space<vmem>>, vector<1x16xf32>,
      %get3A_604 = arith.index_cast %add3A_556 : i32 to index
      %get3A_605 = arith.constant 16 : index
      %get3A_606 = tpu.vector_load %arg10[%get3A_604, %get3A_605] {strides = array<i32>} : memref<200x128xf32, #tpu.memory_space<vmem>>, vector<1x16xf32>,
      %get3A_607 = vector.shape_cast %get3A_606 : vector<1x16xf32> to vector<16xf32>
      %bitcast_convert_type3A_608 = tpu.bitcast %get3A_607 : vector<16xf32> -> vector<16xi32>
      %shift_right_arithmetic3A_609 = arith.constant 23 : i32
      %shift_right_arithmetic3A_610 = vector.broadcast %shift_right_arithmetic3A_609 : i32 to vector<16xi32>
      %shift_right_arithmetic3A_611 = arith.shrsi %bitcast_convert_type3A_608, %shift_right_arithmetic3A_610 : vector<16xi32>
      %sub3A_612 = arith.constant 127 : i32
      %sub3A_613 = vector.broadcast %sub3A_612 : i32 to vector<16xi32>
      %sub3A_614 = arith.subi %shift_right_arithmetic3A_611, %sub3A_613 : vector<16xi32>
      %and3A_615 = arith.constant 8388607 : i32
      %and3A_616 = vector.broadcast %and3A_615 : i32 to vector<16xi32>
      %and3A_617 = arith.andi %bitcast_convert_type3A_608, %and3A_616 : vector<16xi32>
      %or3A_618 = arith.constant 1065353216 : i32
      %or3A_619 = vector.broadcast %or3A_618 : i32 to vector<16xi32>
      %or3A_620 = arith.ori %and3A_617, %or3A_619 : vector<16xi32>
      %bitcast_convert_type3A_621 = tpu.bitcast %or3A_620 : vector<16xi32> -> vector<16xf32>
      %mul3A_622 = arith.constant -0.0554598682 : f32
      %mul3A_623 = vector.broadcast %mul3A_622 : f32 to vector<16xf32>
      %mul3A_624 = arith.mulf %mul3A_623, %bitcast_convert_type3A_621 : vector<16xf32>
      %add3A_625 = arith.constant 0.440507054 : f32
      %add3A_626 = vector.broadcast %add3A_625 : f32 to vector<16xf32>
      %add3A_627 = arith.addf %mul3A_624, %add3A_626 : vector<16xf32>
      %mul3A_628 = arith.mulf %add3A_627, %bitcast_convert_type3A_621 : vector<16xf32>
      %add3A_629 = arith.constant -1.45520651 : f32
      %add3A_630 = vector.broadcast %add3A_629 : f32 to vector<16xf32>
      %add3A_631 = arith.addf %mul3A_628, %add3A_630 : vector<16xf32>
      %mul3A_632 = arith.mulf %add3A_631, %bitcast_convert_type3A_621 : vector<16xf32>
      %add3A_633 = arith.constant 2.8069942 : f32
      %add3A_634 = vector.broadcast %add3A_633 : f32 to vector<16xf32>
      %add3A_635 = arith.addf %mul3A_632, %add3A_634 : vector<16xf32>
      %mul3A_636 = arith.mulf %add3A_635, %bitcast_convert_type3A_621 : vector<16xf32>
      %sub3A_637 = arith.constant -1.73676538 : f32
      %sub3A_638 = vector.broadcast %sub3A_637 : f32 to vector<16xf32>
      %sub3A_639 = arith.subf %sub3A_638, %add3A_381 : vector<16xf32>
      %add3A_640 = arith.addf %mul3A_636, %sub3A_639 : vector<16xf32>
      %convert_element_type3A_641 = arith.sitofp %sub3A_614 : vector<16xi32> to vector<16xf32>
      %mul3A_642 = arith.constant 0.693147182 : f32
      %mul3A_643 = vector.broadcast %mul3A_642 : f32 to vector<16xf32>
      %mul3A_644 = arith.mulf %convert_element_type3A_641, %mul3A_643 : vector<16xf32>
      %add3A_645 = arith.addf %mul3A_644, %add3A_640 : vector<16xf32>
      %swap3A_646 = arith.index_cast %add3A_556 : i32 to index
      %swap3A_647 = arith.constant 16 : index
      %swap3A_648 = tpu.vector_load %arg10[%swap3A_646, %swap3A_647] {strides = array<i32>} : memref<200x128xf32, #tpu.memory_space<vmem>>, vector<1x16xf32>,
      %swap3A_649 = vector.shape_cast %swap3A_648 : vector<1x16xf32> to vector<16xf32>
      %swap3A_650 = vector.shape_cast %add3A_645 : vector<16xf32> to vector<1x16xf32>
      tpu.vector_store %arg10[%swap3A_646, %swap3A_647], %swap3A_650 {strides = array<i32>} : memref<200x128xf32, #tpu.memory_space<vmem>>, vector<1x16xf32>,
      %get3A_651 = arith.index_cast %add3A_556 : i32 to index
      %get3A_652 = arith.constant 32 : index
      %get3A_653 = tpu.vector_load %arg10[%get3A_651, %get3A_652] {strides = array<i32>} : memref<200x128xf32, #tpu.memory_space<vmem>>, vector<1x16xf32>,
      %get3A_654 = vector.shape_cast %get3A_653 : vector<1x16xf32> to vector<16xf32>
      %bitcast_convert_type3A_655 = tpu.bitcast %get3A_654 : vector<16xf32> -> vector<16xi32>
      %shift_right_arithmetic3A_656 = arith.constant 23 : i32
      %shift_right_arithmetic3A_657 = vector.broadcast %shift_right_arithmetic3A_656 : i32 to vector<16xi32>
      %shift_right_arithmetic3A_658 = arith.shrsi %bitcast_convert_type3A_655, %shift_right_arithmetic3A_657 : vector<16xi32>
      %sub3A_659 = arith.constant 127 : i32
      %sub3A_660 = vector.broadcast %sub3A_659 : i32 to vector<16xi32>
      %sub3A_661 = arith.subi %shift_right_arithmetic3A_658, %sub3A_660 : vector<16xi32>
      %and3A_662 = arith.constant 8388607 : i32
      %and3A_663 = vector.broadcast %and3A_662 : i32 to vector<16xi32>
      %and3A_664 = arith.andi %bitcast_convert_type3A_655, %and3A_663 : vector<16xi32>
      %or3A_665 = arith.constant 1065353216 : i32
      %or3A_666 = vector.broadcast %or3A_665 : i32 to vector<16xi32>
      %or3A_667 = arith.ori %and3A_664, %or3A_666 : vector<16xi32>
      %bitcast_convert_type3A_668 = tpu.bitcast %or3A_667 : vector<16xi32> -> vector<16xf32>
      %mul3A_669 = arith.constant -0.0554598682 : f32
      %mul3A_670 = vector.broadcast %mul3A_669 : f32 to vector<16xf32>
      %mul3A_671 = arith.mulf %mul3A_670, %bitcast_convert_type3A_668 : vector<16xf32>
      %add3A_672 = arith.constant 0.440507054 : f32
      %add3A_673 = vector.broadcast %add3A_672 : f32 to vector<16xf32>
      %add3A_674 = arith.addf %mul3A_671, %add3A_673 : vector<16xf32>
      %mul3A_675 = arith.mulf %add3A_674, %bitcast_convert_type3A_668 : vector<16xf32>
      %add3A_676 = arith.constant -1.45520651 : f32
      %add3A_677 = vector.broadcast %add3A_676 : f32 to vector<16xf32>
      %add3A_678 = arith.addf %mul3A_675, %add3A_677 : vector<16xf32>
      %mul3A_679 = arith.mulf %add3A_678, %bitcast_convert_type3A_668 : vector<16xf32>
      %add3A_680 = arith.constant 2.8069942 : f32
      %add3A_681 = vector.broadcast %add3A_680 : f32 to vector<16xf32>
      %add3A_682 = arith.addf %mul3A_679, %add3A_681 : vector<16xf32>
      %mul3A_683 = arith.mulf %add3A_682, %bitcast_convert_type3A_668 : vector<16xf32>
      %sub3A_684 = arith.constant -1.73676538 : f32
      %sub3A_685 = vector.broadcast %sub3A_684 : f32 to vector<16xf32>
      %sub3A_686 = arith.subf %sub3A_685, %add3A_381 : vector<16xf32>
      %add3A_687 = arith.addf %mul3A_683, %sub3A_686 : vector<16xf32>
      %convert_element_type3A_688 = arith.sitofp %sub3A_661 : vector<16xi32> to vector<16xf32>
      %mul3A_689 = arith.constant 0.693147182 : f32
      %mul3A_690 = vector.broadcast %mul3A_689 : f32 to vector<16xf32>
      %mul3A_691 = arith.mulf %convert_element_type3A_688, %mul3A_690 : vector<16xf32>
      %add3A_692 = arith.addf %mul3A_691, %add3A_687 : vector<16xf32>
      %swap3A_693 = arith.index_cast %add3A_556 : i32 to index
      %swap3A_694 = arith.constant 32 : index
      %swap3A_695 = tpu.vector_load %arg10[%swap3A_693, %swap3A_694] {strides = array<i32>} : memref<200x128xf32, #tpu.memory_space<vmem>>, vector<1x16xf32>,
      %swap3A_696 = vector.shape_cast %swap3A_695 : vector<1x16xf32> to vector<16xf32>
      %swap3A_697 = vector.shape_cast %add3A_692 : vector<16xf32> to vector<1x16xf32>
      tpu.vector_store %arg10[%swap3A_693, %swap3A_694], %swap3A_697 {strides = array<i32>} : memref<200x128xf32, #tpu.memory_space<vmem>>, vector<1x16xf32>,
      %get3A_698 = arith.index_cast %add3A_556 : i32 to index
      %get3A_699 = arith.constant 48 : index
      %get3A_700 = tpu.vector_load %arg10[%get3A_698, %get3A_699] {strides = array<i32>} : memref<200x128xf32, #tpu.memory_space<vmem>>, vector<1x16xf32>,
      %get3A_701 = vector.shape_cast %get3A_700 : vector<1x16xf32> to vector<16xf32>
      %bitcast_convert_type3A_702 = tpu.bitcast %get3A_701 : vector<16xf32> -> vector<16xi32>
      %shift_right_arithmetic3A_703 = arith.constant 23 : i32
      %shift_right_arithmetic3A_704 = vector.broadcast %shift_right_arithmetic3A_703 : i32 to vector<16xi32>
      %shift_right_arithmetic3A_705 = arith.shrsi %bitcast_convert_type3A_702, %shift_right_arithmetic3A_704 : vector<16xi32>
      %sub3A_706 = arith.constant 127 : i32
      %sub3A_707 = vector.broadcast %sub3A_706 : i32 to vector<16xi32>
      %sub3A_708 = arith.subi %shift_right_arithmetic3A_705, %sub3A_707 : vector<16xi32>
      %and3A_709 = arith.constant 8388607 : i32
      %and3A_710 = vector.broadcast %and3A_709 : i32 to vector<16xi32>
      %and3A_711 = arith.andi %bitcast_convert_type3A_702, %and3A_710 : vector<16xi32>
      %or3A_712 = arith.constant 1065353216 : i32
      %or3A_713 = vector.broadcast %or3A_712 : i32 to vector<16xi32>
      %or3A_714 = arith.ori %and3A_711, %or3A_713 : vector<16xi32>
      %bitcast_convert_type3A_715 = tpu.bitcast %or3A_714 : vector<16xi32> -> vector<16xf32>
      %mul3A_716 = arith.constant -0.0554598682 : f32
      %mul3A_717 = vector.broadcast %mul3A_716 : f32 to vector<16xf32>
      %mul3A_718 = arith.mulf %mul3A_717, %bitcast_convert_type3A_715 : vector<16xf32>
      %add3A_719 = arith.constant 0.440507054 : f32
      %add3A_720 = vector.broadcast %add3A_719 : f32 to vector<16xf32>
      %add3A_721 = arith.addf %mul3A_718, %add3A_720 : vector<16xf32>
      %mul3A_722 = arith.mulf %add3A_721, %bitcast_convert_type3A_715 : vector<16xf32>
      %add3A_723 = arith.constant -1.45520651 : f32
      %add3A_724 = vector.broadcast %add3A_723 : f32 to vector<16xf32>
      %add3A_725 = arith.addf %mul3A_722, %add3A_724 : vector<16xf32>
      %mul3A_726 = arith.mulf %add3A_725, %bitcast_convert_type3A_715 : vector<16xf32>
      %add3A_727 = arith.constant 2.8069942 : f32
      %add3A_728 = vector.broadcast %add3A_727 : f32 to vector<16xf32>
      %add3A_729 = arith.addf %mul3A_726, %add3A_728 : vector<16xf32>
      %mul3A_730 = arith.mulf %add3A_729, %bitcast_convert_type3A_715 : vector<16xf32>
      %sub3A_731 = arith.constant -1.73676538 : f32
      %sub3A_732 = vector.broadcast %sub3A_731 : f32 to vector<16xf32>
      %sub3A_733 = arith.subf %sub3A_732, %add3A_381 : vector<16xf32>
      %add3A_734 = arith.addf %mul3A_730, %sub3A_733 : vector<16xf32>
      %convert_element_type3A_735 = arith.sitofp %sub3A_708 : vector<16xi32> to vector<16xf32>
      %mul3A_736 = arith.constant 0.693147182 : f32
      %mul3A_737 = vector.broadcast %mul3A_736 : f32 to vector<16xf32>
      %mul3A_738 = arith.mulf %convert_element_type3A_735, %mul3A_737 : vector<16xf32>
      %add3A_739 = arith.addf %mul3A_738, %add3A_734 : vector<16xf32>
      %swap3A_740 = arith.index_cast %add3A_556 : i32 to index
      %swap3A_741 = arith.constant 48 : index
      %swap3A_742 = tpu.vector_load %arg10[%swap3A_740, %swap3A_741] {strides = array<i32>} : memref<200x128xf32, #tpu.memory_space<vmem>>, vector<1x16xf32>,
      %swap3A_743 = vector.shape_cast %swap3A_742 : vector<1x16xf32> to vector<16xf32>
      %swap3A_744 = vector.shape_cast %add3A_739 : vector<16xf32> to vector<1x16xf32>
      tpu.vector_store %arg10[%swap3A_740, %swap3A_741], %swap3A_744 {strides = array<i32>} : memref<200x128xf32, #tpu.memory_space<vmem>>, vector<1x16xf32>,
      %get3A_745 = arith.index_cast %add3A_556 : i32 to index
      %get3A_746 = arith.constant 64 : index
      %get3A_747 = tpu.vector_load %arg10[%get3A_745, %get3A_746] {strides = array<i32>} : memref<200x128xf32, #tpu.memory_space<vmem>>, vector<1x16xf32>,
      %get3A_748 = vector.shape_cast %get3A_747 : vector<1x16xf32> to vector<16xf32>
      %bitcast_convert_type3A_749 = tpu.bitcast %get3A_748 : vector<16xf32> -> vector<16xi32>
      %shift_right_arithmetic3A_750 = arith.constant 23 : i32
      %shift_right_arithmetic3A_751 = vector.broadcast %shift_right_arithmetic3A_750 : i32 to vector<16xi32>
      %shift_right_arithmetic3A_752 = arith.shrsi %bitcast_convert_type3A_749, %shift_right_arithmetic3A_751 : vector<16xi32>
      %sub3A_753 = arith.constant 127 : i32
      %sub3A_754 = vector.broadcast %sub3A_753 : i32 to vector<16xi32>
      %sub3A_755 = arith.subi %shift_right_arithmetic3A_752, %sub3A_754 : vector<16xi32>
      %and3A_756 = arith.constant 8388607 : i32
      %and3A_757 = vector.broadcast %and3A_756 : i32 to vector<16xi32>
      %and3A_758 = arith.andi %bitcast_convert_type3A_749, %and3A_757 : vector<16xi32>
      %or3A_759 = arith.constant 1065353216 : i32
      %or3A_760 = vector.broadcast %or3A_759 : i32 to vector<16xi32>
      %or3A_761 = arith.ori %and3A_758, %or3A_760 : vector<16xi32>
      %bitcast_convert_type3A_762 = tpu.bitcast %or3A_761 : vector<16xi32> -> vector<16xf32>
      %mul3A_763 = arith.constant -0.0554598682 : f32
      %mul3A_764 = vector.broadcast %mul3A_763 : f32 to vector<16xf32>
      %mul3A_765 = arith.mulf %mul3A_764, %bitcast_convert_type3A_762 : vector<16xf32>
      %add3A_766 = arith.constant 0.440507054 : f32
      %add3A_767 = vector.broadcast %add3A_766 : f32 to vector<16xf32>
      %add3A_768 = arith.addf %mul3A_765, %add3A_767 : vector<16xf32>
      %mul3A_769 = arith.mulf %add3A_768, %bitcast_convert_type3A_762 : vector<16xf32>
      %add3A_770 = arith.constant -1.45520651 : f32
      %add3A_771 = vector.broadcast %add3A_770 : f32 to vector<16xf32>
      %add3A_772 = arith.addf %mul3A_769, %add3A_771 : vector<16xf32>
      %mul3A_773 = arith.mulf %add3A_772, %bitcast_convert_type3A_762 : vector<16xf32>
      %add3A_774 = arith.constant 2.8069942 : f32
      %add3A_775 = vector.broadcast %add3A_774 : f32 to vector<16xf32>
      %add3A_776 = arith.addf %mul3A_773, %add3A_775 : vector<16xf32>
      %mul3A_777 = arith.mulf %add3A_776, %bitcast_convert_type3A_762 : vector<16xf32>
      %sub3A_778 = arith.constant -1.73676538 : f32
      %sub3A_779 = vector.broadcast %sub3A_778 : f32 to vector<16xf32>
      %sub3A_780 = arith.subf %sub3A_779, %add3A_381 : vector<16xf32>
      %add3A_781 = arith.addf %mul3A_777, %sub3A_780 : vector<16xf32>
      %convert_element_type3A_782 = arith.sitofp %sub3A_755 : vector<16xi32> to vector<16xf32>
      %mul3A_783 = arith.constant 0.693147182 : f32
      %mul3A_784 = vector.broadcast %mul3A_783 : f32 to vector<16xf32>
      %mul3A_785 = arith.mulf %convert_element_type3A_782, %mul3A_784 : vector<16xf32>
      %add3A_786 = arith.addf %mul3A_785, %add3A_781 : vector<16xf32>
      %swap3A_787 = arith.index_cast %add3A_556 : i32 to index
      %swap3A_788 = arith.constant 64 : index
      %swap3A_789 = tpu.vector_load %arg10[%swap3A_787, %swap3A_788] {strides = array<i32>} : memref<200x128xf32, #tpu.memory_space<vmem>>, vector<1x16xf32>,
      %swap3A_790 = vector.shape_cast %swap3A_789 : vector<1x16xf32> to vector<16xf32>
      %swap3A_791 = vector.shape_cast %add3A_786 : vector<16xf32> to vector<1x16xf32>
      tpu.vector_store %arg10[%swap3A_787, %swap3A_788], %swap3A_791 {strides = array<i32>} : memref<200x128xf32, #tpu.memory_space<vmem>>, vector<1x16xf32>,
      %get3A_792 = arith.index_cast %add3A_556 : i32 to index
      %get3A_793 = arith.constant 80 : index
      %get3A_794 = tpu.vector_load %arg10[%get3A_792, %get3A_793] {strides = array<i32>} : memref<200x128xf32, #tpu.memory_space<vmem>>, vector<1x16xf32>,
      %get3A_795 = vector.shape_cast %get3A_794 : vector<1x16xf32> to vector<16xf32>
      %bitcast_convert_type3A_796 = tpu.bitcast %get3A_795 : vector<16xf32> -> vector<16xi32>
      %shift_right_arithmetic3A_797 = arith.constant 23 : i32
      %shift_right_arithmetic3A_798 = vector.broadcast %shift_right_arithmetic3A_797 : i32 to vector<16xi32>
      %shift_right_arithmetic3A_799 = arith.shrsi %bitcast_convert_type3A_796, %shift_right_arithmetic3A_798 : vector<16xi32>
      %sub3A_800 = arith.constant 127 : i32
      %sub3A_801 = vector.broadcast %sub3A_800 : i32 to vector<16xi32>
      %sub3A_802 = arith.subi %shift_right_arithmetic3A_799, %sub3A_801 : vector<16xi32>
      %and3A_803 = arith.constant 8388607 : i32
      %and3A_804 = vector.broadcast %and3A_803 : i32 to vector<16xi32>
      %and3A_805 = arith.andi %bitcast_convert_type3A_796, %and3A_804 : vector<16xi32>
      %or3A_806 = arith.constant 1065353216 : i32
      %or3A_807 = vector.broadcast %or3A_806 : i32 to vector<16xi32>
      %or3A_808 = arith.ori %and3A_805, %or3A_807 : vector<16xi32>
      %bitcast_convert_type3A_809 = tpu.bitcast %or3A_808 : vector<16xi32> -> vector<16xf32>
      %mul3A_810 = arith.constant -0.0554598682 : f32
      %mul3A_811 = vector.broadcast %mul3A_810 : f32 to vector<16xf32>
      %mul3A_812 = arith.mulf %mul3A_811, %bitcast_convert_type3A_809 : vector<16xf32>
      %add3A_813 = arith.constant 0.440507054 : f32
      %add3A_814 = vector.broadcast %add3A_813 : f32 to vector<16xf32>
      %add3A_815 = arith.addf %mul3A_812, %add3A_814 : vector<16xf32>
      %mul3A_816 = arith.mulf %add3A_815, %bitcast_convert_type3A_809 : vector<16xf32>
      %add3A_817 = arith.constant -1.45520651 : f32
      %add3A_818 = vector.broadcast %add3A_817 : f32 to vector<16xf32>
      %add3A_819 = arith.addf %mul3A_816, %add3A_818 : vector<16xf32>
      %mul3A_820 = arith.mulf %add3A_819, %bitcast_convert_type3A_809 : vector<16xf32>
      %add3A_821 = arith.constant 2.8069942 : f32
      %add3A_822 = vector.broadcast %add3A_821 : f32 to vector<16xf32>
      %add3A_823 = arith.addf %mul3A_820, %add3A_822 : vector<16xf32>
      %mul3A_824 = arith.mulf %add3A_823, %bitcast_convert_type3A_809 : vector<16xf32>
      %sub3A_825 = arith.constant -1.73676538 : f32
      %sub3A_826 = vector.broadcast %sub3A_825 : f32 to vector<16xf32>
      %sub3A_827 = arith.subf %sub3A_826, %add3A_381 : vector<16xf32>
      %add3A_828 = arith.addf %mul3A_824, %sub3A_827 : vector<16xf32>
      %convert_element_type3A_829 = arith.sitofp %sub3A_802 : vector<16xi32> to vector<16xf32>
      %mul3A_830 = arith.constant 0.693147182 : f32
      %mul3A_831 = vector.broadcast %mul3A_830 : f32 to vector<16xf32>
      %mul3A_832 = arith.mulf %convert_element_type3A_829, %mul3A_831 : vector<16xf32>
      %add3A_833 = arith.addf %mul3A_832, %add3A_828 : vector<16xf32>
      %swap3A_834 = arith.index_cast %add3A_556 : i32 to index
      %swap3A_835 = arith.constant 80 : index
      %swap3A_836 = tpu.vector_load %arg10[%swap3A_834, %swap3A_835] {strides = array<i32>} : memref<200x128xf32, #tpu.memory_space<vmem>>, vector<1x16xf32>,
      %swap3A_837 = vector.shape_cast %swap3A_836 : vector<1x16xf32> to vector<16xf32>
      %swap3A_838 = vector.shape_cast %add3A_833 : vector<16xf32> to vector<1x16xf32>
      tpu.vector_store %arg10[%swap3A_834, %swap3A_835], %swap3A_838 {strides = array<i32>} : memref<200x128xf32, #tpu.memory_space<vmem>>, vector<1x16xf32>,
      %get3A_839 = arith.index_cast %add3A_556 : i32 to index
      %get3A_840 = arith.constant 96 : index
      %get3A_841 = tpu.vector_load %arg10[%get3A_839, %get3A_840] {strides = array<i32>} : memref<200x128xf32, #tpu.memory_space<vmem>>, vector<1x16xf32>,
      %get3A_842 = vector.shape_cast %get3A_841 : vector<1x16xf32> to vector<16xf32>
      %bitcast_convert_type3A_843 = tpu.bitcast %get3A_842 : vector<16xf32> -> vector<16xi32>
      %shift_right_arithmetic3A_844 = arith.constant 23 : i32
      %shift_right_arithmetic3A_845 = vector.broadcast %shift_right_arithmetic3A_844 : i32 to vector<16xi32>
      %shift_right_arithmetic3A_846 = arith.shrsi %bitcast_convert_type3A_843, %shift_right_arithmetic3A_845 : vector<16xi32>
      %sub3A_847 = arith.constant 127 : i32
      %sub3A_848 = vector.broadcast %sub3A_847 : i32 to vector<16xi32>
      %sub3A_849 = arith.subi %shift_right_arithmetic3A_846, %sub3A_848 : vector<16xi32>
      %and3A_850 = arith.constant 8388607 : i32
      %and3A_851 = vector.broadcast %and3A_850 : i32 to vector<16xi32>
      %and3A_852 = arith.andi %bitcast_convert_type3A_843, %and3A_851 : vector<16xi32>
      %or3A_853 = arith.constant 1065353216 : i32
      %or3A_854 = vector.broadcast %or3A_853 : i32 to vector<16xi32>
      %or3A_855 = arith.ori %and3A_852, %or3A_854 : vector<16xi32>
      %bitcast_convert_type3A_856 = tpu.bitcast %or3A_855 : vector<16xi32> -> vector<16xf32>
      %mul3A_857 = arith.constant -0.0554598682 : f32
      %mul3A_858 = vector.broadcast %mul3A_857 : f32 to vector<16xf32>
      %mul3A_859 = arith.mulf %mul3A_858, %bitcast_convert_type3A_856 : vector<16xf32>
      %add3A_860 = arith.constant 0.440507054 : f32
      %add3A_861 = vector.broadcast %add3A_860 : f32 to vector<16xf32>
      %add3A_862 = arith.addf %mul3A_859, %add3A_861 : vector<16xf32>
      %mul3A_863 = arith.mulf %add3A_862, %bitcast_convert_type3A_856 : vector<16xf32>
      %add3A_864 = arith.constant -1.45520651 : f32
      %add3A_865 = vector.broadcast %add3A_864 : f32 to vector<16xf32>
      %add3A_866 = arith.addf %mul3A_863, %add3A_865 : vector<16xf32>
      %mul3A_867 = arith.mulf %add3A_866, %bitcast_convert_type3A_856 : vector<16xf32>
      %add3A_868 = arith.constant 2.8069942 : f32
      %add3A_869 = vector.broadcast %add3A_868 : f32 to vector<16xf32>
      %add3A_870 = arith.addf %mul3A_867, %add3A_869 : vector<16xf32>
      %mul3A_871 = arith.mulf %add3A_870, %bitcast_convert_type3A_856 : vector<16xf32>
      %sub3A_872 = arith.constant -1.73676538 : f32
      %sub3A_873 = vector.broadcast %sub3A_872 : f32 to vector<16xf32>
      %sub3A_874 = arith.subf %sub3A_873, %add3A_381 : vector<16xf32>
      %add3A_875 = arith.addf %mul3A_871, %sub3A_874 : vector<16xf32>
      %convert_element_type3A_876 = arith.sitofp %sub3A_849 : vector<16xi32> to vector<16xf32>
      %mul3A_877 = arith.constant 0.693147182 : f32
      %mul3A_878 = vector.broadcast %mul3A_877 : f32 to vector<16xf32>
      %mul3A_879 = arith.mulf %convert_element_type3A_876, %mul3A_878 : vector<16xf32>
      %add3A_880 = arith.addf %mul3A_879, %add3A_875 : vector<16xf32>
      %swap3A_881 = arith.index_cast %add3A_556 : i32 to index
      %swap3A_882 = arith.constant 96 : index
      %swap3A_883 = tpu.vector_load %arg10[%swap3A_881, %swap3A_882] {strides = array<i32>} : memref<200x128xf32, #tpu.memory_space<vmem>>, vector<1x16xf32>,
      %swap3A_884 = vector.shape_cast %swap3A_883 : vector<1x16xf32> to vector<16xf32>
      %swap3A_885 = vector.shape_cast %add3A_880 : vector<16xf32> to vector<1x16xf32>
      tpu.vector_store %arg10[%swap3A_881, %swap3A_882], %swap3A_885 {strides = array<i32>} : memref<200x128xf32, #tpu.memory_space<vmem>>, vector<1x16xf32>,
      %get3A_886 = arith.index_cast %add3A_556 : i32 to index
      %get3A_887 = arith.constant 112 : index
      %get3A_888 = tpu.vector_load %arg10[%get3A_886, %get3A_887] {strides = array<i32>} : memref<200x128xf32, #tpu.memory_space<vmem>>, vector<1x16xf32>,
      %get3A_889 = vector.shape_cast %get3A_888 : vector<1x16xf32> to vector<16xf32>
      %bitcast_convert_type3A_890 = tpu.bitcast %get3A_889 : vector<16xf32> -> vector<16xi32>
      %shift_right_arithmetic3A_891 = arith.constant 23 : i32
      %shift_right_arithmetic3A_892 = vector.broadcast %shift_right_arithmetic3A_891 : i32 to vector<16xi32>
      %shift_right_arithmetic3A_893 = arith.shrsi %bitcast_convert_type3A_890, %shift_right_arithmetic3A_892 : vector<16xi32>
      %sub3A_894 = arith.constant 127 : i32
      %sub3A_895 = vector.broadcast %sub3A_894 : i32 to vector<16xi32>
      %sub3A_896 = arith.subi %shift_right_arithmetic3A_893, %sub3A_895 : vector<16xi32>
      %and3A_897 = arith.constant 8388607 : i32
      %and3A_898 = vector.broadcast %and3A_897 : i32 to vector<16xi32>
      %and3A_899 = arith.andi %bitcast_convert_type3A_890, %and3A_898 : vector<16xi32>
      %or3A_900 = arith.constant 1065353216 : i32
      %or3A_901 = vector.broadcast %or3A_900 : i32 to vector<16xi32>
      %or3A_902 = arith.ori %and3A_899, %or3A_901 : vector<16xi32>
      %bitcast_convert_type3A_903 = tpu.bitcast %or3A_902 : vector<16xi32> -> vector<16xf32>
      %mul3A_904 = arith.constant -0.0554598682 : f32
      %mul3A_905 = vector.broadcast %mul3A_904 : f32 to vector<16xf32>
      %mul3A_906 = arith.mulf %mul3A_905, %bitcast_convert_type3A_903 : vector<16xf32>
      %add3A_907 = arith.constant 0.440507054 : f32
      %add3A_908 = vector.broadcast %add3A_907 : f32 to vector<16xf32>
      %add3A_909 = arith.addf %mul3A_906, %add3A_908 : vector<16xf32>
      %mul3A_910 = arith.mulf %add3A_909, %bitcast_convert_type3A_903 : vector<16xf32>
      %add3A_911 = arith.constant -1.45520651 : f32
      %add3A_912 = vector.broadcast %add3A_911 : f32 to vector<16xf32>
      %add3A_913 = arith.addf %mul3A_910, %add3A_912 : vector<16xf32>
      %mul3A_914 = arith.mulf %add3A_913, %bitcast_convert_type3A_903 : vector<16xf32>
      %add3A_915 = arith.constant 2.8069942 : f32
      %add3A_916 = vector.broadcast %add3A_915 : f32 to vector<16xf32>
      %add3A_917 = arith.addf %mul3A_914, %add3A_916 : vector<16xf32>
      %mul3A_918 = arith.mulf %add3A_917, %bitcast_convert_type3A_903 : vector<16xf32>
      %sub3A_919 = arith.constant -1.73676538 : f32
      %sub3A_920 = vector.broadcast %sub3A_919 : f32 to vector<16xf32>
      %sub3A_921 = arith.subf %sub3A_920, %add3A_381 : vector<16xf32>
      %add3A_922 = arith.addf %mul3A_918, %sub3A_921 : vector<16xf32>
      %convert_element_type3A_923 = arith.sitofp %sub3A_896 : vector<16xi32> to vector<16xf32>
      %mul3A_924 = arith.constant 0.693147182 : f32
      %mul3A_925 = vector.broadcast %mul3A_924 : f32 to vector<16xf32>
      %mul3A_926 = arith.mulf %convert_element_type3A_923, %mul3A_925 : vector<16xf32>
      %add3A_927 = arith.addf %mul3A_926, %add3A_922 : vector<16xf32>
      %swap3A_928 = arith.index_cast %add3A_556 : i32 to index
      %swap3A_929 = arith.constant 112 : index
      %swap3A_930 = tpu.vector_load %arg10[%swap3A_928, %swap3A_929] {strides = array<i32>} : memref<200x128xf32, #tpu.memory_space<vmem>>, vector<1x16xf32>,
      %swap3A_931 = vector.shape_cast %swap3A_930 : vector<1x16xf32> to vector<16xf32>
      %swap3A_932 = vector.shape_cast %add3A_927 : vector<16xf32> to vector<1x16xf32>
      tpu.vector_store %arg10[%swap3A_928, %swap3A_929], %swap3A_932 {strides = array<i32>} : memref<200x128xf32, #tpu.memory_space<vmem>>, vector<1x16xf32>,
    }
    %scan3A_441 = arith.constant 40 : i32
    %add3A_442 = arith.constant 40 : i32
    %add3A_443 = arith.addi %mul3A_2, %add3A_442 : i32
    %dma_start3A_444 = arith.constant 40 : i32
    %dma_start3A_445 = arith.constant 0 : i32
    %dma_start3A_446 = tpu.memref_slice %arg10[%dma_start3A_444, %dma_start3A_445] : memref<200x128xf32, #tpu.memory_space<vmem>> -> memref<40x128xf32, #tpu.memory_space<vmem>>
    %dma_start3A_447 = arith.constant 0 : i32
    %dma_start3A_448 = tpu.memref_slice %arg4[%add3A_443, %dma_start3A_447] : memref<6400x128xf32, #tpu.memory_space<hbm>> -> memref<40x128xf32, #tpu.memory_space<hbm>>
    %dma_start3A_449 = arith.constant 0 : i32
    %dma_start3A_450 = tpu.memref_slice %arg4[%add3A_443, %dma_start3A_449] : memref<6400x128xf32, #tpu.memory_space<hbm>> -> memref<40x128xf32, #tpu.memory_space<hbm>>
    %dma_start3A_451 = arith.constant 40 : i32
    %dma_start3A_452 = arith.constant 0 : i32
    %dma_start3A_453 = tpu.memref_slice %arg10[%dma_start3A_451, %dma_start3A_452] : memref<200x128xf32, #tpu.memory_space<vmem>> -> memref<40x128xf32, #tpu.memory_space<vmem>>
    tpu.enqueue_dma source(%dma_start3A_453 : memref<40x128xf32, #tpu.memory_space<vmem>>) target(%dma_start3A_450 : memref<40x128xf32, #tpu.memory_space<hbm>>) target_semaphore(%arg19 : memref<!tpu.dma_semaphore, #tpu.memory_space<semaphore_mem>>)
    %add3A_454 = arith.constant 80 : i32
    %add3A_455 = arith.addi %mul3A_2, %add3A_454 : i32
    %dma_wait3A_456 = arith.constant 80 : i32
    %dma_wait3A_457 = arith.constant 0 : i32
    %dma_wait3A_458 = tpu.memref_slice %arg10[%dma_wait3A_456, %dma_wait3A_457] : memref<200x128xf32, #tpu.memory_space<vmem>> -> memref<40x128xf32, #tpu.memory_space<vmem>>
    %dma_wait3A_459 = arith.constant 0 : i32
    %dma_wait3A_460 = tpu.memref_slice %arg4[%add3A_455, %dma_wait3A_459] : memref<6400x128xf32, #tpu.memory_space<hbm>> -> memref<40x128xf32, #tpu.memory_space<hbm>>
    %dma_wait3A_461 = arith.constant 80 : i32
    %dma_wait3A_462 = arith.constant 0 : i32
    %dma_wait3A_463 = tpu.memref_slice %arg10[%dma_wait3A_461, %dma_wait3A_462] : memref<200x128xf32, #tpu.memory_space<vmem>> -> memref<40x128xf32, #tpu.memory_space<vmem>>
    %dma_wait3A_464 = arith.constant 0 : i32
    %dma_wait3A_465 = tpu.memref_slice %arg4[%add3A_455, %dma_wait3A_464] : memref<6400x128xf32, #tpu.memory_space<hbm>> -> memref<40x128xf32, #tpu.memory_space<hbm>>
    tpu.wait_dma2 semaphore(%arg17 : memref<!tpu.dma_semaphore, #tpu.memory_space<semaphore_mem>>) src(%dma_wait3A_465 : memref<40x128xf32, #tpu.memory_space<hbm>>) dst(%dma_wait3A_463 : memref<40x128xf32, #tpu.memory_space<vmem>>)
    %scan3A_466 = arith.constant 0 : i32
    %scan3A_467 = arith.constant 0 : i32
    %scan3A_468 = arith.constant 40 : i32
    %scan3A_469 = arith.addi %scan3A_467, %scan3A_468 : i32
    %scan3A_470 = arith.constant 1 : i32
    scf.for %scan3A_554 = %scan3A_467 to %scan3A_469 step %scan3A_470  : i32 {
      %add3A_555 = arith.constant 160 : i32
      %add3A_556 = arith.addi %add3A_555, %scan3A_554 : i32
      %dma_start3A_557 = arith.constant 0 : i32
      %dma_start3A_558 = tpu.memref_slice %arg10[%add3A_556, %dma_start3A_557] : memref<200x128xf32, #tpu.memory_space<vmem>> -> memref<1x128xf32, #tpu.memory_space<vmem>>
      %dma_start3A_559 = tpu.memref_squeeze %dma_start3A_558 : memref<1x128xf32, #tpu.memory_space<vmem>> -> memref<128xf32, #tpu.memory_space<vmem>>
      %dma_start3A_560 = arith.constant 0 : i32
      %dma_start3A_561 = tpu.memref_slice %arg9[%add3A_556, %dma_start3A_560] : memref<200x128xi32, #tpu.memory_space<vmem>> -> memref<1x128xi32, #tpu.memory_space<vmem>>
      %dma_start3A_562 = tpu.memref_squeeze %dma_start3A_561 : memref<1x128xi32, #tpu.memory_space<vmem>> -> memref<128xi32, #tpu.memory_space<vmem>>
      %dma_start3A_563 = arith.constant 0 : i32
      %dma_start3A_564 = tpu.memref_slice %arg5[%dma_start3A_563] : memref<1007616xf32, #tpu.memory_space<vmem_shared>> -> memref<1007616xf32, #tpu.memory_space<vmem_shared>>
      tpu.enqueue_indirect_dma source(%dma_start3A_564 : memref<1007616xf32, #tpu.memory_space<vmem_shared>>) target(%dma_start3A_559 : memref<128xf32, #tpu.memory_space<vmem>>) offsets(%dma_start3A_562 : memref<128xi32, #tpu.memory_space<vmem>>) semaphore(%arg17 : memref<!tpu.dma_semaphore, #tpu.memory_space<semaphore_mem>>)
    }
    %scan3A_471 = arith.constant 40 : i32
    %scan3A_472 = arith.constant 0 : i32
    %scan3A_473 = arith.constant 0 : i32
    %scan3A_474 = arith.constant 40 : i32
    %scan3A_475 = arith.addi %scan3A_473, %scan3A_474 : i32
    %scan3A_476 = arith.constant 1 : i32
    scf.for %scan3A_554 = %scan3A_473 to %scan3A_475 step %scan3A_476  : i32 {
      %add3A_555 = arith.constant 80 : i32
      %add3A_556 = arith.addi %add3A_555, %scan3A_554 : i32
      %get3A_557 = arith.index_cast %add3A_556 : i32 to index
      %get3A_558 = arith.constant 0 : index
      %get3A_559 = tpu.vector_load %arg10[%get3A_557, %get3A_558] {strides = array<i32>} : memref<200x128xf32, #tpu.memory_space<vmem>>, vector<1x16xf32>,
      %get3A_560 = vector.shape_cast %get3A_559 : vector<1x16xf32> to vector<16xf32>
      %bitcast_convert_type3A_561 = tpu.bitcast %get3A_560 : vector<16xf32> -> vector<16xi32>
      %shift_right_arithmetic3A_562 = arith.constant 23 : i32
      %shift_right_arithmetic3A_563 = vector.broadcast %shift_right_arithmetic3A_562 : i32 to vector<16xi32>
      %shift_right_arithmetic3A_564 = arith.shrsi %bitcast_convert_type3A_561, %shift_right_arithmetic3A_563 : vector<16xi32>
      %sub3A_565 = arith.constant 127 : i32
      %sub3A_566 = vector.broadcast %sub3A_565 : i32 to vector<16xi32>
      %sub3A_567 = arith.subi %shift_right_arithmetic3A_564, %sub3A_566 : vector<16xi32>
      %and3A_568 = arith.constant 8388607 : i32
      %and3A_569 = vector.broadcast %and3A_568 : i32 to vector<16xi32>
      %and3A_570 = arith.andi %bitcast_convert_type3A_561, %and3A_569 : vector<16xi32>
      %or3A_571 = arith.constant 1065353216 : i32
      %or3A_572 = vector.broadcast %or3A_571 : i32 to vector<16xi32>
      %or3A_573 = arith.ori %and3A_570, %or3A_572 : vector<16xi32>
      %bitcast_convert_type3A_574 = tpu.bitcast %or3A_573 : vector<16xi32> -> vector<16xf32>
      %mul3A_575 = arith.constant -0.0554598682 : f32
      %mul3A_576 = vector.broadcast %mul3A_575 : f32 to vector<16xf32>
      %mul3A_577 = arith.mulf %mul3A_576, %bitcast_convert_type3A_574 : vector<16xf32>
      %add3A_578 = arith.constant 0.440507054 : f32
      %add3A_579 = vector.broadcast %add3A_578 : f32 to vector<16xf32>
      %add3A_580 = arith.addf %mul3A_577, %add3A_579 : vector<16xf32>
      %mul3A_581 = arith.mulf %add3A_580, %bitcast_convert_type3A_574 : vector<16xf32>
      %add3A_582 = arith.constant -1.45520651 : f32
      %add3A_583 = vector.broadcast %add3A_582 : f32 to vector<16xf32>
      %add3A_584 = arith.addf %mul3A_581, %add3A_583 : vector<16xf32>
      %mul3A_585 = arith.mulf %add3A_584, %bitcast_convert_type3A_574 : vector<16xf32>
      %add3A_586 = arith.constant 2.8069942 : f32
      %add3A_587 = vector.broadcast %add3A_586 : f32 to vector<16xf32>
      %add3A_588 = arith.addf %mul3A_585, %add3A_587 : vector<16xf32>
      %mul3A_589 = arith.mulf %add3A_588, %bitcast_convert_type3A_574 : vector<16xf32>
      %sub3A_590 = arith.constant -1.73676538 : f32
      %sub3A_591 = vector.broadcast %sub3A_590 : f32 to vector<16xf32>
      %sub3A_592 = arith.subf %sub3A_591, %add3A_381 : vector<16xf32>
      %add3A_593 = arith.addf %mul3A_589, %sub3A_592 : vector<16xf32>
      %convert_element_type3A_594 = arith.sitofp %sub3A_567 : vector<16xi32> to vector<16xf32>
      %mul3A_595 = arith.constant 0.693147182 : f32
      %mul3A_596 = vector.broadcast %mul3A_595 : f32 to vector<16xf32>
      %mul3A_597 = arith.mulf %convert_element_type3A_594, %mul3A_596 : vector<16xf32>
      %add3A_598 = arith.addf %mul3A_597, %add3A_593 : vector<16xf32>
      %swap3A_599 = arith.index_cast %add3A_556 : i32 to index
      %swap3A_600 = arith.constant 0 : index
      %swap3A_601 = tpu.vector_load %arg10[%swap3A_599, %swap3A_600] {strides = array<i32>} : memref<200x128xf32, #tpu.memory_space<vmem>>, vector<1x16xf32>,
      %swap3A_602 = vector.shape_cast %swap3A_601 : vector<1x16xf32> to vector<16xf32>
      %swap3A_603 = vector.shape_cast %add3A_598 : vector<16xf32> to vector<1x16xf32>
      tpu.vector_store %arg10[%swap3A_599, %swap3A_600], %swap3A_603 {strides = array<i32>} : memref<200x128xf32, #tpu.memory_space<vmem>>, vector<1x16xf32>,
      %get3A_604 = arith.index_cast %add3A_556 : i32 to index
      %get3A_605 = arith.constant 16 : index
      %get3A_606 = tpu.vector_load %arg10[%get3A_604, %get3A_605] {strides = array<i32>} : memref<200x128xf32, #tpu.memory_space<vmem>>, vector<1x16xf32>,
      %get3A_607 = vector.shape_cast %get3A_606 : vector<1x16xf32> to vector<16xf32>
      %bitcast_convert_type3A_608 = tpu.bitcast %get3A_607 : vector<16xf32> -> vector<16xi32>
      %shift_right_arithmetic3A_609 = arith.constant 23 : i32
      %shift_right_arithmetic3A_610 = vector.broadcast %shift_right_arithmetic3A_609 : i32 to vector<16xi32>
      %shift_right_arithmetic3A_611 = arith.shrsi %bitcast_convert_type3A_608, %shift_right_arithmetic3A_610 : vector<16xi32>
      %sub3A_612 = arith.constant 127 : i32
      %sub3A_613 = vector.broadcast %sub3A_612 : i32 to vector<16xi32>
      %sub3A_614 = arith.subi %shift_right_arithmetic3A_611, %sub3A_613 : vector<16xi32>
      %and3A_615 = arith.constant 8388607 : i32
      %and3A_616 = vector.broadcast %and3A_615 : i32 to vector<16xi32>
      %and3A_617 = arith.andi %bitcast_convert_type3A_608, %and3A_616 : vector<16xi32>
      %or3A_618 = arith.constant 1065353216 : i32
      %or3A_619 = vector.broadcast %or3A_618 : i32 to vector<16xi32>
      %or3A_620 = arith.ori %and3A_617, %or3A_619 : vector<16xi32>
      %bitcast_convert_type3A_621 = tpu.bitcast %or3A_620 : vector<16xi32> -> vector<16xf32>
      %mul3A_622 = arith.constant -0.0554598682 : f32
      %mul3A_623 = vector.broadcast %mul3A_622 : f32 to vector<16xf32>
      %mul3A_624 = arith.mulf %mul3A_623, %bitcast_convert_type3A_621 : vector<16xf32>
      %add3A_625 = arith.constant 0.440507054 : f32
      %add3A_626 = vector.broadcast %add3A_625 : f32 to vector<16xf32>
      %add3A_627 = arith.addf %mul3A_624, %add3A_626 : vector<16xf32>
      %mul3A_628 = arith.mulf %add3A_627, %bitcast_convert_type3A_621 : vector<16xf32>
      %add3A_629 = arith.constant -1.45520651 : f32
      %add3A_630 = vector.broadcast %add3A_629 : f32 to vector<16xf32>
      %add3A_631 = arith.addf %mul3A_628, %add3A_630 : vector<16xf32>
      %mul3A_632 = arith.mulf %add3A_631, %bitcast_convert_type3A_621 : vector<16xf32>
      %add3A_633 = arith.constant 2.8069942 : f32
      %add3A_634 = vector.broadcast %add3A_633 : f32 to vector<16xf32>
      %add3A_635 = arith.addf %mul3A_632, %add3A_634 : vector<16xf32>
      %mul3A_636 = arith.mulf %add3A_635, %bitcast_convert_type3A_621 : vector<16xf32>
      %sub3A_637 = arith.constant -1.73676538 : f32
      %sub3A_638 = vector.broadcast %sub3A_637 : f32 to vector<16xf32>
      %sub3A_639 = arith.subf %sub3A_638, %add3A_381 : vector<16xf32>
      %add3A_640 = arith.addf %mul3A_636, %sub3A_639 : vector<16xf32>
      %convert_element_type3A_641 = arith.sitofp %sub3A_614 : vector<16xi32> to vector<16xf32>
      %mul3A_642 = arith.constant 0.693147182 : f32
      %mul3A_643 = vector.broadcast %mul3A_642 : f32 to vector<16xf32>
      %mul3A_644 = arith.mulf %convert_element_type3A_641, %mul3A_643 : vector<16xf32>
      %add3A_645 = arith.addf %mul3A_644, %add3A_640 : vector<16xf32>
      %swap3A_646 = arith.index_cast %add3A_556 : i32 to index
      %swap3A_647 = arith.constant 16 : index
      %swap3A_648 = tpu.vector_load %arg10[%swap3A_646, %swap3A_647] {strides = array<i32>} : memref<200x128xf32, #tpu.memory_space<vmem>>, vector<1x16xf32>,
      %swap3A_649 = vector.shape_cast %swap3A_648 : vector<1x16xf32> to vector<16xf32>
      %swap3A_650 = vector.shape_cast %add3A_645 : vector<16xf32> to vector<1x16xf32>
      tpu.vector_store %arg10[%swap3A_646, %swap3A_647], %swap3A_650 {strides = array<i32>} : memref<200x128xf32, #tpu.memory_space<vmem>>, vector<1x16xf32>,
      %get3A_651 = arith.index_cast %add3A_556 : i32 to index
      %get3A_652 = arith.constant 32 : index
      %get3A_653 = tpu.vector_load %arg10[%get3A_651, %get3A_652] {strides = array<i32>} : memref<200x128xf32, #tpu.memory_space<vmem>>, vector<1x16xf32>,
      %get3A_654 = vector.shape_cast %get3A_653 : vector<1x16xf32> to vector<16xf32>
      %bitcast_convert_type3A_655 = tpu.bitcast %get3A_654 : vector<16xf32> -> vector<16xi32>
      %shift_right_arithmetic3A_656 = arith.constant 23 : i32
      %shift_right_arithmetic3A_657 = vector.broadcast %shift_right_arithmetic3A_656 : i32 to vector<16xi32>
      %shift_right_arithmetic3A_658 = arith.shrsi %bitcast_convert_type3A_655, %shift_right_arithmetic3A_657 : vector<16xi32>
      %sub3A_659 = arith.constant 127 : i32
      %sub3A_660 = vector.broadcast %sub3A_659 : i32 to vector<16xi32>
      %sub3A_661 = arith.subi %shift_right_arithmetic3A_658, %sub3A_660 : vector<16xi32>
      %and3A_662 = arith.constant 8388607 : i32
      %and3A_663 = vector.broadcast %and3A_662 : i32 to vector<16xi32>
      %and3A_664 = arith.andi %bitcast_convert_type3A_655, %and3A_663 : vector<16xi32>
      %or3A_665 = arith.constant 1065353216 : i32
      %or3A_666 = vector.broadcast %or3A_665 : i32 to vector<16xi32>
      %or3A_667 = arith.ori %and3A_664, %or3A_666 : vector<16xi32>
      %bitcast_convert_type3A_668 = tpu.bitcast %or3A_667 : vector<16xi32> -> vector<16xf32>
      %mul3A_669 = arith.constant -0.0554598682 : f32
      %mul3A_670 = vector.broadcast %mul3A_669 : f32 to vector<16xf32>
      %mul3A_671 = arith.mulf %mul3A_670, %bitcast_convert_type3A_668 : vector<16xf32>
      %add3A_672 = arith.constant 0.440507054 : f32
      %add3A_673 = vector.broadcast %add3A_672 : f32 to vector<16xf32>
      %add3A_674 = arith.addf %mul3A_671, %add3A_673 : vector<16xf32>
      %mul3A_675 = arith.mulf %add3A_674, %bitcast_convert_type3A_668 : vector<16xf32>
      %add3A_676 = arith.constant -1.45520651 : f32
      %add3A_677 = vector.broadcast %add3A_676 : f32 to vector<16xf32>
      %add3A_678 = arith.addf %mul3A_675, %add3A_677 : vector<16xf32>
      %mul3A_679 = arith.mulf %add3A_678, %bitcast_convert_type3A_668 : vector<16xf32>
      %add3A_680 = arith.constant 2.8069942 : f32
      %add3A_681 = vector.broadcast %add3A_680 : f32 to vector<16xf32>
      %add3A_682 = arith.addf %mul3A_679, %add3A_681 : vector<16xf32>
      %mul3A_683 = arith.mulf %add3A_682, %bitcast_convert_type3A_668 : vector<16xf32>
      %sub3A_684 = arith.constant -1.73676538 : f32
      %sub3A_685 = vector.broadcast %sub3A_684 : f32 to vector<16xf32>
      %sub3A_686 = arith.subf %sub3A_685, %add3A_381 : vector<16xf32>
      %add3A_687 = arith.addf %mul3A_683, %sub3A_686 : vector<16xf32>
      %convert_element_type3A_688 = arith.sitofp %sub3A_661 : vector<16xi32> to vector<16xf32>
      %mul3A_689 = arith.constant 0.693147182 : f32
      %mul3A_690 = vector.broadcast %mul3A_689 : f32 to vector<16xf32>
      %mul3A_691 = arith.mulf %convert_element_type3A_688, %mul3A_690 : vector<16xf32>
      %add3A_692 = arith.addf %mul3A_691, %add3A_687 : vector<16xf32>
      %swap3A_693 = arith.index_cast %add3A_556 : i32 to index
      %swap3A_694 = arith.constant 32 : index
      %swap3A_695 = tpu.vector_load %arg10[%swap3A_693, %swap3A_694] {strides = array<i32>} : memref<200x128xf32, #tpu.memory_space<vmem>>, vector<1x16xf32>,
      %swap3A_696 = vector.shape_cast %swap3A_695 : vector<1x16xf32> to vector<16xf32>
      %swap3A_697 = vector.shape_cast %add3A_692 : vector<16xf32> to vector<1x16xf32>
      tpu.vector_store %arg10[%swap3A_693, %swap3A_694], %swap3A_697 {strides = array<i32>} : memref<200x128xf32, #tpu.memory_space<vmem>>, vector<1x16xf32>,
      %get3A_698 = arith.index_cast %add3A_556 : i32 to index
      %get3A_699 = arith.constant 48 : index
      %get3A_700 = tpu.vector_load %arg10[%get3A_698, %get3A_699] {strides = array<i32>} : memref<200x128xf32, #tpu.memory_space<vmem>>, vector<1x16xf32>,
      %get3A_701 = vector.shape_cast %get3A_700 : vector<1x16xf32> to vector<16xf32>
      %bitcast_convert_type3A_702 = tpu.bitcast %get3A_701 : vector<16xf32> -> vector<16xi32>
      %shift_right_arithmetic3A_703 = arith.constant 23 : i32
      %shift_right_arithmetic3A_704 = vector.broadcast %shift_right_arithmetic3A_703 : i32 to vector<16xi32>
      %shift_right_arithmetic3A_705 = arith.shrsi %bitcast_convert_type3A_702, %shift_right_arithmetic3A_704 : vector<16xi32>
      %sub3A_706 = arith.constant 127 : i32
      %sub3A_707 = vector.broadcast %sub3A_706 : i32 to vector<16xi32>
      %sub3A_708 = arith.subi %shift_right_arithmetic3A_705, %sub3A_707 : vector<16xi32>
      %and3A_709 = arith.constant 8388607 : i32
      %and3A_710 = vector.broadcast %and3A_709 : i32 to vector<16xi32>
      %and3A_711 = arith.andi %bitcast_convert_type3A_702, %and3A_710 : vector<16xi32>
      %or3A_712 = arith.constant 1065353216 : i32
      %or3A_713 = vector.broadcast %or3A_712 : i32 to vector<16xi32>
      %or3A_714 = arith.ori %and3A_711, %or3A_713 : vector<16xi32>
      %bitcast_convert_type3A_715 = tpu.bitcast %or3A_714 : vector<16xi32> -> vector<16xf32>
      %mul3A_716 = arith.constant -0.0554598682 : f32
      %mul3A_717 = vector.broadcast %mul3A_716 : f32 to vector<16xf32>
      %mul3A_718 = arith.mulf %mul3A_717, %bitcast_convert_type3A_715 : vector<16xf32>
      %add3A_719 = arith.constant 0.440507054 : f32
      %add3A_720 = vector.broadcast %add3A_719 : f32 to vector<16xf32>
      %add3A_721 = arith.addf %mul3A_718, %add3A_720 : vector<16xf32>
      %mul3A_722 = arith.mulf %add3A_721, %bitcast_convert_type3A_715 : vector<16xf32>
      %add3A_723 = arith.constant -1.45520651 : f32
      %add3A_724 = vector.broadcast %add3A_723 : f32 to vector<16xf32>
      %add3A_725 = arith.addf %mul3A_722, %add3A_724 : vector<16xf32>
      %mul3A_726 = arith.mulf %add3A_725, %bitcast_convert_type3A_715 : vector<16xf32>
      %add3A_727 = arith.constant 2.8069942 : f32
      %add3A_728 = vector.broadcast %add3A_727 : f32 to vector<16xf32>
      %add3A_729 = arith.addf %mul3A_726, %add3A_728 : vector<16xf32>
      %mul3A_730 = arith.mulf %add3A_729, %bitcast_convert_type3A_715 : vector<16xf32>
      %sub3A_731 = arith.constant -1.73676538 : f32
      %sub3A_732 = vector.broadcast %sub3A_731 : f32 to vector<16xf32>
      %sub3A_733 = arith.subf %sub3A_732, %add3A_381 : vector<16xf32>
      %add3A_734 = arith.addf %mul3A_730, %sub3A_733 : vector<16xf32>
      %convert_element_type3A_735 = arith.sitofp %sub3A_708 : vector<16xi32> to vector<16xf32>
      %mul3A_736 = arith.constant 0.693147182 : f32
      %mul3A_737 = vector.broadcast %mul3A_736 : f32 to vector<16xf32>
      %mul3A_738 = arith.mulf %convert_element_type3A_735, %mul3A_737 : vector<16xf32>
      %add3A_739 = arith.addf %mul3A_738, %add3A_734 : vector<16xf32>
      %swap3A_740 = arith.index_cast %add3A_556 : i32 to index
      %swap3A_741 = arith.constant 48 : index
      %swap3A_742 = tpu.vector_load %arg10[%swap3A_740, %swap3A_741] {strides = array<i32>} : memref<200x128xf32, #tpu.memory_space<vmem>>, vector<1x16xf32>,
      %swap3A_743 = vector.shape_cast %swap3A_742 : vector<1x16xf32> to vector<16xf32>
      %swap3A_744 = vector.shape_cast %add3A_739 : vector<16xf32> to vector<1x16xf32>
      tpu.vector_store %arg10[%swap3A_740, %swap3A_741], %swap3A_744 {strides = array<i32>} : memref<200x128xf32, #tpu.memory_space<vmem>>, vector<1x16xf32>,
      %get3A_745 = arith.index_cast %add3A_556 : i32 to index
      %get3A_746 = arith.constant 64 : index
      %get3A_747 = tpu.vector_load %arg10[%get3A_745, %get3A_746] {strides = array<i32>} : memref<200x128xf32, #tpu.memory_space<vmem>>, vector<1x16xf32>,
      %get3A_748 = vector.shape_cast %get3A_747 : vector<1x16xf32> to vector<16xf32>
      %bitcast_convert_type3A_749 = tpu.bitcast %get3A_748 : vector<16xf32> -> vector<16xi32>
      %shift_right_arithmetic3A_750 = arith.constant 23 : i32
      %shift_right_arithmetic3A_751 = vector.broadcast %shift_right_arithmetic3A_750 : i32 to vector<16xi32>
      %shift_right_arithmetic3A_752 = arith.shrsi %bitcast_convert_type3A_749, %shift_right_arithmetic3A_751 : vector<16xi32>
      %sub3A_753 = arith.constant 127 : i32
      %sub3A_754 = vector.broadcast %sub3A_753 : i32 to vector<16xi32>
      %sub3A_755 = arith.subi %shift_right_arithmetic3A_752, %sub3A_754 : vector<16xi32>
      %and3A_756 = arith.constant 8388607 : i32
      %and3A_757 = vector.broadcast %and3A_756 : i32 to vector<16xi32>
      %and3A_758 = arith.andi %bitcast_convert_type3A_749, %and3A_757 : vector<16xi32>
      %or3A_759 = arith.constant 1065353216 : i32
      %or3A_760 = vector.broadcast %or3A_759 : i32 to vector<16xi32>
      %or3A_761 = arith.ori %and3A_758, %or3A_760 : vector<16xi32>
      %bitcast_convert_type3A_762 = tpu.bitcast %or3A_761 : vector<16xi32> -> vector<16xf32>
      %mul3A_763 = arith.constant -0.0554598682 : f32
      %mul3A_764 = vector.broadcast %mul3A_763 : f32 to vector<16xf32>
      %mul3A_765 = arith.mulf %mul3A_764, %bitcast_convert_type3A_762 : vector<16xf32>
      %add3A_766 = arith.constant 0.440507054 : f32
      %add3A_767 = vector.broadcast %add3A_766 : f32 to vector<16xf32>
      %add3A_768 = arith.addf %mul3A_765, %add3A_767 : vector<16xf32>
      %mul3A_769 = arith.mulf %add3A_768, %bitcast_convert_type3A_762 : vector<16xf32>
      %add3A_770 = arith.constant -1.45520651 : f32
      %add3A_771 = vector.broadcast %add3A_770 : f32 to vector<16xf32>
      %add3A_772 = arith.addf %mul3A_769, %add3A_771 : vector<16xf32>
      %mul3A_773 = arith.mulf %add3A_772, %bitcast_convert_type3A_762 : vector<16xf32>
      %add3A_774 = arith.constant 2.8069942 : f32
      %add3A_775 = vector.broadcast %add3A_774 : f32 to vector<16xf32>
      %add3A_776 = arith.addf %mul3A_773, %add3A_775 : vector<16xf32>
      %mul3A_777 = arith.mulf %add3A_776, %bitcast_convert_type3A_762 : vector<16xf32>
      %sub3A_778 = arith.constant -1.73676538 : f32
      %sub3A_779 = vector.broadcast %sub3A_778 : f32 to vector<16xf32>
      %sub3A_780 = arith.subf %sub3A_779, %add3A_381 : vector<16xf32>
      %add3A_781 = arith.addf %mul3A_777, %sub3A_780 : vector<16xf32>
      %convert_element_type3A_782 = arith.sitofp %sub3A_755 : vector<16xi32> to vector<16xf32>
      %mul3A_783 = arith.constant 0.693147182 : f32
      %mul3A_784 = vector.broadcast %mul3A_783 : f32 to vector<16xf32>
      %mul3A_785 = arith.mulf %convert_element_type3A_782, %mul3A_784 : vector<16xf32>
      %add3A_786 = arith.addf %mul3A_785, %add3A_781 : vector<16xf32>
      %swap3A_787 = arith.index_cast %add3A_556 : i32 to index
      %swap3A_788 = arith.constant 64 : index
      %swap3A_789 = tpu.vector_load %arg10[%swap3A_787, %swap3A_788] {strides = array<i32>} : memref<200x128xf32, #tpu.memory_space<vmem>>, vector<1x16xf32>,
      %swap3A_790 = vector.shape_cast %swap3A_789 : vector<1x16xf32> to vector<16xf32>
      %swap3A_791 = vector.shape_cast %add3A_786 : vector<16xf32> to vector<1x16xf32>
      tpu.vector_store %arg10[%swap3A_787, %swap3A_788], %swap3A_791 {strides = array<i32>} : memref<200x128xf32, #tpu.memory_space<vmem>>, vector<1x16xf32>,
      %get3A_792 = arith.index_cast %add3A_556 : i32 to index
      %get3A_793 = arith.constant 80 : index
      %get3A_794 = tpu.vector_load %arg10[%get3A_792, %get3A_793] {strides = array<i32>} : memref<200x128xf32, #tpu.memory_space<vmem>>, vector<1x16xf32>,
      %get3A_795 = vector.shape_cast %get3A_794 : vector<1x16xf32> to vector<16xf32>
      %bitcast_convert_type3A_796 = tpu.bitcast %get3A_795 : vector<16xf32> -> vector<16xi32>
      %shift_right_arithmetic3A_797 = arith.constant 23 : i32
      %shift_right_arithmetic3A_798 = vector.broadcast %shift_right_arithmetic3A_797 : i32 to vector<16xi32>
      %shift_right_arithmetic3A_799 = arith.shrsi %bitcast_convert_type3A_796, %shift_right_arithmetic3A_798 : vector<16xi32>
      %sub3A_800 = arith.constant 127 : i32
      %sub3A_801 = vector.broadcast %sub3A_800 : i32 to vector<16xi32>
      %sub3A_802 = arith.subi %shift_right_arithmetic3A_799, %sub3A_801 : vector<16xi32>
      %and3A_803 = arith.constant 8388607 : i32
      %and3A_804 = vector.broadcast %and3A_803 : i32 to vector<16xi32>
      %and3A_805 = arith.andi %bitcast_convert_type3A_796, %and3A_804 : vector<16xi32>
      %or3A_806 = arith.constant 1065353216 : i32
      %or3A_807 = vector.broadcast %or3A_806 : i32 to vector<16xi32>
      %or3A_808 = arith.ori %and3A_805, %or3A_807 : vector<16xi32>
      %bitcast_convert_type3A_809 = tpu.bitcast %or3A_808 : vector<16xi32> -> vector<16xf32>
      %mul3A_810 = arith.constant -0.0554598682 : f32
      %mul3A_811 = vector.broadcast %mul3A_810 : f32 to vector<16xf32>
      %mul3A_812 = arith.mulf %mul3A_811, %bitcast_convert_type3A_809 : vector<16xf32>
      %add3A_813 = arith.constant 0.440507054 : f32
      %add3A_814 = vector.broadcast %add3A_813 : f32 to vector<16xf32>
      %add3A_815 = arith.addf %mul3A_812, %add3A_814 : vector<16xf32>
      %mul3A_816 = arith.mulf %add3A_815, %bitcast_convert_type3A_809 : vector<16xf32>
      %add3A_817 = arith.constant -1.45520651 : f32
      %add3A_818 = vector.broadcast %add3A_817 : f32 to vector<16xf32>
      %add3A_819 = arith.addf %mul3A_816, %add3A_818 : vector<16xf32>
      %mul3A_820 = arith.mulf %add3A_819, %bitcast_convert_type3A_809 : vector<16xf32>
      %add3A_821 = arith.constant 2.8069942 : f32
      %add3A_822 = vector.broadcast %add3A_821 : f32 to vector<16xf32>
      %add3A_823 = arith.addf %mul3A_820, %add3A_822 : vector<16xf32>
      %mul3A_824 = arith.mulf %add3A_823, %bitcast_convert_type3A_809 : vector<16xf32>
      %sub3A_825 = arith.constant -1.73676538 : f32
      %sub3A_826 = vector.broadcast %sub3A_825 : f32 to vector<16xf32>
      %sub3A_827 = arith.subf %sub3A_826, %add3A_381 : vector<16xf32>
      %add3A_828 = arith.addf %mul3A_824, %sub3A_827 : vector<16xf32>
      %convert_element_type3A_829 = arith.sitofp %sub3A_802 : vector<16xi32> to vector<16xf32>
      %mul3A_830 = arith.constant 0.693147182 : f32
      %mul3A_831 = vector.broadcast %mul3A_830 : f32 to vector<16xf32>
      %mul3A_832 = arith.mulf %convert_element_type3A_829, %mul3A_831 : vector<16xf32>
      %add3A_833 = arith.addf %mul3A_832, %add3A_828 : vector<16xf32>
      %swap3A_834 = arith.index_cast %add3A_556 : i32 to index
      %swap3A_835 = arith.constant 80 : index
      %swap3A_836 = tpu.vector_load %arg10[%swap3A_834, %swap3A_835] {strides = array<i32>} : memref<200x128xf32, #tpu.memory_space<vmem>>, vector<1x16xf32>,
      %swap3A_837 = vector.shape_cast %swap3A_836 : vector<1x16xf32> to vector<16xf32>
      %swap3A_838 = vector.shape_cast %add3A_833 : vector<16xf32> to vector<1x16xf32>
      tpu.vector_store %arg10[%swap3A_834, %swap3A_835], %swap3A_838 {strides = array<i32>} : memref<200x128xf32, #tpu.memory_space<vmem>>, vector<1x16xf32>,
      %get3A_839 = arith.index_cast %add3A_556 : i32 to index
      %get3A_840 = arith.constant 96 : index
      %get3A_841 = tpu.vector_load %arg10[%get3A_839, %get3A_840] {strides = array<i32>} : memref<200x128xf32, #tpu.memory_space<vmem>>, vector<1x16xf32>,
      %get3A_842 = vector.shape_cast %get3A_841 : vector<1x16xf32> to vector<16xf32>
      %bitcast_convert_type3A_843 = tpu.bitcast %get3A_842 : vector<16xf32> -> vector<16xi32>
      %shift_right_arithmetic3A_844 = arith.constant 23 : i32
      %shift_right_arithmetic3A_845 = vector.broadcast %shift_right_arithmetic3A_844 : i32 to vector<16xi32>
      %shift_right_arithmetic3A_846 = arith.shrsi %bitcast_convert_type3A_843, %shift_right_arithmetic3A_845 : vector<16xi32>
      %sub3A_847 = arith.constant 127 : i32
      %sub3A_848 = vector.broadcast %sub3A_847 : i32 to vector<16xi32>
      %sub3A_849 = arith.subi %shift_right_arithmetic3A_846, %sub3A_848 : vector<16xi32>
      %and3A_850 = arith.constant 8388607 : i32
      %and3A_851 = vector.broadcast %and3A_850 : i32 to vector<16xi32>
      %and3A_852 = arith.andi %bitcast_convert_type3A_843, %and3A_851 : vector<16xi32>
      %or3A_853 = arith.constant 1065353216 : i32
      %or3A_854 = vector.broadcast %or3A_853 : i32 to vector<16xi32>
      %or3A_855 = arith.ori %and3A_852, %or3A_854 : vector<16xi32>
      %bitcast_convert_type3A_856 = tpu.bitcast %or3A_855 : vector<16xi32> -> vector<16xf32>
      %mul3A_857 = arith.constant -0.0554598682 : f32
      %mul3A_858 = vector.broadcast %mul3A_857 : f32 to vector<16xf32>
      %mul3A_859 = arith.mulf %mul3A_858, %bitcast_convert_type3A_856 : vector<16xf32>
      %add3A_860 = arith.constant 0.440507054 : f32
      %add3A_861 = vector.broadcast %add3A_860 : f32 to vector<16xf32>
      %add3A_862 = arith.addf %mul3A_859, %add3A_861 : vector<16xf32>
      %mul3A_863 = arith.mulf %add3A_862, %bitcast_convert_type3A_856 : vector<16xf32>
      %add3A_864 = arith.constant -1.45520651 : f32
      %add3A_865 = vector.broadcast %add3A_864 : f32 to vector<16xf32>
      %add3A_866 = arith.addf %mul3A_863, %add3A_865 : vector<16xf32>
      %mul3A_867 = arith.mulf %add3A_866, %bitcast_convert_type3A_856 : vector<16xf32>
      %add3A_868 = arith.constant 2.8069942 : f32
      %add3A_869 = vector.broadcast %add3A_868 : f32 to vector<16xf32>
      %add3A_870 = arith.addf %mul3A_867, %add3A_869 : vector<16xf32>
      %mul3A_871 = arith.mulf %add3A_870, %bitcast_convert_type3A_856 : vector<16xf32>
      %sub3A_872 = arith.constant -1.73676538 : f32
      %sub3A_873 = vector.broadcast %sub3A_872 : f32 to vector<16xf32>
      %sub3A_874 = arith.subf %sub3A_873, %add3A_381 : vector<16xf32>
      %add3A_875 = arith.addf %mul3A_871, %sub3A_874 : vector<16xf32>
      %convert_element_type3A_876 = arith.sitofp %sub3A_849 : vector<16xi32> to vector<16xf32>
      %mul3A_877 = arith.constant 0.693147182 : f32
      %mul3A_878 = vector.broadcast %mul3A_877 : f32 to vector<16xf32>
      %mul3A_879 = arith.mulf %convert_element_type3A_876, %mul3A_878 : vector<16xf32>
      %add3A_880 = arith.addf %mul3A_879, %add3A_875 : vector<16xf32>
      %swap3A_881 = arith.index_cast %add3A_556 : i32 to index
      %swap3A_882 = arith.constant 96 : index
      %swap3A_883 = tpu.vector_load %arg10[%swap3A_881, %swap3A_882] {strides = array<i32>} : memref<200x128xf32, #tpu.memory_space<vmem>>, vector<1x16xf32>,
      %swap3A_884 = vector.shape_cast %swap3A_883 : vector<1x16xf32> to vector<16xf32>
      %swap3A_885 = vector.shape_cast %add3A_880 : vector<16xf32> to vector<1x16xf32>
      tpu.vector_store %arg10[%swap3A_881, %swap3A_882], %swap3A_885 {strides = array<i32>} : memref<200x128xf32, #tpu.memory_space<vmem>>, vector<1x16xf32>,
      %get3A_886 = arith.index_cast %add3A_556 : i32 to index
      %get3A_887 = arith.constant 112 : index
      %get3A_888 = tpu.vector_load %arg10[%get3A_886, %get3A_887] {strides = array<i32>} : memref<200x128xf32, #tpu.memory_space<vmem>>, vector<1x16xf32>,
      %get3A_889 = vector.shape_cast %get3A_888 : vector<1x16xf32> to vector<16xf32>
      %bitcast_convert_type3A_890 = tpu.bitcast %get3A_889 : vector<16xf32> -> vector<16xi32>
      %shift_right_arithmetic3A_891 = arith.constant 23 : i32
      %shift_right_arithmetic3A_892 = vector.broadcast %shift_right_arithmetic3A_891 : i32 to vector<16xi32>
      %shift_right_arithmetic3A_893 = arith.shrsi %bitcast_convert_type3A_890, %shift_right_arithmetic3A_892 : vector<16xi32>
      %sub3A_894 = arith.constant 127 : i32
      %sub3A_895 = vector.broadcast %sub3A_894 : i32 to vector<16xi32>
      %sub3A_896 = arith.subi %shift_right_arithmetic3A_893, %sub3A_895 : vector<16xi32>
      %and3A_897 = arith.constant 8388607 : i32
      %and3A_898 = vector.broadcast %and3A_897 : i32 to vector<16xi32>
      %and3A_899 = arith.andi %bitcast_convert_type3A_890, %and3A_898 : vector<16xi32>
      %or3A_900 = arith.constant 1065353216 : i32
      %or3A_901 = vector.broadcast %or3A_900 : i32 to vector<16xi32>
      %or3A_902 = arith.ori %and3A_899, %or3A_901 : vector<16xi32>
      %bitcast_convert_type3A_903 = tpu.bitcast %or3A_902 : vector<16xi32> -> vector<16xf32>
      %mul3A_904 = arith.constant -0.0554598682 : f32
      %mul3A_905 = vector.broadcast %mul3A_904 : f32 to vector<16xf32>
      %mul3A_906 = arith.mulf %mul3A_905, %bitcast_convert_type3A_903 : vector<16xf32>
      %add3A_907 = arith.constant 0.440507054 : f32
      %add3A_908 = vector.broadcast %add3A_907 : f32 to vector<16xf32>
      %add3A_909 = arith.addf %mul3A_906, %add3A_908 : vector<16xf32>
      %mul3A_910 = arith.mulf %add3A_909, %bitcast_convert_type3A_903 : vector<16xf32>
      %add3A_911 = arith.constant -1.45520651 : f32
      %add3A_912 = vector.broadcast %add3A_911 : f32 to vector<16xf32>
      %add3A_913 = arith.addf %mul3A_910, %add3A_912 : vector<16xf32>
      %mul3A_914 = arith.mulf %add3A_913, %bitcast_convert_type3A_903 : vector<16xf32>
      %add3A_915 = arith.constant 2.8069942 : f32
      %add3A_916 = vector.broadcast %add3A_915 : f32 to vector<16xf32>
      %add3A_917 = arith.addf %mul3A_914, %add3A_916 : vector<16xf32>
      %mul3A_918 = arith.mulf %add3A_917, %bitcast_convert_type3A_903 : vector<16xf32>
      %sub3A_919 = arith.constant -1.73676538 : f32
      %sub3A_920 = vector.broadcast %sub3A_919 : f32 to vector<16xf32>
      %sub3A_921 = arith.subf %sub3A_920, %add3A_381 : vector<16xf32>
      %add3A_922 = arith.addf %mul3A_918, %sub3A_921 : vector<16xf32>
      %convert_element_type3A_923 = arith.sitofp %sub3A_896 : vector<16xi32> to vector<16xf32>
      %mul3A_924 = arith.constant 0.693147182 : f32
      %mul3A_925 = vector.broadcast %mul3A_924 : f32 to vector<16xf32>
      %mul3A_926 = arith.mulf %convert_element_type3A_923, %mul3A_925 : vector<16xf32>
      %add3A_927 = arith.addf %mul3A_926, %add3A_922 : vector<16xf32>
      %swap3A_928 = arith.index_cast %add3A_556 : i32 to index
      %swap3A_929 = arith.constant 112 : index
      %swap3A_930 = tpu.vector_load %arg10[%swap3A_928, %swap3A_929] {strides = array<i32>} : memref<200x128xf32, #tpu.memory_space<vmem>>, vector<1x16xf32>,
      %swap3A_931 = vector.shape_cast %swap3A_930 : vector<1x16xf32> to vector<16xf32>
      %swap3A_932 = vector.shape_cast %add3A_927 : vector<16xf32> to vector<1x16xf32>
      tpu.vector_store %arg10[%swap3A_928, %swap3A_929], %swap3A_932 {strides = array<i32>} : memref<200x128xf32, #tpu.memory_space<vmem>>, vector<1x16xf32>,
    }
    %scan3A_477 = arith.constant 40 : i32
    %add3A_478 = arith.constant 80 : i32
    %add3A_479 = arith.addi %mul3A_2, %add3A_478 : i32
    %dma_start3A_480 = arith.constant 80 : i32
    %dma_start3A_481 = arith.constant 0 : i32
    %dma_start3A_482 = tpu.memref_slice %arg10[%dma_start3A_480, %dma_start3A_481] : memref<200x128xf32, #tpu.memory_space<vmem>> -> memref<40x128xf32, #tpu.memory_space<vmem>>
    %dma_start3A_483 = arith.constant 0 : i32
    %dma_start3A_484 = tpu.memref_slice %arg4[%add3A_479, %dma_start3A_483] : memref<6400x128xf32, #tpu.memory_space<hbm>> -> memref<40x128xf32, #tpu.memory_space<hbm>>
    %dma_start3A_485 = arith.constant 0 : i32
    %dma_start3A_486 = tpu.memref_slice %arg4[%add3A_479, %dma_start3A_485] : memref<6400x128xf32, #tpu.memory_space<hbm>> -> memref<40x128xf32, #tpu.memory_space<hbm>>
    %dma_start3A_487 = arith.constant 80 : i32
    %dma_start3A_488 = arith.constant 0 : i32
    %dma_start3A_489 = tpu.memref_slice %arg10[%dma_start3A_487, %dma_start3A_488] : memref<200x128xf32, #tpu.memory_space<vmem>> -> memref<40x128xf32, #tpu.memory_space<vmem>>
    tpu.enqueue_dma source(%dma_start3A_489 : memref<40x128xf32, #tpu.memory_space<vmem>>) target(%dma_start3A_486 : memref<40x128xf32, #tpu.memory_space<hbm>>) target_semaphore(%arg19 : memref<!tpu.dma_semaphore, #tpu.memory_space<semaphore_mem>>)
    %add3A_490 = arith.constant 120 : i32
    %add3A_491 = arith.addi %mul3A_2, %add3A_490 : i32
    %dma_wait3A_492 = arith.constant 120 : i32
    %dma_wait3A_493 = arith.constant 0 : i32
    %dma_wait3A_494 = tpu.memref_slice %arg10[%dma_wait3A_492, %dma_wait3A_493] : memref<200x128xf32, #tpu.memory_space<vmem>> -> memref<40x128xf32, #tpu.memory_space<vmem>>
    %dma_wait3A_495 = arith.constant 0 : i32
    %dma_wait3A_496 = tpu.memref_slice %arg4[%add3A_491, %dma_wait3A_495] : memref<6400x128xf32, #tpu.memory_space<hbm>> -> memref<40x128xf32, #tpu.memory_space<hbm>>
    %dma_wait3A_497 = arith.constant 120 : i32
    %dma_wait3A_498 = arith.constant 0 : i32
    %dma_wait3A_499 = tpu.memref_slice %arg10[%dma_wait3A_497, %dma_wait3A_498] : memref<200x128xf32, #tpu.memory_space<vmem>> -> memref<40x128xf32, #tpu.memory_space<vmem>>
    %dma_wait3A_500 = arith.constant 0 : i32
    %dma_wait3A_501 = tpu.memref_slice %arg4[%add3A_491, %dma_wait3A_500] : memref<6400x128xf32, #tpu.memory_space<hbm>> -> memref<40x128xf32, #tpu.memory_space<hbm>>
    tpu.wait_dma2 semaphore(%arg18 : memref<!tpu.dma_semaphore, #tpu.memory_space<semaphore_mem>>) src(%dma_wait3A_501 : memref<40x128xf32, #tpu.memory_space<hbm>>) dst(%dma_wait3A_499 : memref<40x128xf32, #tpu.memory_space<vmem>>)
    %scan3A_502 = arith.constant 0 : i32
    %scan3A_503 = arith.constant 0 : i32
    %scan3A_504 = arith.constant 40 : i32
    %scan3A_505 = arith.addi %scan3A_503, %scan3A_504 : i32
    %scan3A_506 = arith.constant 1 : i32
    scf.for %scan3A_554 = %scan3A_503 to %scan3A_505 step %scan3A_506  : i32 {
      %add3A_555 = arith.constant 120 : i32
      %add3A_556 = arith.addi %add3A_555, %scan3A_554 : i32
      %get3A_557 = arith.index_cast %add3A_556 : i32 to index
      %get3A_558 = arith.constant 0 : index
      %get3A_559 = tpu.vector_load %arg10[%get3A_557, %get3A_558] {strides = array<i32>} : memref<200x128xf32, #tpu.memory_space<vmem>>, vector<1x16xf32>,
      %get3A_560 = vector.shape_cast %get3A_559 : vector<1x16xf32> to vector<16xf32>
      %bitcast_convert_type3A_561 = tpu.bitcast %get3A_560 : vector<16xf32> -> vector<16xi32>
      %shift_right_arithmetic3A_562 = arith.constant 23 : i32
      %shift_right_arithmetic3A_563 = vector.broadcast %shift_right_arithmetic3A_562 : i32 to vector<16xi32>
      %shift_right_arithmetic3A_564 = arith.shrsi %bitcast_convert_type3A_561, %shift_right_arithmetic3A_563 : vector<16xi32>
      %sub3A_565 = arith.constant 127 : i32
      %sub3A_566 = vector.broadcast %sub3A_565 : i32 to vector<16xi32>
      %sub3A_567 = arith.subi %shift_right_arithmetic3A_564, %sub3A_566 : vector<16xi32>
      %and3A_568 = arith.constant 8388607 : i32
      %and3A_569 = vector.broadcast %and3A_568 : i32 to vector<16xi32>
      %and3A_570 = arith.andi %bitcast_convert_type3A_561, %and3A_569 : vector<16xi32>
      %or3A_571 = arith.constant 1065353216 : i32
      %or3A_572 = vector.broadcast %or3A_571 : i32 to vector<16xi32>
      %or3A_573 = arith.ori %and3A_570, %or3A_572 : vector<16xi32>
      %bitcast_convert_type3A_574 = tpu.bitcast %or3A_573 : vector<16xi32> -> vector<16xf32>
      %mul3A_575 = arith.constant -0.0554598682 : f32
      %mul3A_576 = vector.broadcast %mul3A_575 : f32 to vector<16xf32>
      %mul3A_577 = arith.mulf %mul3A_576, %bitcast_convert_type3A_574 : vector<16xf32>
      %add3A_578 = arith.constant 0.440507054 : f32
      %add3A_579 = vector.broadcast %add3A_578 : f32 to vector<16xf32>
      %add3A_580 = arith.addf %mul3A_577, %add3A_579 : vector<16xf32>
      %mul3A_581 = arith.mulf %add3A_580, %bitcast_convert_type3A_574 : vector<16xf32>
      %add3A_582 = arith.constant -1.45520651 : f32
      %add3A_583 = vector.broadcast %add3A_582 : f32 to vector<16xf32>
      %add3A_584 = arith.addf %mul3A_581, %add3A_583 : vector<16xf32>
      %mul3A_585 = arith.mulf %add3A_584, %bitcast_convert_type3A_574 : vector<16xf32>
      %add3A_586 = arith.constant 2.8069942 : f32
      %add3A_587 = vector.broadcast %add3A_586 : f32 to vector<16xf32>
      %add3A_588 = arith.addf %mul3A_585, %add3A_587 : vector<16xf32>
      %mul3A_589 = arith.mulf %add3A_588, %bitcast_convert_type3A_574 : vector<16xf32>
      %sub3A_590 = arith.constant -1.73676538 : f32
      %sub3A_591 = vector.broadcast %sub3A_590 : f32 to vector<16xf32>
      %sub3A_592 = arith.subf %sub3A_591, %add3A_381 : vector<16xf32>
      %add3A_593 = arith.addf %mul3A_589, %sub3A_592 : vector<16xf32>
      %convert_element_type3A_594 = arith.sitofp %sub3A_567 : vector<16xi32> to vector<16xf32>
      %mul3A_595 = arith.constant 0.693147182 : f32
      %mul3A_596 = vector.broadcast %mul3A_595 : f32 to vector<16xf32>
      %mul3A_597 = arith.mulf %convert_element_type3A_594, %mul3A_596 : vector<16xf32>
      %add3A_598 = arith.addf %mul3A_597, %add3A_593 : vector<16xf32>
      %swap3A_599 = arith.index_cast %add3A_556 : i32 to index
      %swap3A_600 = arith.constant 0 : index
      %swap3A_601 = tpu.vector_load %arg10[%swap3A_599, %swap3A_600] {strides = array<i32>} : memref<200x128xf32, #tpu.memory_space<vmem>>, vector<1x16xf32>,
      %swap3A_602 = vector.shape_cast %swap3A_601 : vector<1x16xf32> to vector<16xf32>
      %swap3A_603 = vector.shape_cast %add3A_598 : vector<16xf32> to vector<1x16xf32>
      tpu.vector_store %arg10[%swap3A_599, %swap3A_600], %swap3A_603 {strides = array<i32>} : memref<200x128xf32, #tpu.memory_space<vmem>>, vector<1x16xf32>,
      %get3A_604 = arith.index_cast %add3A_556 : i32 to index
      %get3A_605 = arith.constant 16 : index
      %get3A_606 = tpu.vector_load %arg10[%get3A_604, %get3A_605] {strides = array<i32>} : memref<200x128xf32, #tpu.memory_space<vmem>>, vector<1x16xf32>,
      %get3A_607 = vector.shape_cast %get3A_606 : vector<1x16xf32> to vector<16xf32>
      %bitcast_convert_type3A_608 = tpu.bitcast %get3A_607 : vector<16xf32> -> vector<16xi32>
      %shift_right_arithmetic3A_609 = arith.constant 23 : i32
      %shift_right_arithmetic3A_610 = vector.broadcast %shift_right_arithmetic3A_609 : i32 to vector<16xi32>
      %shift_right_arithmetic3A_611 = arith.shrsi %bitcast_convert_type3A_608, %shift_right_arithmetic3A_610 : vector<16xi32>
      %sub3A_612 = arith.constant 127 : i32
      %sub3A_613 = vector.broadcast %sub3A_612 : i32 to vector<16xi32>
      %sub3A_614 = arith.subi %shift_right_arithmetic3A_611, %sub3A_613 : vector<16xi32>
      %and3A_615 = arith.constant 8388607 : i32
      %and3A_616 = vector.broadcast %and3A_615 : i32 to vector<16xi32>
      %and3A_617 = arith.andi %bitcast_convert_type3A_608, %and3A_616 : vector<16xi32>
      %or3A_618 = arith.constant 1065353216 : i32
      %or3A_619 = vector.broadcast %or3A_618 : i32 to vector<16xi32>
      %or3A_620 = arith.ori %and3A_617, %or3A_619 : vector<16xi32>
      %bitcast_convert_type3A_621 = tpu.bitcast %or3A_620 : vector<16xi32> -> vector<16xf32>
      %mul3A_622 = arith.constant -0.0554598682 : f32
      %mul3A_623 = vector.broadcast %mul3A_622 : f32 to vector<16xf32>
      %mul3A_624 = arith.mulf %mul3A_623, %bitcast_convert_type3A_621 : vector<16xf32>
      %add3A_625 = arith.constant 0.440507054 : f32
      %add3A_626 = vector.broadcast %add3A_625 : f32 to vector<16xf32>
      %add3A_627 = arith.addf %mul3A_624, %add3A_626 : vector<16xf32>
      %mul3A_628 = arith.mulf %add3A_627, %bitcast_convert_type3A_621 : vector<16xf32>
      %add3A_629 = arith.constant -1.45520651 : f32
      %add3A_630 = vector.broadcast %add3A_629 : f32 to vector<16xf32>
      %add3A_631 = arith.addf %mul3A_628, %add3A_630 : vector<16xf32>
      %mul3A_632 = arith.mulf %add3A_631, %bitcast_convert_type3A_621 : vector<16xf32>
      %add3A_633 = arith.constant 2.8069942 : f32
      %add3A_634 = vector.broadcast %add3A_633 : f32 to vector<16xf32>
      %add3A_635 = arith.addf %mul3A_632, %add3A_634 : vector<16xf32>
      %mul3A_636 = arith.mulf %add3A_635, %bitcast_convert_type3A_621 : vector<16xf32>
      %sub3A_637 = arith.constant -1.73676538 : f32
      %sub3A_638 = vector.broadcast %sub3A_637 : f32 to vector<16xf32>
      %sub3A_639 = arith.subf %sub3A_638, %add3A_381 : vector<16xf32>
      %add3A_640 = arith.addf %mul3A_636, %sub3A_639 : vector<16xf32>
      %convert_element_type3A_641 = arith.sitofp %sub3A_614 : vector<16xi32> to vector<16xf32>
      %mul3A_642 = arith.constant 0.693147182 : f32
      %mul3A_643 = vector.broadcast %mul3A_642 : f32 to vector<16xf32>
      %mul3A_644 = arith.mulf %convert_element_type3A_641, %mul3A_643 : vector<16xf32>
      %add3A_645 = arith.addf %mul3A_644, %add3A_640 : vector<16xf32>
      %swap3A_646 = arith.index_cast %add3A_556 : i32 to index
      %swap3A_647 = arith.constant 16 : index
      %swap3A_648 = tpu.vector_load %arg10[%swap3A_646, %swap3A_647] {strides = array<i32>} : memref<200x128xf32, #tpu.memory_space<vmem>>, vector<1x16xf32>,
      %swap3A_649 = vector.shape_cast %swap3A_648 : vector<1x16xf32> to vector<16xf32>
      %swap3A_650 = vector.shape_cast %add3A_645 : vector<16xf32> to vector<1x16xf32>
      tpu.vector_store %arg10[%swap3A_646, %swap3A_647], %swap3A_650 {strides = array<i32>} : memref<200x128xf32, #tpu.memory_space<vmem>>, vector<1x16xf32>,
      %get3A_651 = arith.index_cast %add3A_556 : i32 to index
      %get3A_652 = arith.constant 32 : index
      %get3A_653 = tpu.vector_load %arg10[%get3A_651, %get3A_652] {strides = array<i32>} : memref<200x128xf32, #tpu.memory_space<vmem>>, vector<1x16xf32>,
      %get3A_654 = vector.shape_cast %get3A_653 : vector<1x16xf32> to vector<16xf32>
      %bitcast_convert_type3A_655 = tpu.bitcast %get3A_654 : vector<16xf32> -> vector<16xi32>
      %shift_right_arithmetic3A_656 = arith.constant 23 : i32
      %shift_right_arithmetic3A_657 = vector.broadcast %shift_right_arithmetic3A_656 : i32 to vector<16xi32>
      %shift_right_arithmetic3A_658 = arith.shrsi %bitcast_convert_type3A_655, %shift_right_arithmetic3A_657 : vector<16xi32>
      %sub3A_659 = arith.constant 127 : i32
      %sub3A_660 = vector.broadcast %sub3A_659 : i32 to vector<16xi32>
      %sub3A_661 = arith.subi %shift_right_arithmetic3A_658, %sub3A_660 : vector<16xi32>
      %and3A_662 = arith.constant 8388607 : i32
      %and3A_663 = vector.broadcast %and3A_662 : i32 to vector<16xi32>
      %and3A_664 = arith.andi %bitcast_convert_type3A_655, %and3A_663 : vector<16xi32>
      %or3A_665 = arith.constant 1065353216 : i32
      %or3A_666 = vector.broadcast %or3A_665 : i32 to vector<16xi32>
      %or3A_667 = arith.ori %and3A_664, %or3A_666 : vector<16xi32>
      %bitcast_convert_type3A_668 = tpu.bitcast %or3A_667 : vector<16xi32> -> vector<16xf32>
      %mul3A_669 = arith.constant -0.0554598682 : f32
      %mul3A_670 = vector.broadcast %mul3A_669 : f32 to vector<16xf32>
      %mul3A_671 = arith.mulf %mul3A_670, %bitcast_convert_type3A_668 : vector<16xf32>
      %add3A_672 = arith.constant 0.440507054 : f32
      %add3A_673 = vector.broadcast %add3A_672 : f32 to vector<16xf32>
      %add3A_674 = arith.addf %mul3A_671, %add3A_673 : vector<16xf32>
      %mul3A_675 = arith.mulf %add3A_674, %bitcast_convert_type3A_668 : vector<16xf32>
      %add3A_676 = arith.constant -1.45520651 : f32
      %add3A_677 = vector.broadcast %add3A_676 : f32 to vector<16xf32>
      %add3A_678 = arith.addf %mul3A_675, %add3A_677 : vector<16xf32>
      %mul3A_679 = arith.mulf %add3A_678, %bitcast_convert_type3A_668 : vector<16xf32>
      %add3A_680 = arith.constant 2.8069942 : f32
      %add3A_681 = vector.broadcast %add3A_680 : f32 to vector<16xf32>
      %add3A_682 = arith.addf %mul3A_679, %add3A_681 : vector<16xf32>
      %mul3A_683 = arith.mulf %add3A_682, %bitcast_convert_type3A_668 : vector<16xf32>
      %sub3A_684 = arith.constant -1.73676538 : f32
      %sub3A_685 = vector.broadcast %sub3A_684 : f32 to vector<16xf32>
      %sub3A_686 = arith.subf %sub3A_685, %add3A_381 : vector<16xf32>
      %add3A_687 = arith.addf %mul3A_683, %sub3A_686 : vector<16xf32>
      %convert_element_type3A_688 = arith.sitofp %sub3A_661 : vector<16xi32> to vector<16xf32>
      %mul3A_689 = arith.constant 0.693147182 : f32
      %mul3A_690 = vector.broadcast %mul3A_689 : f32 to vector<16xf32>
      %mul3A_691 = arith.mulf %convert_element_type3A_688, %mul3A_690 : vector<16xf32>
      %add3A_692 = arith.addf %mul3A_691, %add3A_687 : vector<16xf32>
      %swap3A_693 = arith.index_cast %add3A_556 : i32 to index
      %swap3A_694 = arith.constant 32 : index
      %swap3A_695 = tpu.vector_load %arg10[%swap3A_693, %swap3A_694] {strides = array<i32>} : memref<200x128xf32, #tpu.memory_space<vmem>>, vector<1x16xf32>,
      %swap3A_696 = vector.shape_cast %swap3A_695 : vector<1x16xf32> to vector<16xf32>
      %swap3A_697 = vector.shape_cast %add3A_692 : vector<16xf32> to vector<1x16xf32>
      tpu.vector_store %arg10[%swap3A_693, %swap3A_694], %swap3A_697 {strides = array<i32>} : memref<200x128xf32, #tpu.memory_space<vmem>>, vector<1x16xf32>,
      %get3A_698 = arith.index_cast %add3A_556 : i32 to index
      %get3A_699 = arith.constant 48 : index
      %get3A_700 = tpu.vector_load %arg10[%get3A_698, %get3A_699] {strides = array<i32>} : memref<200x128xf32, #tpu.memory_space<vmem>>, vector<1x16xf32>,
      %get3A_701 = vector.shape_cast %get3A_700 : vector<1x16xf32> to vector<16xf32>
      %bitcast_convert_type3A_702 = tpu.bitcast %get3A_701 : vector<16xf32> -> vector<16xi32>
      %shift_right_arithmetic3A_703 = arith.constant 23 : i32
      %shift_right_arithmetic3A_704 = vector.broadcast %shift_right_arithmetic3A_703 : i32 to vector<16xi32>
      %shift_right_arithmetic3A_705 = arith.shrsi %bitcast_convert_type3A_702, %shift_right_arithmetic3A_704 : vector<16xi32>
      %sub3A_706 = arith.constant 127 : i32
      %sub3A_707 = vector.broadcast %sub3A_706 : i32 to vector<16xi32>
      %sub3A_708 = arith.subi %shift_right_arithmetic3A_705, %sub3A_707 : vector<16xi32>
      %and3A_709 = arith.constant 8388607 : i32
      %and3A_710 = vector.broadcast %and3A_709 : i32 to vector<16xi32>
      %and3A_711 = arith.andi %bitcast_convert_type3A_702, %and3A_710 : vector<16xi32>
      %or3A_712 = arith.constant 1065353216 : i32
      %or3A_713 = vector.broadcast %or3A_712 : i32 to vector<16xi32>
      %or3A_714 = arith.ori %and3A_711, %or3A_713 : vector<16xi32>
      %bitcast_convert_type3A_715 = tpu.bitcast %or3A_714 : vector<16xi32> -> vector<16xf32>
      %mul3A_716 = arith.constant -0.0554598682 : f32
      %mul3A_717 = vector.broadcast %mul3A_716 : f32 to vector<16xf32>
      %mul3A_718 = arith.mulf %mul3A_717, %bitcast_convert_type3A_715 : vector<16xf32>
      %add3A_719 = arith.constant 0.440507054 : f32
      %add3A_720 = vector.broadcast %add3A_719 : f32 to vector<16xf32>
      %add3A_721 = arith.addf %mul3A_718, %add3A_720 : vector<16xf32>
      %mul3A_722 = arith.mulf %add3A_721, %bitcast_convert_type3A_715 : vector<16xf32>
      %add3A_723 = arith.constant -1.45520651 : f32
      %add3A_724 = vector.broadcast %add3A_723 : f32 to vector<16xf32>
      %add3A_725 = arith.addf %mul3A_722, %add3A_724 : vector<16xf32>
      %mul3A_726 = arith.mulf %add3A_725, %bitcast_convert_type3A_715 : vector<16xf32>
      %add3A_727 = arith.constant 2.8069942 : f32
      %add3A_728 = vector.broadcast %add3A_727 : f32 to vector<16xf32>
      %add3A_729 = arith.addf %mul3A_726, %add3A_728 : vector<16xf32>
      %mul3A_730 = arith.mulf %add3A_729, %bitcast_convert_type3A_715 : vector<16xf32>
      %sub3A_731 = arith.constant -1.73676538 : f32
      %sub3A_732 = vector.broadcast %sub3A_731 : f32 to vector<16xf32>
      %sub3A_733 = arith.subf %sub3A_732, %add3A_381 : vector<16xf32>
      %add3A_734 = arith.addf %mul3A_730, %sub3A_733 : vector<16xf32>
      %convert_element_type3A_735 = arith.sitofp %sub3A_708 : vector<16xi32> to vector<16xf32>
      %mul3A_736 = arith.constant 0.693147182 : f32
      %mul3A_737 = vector.broadcast %mul3A_736 : f32 to vector<16xf32>
      %mul3A_738 = arith.mulf %convert_element_type3A_735, %mul3A_737 : vector<16xf32>
      %add3A_739 = arith.addf %mul3A_738, %add3A_734 : vector<16xf32>
      %swap3A_740 = arith.index_cast %add3A_556 : i32 to index
      %swap3A_741 = arith.constant 48 : index
      %swap3A_742 = tpu.vector_load %arg10[%swap3A_740, %swap3A_741] {strides = array<i32>} : memref<200x128xf32, #tpu.memory_space<vmem>>, vector<1x16xf32>,
      %swap3A_743 = vector.shape_cast %swap3A_742 : vector<1x16xf32> to vector<16xf32>
      %swap3A_744 = vector.shape_cast %add3A_739 : vector<16xf32> to vector<1x16xf32>
      tpu.vector_store %arg10[%swap3A_740, %swap3A_741], %swap3A_744 {strides = array<i32>} : memref<200x128xf32, #tpu.memory_space<vmem>>, vector<1x16xf32>,
      %get3A_745 = arith.index_cast %add3A_556 : i32 to index
      %get3A_746 = arith.constant 64 : index
      %get3A_747 = tpu.vector_load %arg10[%get3A_745, %get3A_746] {strides = array<i32>} : memref<200x128xf32, #tpu.memory_space<vmem>>, vector<1x16xf32>,
      %get3A_748 = vector.shape_cast %get3A_747 : vector<1x16xf32> to vector<16xf32>
      %bitcast_convert_type3A_749 = tpu.bitcast %get3A_748 : vector<16xf32> -> vector<16xi32>
      %shift_right_arithmetic3A_750 = arith.constant 23 : i32
      %shift_right_arithmetic3A_751 = vector.broadcast %shift_right_arithmetic3A_750 : i32 to vector<16xi32>
      %shift_right_arithmetic3A_752 = arith.shrsi %bitcast_convert_type3A_749, %shift_right_arithmetic3A_751 : vector<16xi32>
      %sub3A_753 = arith.constant 127 : i32
      %sub3A_754 = vector.broadcast %sub3A_753 : i32 to vector<16xi32>
      %sub3A_755 = arith.subi %shift_right_arithmetic3A_752, %sub3A_754 : vector<16xi32>
      %and3A_756 = arith.constant 8388607 : i32
      %and3A_757 = vector.broadcast %and3A_756 : i32 to vector<16xi32>
      %and3A_758 = arith.andi %bitcast_convert_type3A_749, %and3A_757 : vector<16xi32>
      %or3A_759 = arith.constant 1065353216 : i32
      %or3A_760 = vector.broadcast %or3A_759 : i32 to vector<16xi32>
      %or3A_761 = arith.ori %and3A_758, %or3A_760 : vector<16xi32>
      %bitcast_convert_type3A_762 = tpu.bitcast %or3A_761 : vector<16xi32> -> vector<16xf32>
      %mul3A_763 = arith.constant -0.0554598682 : f32
      %mul3A_764 = vector.broadcast %mul3A_763 : f32 to vector<16xf32>
      %mul3A_765 = arith.mulf %mul3A_764, %bitcast_convert_type3A_762 : vector<16xf32>
      %add3A_766 = arith.constant 0.440507054 : f32
      %add3A_767 = vector.broadcast %add3A_766 : f32 to vector<16xf32>
      %add3A_768 = arith.addf %mul3A_765, %add3A_767 : vector<16xf32>
      %mul3A_769 = arith.mulf %add3A_768, %bitcast_convert_type3A_762 : vector<16xf32>
      %add3A_770 = arith.constant -1.45520651 : f32
      %add3A_771 = vector.broadcast %add3A_770 : f32 to vector<16xf32>
      %add3A_772 = arith.addf %mul3A_769, %add3A_771 : vector<16xf32>
      %mul3A_773 = arith.mulf %add3A_772, %bitcast_convert_type3A_762 : vector<16xf32>
      %add3A_774 = arith.constant 2.8069942 : f32
      %add3A_775 = vector.broadcast %add3A_774 : f32 to vector<16xf32>
      %add3A_776 = arith.addf %mul3A_773, %add3A_775 : vector<16xf32>
      %mul3A_777 = arith.mulf %add3A_776, %bitcast_convert_type3A_762 : vector<16xf32>
      %sub3A_778 = arith.constant -1.73676538 : f32
      %sub3A_779 = vector.broadcast %sub3A_778 : f32 to vector<16xf32>
      %sub3A_780 = arith.subf %sub3A_779, %add3A_381 : vector<16xf32>
      %add3A_781 = arith.addf %mul3A_777, %sub3A_780 : vector<16xf32>
      %convert_element_type3A_782 = arith.sitofp %sub3A_755 : vector<16xi32> to vector<16xf32>
      %mul3A_783 = arith.constant 0.693147182 : f32
      %mul3A_784 = vector.broadcast %mul3A_783 : f32 to vector<16xf32>
      %mul3A_785 = arith.mulf %convert_element_type3A_782, %mul3A_784 : vector<16xf32>
      %add3A_786 = arith.addf %mul3A_785, %add3A_781 : vector<16xf32>
      %swap3A_787 = arith.index_cast %add3A_556 : i32 to index
      %swap3A_788 = arith.constant 64 : index
      %swap3A_789 = tpu.vector_load %arg10[%swap3A_787, %swap3A_788] {strides = array<i32>} : memref<200x128xf32, #tpu.memory_space<vmem>>, vector<1x16xf32>,
      %swap3A_790 = vector.shape_cast %swap3A_789 : vector<1x16xf32> to vector<16xf32>
      %swap3A_791 = vector.shape_cast %add3A_786 : vector<16xf32> to vector<1x16xf32>
      tpu.vector_store %arg10[%swap3A_787, %swap3A_788], %swap3A_791 {strides = array<i32>} : memref<200x128xf32, #tpu.memory_space<vmem>>, vector<1x16xf32>,
      %get3A_792 = arith.index_cast %add3A_556 : i32 to index
      %get3A_793 = arith.constant 80 : index
      %get3A_794 = tpu.vector_load %arg10[%get3A_792, %get3A_793] {strides = array<i32>} : memref<200x128xf32, #tpu.memory_space<vmem>>, vector<1x16xf32>,
      %get3A_795 = vector.shape_cast %get3A_794 : vector<1x16xf32> to vector<16xf32>
      %bitcast_convert_type3A_796 = tpu.bitcast %get3A_795 : vector<16xf32> -> vector<16xi32>
      %shift_right_arithmetic3A_797 = arith.constant 23 : i32
      %shift_right_arithmetic3A_798 = vector.broadcast %shift_right_arithmetic3A_797 : i32 to vector<16xi32>
      %shift_right_arithmetic3A_799 = arith.shrsi %bitcast_convert_type3A_796, %shift_right_arithmetic3A_798 : vector<16xi32>
      %sub3A_800 = arith.constant 127 : i32
      %sub3A_801 = vector.broadcast %sub3A_800 : i32 to vector<16xi32>
      %sub3A_802 = arith.subi %shift_right_arithmetic3A_799, %sub3A_801 : vector<16xi32>
      %and3A_803 = arith.constant 8388607 : i32
      %and3A_804 = vector.broadcast %and3A_803 : i32 to vector<16xi32>
      %and3A_805 = arith.andi %bitcast_convert_type3A_796, %and3A_804 : vector<16xi32>
      %or3A_806 = arith.constant 1065353216 : i32
      %or3A_807 = vector.broadcast %or3A_806 : i32 to vector<16xi32>
      %or3A_808 = arith.ori %and3A_805, %or3A_807 : vector<16xi32>
      %bitcast_convert_type3A_809 = tpu.bitcast %or3A_808 : vector<16xi32> -> vector<16xf32>
      %mul3A_810 = arith.constant -0.0554598682 : f32
      %mul3A_811 = vector.broadcast %mul3A_810 : f32 to vector<16xf32>
      %mul3A_812 = arith.mulf %mul3A_811, %bitcast_convert_type3A_809 : vector<16xf32>
      %add3A_813 = arith.constant 0.440507054 : f32
      %add3A_814 = vector.broadcast %add3A_813 : f32 to vector<16xf32>
      %add3A_815 = arith.addf %mul3A_812, %add3A_814 : vector<16xf32>
      %mul3A_816 = arith.mulf %add3A_815, %bitcast_convert_type3A_809 : vector<16xf32>
      %add3A_817 = arith.constant -1.45520651 : f32
      %add3A_818 = vector.broadcast %add3A_817 : f32 to vector<16xf32>
      %add3A_819 = arith.addf %mul3A_816, %add3A_818 : vector<16xf32>
      %mul3A_820 = arith.mulf %add3A_819, %bitcast_convert_type3A_809 : vector<16xf32>
      %add3A_821 = arith.constant 2.8069942 : f32
      %add3A_822 = vector.broadcast %add3A_821 : f32 to vector<16xf32>
      %add3A_823 = arith.addf %mul3A_820, %add3A_822 : vector<16xf32>
      %mul3A_824 = arith.mulf %add3A_823, %bitcast_convert_type3A_809 : vector<16xf32>
      %sub3A_825 = arith.constant -1.73676538 : f32
      %sub3A_826 = vector.broadcast %sub3A_825 : f32 to vector<16xf32>
      %sub3A_827 = arith.subf %sub3A_826, %add3A_381 : vector<16xf32>
      %add3A_828 = arith.addf %mul3A_824, %sub3A_827 : vector<16xf32>
      %convert_element_type3A_829 = arith.sitofp %sub3A_802 : vector<16xi32> to vector<16xf32>
      %mul3A_830 = arith.constant 0.693147182 : f32
      %mul3A_831 = vector.broadcast %mul3A_830 : f32 to vector<16xf32>
      %mul3A_832 = arith.mulf %convert_element_type3A_829, %mul3A_831 : vector<16xf32>
      %add3A_833 = arith.addf %mul3A_832, %add3A_828 : vector<16xf32>
      %swap3A_834 = arith.index_cast %add3A_556 : i32 to index
      %swap3A_835 = arith.constant 80 : index
      %swap3A_836 = tpu.vector_load %arg10[%swap3A_834, %swap3A_835] {strides = array<i32>} : memref<200x128xf32, #tpu.memory_space<vmem>>, vector<1x16xf32>,
      %swap3A_837 = vector.shape_cast %swap3A_836 : vector<1x16xf32> to vector<16xf32>
      %swap3A_838 = vector.shape_cast %add3A_833 : vector<16xf32> to vector<1x16xf32>
      tpu.vector_store %arg10[%swap3A_834, %swap3A_835], %swap3A_838 {strides = array<i32>} : memref<200x128xf32, #tpu.memory_space<vmem>>, vector<1x16xf32>,
      %get3A_839 = arith.index_cast %add3A_556 : i32 to index
      %get3A_840 = arith.constant 96 : index
      %get3A_841 = tpu.vector_load %arg10[%get3A_839, %get3A_840] {strides = array<i32>} : memref<200x128xf32, #tpu.memory_space<vmem>>, vector<1x16xf32>,
      %get3A_842 = vector.shape_cast %get3A_841 : vector<1x16xf32> to vector<16xf32>
      %bitcast_convert_type3A_843 = tpu.bitcast %get3A_842 : vector<16xf32> -> vector<16xi32>
      %shift_right_arithmetic3A_844 = arith.constant 23 : i32
      %shift_right_arithmetic3A_845 = vector.broadcast %shift_right_arithmetic3A_844 : i32 to vector<16xi32>
      %shift_right_arithmetic3A_846 = arith.shrsi %bitcast_convert_type3A_843, %shift_right_arithmetic3A_845 : vector<16xi32>
      %sub3A_847 = arith.constant 127 : i32
      %sub3A_848 = vector.broadcast %sub3A_847 : i32 to vector<16xi32>
      %sub3A_849 = arith.subi %shift_right_arithmetic3A_846, %sub3A_848 : vector<16xi32>
      %and3A_850 = arith.constant 8388607 : i32
      %and3A_851 = vector.broadcast %and3A_850 : i32 to vector<16xi32>
      %and3A_852 = arith.andi %bitcast_convert_type3A_843, %and3A_851 : vector<16xi32>
      %or3A_853 = arith.constant 1065353216 : i32
      %or3A_854 = vector.broadcast %or3A_853 : i32 to vector<16xi32>
      %or3A_855 = arith.ori %and3A_852, %or3A_854 : vector<16xi32>
      %bitcast_convert_type3A_856 = tpu.bitcast %or3A_855 : vector<16xi32> -> vector<16xf32>
      %mul3A_857 = arith.constant -0.0554598682 : f32
      %mul3A_858 = vector.broadcast %mul3A_857 : f32 to vector<16xf32>
      %mul3A_859 = arith.mulf %mul3A_858, %bitcast_convert_type3A_856 : vector<16xf32>
      %add3A_860 = arith.constant 0.440507054 : f32
      %add3A_861 = vector.broadcast %add3A_860 : f32 to vector<16xf32>
      %add3A_862 = arith.addf %mul3A_859, %add3A_861 : vector<16xf32>
      %mul3A_863 = arith.mulf %add3A_862, %bitcast_convert_type3A_856 : vector<16xf32>
      %add3A_864 = arith.constant -1.45520651 : f32
      %add3A_865 = vector.broadcast %add3A_864 : f32 to vector<16xf32>
      %add3A_866 = arith.addf %mul3A_863, %add3A_865 : vector<16xf32>
      %mul3A_867 = arith.mulf %add3A_866, %bitcast_convert_type3A_856 : vector<16xf32>
      %add3A_868 = arith.constant 2.8069942 : f32
      %add3A_869 = vector.broadcast %add3A_868 : f32 to vector<16xf32>
      %add3A_870 = arith.addf %mul3A_867, %add3A_869 : vector<16xf32>
      %mul3A_871 = arith.mulf %add3A_870, %bitcast_convert_type3A_856 : vector<16xf32>
      %sub3A_872 = arith.constant -1.73676538 : f32
      %sub3A_873 = vector.broadcast %sub3A_872 : f32 to vector<16xf32>
      %sub3A_874 = arith.subf %sub3A_873, %add3A_381 : vector<16xf32>
      %add3A_875 = arith.addf %mul3A_871, %sub3A_874 : vector<16xf32>
      %convert_element_type3A_876 = arith.sitofp %sub3A_849 : vector<16xi32> to vector<16xf32>
      %mul3A_877 = arith.constant 0.693147182 : f32
      %mul3A_878 = vector.broadcast %mul3A_877 : f32 to vector<16xf32>
      %mul3A_879 = arith.mulf %convert_element_type3A_876, %mul3A_878 : vector<16xf32>
      %add3A_880 = arith.addf %mul3A_879, %add3A_875 : vector<16xf32>
      %swap3A_881 = arith.index_cast %add3A_556 : i32 to index
      %swap3A_882 = arith.constant 96 : index
      %swap3A_883 = tpu.vector_load %arg10[%swap3A_881, %swap3A_882] {strides = array<i32>} : memref<200x128xf32, #tpu.memory_space<vmem>>, vector<1x16xf32>,
      %swap3A_884 = vector.shape_cast %swap3A_883 : vector<1x16xf32> to vector<16xf32>
      %swap3A_885 = vector.shape_cast %add3A_880 : vector<16xf32> to vector<1x16xf32>
      tpu.vector_store %arg10[%swap3A_881, %swap3A_882], %swap3A_885 {strides = array<i32>} : memref<200x128xf32, #tpu.memory_space<vmem>>, vector<1x16xf32>,
      %get3A_886 = arith.index_cast %add3A_556 : i32 to index
      %get3A_887 = arith.constant 112 : index
      %get3A_888 = tpu.vector_load %arg10[%get3A_886, %get3A_887] {strides = array<i32>} : memref<200x128xf32, #tpu.memory_space<vmem>>, vector<1x16xf32>,
      %get3A_889 = vector.shape_cast %get3A_888 : vector<1x16xf32> to vector<16xf32>
      %bitcast_convert_type3A_890 = tpu.bitcast %get3A_889 : vector<16xf32> -> vector<16xi32>
      %shift_right_arithmetic3A_891 = arith.constant 23 : i32
      %shift_right_arithmetic3A_892 = vector.broadcast %shift_right_arithmetic3A_891 : i32 to vector<16xi32>
      %shift_right_arithmetic3A_893 = arith.shrsi %bitcast_convert_type3A_890, %shift_right_arithmetic3A_892 : vector<16xi32>
      %sub3A_894 = arith.constant 127 : i32
      %sub3A_895 = vector.broadcast %sub3A_894 : i32 to vector<16xi32>
      %sub3A_896 = arith.subi %shift_right_arithmetic3A_893, %sub3A_895 : vector<16xi32>
      %and3A_897 = arith.constant 8388607 : i32
      %and3A_898 = vector.broadcast %and3A_897 : i32 to vector<16xi32>
      %and3A_899 = arith.andi %bitcast_convert_type3A_890, %and3A_898 : vector<16xi32>
      %or3A_900 = arith.constant 1065353216 : i32
      %or3A_901 = vector.broadcast %or3A_900 : i32 to vector<16xi32>
      %or3A_902 = arith.ori %and3A_899, %or3A_901 : vector<16xi32>
      %bitcast_convert_type3A_903 = tpu.bitcast %or3A_902 : vector<16xi32> -> vector<16xf32>
      %mul3A_904 = arith.constant -0.0554598682 : f32
      %mul3A_905 = vector.broadcast %mul3A_904 : f32 to vector<16xf32>
      %mul3A_906 = arith.mulf %mul3A_905, %bitcast_convert_type3A_903 : vector<16xf32>
      %add3A_907 = arith.constant 0.440507054 : f32
      %add3A_908 = vector.broadcast %add3A_907 : f32 to vector<16xf32>
      %add3A_909 = arith.addf %mul3A_906, %add3A_908 : vector<16xf32>
      %mul3A_910 = arith.mulf %add3A_909, %bitcast_convert_type3A_903 : vector<16xf32>
      %add3A_911 = arith.constant -1.45520651 : f32
      %add3A_912 = vector.broadcast %add3A_911 : f32 to vector<16xf32>
      %add3A_913 = arith.addf %mul3A_910, %add3A_912 : vector<16xf32>
      %mul3A_914 = arith.mulf %add3A_913, %bitcast_convert_type3A_903 : vector<16xf32>
      %add3A_915 = arith.constant 2.8069942 : f32
      %add3A_916 = vector.broadcast %add3A_915 : f32 to vector<16xf32>
      %add3A_917 = arith.addf %mul3A_914, %add3A_916 : vector<16xf32>
      %mul3A_918 = arith.mulf %add3A_917, %bitcast_convert_type3A_903 : vector<16xf32>
      %sub3A_919 = arith.constant -1.73676538 : f32
      %sub3A_920 = vector.broadcast %sub3A_919 : f32 to vector<16xf32>
      %sub3A_921 = arith.subf %sub3A_920, %add3A_381 : vector<16xf32>
      %add3A_922 = arith.addf %mul3A_918, %sub3A_921 : vector<16xf32>
      %convert_element_type3A_923 = arith.sitofp %sub3A_896 : vector<16xi32> to vector<16xf32>
      %mul3A_924 = arith.constant 0.693147182 : f32
      %mul3A_925 = vector.broadcast %mul3A_924 : f32 to vector<16xf32>
      %mul3A_926 = arith.mulf %convert_element_type3A_923, %mul3A_925 : vector<16xf32>
      %add3A_927 = arith.addf %mul3A_926, %add3A_922 : vector<16xf32>
      %swap3A_928 = arith.index_cast %add3A_556 : i32 to index
      %swap3A_929 = arith.constant 112 : index
      %swap3A_930 = tpu.vector_load %arg10[%swap3A_928, %swap3A_929] {strides = array<i32>} : memref<200x128xf32, #tpu.memory_space<vmem>>, vector<1x16xf32>,
      %swap3A_931 = vector.shape_cast %swap3A_930 : vector<1x16xf32> to vector<16xf32>
      %swap3A_932 = vector.shape_cast %add3A_927 : vector<16xf32> to vector<1x16xf32>
      tpu.vector_store %arg10[%swap3A_928, %swap3A_929], %swap3A_932 {strides = array<i32>} : memref<200x128xf32, #tpu.memory_space<vmem>>, vector<1x16xf32>,
    }
    %scan3A_507 = arith.constant 40 : i32
    %add3A_508 = arith.constant 120 : i32
    %add3A_509 = arith.addi %mul3A_2, %add3A_508 : i32
    %dma_start3A_510 = arith.constant 120 : i32
    %dma_start3A_511 = arith.constant 0 : i32
    %dma_start3A_512 = tpu.memref_slice %arg10[%dma_start3A_510, %dma_start3A_511] : memref<200x128xf32, #tpu.memory_space<vmem>> -> memref<40x128xf32, #tpu.memory_space<vmem>>
    %dma_start3A_513 = arith.constant 0 : i32
    %dma_start3A_514 = tpu.memref_slice %arg4[%add3A_509, %dma_start3A_513] : memref<6400x128xf32, #tpu.memory_space<hbm>> -> memref<40x128xf32, #tpu.memory_space<hbm>>
    %dma_start3A_515 = arith.constant 0 : i32
    %dma_start3A_516 = tpu.memref_slice %arg4[%add3A_509, %dma_start3A_515] : memref<6400x128xf32, #tpu.memory_space<hbm>> -> memref<40x128xf32, #tpu.memory_space<hbm>>
    %dma_start3A_517 = arith.constant 120 : i32
    %dma_start3A_518 = arith.constant 0 : i32
    %dma_start3A_519 = tpu.memref_slice %arg10[%dma_start3A_517, %dma_start3A_518] : memref<200x128xf32, #tpu.memory_space<vmem>> -> memref<40x128xf32, #tpu.memory_space<vmem>>
    tpu.enqueue_dma source(%dma_start3A_519 : memref<40x128xf32, #tpu.memory_space<vmem>>) target(%dma_start3A_516 : memref<40x128xf32, #tpu.memory_space<hbm>>) target_semaphore(%arg19 : memref<!tpu.dma_semaphore, #tpu.memory_space<semaphore_mem>>)
    %add3A_520 = arith.constant 160 : i32
    %add3A_521 = arith.addi %mul3A_2, %add3A_520 : i32
    %dma_wait3A_522 = arith.constant 160 : i32
    %dma_wait3A_523 = arith.constant 0 : i32
    %dma_wait3A_524 = tpu.memref_slice %arg10[%dma_wait3A_522, %dma_wait3A_523] : memref<200x128xf32, #tpu.memory_space<vmem>> -> memref<40x128xf32, #tpu.memory_space<vmem>>
    %dma_wait3A_525 = arith.constant 0 : i32
    %dma_wait3A_526 = tpu.memref_slice %arg4[%add3A_521, %dma_wait3A_525] : memref<6400x128xf32, #tpu.memory_space<hbm>> -> memref<40x128xf32, #tpu.memory_space<hbm>>
    %dma_wait3A_527 = arith.constant 160 : i32
    %dma_wait3A_528 = arith.constant 0 : i32
    %dma_wait3A_529 = tpu.memref_slice %arg10[%dma_wait3A_527, %dma_wait3A_528] : memref<200x128xf32, #tpu.memory_space<vmem>> -> memref<40x128xf32, #tpu.memory_space<vmem>>
    %dma_wait3A_530 = arith.constant 0 : i32
    %dma_wait3A_531 = tpu.memref_slice %arg4[%add3A_521, %dma_wait3A_530] : memref<6400x128xf32, #tpu.memory_space<hbm>> -> memref<40x128xf32, #tpu.memory_space<hbm>>
    tpu.wait_dma2 semaphore(%arg17 : memref<!tpu.dma_semaphore, #tpu.memory_space<semaphore_mem>>) src(%dma_wait3A_531 : memref<40x128xf32, #tpu.memory_space<hbm>>) dst(%dma_wait3A_529 : memref<40x128xf32, #tpu.memory_space<vmem>>)
    %scan3A_532 = arith.constant 0 : i32
    %scan3A_533 = arith.constant 0 : i32
    %scan3A_534 = arith.constant 40 : i32
    %scan3A_535 = arith.addi %scan3A_533, %scan3A_534 : i32
    %scan3A_536 = arith.constant 1 : i32
    scf.for %scan3A_554 = %scan3A_533 to %scan3A_535 step %scan3A_536  : i32 {
      %add3A_555 = arith.constant 160 : i32
      %add3A_556 = arith.addi %add3A_555, %scan3A_554 : i32
      %get3A_557 = arith.index_cast %add3A_556 : i32 to index
      %get3A_558 = arith.constant 0 : index
      %get3A_559 = tpu.vector_load %arg10[%get3A_557, %get3A_558] {strides = array<i32>} : memref<200x128xf32, #tpu.memory_space<vmem>>, vector<1x16xf32>,
      %get3A_560 = vector.shape_cast %get3A_559 : vector<1x16xf32> to vector<16xf32>
      %bitcast_convert_type3A_561 = tpu.bitcast %get3A_560 : vector<16xf32> -> vector<16xi32>
      %shift_right_arithmetic3A_562 = arith.constant 23 : i32
      %shift_right_arithmetic3A_563 = vector.broadcast %shift_right_arithmetic3A_562 : i32 to vector<16xi32>
      %shift_right_arithmetic3A_564 = arith.shrsi %bitcast_convert_type3A_561, %shift_right_arithmetic3A_563 : vector<16xi32>
      %sub3A_565 = arith.constant 127 : i32
      %sub3A_566 = vector.broadcast %sub3A_565 : i32 to vector<16xi32>
      %sub3A_567 = arith.subi %shift_right_arithmetic3A_564, %sub3A_566 : vector<16xi32>
      %and3A_568 = arith.constant 8388607 : i32
      %and3A_569 = vector.broadcast %and3A_568 : i32 to vector<16xi32>
      %and3A_570 = arith.andi %bitcast_convert_type3A_561, %and3A_569 : vector<16xi32>
      %or3A_571 = arith.constant 1065353216 : i32
      %or3A_572 = vector.broadcast %or3A_571 : i32 to vector<16xi32>
      %or3A_573 = arith.ori %and3A_570, %or3A_572 : vector<16xi32>
      %bitcast_convert_type3A_574 = tpu.bitcast %or3A_573 : vector<16xi32> -> vector<16xf32>
      %mul3A_575 = arith.constant -0.0554598682 : f32
      %mul3A_576 = vector.broadcast %mul3A_575 : f32 to vector<16xf32>
      %mul3A_577 = arith.mulf %mul3A_576, %bitcast_convert_type3A_574 : vector<16xf32>
      %add3A_578 = arith.constant 0.440507054 : f32
      %add3A_579 = vector.broadcast %add3A_578 : f32 to vector<16xf32>
      %add3A_580 = arith.addf %mul3A_577, %add3A_579 : vector<16xf32>
      %mul3A_581 = arith.mulf %add3A_580, %bitcast_convert_type3A_574 : vector<16xf32>
      %add3A_582 = arith.constant -1.45520651 : f32
      %add3A_583 = vector.broadcast %add3A_582 : f32 to vector<16xf32>
      %add3A_584 = arith.addf %mul3A_581, %add3A_583 : vector<16xf32>
      %mul3A_585 = arith.mulf %add3A_584, %bitcast_convert_type3A_574 : vector<16xf32>
      %add3A_586 = arith.constant 2.8069942 : f32
      %add3A_587 = vector.broadcast %add3A_586 : f32 to vector<16xf32>
      %add3A_588 = arith.addf %mul3A_585, %add3A_587 : vector<16xf32>
      %mul3A_589 = arith.mulf %add3A_588, %bitcast_convert_type3A_574 : vector<16xf32>
      %sub3A_590 = arith.constant -1.73676538 : f32
      %sub3A_591 = vector.broadcast %sub3A_590 : f32 to vector<16xf32>
      %sub3A_592 = arith.subf %sub3A_591, %add3A_381 : vector<16xf32>
      %add3A_593 = arith.addf %mul3A_589, %sub3A_592 : vector<16xf32>
      %convert_element_type3A_594 = arith.sitofp %sub3A_567 : vector<16xi32> to vector<16xf32>
      %mul3A_595 = arith.constant 0.693147182 : f32
      %mul3A_596 = vector.broadcast %mul3A_595 : f32 to vector<16xf32>
      %mul3A_597 = arith.mulf %convert_element_type3A_594, %mul3A_596 : vector<16xf32>
      %add3A_598 = arith.addf %mul3A_597, %add3A_593 : vector<16xf32>
      %swap3A_599 = arith.index_cast %add3A_556 : i32 to index
      %swap3A_600 = arith.constant 0 : index
      %swap3A_601 = tpu.vector_load %arg10[%swap3A_599, %swap3A_600] {strides = array<i32>} : memref<200x128xf32, #tpu.memory_space<vmem>>, vector<1x16xf32>,
      %swap3A_602 = vector.shape_cast %swap3A_601 : vector<1x16xf32> to vector<16xf32>
      %swap3A_603 = vector.shape_cast %add3A_598 : vector<16xf32> to vector<1x16xf32>
      tpu.vector_store %arg10[%swap3A_599, %swap3A_600], %swap3A_603 {strides = array<i32>} : memref<200x128xf32, #tpu.memory_space<vmem>>, vector<1x16xf32>,
      %get3A_604 = arith.index_cast %add3A_556 : i32 to index
      %get3A_605 = arith.constant 16 : index
      %get3A_606 = tpu.vector_load %arg10[%get3A_604, %get3A_605] {strides = array<i32>} : memref<200x128xf32, #tpu.memory_space<vmem>>, vector<1x16xf32>,
      %get3A_607 = vector.shape_cast %get3A_606 : vector<1x16xf32> to vector<16xf32>
      %bitcast_convert_type3A_608 = tpu.bitcast %get3A_607 : vector<16xf32> -> vector<16xi32>
      %shift_right_arithmetic3A_609 = arith.constant 23 : i32
      %shift_right_arithmetic3A_610 = vector.broadcast %shift_right_arithmetic3A_609 : i32 to vector<16xi32>
      %shift_right_arithmetic3A_611 = arith.shrsi %bitcast_convert_type3A_608, %shift_right_arithmetic3A_610 : vector<16xi32>
      %sub3A_612 = arith.constant 127 : i32
      %sub3A_613 = vector.broadcast %sub3A_612 : i32 to vector<16xi32>
      %sub3A_614 = arith.subi %shift_right_arithmetic3A_611, %sub3A_613 : vector<16xi32>
      %and3A_615 = arith.constant 8388607 : i32
      %and3A_616 = vector.broadcast %and3A_615 : i32 to vector<16xi32>
      %and3A_617 = arith.andi %bitcast_convert_type3A_608, %and3A_616 : vector<16xi32>
      %or3A_618 = arith.constant 1065353216 : i32
      %or3A_619 = vector.broadcast %or3A_618 : i32 to vector<16xi32>
      %or3A_620 = arith.ori %and3A_617, %or3A_619 : vector<16xi32>
      %bitcast_convert_type3A_621 = tpu.bitcast %or3A_620 : vector<16xi32> -> vector<16xf32>
      %mul3A_622 = arith.constant -0.0554598682 : f32
      %mul3A_623 = vector.broadcast %mul3A_622 : f32 to vector<16xf32>
      %mul3A_624 = arith.mulf %mul3A_623, %bitcast_convert_type3A_621 : vector<16xf32>
      %add3A_625 = arith.constant 0.440507054 : f32
      %add3A_626 = vector.broadcast %add3A_625 : f32 to vector<16xf32>
      %add3A_627 = arith.addf %mul3A_624, %add3A_626 : vector<16xf32>
      %mul3A_628 = arith.mulf %add3A_627, %bitcast_convert_type3A_621 : vector<16xf32>
      %add3A_629 = arith.constant -1.45520651 : f32
      %add3A_630 = vector.broadcast %add3A_629 : f32 to vector<16xf32>
      %add3A_631 = arith.addf %mul3A_628, %add3A_630 : vector<16xf32>
      %mul3A_632 = arith.mulf %add3A_631, %bitcast_convert_type3A_621 : vector<16xf32>
      %add3A_633 = arith.constant 2.8069942 : f32
      %add3A_634 = vector.broadcast %add3A_633 : f32 to vector<16xf32>
      %add3A_635 = arith.addf %mul3A_632, %add3A_634 : vector<16xf32>
      %mul3A_636 = arith.mulf %add3A_635, %bitcast_convert_type3A_621 : vector<16xf32>
      %sub3A_637 = arith.constant -1.73676538 : f32
      %sub3A_638 = vector.broadcast %sub3A_637 : f32 to vector<16xf32>
      %sub3A_639 = arith.subf %sub3A_638, %add3A_381 : vector<16xf32>
      %add3A_640 = arith.addf %mul3A_636, %sub3A_639 : vector<16xf32>
      %convert_element_type3A_641 = arith.sitofp %sub3A_614 : vector<16xi32> to vector<16xf32>
      %mul3A_642 = arith.constant 0.693147182 : f32
      %mul3A_643 = vector.broadcast %mul3A_642 : f32 to vector<16xf32>
      %mul3A_644 = arith.mulf %convert_element_type3A_641, %mul3A_643 : vector<16xf32>
      %add3A_645 = arith.addf %mul3A_644, %add3A_640 : vector<16xf32>
      %swap3A_646 = arith.index_cast %add3A_556 : i32 to index
      %swap3A_647 = arith.constant 16 : index
      %swap3A_648 = tpu.vector_load %arg10[%swap3A_646, %swap3A_647] {strides = array<i32>} : memref<200x128xf32, #tpu.memory_space<vmem>>, vector<1x16xf32>,
      %swap3A_649 = vector.shape_cast %swap3A_648 : vector<1x16xf32> to vector<16xf32>
      %swap3A_650 = vector.shape_cast %add3A_645 : vector<16xf32> to vector<1x16xf32>
      tpu.vector_store %arg10[%swap3A_646, %swap3A_647], %swap3A_650 {strides = array<i32>} : memref<200x128xf32, #tpu.memory_space<vmem>>, vector<1x16xf32>,
      %get3A_651 = arith.index_cast %add3A_556 : i32 to index
      %get3A_652 = arith.constant 32 : index
      %get3A_653 = tpu.vector_load %arg10[%get3A_651, %get3A_652] {strides = array<i32>} : memref<200x128xf32, #tpu.memory_space<vmem>>, vector<1x16xf32>,
      %get3A_654 = vector.shape_cast %get3A_653 : vector<1x16xf32> to vector<16xf32>
      %bitcast_convert_type3A_655 = tpu.bitcast %get3A_654 : vector<16xf32> -> vector<16xi32>
      %shift_right_arithmetic3A_656 = arith.constant 23 : i32
      %shift_right_arithmetic3A_657 = vector.broadcast %shift_right_arithmetic3A_656 : i32 to vector<16xi32>
      %shift_right_arithmetic3A_658 = arith.shrsi %bitcast_convert_type3A_655, %shift_right_arithmetic3A_657 : vector<16xi32>
      %sub3A_659 = arith.constant 127 : i32
      %sub3A_660 = vector.broadcast %sub3A_659 : i32 to vector<16xi32>
      %sub3A_661 = arith.subi %shift_right_arithmetic3A_658, %sub3A_660 : vector<16xi32>
      %and3A_662 = arith.constant 8388607 : i32
      %and3A_663 = vector.broadcast %and3A_662 : i32 to vector<16xi32>
      %and3A_664 = arith.andi %bitcast_convert_type3A_655, %and3A_663 : vector<16xi32>
      %or3A_665 = arith.constant 1065353216 : i32
      %or3A_666 = vector.broadcast %or3A_665 : i32 to vector<16xi32>
      %or3A_667 = arith.ori %and3A_664, %or3A_666 : vector<16xi32>
      %bitcast_convert_type3A_668 = tpu.bitcast %or3A_667 : vector<16xi32> -> vector<16xf32>
      %mul3A_669 = arith.constant -0.0554598682 : f32
      %mul3A_670 = vector.broadcast %mul3A_669 : f32 to vector<16xf32>
      %mul3A_671 = arith.mulf %mul3A_670, %bitcast_convert_type3A_668 : vector<16xf32>
      %add3A_672 = arith.constant 0.440507054 : f32
      %add3A_673 = vector.broadcast %add3A_672 : f32 to vector<16xf32>
      %add3A_674 = arith.addf %mul3A_671, %add3A_673 : vector<16xf32>
      %mul3A_675 = arith.mulf %add3A_674, %bitcast_convert_type3A_668 : vector<16xf32>
      %add3A_676 = arith.constant -1.45520651 : f32
      %add3A_677 = vector.broadcast %add3A_676 : f32 to vector<16xf32>
      %add3A_678 = arith.addf %mul3A_675, %add3A_677 : vector<16xf32>
      %mul3A_679 = arith.mulf %add3A_678, %bitcast_convert_type3A_668 : vector<16xf32>
      %add3A_680 = arith.constant 2.8069942 : f32
      %add3A_681 = vector.broadcast %add3A_680 : f32 to vector<16xf32>
      %add3A_682 = arith.addf %mul3A_679, %add3A_681 : vector<16xf32>
      %mul3A_683 = arith.mulf %add3A_682, %bitcast_convert_type3A_668 : vector<16xf32>
      %sub3A_684 = arith.constant -1.73676538 : f32
      %sub3A_685 = vector.broadcast %sub3A_684 : f32 to vector<16xf32>
      %sub3A_686 = arith.subf %sub3A_685, %add3A_381 : vector<16xf32>
      %add3A_687 = arith.addf %mul3A_683, %sub3A_686 : vector<16xf32>
      %convert_element_type3A_688 = arith.sitofp %sub3A_661 : vector<16xi32> to vector<16xf32>
      %mul3A_689 = arith.constant 0.693147182 : f32
      %mul3A_690 = vector.broadcast %mul3A_689 : f32 to vector<16xf32>
      %mul3A_691 = arith.mulf %convert_element_type3A_688, %mul3A_690 : vector<16xf32>
      %add3A_692 = arith.addf %mul3A_691, %add3A_687 : vector<16xf32>
      %swap3A_693 = arith.index_cast %add3A_556 : i32 to index
      %swap3A_694 = arith.constant 32 : index
      %swap3A_695 = tpu.vector_load %arg10[%swap3A_693, %swap3A_694] {strides = array<i32>} : memref<200x128xf32, #tpu.memory_space<vmem>>, vector<1x16xf32>,
      %swap3A_696 = vector.shape_cast %swap3A_695 : vector<1x16xf32> to vector<16xf32>
      %swap3A_697 = vector.shape_cast %add3A_692 : vector<16xf32> to vector<1x16xf32>
      tpu.vector_store %arg10[%swap3A_693, %swap3A_694], %swap3A_697 {strides = array<i32>} : memref<200x128xf32, #tpu.memory_space<vmem>>, vector<1x16xf32>,
      %get3A_698 = arith.index_cast %add3A_556 : i32 to index
      %get3A_699 = arith.constant 48 : index
      %get3A_700 = tpu.vector_load %arg10[%get3A_698, %get3A_699] {strides = array<i32>} : memref<200x128xf32, #tpu.memory_space<vmem>>, vector<1x16xf32>,
      %get3A_701 = vector.shape_cast %get3A_700 : vector<1x16xf32> to vector<16xf32>
      %bitcast_convert_type3A_702 = tpu.bitcast %get3A_701 : vector<16xf32> -> vector<16xi32>
      %shift_right_arithmetic3A_703 = arith.constant 23 : i32
      %shift_right_arithmetic3A_704 = vector.broadcast %shift_right_arithmetic3A_703 : i32 to vector<16xi32>
      %shift_right_arithmetic3A_705 = arith.shrsi %bitcast_convert_type3A_702, %shift_right_arithmetic3A_704 : vector<16xi32>
      %sub3A_706 = arith.constant 127 : i32
      %sub3A_707 = vector.broadcast %sub3A_706 : i32 to vector<16xi32>
      %sub3A_708 = arith.subi %shift_right_arithmetic3A_705, %sub3A_707 : vector<16xi32>
      %and3A_709 = arith.constant 8388607 : i32
      %and3A_710 = vector.broadcast %and3A_709 : i32 to vector<16xi32>
      %and3A_711 = arith.andi %bitcast_convert_type3A_702, %and3A_710 : vector<16xi32>
      %or3A_712 = arith.constant 1065353216 : i32
      %or3A_713 = vector.broadcast %or3A_712 : i32 to vector<16xi32>
      %or3A_714 = arith.ori %and3A_711, %or3A_713 : vector<16xi32>
      %bitcast_convert_type3A_715 = tpu.bitcast %or3A_714 : vector<16xi32> -> vector<16xf32>
      %mul3A_716 = arith.constant -0.0554598682 : f32
      %mul3A_717 = vector.broadcast %mul3A_716 : f32 to vector<16xf32>
      %mul3A_718 = arith.mulf %mul3A_717, %bitcast_convert_type3A_715 : vector<16xf32>
      %add3A_719 = arith.constant 0.440507054 : f32
      %add3A_720 = vector.broadcast %add3A_719 : f32 to vector<16xf32>
      %add3A_721 = arith.addf %mul3A_718, %add3A_720 : vector<16xf32>
      %mul3A_722 = arith.mulf %add3A_721, %bitcast_convert_type3A_715 : vector<16xf32>
      %add3A_723 = arith.constant -1.45520651 : f32
      %add3A_724 = vector.broadcast %add3A_723 : f32 to vector<16xf32>
      %add3A_725 = arith.addf %mul3A_722, %add3A_724 : vector<16xf32>
      %mul3A_726 = arith.mulf %add3A_725, %bitcast_convert_type3A_715 : vector<16xf32>
      %add3A_727 = arith.constant 2.8069942 : f32
      %add3A_728 = vector.broadcast %add3A_727 : f32 to vector<16xf32>
      %add3A_729 = arith.addf %mul3A_726, %add3A_728 : vector<16xf32>
      %mul3A_730 = arith.mulf %add3A_729, %bitcast_convert_type3A_715 : vector<16xf32>
      %sub3A_731 = arith.constant -1.73676538 : f32
      %sub3A_732 = vector.broadcast %sub3A_731 : f32 to vector<16xf32>
      %sub3A_733 = arith.subf %sub3A_732, %add3A_381 : vector<16xf32>
      %add3A_734 = arith.addf %mul3A_730, %sub3A_733 : vector<16xf32>
      %convert_element_type3A_735 = arith.sitofp %sub3A_708 : vector<16xi32> to vector<16xf32>
      %mul3A_736 = arith.constant 0.693147182 : f32
      %mul3A_737 = vector.broadcast %mul3A_736 : f32 to vector<16xf32>
      %mul3A_738 = arith.mulf %convert_element_type3A_735, %mul3A_737 : vector<16xf32>
      %add3A_739 = arith.addf %mul3A_738, %add3A_734 : vector<16xf32>
      %swap3A_740 = arith.index_cast %add3A_556 : i32 to index
      %swap3A_741 = arith.constant 48 : index
      %swap3A_742 = tpu.vector_load %arg10[%swap3A_740, %swap3A_741] {strides = array<i32>} : memref<200x128xf32, #tpu.memory_space<vmem>>, vector<1x16xf32>,
      %swap3A_743 = vector.shape_cast %swap3A_742 : vector<1x16xf32> to vector<16xf32>
      %swap3A_744 = vector.shape_cast %add3A_739 : vector<16xf32> to vector<1x16xf32>
      tpu.vector_store %arg10[%swap3A_740, %swap3A_741], %swap3A_744 {strides = array<i32>} : memref<200x128xf32, #tpu.memory_space<vmem>>, vector<1x16xf32>,
      %get3A_745 = arith.index_cast %add3A_556 : i32 to index
      %get3A_746 = arith.constant 64 : index
      %get3A_747 = tpu.vector_load %arg10[%get3A_745, %get3A_746] {strides = array<i32>} : memref<200x128xf32, #tpu.memory_space<vmem>>, vector<1x16xf32>,
      %get3A_748 = vector.shape_cast %get3A_747 : vector<1x16xf32> to vector<16xf32>
      %bitcast_convert_type3A_749 = tpu.bitcast %get3A_748 : vector<16xf32> -> vector<16xi32>
      %shift_right_arithmetic3A_750 = arith.constant 23 : i32
      %shift_right_arithmetic3A_751 = vector.broadcast %shift_right_arithmetic3A_750 : i32 to vector<16xi32>
      %shift_right_arithmetic3A_752 = arith.shrsi %bitcast_convert_type3A_749, %shift_right_arithmetic3A_751 : vector<16xi32>
      %sub3A_753 = arith.constant 127 : i32
      %sub3A_754 = vector.broadcast %sub3A_753 : i32 to vector<16xi32>
      %sub3A_755 = arith.subi %shift_right_arithmetic3A_752, %sub3A_754 : vector<16xi32>
      %and3A_756 = arith.constant 8388607 : i32
      %and3A_757 = vector.broadcast %and3A_756 : i32 to vector<16xi32>
      %and3A_758 = arith.andi %bitcast_convert_type3A_749, %and3A_757 : vector<16xi32>
      %or3A_759 = arith.constant 1065353216 : i32
      %or3A_760 = vector.broadcast %or3A_759 : i32 to vector<16xi32>
      %or3A_761 = arith.ori %and3A_758, %or3A_760 : vector<16xi32>
      %bitcast_convert_type3A_762 = tpu.bitcast %or3A_761 : vector<16xi32> -> vector<16xf32>
      %mul3A_763 = arith.constant -0.0554598682 : f32
      %mul3A_764 = vector.broadcast %mul3A_763 : f32 to vector<16xf32>
      %mul3A_765 = arith.mulf %mul3A_764, %bitcast_convert_type3A_762 : vector<16xf32>
      %add3A_766 = arith.constant 0.440507054 : f32
      %add3A_767 = vector.broadcast %add3A_766 : f32 to vector<16xf32>
      %add3A_768 = arith.addf %mul3A_765, %add3A_767 : vector<16xf32>
      %mul3A_769 = arith.mulf %add3A_768, %bitcast_convert_type3A_762 : vector<16xf32>
      %add3A_770 = arith.constant -1.45520651 : f32
      %add3A_771 = vector.broadcast %add3A_770 : f32 to vector<16xf32>
      %add3A_772 = arith.addf %mul3A_769, %add3A_771 : vector<16xf32>
      %mul3A_773 = arith.mulf %add3A_772, %bitcast_convert_type3A_762 : vector<16xf32>
      %add3A_774 = arith.constant 2.8069942 : f32
      %add3A_775 = vector.broadcast %add3A_774 : f32 to vector<16xf32>
      %add3A_776 = arith.addf %mul3A_773, %add3A_775 : vector<16xf32>
      %mul3A_777 = arith.mulf %add3A_776, %bitcast_convert_type3A_762 : vector<16xf32>
      %sub3A_778 = arith.constant -1.73676538 : f32
      %sub3A_779 = vector.broadcast %sub3A_778 : f32 to vector<16xf32>
      %sub3A_780 = arith.subf %sub3A_779, %add3A_381 : vector<16xf32>
      %add3A_781 = arith.addf %mul3A_777, %sub3A_780 : vector<16xf32>
      %convert_element_type3A_782 = arith.sitofp %sub3A_755 : vector<16xi32> to vector<16xf32>
      %mul3A_783 = arith.constant 0.693147182 : f32
      %mul3A_784 = vector.broadcast %mul3A_783 : f32 to vector<16xf32>
      %mul3A_785 = arith.mulf %convert_element_type3A_782, %mul3A_784 : vector<16xf32>
      %add3A_786 = arith.addf %mul3A_785, %add3A_781 : vector<16xf32>
      %swap3A_787 = arith.index_cast %add3A_556 : i32 to index
      %swap3A_788 = arith.constant 64 : index
      %swap3A_789 = tpu.vector_load %arg10[%swap3A_787, %swap3A_788] {strides = array<i32>} : memref<200x128xf32, #tpu.memory_space<vmem>>, vector<1x16xf32>,
      %swap3A_790 = vector.shape_cast %swap3A_789 : vector<1x16xf32> to vector<16xf32>
      %swap3A_791 = vector.shape_cast %add3A_786 : vector<16xf32> to vector<1x16xf32>
      tpu.vector_store %arg10[%swap3A_787, %swap3A_788], %swap3A_791 {strides = array<i32>} : memref<200x128xf32, #tpu.memory_space<vmem>>, vector<1x16xf32>,
      %get3A_792 = arith.index_cast %add3A_556 : i32 to index
      %get3A_793 = arith.constant 80 : index
      %get3A_794 = tpu.vector_load %arg10[%get3A_792, %get3A_793] {strides = array<i32>} : memref<200x128xf32, #tpu.memory_space<vmem>>, vector<1x16xf32>,
      %get3A_795 = vector.shape_cast %get3A_794 : vector<1x16xf32> to vector<16xf32>
      %bitcast_convert_type3A_796 = tpu.bitcast %get3A_795 : vector<16xf32> -> vector<16xi32>
      %shift_right_arithmetic3A_797 = arith.constant 23 : i32
      %shift_right_arithmetic3A_798 = vector.broadcast %shift_right_arithmetic3A_797 : i32 to vector<16xi32>
      %shift_right_arithmetic3A_799 = arith.shrsi %bitcast_convert_type3A_796, %shift_right_arithmetic3A_798 : vector<16xi32>
      %sub3A_800 = arith.constant 127 : i32
      %sub3A_801 = vector.broadcast %sub3A_800 : i32 to vector<16xi32>
      %sub3A_802 = arith.subi %shift_right_arithmetic3A_799, %sub3A_801 : vector<16xi32>
      %and3A_803 = arith.constant 8388607 : i32
      %and3A_804 = vector.broadcast %and3A_803 : i32 to vector<16xi32>
      %and3A_805 = arith.andi %bitcast_convert_type3A_796, %and3A_804 : vector<16xi32>
      %or3A_806 = arith.constant 1065353216 : i32
      %or3A_807 = vector.broadcast %or3A_806 : i32 to vector<16xi32>
      %or3A_808 = arith.ori %and3A_805, %or3A_807 : vector<16xi32>
      %bitcast_convert_type3A_809 = tpu.bitcast %or3A_808 : vector<16xi32> -> vector<16xf32>
      %mul3A_810 = arith.constant -0.0554598682 : f32
      %mul3A_811 = vector.broadcast %mul3A_810 : f32 to vector<16xf32>
      %mul3A_812 = arith.mulf %mul3A_811, %bitcast_convert_type3A_809 : vector<16xf32>
      %add3A_813 = arith.constant 0.440507054 : f32
      %add3A_814 = vector.broadcast %add3A_813 : f32 to vector<16xf32>
      %add3A_815 = arith.addf %mul3A_812, %add3A_814 : vector<16xf32>
      %mul3A_816 = arith.mulf %add3A_815, %bitcast_convert_type3A_809 : vector<16xf32>
      %add3A_817 = arith.constant -1.45520651 : f32
      %add3A_818 = vector.broadcast %add3A_817 : f32 to vector<16xf32>
      %add3A_819 = arith.addf %mul3A_816, %add3A_818 : vector<16xf32>
      %mul3A_820 = arith.mulf %add3A_819, %bitcast_convert_type3A_809 : vector<16xf32>
      %add3A_821 = arith.constant 2.8069942 : f32
      %add3A_822 = vector.broadcast %add3A_821 : f32 to vector<16xf32>
      %add3A_823 = arith.addf %mul3A_820, %add3A_822 : vector<16xf32>
      %mul3A_824 = arith.mulf %add3A_823, %bitcast_convert_type3A_809 : vector<16xf32>
      %sub3A_825 = arith.constant -1.73676538 : f32
      %sub3A_826 = vector.broadcast %sub3A_825 : f32 to vector<16xf32>
      %sub3A_827 = arith.subf %sub3A_826, %add3A_381 : vector<16xf32>
      %add3A_828 = arith.addf %mul3A_824, %sub3A_827 : vector<16xf32>
      %convert_element_type3A_829 = arith.sitofp %sub3A_802 : vector<16xi32> to vector<16xf32>
      %mul3A_830 = arith.constant 0.693147182 : f32
      %mul3A_831 = vector.broadcast %mul3A_830 : f32 to vector<16xf32>
      %mul3A_832 = arith.mulf %convert_element_type3A_829, %mul3A_831 : vector<16xf32>
      %add3A_833 = arith.addf %mul3A_832, %add3A_828 : vector<16xf32>
      %swap3A_834 = arith.index_cast %add3A_556 : i32 to index
      %swap3A_835 = arith.constant 80 : index
      %swap3A_836 = tpu.vector_load %arg10[%swap3A_834, %swap3A_835] {strides = array<i32>} : memref<200x128xf32, #tpu.memory_space<vmem>>, vector<1x16xf32>,
      %swap3A_837 = vector.shape_cast %swap3A_836 : vector<1x16xf32> to vector<16xf32>
      %swap3A_838 = vector.shape_cast %add3A_833 : vector<16xf32> to vector<1x16xf32>
      tpu.vector_store %arg10[%swap3A_834, %swap3A_835], %swap3A_838 {strides = array<i32>} : memref<200x128xf32, #tpu.memory_space<vmem>>, vector<1x16xf32>,
      %get3A_839 = arith.index_cast %add3A_556 : i32 to index
      %get3A_840 = arith.constant 96 : index
      %get3A_841 = tpu.vector_load %arg10[%get3A_839, %get3A_840] {strides = array<i32>} : memref<200x128xf32, #tpu.memory_space<vmem>>, vector<1x16xf32>,
      %get3A_842 = vector.shape_cast %get3A_841 : vector<1x16xf32> to vector<16xf32>
      %bitcast_convert_type3A_843 = tpu.bitcast %get3A_842 : vector<16xf32> -> vector<16xi32>
      %shift_right_arithmetic3A_844 = arith.constant 23 : i32
      %shift_right_arithmetic3A_845 = vector.broadcast %shift_right_arithmetic3A_844 : i32 to vector<16xi32>
      %shift_right_arithmetic3A_846 = arith.shrsi %bitcast_convert_type3A_843, %shift_right_arithmetic3A_845 : vector<16xi32>
      %sub3A_847 = arith.constant 127 : i32
      %sub3A_848 = vector.broadcast %sub3A_847 : i32 to vector<16xi32>
      %sub3A_849 = arith.subi %shift_right_arithmetic3A_846, %sub3A_848 : vector<16xi32>
      %and3A_850 = arith.constant 8388607 : i32
      %and3A_851 = vector.broadcast %and3A_850 : i32 to vector<16xi32>
      %and3A_852 = arith.andi %bitcast_convert_type3A_843, %and3A_851 : vector<16xi32>
      %or3A_853 = arith.constant 1065353216 : i32
      %or3A_854 = vector.broadcast %or3A_853 : i32 to vector<16xi32>
      %or3A_855 = arith.ori %and3A_852, %or3A_854 : vector<16xi32>
      %bitcast_convert_type3A_856 = tpu.bitcast %or3A_855 : vector<16xi32> -> vector<16xf32>
      %mul3A_857 = arith.constant -0.0554598682 : f32
      %mul3A_858 = vector.broadcast %mul3A_857 : f32 to vector<16xf32>
      %mul3A_859 = arith.mulf %mul3A_858, %bitcast_convert_type3A_856 : vector<16xf32>
      %add3A_860 = arith.constant 0.440507054 : f32
      %add3A_861 = vector.broadcast %add3A_860 : f32 to vector<16xf32>
      %add3A_862 = arith.addf %mul3A_859, %add3A_861 : vector<16xf32>
      %mul3A_863 = arith.mulf %add3A_862, %bitcast_convert_type3A_856 : vector<16xf32>
      %add3A_864 = arith.constant -1.45520651 : f32
      %add3A_865 = vector.broadcast %add3A_864 : f32 to vector<16xf32>
      %add3A_866 = arith.addf %mul3A_863, %add3A_865 : vector<16xf32>
      %mul3A_867 = arith.mulf %add3A_866, %bitcast_convert_type3A_856 : vector<16xf32>
      %add3A_868 = arith.constant 2.8069942 : f32
      %add3A_869 = vector.broadcast %add3A_868 : f32 to vector<16xf32>
      %add3A_870 = arith.addf %mul3A_867, %add3A_869 : vector<16xf32>
      %mul3A_871 = arith.mulf %add3A_870, %bitcast_convert_type3A_856 : vector<16xf32>
      %sub3A_872 = arith.constant -1.73676538 : f32
      %sub3A_873 = vector.broadcast %sub3A_872 : f32 to vector<16xf32>
      %sub3A_874 = arith.subf %sub3A_873, %add3A_381 : vector<16xf32>
      %add3A_875 = arith.addf %mul3A_871, %sub3A_874 : vector<16xf32>
      %convert_element_type3A_876 = arith.sitofp %sub3A_849 : vector<16xi32> to vector<16xf32>
      %mul3A_877 = arith.constant 0.693147182 : f32
      %mul3A_878 = vector.broadcast %mul3A_877 : f32 to vector<16xf32>
      %mul3A_879 = arith.mulf %convert_element_type3A_876, %mul3A_878 : vector<16xf32>
      %add3A_880 = arith.addf %mul3A_879, %add3A_875 : vector<16xf32>
      %swap3A_881 = arith.index_cast %add3A_556 : i32 to index
      %swap3A_882 = arith.constant 96 : index
      %swap3A_883 = tpu.vector_load %arg10[%swap3A_881, %swap3A_882] {strides = array<i32>} : memref<200x128xf32, #tpu.memory_space<vmem>>, vector<1x16xf32>,
      %swap3A_884 = vector.shape_cast %swap3A_883 : vector<1x16xf32> to vector<16xf32>
      %swap3A_885 = vector.shape_cast %add3A_880 : vector<16xf32> to vector<1x16xf32>
      tpu.vector_store %arg10[%swap3A_881, %swap3A_882], %swap3A_885 {strides = array<i32>} : memref<200x128xf32, #tpu.memory_space<vmem>>, vector<1x16xf32>,
      %get3A_886 = arith.index_cast %add3A_556 : i32 to index
      %get3A_887 = arith.constant 112 : index
      %get3A_888 = tpu.vector_load %arg10[%get3A_886, %get3A_887] {strides = array<i32>} : memref<200x128xf32, #tpu.memory_space<vmem>>, vector<1x16xf32>,
      %get3A_889 = vector.shape_cast %get3A_888 : vector<1x16xf32> to vector<16xf32>
      %bitcast_convert_type3A_890 = tpu.bitcast %get3A_889 : vector<16xf32> -> vector<16xi32>
      %shift_right_arithmetic3A_891 = arith.constant 23 : i32
      %shift_right_arithmetic3A_892 = vector.broadcast %shift_right_arithmetic3A_891 : i32 to vector<16xi32>
      %shift_right_arithmetic3A_893 = arith.shrsi %bitcast_convert_type3A_890, %shift_right_arithmetic3A_892 : vector<16xi32>
      %sub3A_894 = arith.constant 127 : i32
      %sub3A_895 = vector.broadcast %sub3A_894 : i32 to vector<16xi32>
      %sub3A_896 = arith.subi %shift_right_arithmetic3A_893, %sub3A_895 : vector<16xi32>
      %and3A_897 = arith.constant 8388607 : i32
      %and3A_898 = vector.broadcast %and3A_897 : i32 to vector<16xi32>
      %and3A_899 = arith.andi %bitcast_convert_type3A_890, %and3A_898 : vector<16xi32>
      %or3A_900 = arith.constant 1065353216 : i32
      %or3A_901 = vector.broadcast %or3A_900 : i32 to vector<16xi32>
      %or3A_902 = arith.ori %and3A_899, %or3A_901 : vector<16xi32>
      %bitcast_convert_type3A_903 = tpu.bitcast %or3A_902 : vector<16xi32> -> vector<16xf32>
      %mul3A_904 = arith.constant -0.0554598682 : f32
      %mul3A_905 = vector.broadcast %mul3A_904 : f32 to vector<16xf32>
      %mul3A_906 = arith.mulf %mul3A_905, %bitcast_convert_type3A_903 : vector<16xf32>
      %add3A_907 = arith.constant 0.440507054 : f32
      %add3A_908 = vector.broadcast %add3A_907 : f32 to vector<16xf32>
      %add3A_909 = arith.addf %mul3A_906, %add3A_908 : vector<16xf32>
      %mul3A_910 = arith.mulf %add3A_909, %bitcast_convert_type3A_903 : vector<16xf32>
      %add3A_911 = arith.constant -1.45520651 : f32
      %add3A_912 = vector.broadcast %add3A_911 : f32 to vector<16xf32>
      %add3A_913 = arith.addf %mul3A_910, %add3A_912 : vector<16xf32>
      %mul3A_914 = arith.mulf %add3A_913, %bitcast_convert_type3A_903 : vector<16xf32>
      %add3A_915 = arith.constant 2.8069942 : f32
      %add3A_916 = vector.broadcast %add3A_915 : f32 to vector<16xf32>
      %add3A_917 = arith.addf %mul3A_914, %add3A_916 : vector<16xf32>
      %mul3A_918 = arith.mulf %add3A_917, %bitcast_convert_type3A_903 : vector<16xf32>
      %sub3A_919 = arith.constant -1.73676538 : f32
      %sub3A_920 = vector.broadcast %sub3A_919 : f32 to vector<16xf32>
      %sub3A_921 = arith.subf %sub3A_920, %add3A_381 : vector<16xf32>
      %add3A_922 = arith.addf %mul3A_918, %sub3A_921 : vector<16xf32>
      %convert_element_type3A_923 = arith.sitofp %sub3A_896 : vector<16xi32> to vector<16xf32>
      %mul3A_924 = arith.constant 0.693147182 : f32
      %mul3A_925 = vector.broadcast %mul3A_924 : f32 to vector<16xf32>
      %mul3A_926 = arith.mulf %convert_element_type3A_923, %mul3A_925 : vector<16xf32>
      %add3A_927 = arith.addf %mul3A_926, %add3A_922 : vector<16xf32>
      %swap3A_928 = arith.index_cast %add3A_556 : i32 to index
      %swap3A_929 = arith.constant 112 : index
      %swap3A_930 = tpu.vector_load %arg10[%swap3A_928, %swap3A_929] {strides = array<i32>} : memref<200x128xf32, #tpu.memory_space<vmem>>, vector<1x16xf32>,
      %swap3A_931 = vector.shape_cast %swap3A_930 : vector<1x16xf32> to vector<16xf32>
      %swap3A_932 = vector.shape_cast %add3A_927 : vector<16xf32> to vector<1x16xf32>
      tpu.vector_store %arg10[%swap3A_928, %swap3A_929], %swap3A_932 {strides = array<i32>} : memref<200x128xf32, #tpu.memory_space<vmem>>, vector<1x16xf32>,
    }
    %scan3A_537 = arith.constant 40 : i32
    %add3A_538 = arith.constant 160 : i32
    %add3A_539 = arith.addi %mul3A_2, %add3A_538 : i32
    %dma_start3A_540 = arith.constant 160 : i32
    %dma_start3A_541 = arith.constant 0 : i32
    %dma_start3A_542 = tpu.memref_slice %arg10[%dma_start3A_540, %dma_start3A_541] : memref<200x128xf32, #tpu.memory_space<vmem>> -> memref<40x128xf32, #tpu.memory_space<vmem>>
    %dma_start3A_543 = arith.constant 0 : i32
    %dma_start3A_544 = tpu.memref_slice %arg4[%add3A_539, %dma_start3A_543] : memref<6400x128xf32, #tpu.memory_space<hbm>> -> memref<40x128xf32, #tpu.memory_space<hbm>>
    %dma_start3A_545 = arith.constant 0 : i32
    %dma_start3A_546 = tpu.memref_slice %arg4[%add3A_539, %dma_start3A_545] : memref<6400x128xf32, #tpu.memory_space<hbm>> -> memref<40x128xf32, #tpu.memory_space<hbm>>
    %dma_start3A_547 = arith.constant 160 : i32
    %dma_start3A_548 = arith.constant 0 : i32
    %dma_start3A_549 = tpu.memref_slice %arg10[%dma_start3A_547, %dma_start3A_548] : memref<200x128xf32, #tpu.memory_space<vmem>> -> memref<40x128xf32, #tpu.memory_space<vmem>>
    tpu.enqueue_dma source(%dma_start3A_549 : memref<40x128xf32, #tpu.memory_space<vmem>>) target(%dma_start3A_546 : memref<40x128xf32, #tpu.memory_space<hbm>>) target_semaphore(%arg19 : memref<!tpu.dma_semaphore, #tpu.memory_space<semaphore_mem>>)
    %dma_wait3A_550 = arith.constant 0 : i32
    %dma_wait3A_551 = tpu.memref_slice %arg4[%mul3A_2, %dma_wait3A_550] : memref<6400x128xf32, #tpu.memory_space<hbm>> -> memref<200x128xf32, #tpu.memory_space<hbm>>
    %dma_wait3A_552 = arith.constant 0 : i32
    %dma_wait3A_553 = tpu.memref_slice %arg4[%mul3A_2, %dma_wait3A_552] : memref<6400x128xf32, #tpu.memory_space<hbm>> -> memref<200x128xf32, #tpu.memory_space<hbm>>
    tpu.wait_dma2 semaphore(%arg19 : memref<!tpu.dma_semaphore, #tpu.memory_space<semaphore_mem>>) src(%dma_wait3A_553 : memref<200x128xf32, #tpu.memory_space<hbm>>) dst(%arg10 : memref<200x128xf32, #tpu.memory_space<vmem>>)
    return
  }
}

</mosaic_0001>

<sc_bundles>
// kernel: kernel.3.cloned.1.call-start
scs
__scs_entry_jumppad:
0x0: {  	(pc) =	sbr.rel $0x88, $3  }
0x1: {  	(tag) =	ssettag $0x0;
	lr =	simm.s32 $0x1  }
0x2: {  	[smem:$0x3F9F] =	sst lr;
	_ =	strace $0xD0000000  }
0x3: {  	_ = 	snop  }
0x4: {  	_ = 	snop  }
0x5: {  	_ = 	snop  }
0x6: {  	_ = 	snop  }
0x7: {  	_ = 	snop  }
__scs_overlays_trampoline_lowered:
0x8: {  	[smem:$0x3FAE] =	sst s0  }
0x9: {  	[smem:$0x3FAF] =	sst s1  }
0xa: {  	[smem:$0x3FB0] =	sst s2  }
0xb: {  	[smem:$0x3FB1] =	sst s3  }
0xc: {  	[smem:$0x3FB2] =	sst s4  }
0xd: {  	[smem:$0x3FB3] =	sst s5  }
0xe: {  	[smem:$0x3FB4] =	sst s6  }
0xf: {  	[smem:$0x3FB5] =	sst s7  }
0x10: {  	[smem:$0x3FB6] =	sst s8  }
0x11: {  	[smem:$0x3FB7] =	sst s9;
	s0 =	simm.s32 @!p0 $0x0  }
0x12: {  	s1 =	sld [smem:$0x3F9D];
	s0 =	simm.s32 @p0 $0x1  }
0x13: {  	[smem:$0x3FB8] =	sst s0;
	s0 =	simm.s32 @!p1 $0x0  }
0x14: {  	s2 =	sld [smem:$0x3F9C];
	s0 =	simm.s32 @p1 $0x1  }
0x15: {  	[smem:$0x3FB9] =	sst s0;
	s0 =	simm.s32 @!p2 $0x0  }
0x16: {  	s3 =	sld [smem:$0x3FDB];
	s0 =	simm.s32 @p2 $0x1  }
0x17: {  	s4 =	simm.s32 $0x1BF5;
	[smem:$0x3FBB] =	sst s0  }
0x18: {  	s0 =	sld [smem:$0x3F9E];
	_ =	swait.ge [sflag:s4], $0x0  }
0x19: {  	s7 =	sld [smem:$0x3F9F]  }
0x1a: {  	s8 =	sadd.s32 $0xFFFFE003, lr  }
0x1b: {  	s9 =	sadd.s32 $0xFFFFFEF7, lr;
	s5 =	simm.s32 $0xFFFFFFFF;
	p2 =	slt.u32 s8, $0xFFFFF086  }
0x1c: {  	p1 =	slt.u32 s9, $0xF7A;
	s5 =	simm.s32 @!p2 $0x0  }
0x1d: {  	s5 =	simm.s32 @p1 $0x1;
	p0 =	seq.s32 s7, s2  }
0x1e: {  	s7 =	smul.u32 @!p0 $0xF7A, s2;
	p2 =	seq.s32 @!p0 s5, $0x0  }
0x1f: {  	s9 =	smul.u32 $0xF7A, s1;
	s8 =	simm.s32 @!p0 $0x1BF5;
	p2 =	por !p2, p0  }
0x20: {  	[sflag:s8] =	ssyncset.s32 @!p0 $0xFFFFF086;
	s6 =	sadd.s32 @!p0 s3, s7;
	s7 =	simm.s32 @!p0 $0x108  }
0x21: {  	s3 =	sadd.s32 s3, s9;
	s6 =	sadd.s32 @!p0 $0x88, s6;
	s7 =	simm.s32 @p2 $0x1082  }
0x22: {  	[simem:s7], [sflag:s8] =	dma.local @!p0 [hbm:s6], $0xF7A  }
0x23: {  	s9 =	sor.u32 $0xD0000000, s2;
	s6 =	simm.s32 $0x108;
	_ =	swait.ge @!p0 [sflag:s8], $0x0  }
0x24: {  	s3 =	sadd.s32 $0x88, s3;
	s6 =	simm.s32 @!p1 $0x1082;
	[sflag:s4] =	ssyncset.s32 $0xFFFFF086  }
0x25: {  	[simem:s6], [sflag:s4] =	dma.local [hbm:s3], $0xF7A  }
0x26: {  	[smem:$0x3F9F] =	sst s1;
	(tag) =	ssettag s2;
	_ =	strace s9  }
0x27: {  	s1 =	sld [smem:$0x3FAF]  }
0x28: {  	s2 =	sld [smem:$0x3FB0]  }
0x29: {  	s4 =	sld [smem:$0x3FB2]  }
0x2a: {  	p0 =	seq.s32 s5, $0x0;
	s5 =	sld [smem:$0x3FB3]  }
0x2b: {  	s6 =	sld [smem:$0x3FB4]  }
0x2c: {  	s7 =	sld [smem:$0x3FB5]  }
0x2d: {  	s3 =	simm.s32 $0x108;
	s8 =	sld [smem:$0x3FB6]  }
0x2e: {  	s3 =	simm.s32 @!p0 $0x1082;
	s9 =	sld [smem:$0x3FB7]  }
0x2f: {  	lr =	sadd.s32 s0, s3;
	s0 =	sld [smem:$0x3FAE]  }
0x30: {  	s3 =	sld [smem:$0x3FB1]  }
0x31: {  	[smem:$0x3FBA] =	sst s10  }
0x32: {  	s10 =	sld [smem:$0x3FB8];
	_ =	sdelay $0x3  }
0x33: {  	p0 =	seq.s32 s10, $0x1;
	s10 =	sld [smem:$0x3FBA];
	_ =	sdelay $0x3  }
0x34: {  	[smem:$0x3FBA] =	sst s10  }
0x35: {  	s10 =	sld [smem:$0x3FB9];
	_ =	sdelay $0x3  }
0x36: {  	p1 =	seq.s32 s10, $0x1;
	s10 =	sld [smem:$0x3FBA];
	_ =	sdelay $0x3  }
0x37: {  	[smem:$0x3FBA] =	sst s10  }
0x38: {  	s10 =	sld [smem:$0x3FBB]  }
0x39: {  	_ = 	snop;
	(pc) =	sbr.ind lr, $3  }
0x3a: {  	_ = 	snop  }
0x3b: {  	_ = 	snop  }
0x3c: {  	p2 =	seq.s32 s10, $0x1;
	s10 =	sld [smem:$0x3FBA]  }
0x3d: {  	_ =	shalt  }
0x3e: {  	_ =	shalt  }
0x3f: {  	_ =	shalt  }
0x40: {  	_ =	shalt  }
0x41: {  	_ =	shalt  }
0x42: {  	_ =	shalt  }
0x43: {  	_ =	shalt  }
0x44: {  	_ =	shalt  }
0x45: {  	_ =	shalt  }
0x46: {  	_ =	shalt  }
0x47: {  	_ =	shalt  }
0x48: {  	_ =	shalt  }
0x49: {  	_ =	shalt  }
0x4a: {  	_ =	shalt  }
0x4b: {  	_ =	shalt  }
0x4c: {  	_ =	shalt  }
0x4d: {  	_ =	shalt  }
0x4e: {  	_ =	shalt  }
0x4f: {  	_ =	shalt  }
0x50: {  	_ =	shalt  }
0x51: {  	_ =	shalt  }
0x52: {  	_ =	shalt  }
0x53: {  	_ =	shalt  }
0x54: {  	_ =	shalt  }
0x55: {  	_ =	shalt  }
0x56: {  	_ =	shalt  }
0x57: {  	_ =	shalt  }
0x58: {  	_ =	shalt  }
0x59: {  	_ =	shalt  }
0x5a: {  	_ =	shalt  }
0x5b: {  	_ =	shalt  }
0x5c: {  	_ =	shalt  }
0x5d: {  	_ =	shalt  }
0x5e: {  	_ =	shalt  }
0x5f: {  	_ =	shalt  }
0x60: {  	_ =	shalt  }
0x61: {  	_ =	shalt  }
0x62: {  	_ =	shalt  }
0x63: {  	_ =	shalt  }
0x64: {  	_ =	shalt  }
0x65: {  	_ =	shalt  }
0x66: {  	_ =	shalt  }
0x67: {  	_ =	shalt  }
0x68: {  	_ =	shalt  }
0x69: {  	_ =	shalt  }
0x6a: {  	_ =	shalt  }
0x6b: {  	_ =	shalt  }
0x6c: {  	_ =	shalt  }
0x6d: {  	_ =	shalt  }
0x6e: {  	_ =	shalt  }
0x6f: {  	_ =	shalt  }
0x70: {  	_ =	shalt  }
0x71: {  	_ =	shalt  }
0x72: {  	_ =	shalt  }
0x73: {  	_ =	shalt  }
0x74: {  	_ =	shalt  }
0x75: {  	_ =	shalt  }
0x76: {  	_ =	shalt  }
0x77: {  	_ =	shalt  }
0x78: {  	_ =	shalt  }
0x79: {  	_ =	shalt  }
0x7a: {  	_ =	shalt  }
0x7b: {  	_ =	shalt  }
0x7c: {  	_ =	shalt  }
0x7d: {  	_ =	shalt  }
0x7e: {  	_ =	shalt  }
0x7f: {  	_ =	shalt  }
0x80: {  	_ =	shalt  }
0x81: {  	_ =	shalt  }
0x82: {  	_ =	shalt  }
0x83: {  	_ =	shalt  }
0x84: {  	_ =	shalt  }
0x85: {  	_ =	shalt  }
0x86: {  	_ =	shalt  }
0x87: {  	_ =	shalt  }
.Lfunc_end0:
.L_simem_size_0:
called_computation_lowered:
.L_overlay_start_0:
0x88: {  	s2 =	sld [smem:$0x3FD9]  }
0x89: {  	s3 =	sld [smem:$0x3FFE];
	_ =	sdelay $0x1  }
0x8a: {  	s1 =	srdreg.scid  }
0x8b: {  	s0 =	sand.u32 $0x1, s1  }
0x8c: {  	s17 =	sshll.u32 s0, $0xA;
	s2 =	sadd.s32 s3, s2  }
0x8d: {  	s2 =	sadd.s32 s2, s17  }
0x8e: {  	[smem:$0x3FC6] =	sst s2  }
0x8f: {  	_ = 	snop  }
0x90: {  	s2 =	sld [smem:$0x3FD0];
	(tm) =	ssettm $0x1  }
0x91: {  	s18 =	sld [smem:$0x3FFB];
	_ =	sdelay $0x3  }
0x92: {  	_ =	strace s18  }
0x93: {  	s3 =	sld [smem:$0x3FFC];
	_ =	sdelay $0x3  }
0x94: {  	_ =	strace s3  }
0x95: {  	s3 =	sld [smem:$0x3FFD];
	_ =	sdelay $0x3  }
0x96: {  	_ =	strace s3  }
0x97: {  	_ =	strace $0x8FFFFFFF  }
0x98: {  	s19 =	sld [smem:$0x3FDB];
	_ =	sdelay $0x1  }
0x99: {  	s4 =	simm.s32 $_scs_section_size  }
0x9a: {  	s5 =	simm.s32 $_size__tile_overlayer_lowered;
	s6 =	simm.s32 $_tile_overlayer_lowered  }
0x9b: {  	s22 =	simm.s32 $0x1BFF;
	s21 =	sshll.u32 s6, $0x1;
	s3 =	sadd.s32 s4, s19  }
0x9c: {  	s7 =	simm.s32 $0x0;
	s20 =	sshll.u32 s5, $0x1;
	s5 =	sadd.s32 s21, s3  }
0x9d: {  	[timem:s7], [sflag:s22] =	dma.local [hbm:s5], s20  }
0x9e: {  	_ =	swait.ge [sflag:s22], s20  }
0x9f: {  	s4 =	ssub.s32 $0x0, s20;
	[sflag:s22] =	ssyncset.done $0x0  }
0xa0: {  	[sflag:s22] =	ssyncadd.s32 s4;
	_ =	sdelay $0x1  }
0xa1: {  	s23 =	simm.s32 $0x1B8B  }
0xa2: {  	_ =	swait.ge [sflag:s23], $0x1  }
0xa3: {  	[sflag:s23] =	ssyncset.done $0x0  }
0xa4: {  	s25 =	simm.s32 $0x1B8E;
	s24 =	sld [smem:$0x3FFE];
	[sflag:s23] =	ssyncadd.s32 $0xFFFFFFFF  }
0xa5: {  	s26 =	simm.s32 $execute0_lowered;
	[smem:$0x3FD2] =	sst s25  }
0xa6: {  	s5 =	sshll.u32 s26, $0x1;
	_ =	strace $0x80000046;
	[dreg:$0x1] =	wrdreg $0xFFFFFFFF  }
0xa7: {  	s28 =	simm.s32 $_size_execute0_lowered;
	s3 =	sadd.s32 s3, s5;
	[dreg:$0x0] =	wrdreg $0x0  }
0xa8: {  	s5 =	sshll.u32 s28, $0x1;
	[dreg:$0x2] =	wrdreg s3  }
0xa9: {  	[dreg:$0x3] =	wrdreg s5  }
0xaa: {  	[dreg:$0x4] =	wrdreg $0xC0  }
0xab: {  	_ =	task [dreg:s7], $0x5FFFF  }
0xac: {  	[dreg:$0x1] =	wrdreg $0xFFFFFFFF  }
0xad: {  	[dreg:$0x0] =	wrdreg $0x60  }
0xae: {  	[dreg:$0x2] =	wrdreg s2  }
0xaf: {  	[dreg:$0x3] =	wrdreg s24  }
0xb0: {  	[dreg:$0x4] =	wrdreg $0xF6000  }
0xb1: {  	[dreg:$0x5] =	wrdreg $0x0  }
0xb2: {  	[dreg:$0x6] =	wrdreg $0x9  }
0xb3: {  	_ =	task.clear_ibuf [dreg:s7], $0x7FFFF;
	_ =	strace $0x90000046  }
0xb4: {  	s29 =	simm.s32 $0x9;
	_ =	strace $0x80000048  }
0xb5: {  	_ =	swait.ge [sflag:s29], $0x1  }
0xb6: {  	[sflag:s29] =	ssyncadd.s32 $0xFFFFFFFF  }
0xb7: {  	_ =	strace $0x90000048  }
0xb8: {  	_ =	sfence  }
0xb9: {  	s30 =	sld [smem:$0x0];
	_ =	sdelay $0x2  }
0xba: {  	s31 =	sshll.u32 s1, $0xD;
	s1 =	sshrl.u32 s1, $0x2  }
0xbb: {  	s3 =	sand.u32 $0x4000, s31;
	s1 =	sadd.s32 s1, s30  }
0xbc: {  	s0 =	sor.u32 s3, s0;
	s1 =	sshll.u32 s1, $0x11  }
0xbd: {  	s0 =	sor.u32 s1, s0  }
0xbe: {  	s0 =	sadd.s32 $0x8F2B, s0  }
0xbf: {  	[sflag:s0] =	ssyncadd.remote.s32 $0x1  }
0xc0: {  	_ =	sfence.sel $0xFFFF  }
0xc1: {  	[dreg:$0x0] =	wrdreg $0xFFFFFFFF;
	(pc) =	sbr.abs _section_cstart, $3  }
0xc2: {  	[dreg:$0x1] =	wrdreg $0xFFFFFFFF  }
0xc3: {  	_ =	task.clear_ibuf [dreg:s7], $0x2FFFF;
	_ =	strace $0x9FFFFFFF  }
0xc4: {  	(tm) =	ssettm $0x7FFFFFFF  }
0xc5: {  	_ =	shalt  }
tec
execute0_lowered:
.L_overlay_start_1:
0x0: {  	(tag) =	ssettag $0x1  }
0x1: {  	s0 =	rddreg [dreg:$0x0]  }
0x2: {  	s1 =	rddreg [dreg:$0x1]  }
0x3: {  	s9 =	rddreg [dreg:$0x2]  }
0x4: {  	s3 =	rddreg [dreg:$0x3];
	s11 =	simm.s32 $0x0;
	s10 =	stileid.u32  }
0x5: {  	s2 =	srdreg.scid;
	s29 =	simm.s32 $0x3;
	s30 =	simm.s32 $0x4  }
0x6: {  	s31 =	simm.s32 $0x80;
	s28 =	simm.s32 $0x1;
	[smem:$0x7FF] =	sst s11  }
0x7: {  	s4 =	smul.u32 $0xF600, s10;
	s2 =	sand.u32 $0x1, s2;
	s5 =	sshll.u32 s10, $0x1  }
0x8: {  	s19 =	sshll.u32 s10, $0x6;
	s26 =	sshll.u32 s10, $0x7;
	s5 =	sor.u32 s2, s5  }
0x9: {  	_ =	strace $0x80000047;
	s2 =	ssub.s32 $0x2, s2;
	s7 =	smul.u32 $0xC80, s5  }
0xa: {  	s6 =	sshrl.u32 s4, $0x3;
	s18 =	sshrl.u32 s2, $0x1;
	s25 =	smul.u32 $0x6400, s5  }
0xb: {  	s5 =	simm.s32 $0x5;
	s8 =	sadd.s32 s6, s1;
	s1 =	sadd.s32 $0x1F200, s1  }
0xc: {  	s2 =	ssub.s32 s2, s18;
	s6 =	sadd.s32 s4, s3;
	s4 =	simm.s32 $0x8  }
0xd: {  	s0 =	sadd.s32 s0, s7;
	s20 =	sadd.s32 $0x600, s8;
	s21 =	sadd.s32 $0x1480, s6  }
0xe: {  	s22 =	sadd.s32 $0x2900, s6;
	s23 =	sadd.s32 $0x3D80, s6;
	[dreg:$0x5] =	wrdreg s0  }
0xf: {  	s24 =	sadd.s32 $0x5200, s6;
	s13 =	sadd.s32 $0x6680, s6;
	[dreg:$0x6] =	wrdreg s20  }
0x10: {  	s14 =	sadd.s32 $0x7B00, s6;
	s15 =	sadd.s32 $0x8F80, s6;
	[dreg:$0x8] =	wrdreg s21  }
0x11: {  	s16 =	sadd.s32 $0xA400, s6;
	s17 =	sadd.s32 $0xB880, s6;
	[dreg:$0x9] =	wrdreg s22  }
0x12: {  	s18 =	sadd.s32 $0xCD00, s6;
	s8 =	simm.s32 $0x7;
	[dreg:$0xa] =	wrdreg s23  }
0x13: {  	s0 =	sor.u32 $0x1C03, s19;
	[dreg:$0xb] =	wrdreg s24;
	s19 =	sadd.s32 s26, s9  }
0x14: {  	s20 =	sadd.s32 s1, s7;
	s26 =	sadd.s32 $0xE180, s6;
	s7 =	simm.s32 $0x6  }
0x15: {  	s9 =	simm.s32 $0x0;
	[dreg:$0x7] =	wrdreg s0;
	s0 =	sshrl.u32 s25, $0x3  }
0x16: {  	s25 =	smax.u32 s2, $0x1;
	s2 =	simm.s32 $0x10A90;
	s0 =	sadd.s32 s1, s0  }
0x17: {  	s1 =	simm.s32 $0x2;
	s21 =	sadd.s32 $0x280, s0;
	s22 =	sadd.s32 $0x500, s0  }
0x18: {  	s23 =	sadd.s32 $0x780, s0;
	s24 =	sadd.s32 $0xA00, s0;
	s0 =	simm.s32 $0xF610  }
.LBB2_1:
0x19: {  	s10 =	rddreg [dreg:$0x5];
	s12 =	simm.s32 $0x11F10  }
0x1a: {  	[tilespmem:s12], [sflag:$0x4] =	stream.linear.gather [hbm4b:s10+s11], $0x6400, $0x38;
	[tilespmem:$0x1EF90] =	vst v63  }
0x1b: {  	s11 =	rddreg [dreg:$0x6]  }
0x1c: {  	s10 =	sshrl.u32 s6, $0x3;
	s12 =	rddreg [dreg:$0x7]  }
0x1d: {  	[spmem:s10], [sflag:s12] =	dma.local [hbm:s11], $0x1EC0  }
0x1e: {  	_ =	swait.ge [sflag:s29], $0x1EC0  }
0x1f: {  	[sflag:s29] =	ssyncset.done $0x0  }
0x20: {  	[sflag:s29] =	ssyncadd.s32 $0xFFFFE140  }
0x21: {  	[bflag:$0x0] =	sbarrier.arrive $0xFFFF  }
0x22: {  	_ =	swait.ge [sflag:s30], $0x6400  }
0x23: {  	[sflag:s30] =	ssyncset.done $0x0  }
0x24: {  	s10 =	simm.s32 $0x0;
	[sflag:s30] =	ssyncadd.s32 $0xFFFF9C00  }
.LBB2_2:
0x25: {  	p0 =	sne.s32 s10, $0x4E00  }
.Ltmp0:
0x26: {  	_ = 	snop;
	(pc) =	sbr.rel @p0 .LBB2_2-.Ltmp0, $4  }
0x27: {  	_ = 	snop  }
0x28: {  	s11 =	sshra.s32 s10, $0x2  }
0x29: {  	s10 =	sadd.s32 $0x200, s10;
	s12 =	sadd.s32 $0x18310, s11;
	s11 =	sadd.s32 $0x11F10, s11  }
0x2a: {  	[tilespmem:s12], [sflag:$0x5] =	stream.indirect.gather [spmem:s3], $0x1, s11, s31, $0xb8;
	[tilespmem:$0x1EF90] =	vst v63  }
0x2b: {  	s10 =	simm.s32 $0x200;
	s11 =	simm.s32 $0x19710;
	s12 =	simm.s32 $0x13310  }
.LBB2_4:
0x2c: {  	[tilespmem:s11], [sflag:$0x6] =	stream.indirect.gather [spmem:s3], $0x1, s12, s31, $0xb8;
	[tilespmem:$0x1EF90] =	vst v63  }
0x2d: {  	s11 =	smov.u32 s10;
	p0 =	sne.s32 s10, $0x4E00  }
.Ltmp1:
0x2e: {  	s10 =	sadd.s32 $0x200, s10;
	(pc) =	sbr.rel @p0 .LBB2_4-.Ltmp1, $3  }
0x2f: {  	_ =	sdelay $0x1  }
0x30: {  	s12 =	sshra.s32 s11, $0x2  }
0x31: {  	s11 =	sadd.s32 $0x19710, s12;
	s12 =	sadd.s32 $0x13310, s12  }
0x32: {  	[tilespmem:s11], [sflag:$0x6] =	stream.indirect.gather [spmem:s3], $0x1, s12, s31, $0xb8;
	[tilespmem:$0x1EF90] =	vst v63  }
0x33: {  	_ = 	snop  }
0x34: {  	[tilespmem:s0], [sflag:$0x1] =	stream.linear.gather [spmem:s6], $0x1480, $0x38;
	[tilespmem:$0x1EF90] =	vst v63  }
0x35: {  	s10 =	rddreg [dreg:$0x8]  }
0x36: {  	[tilespmem:s2], [sflag:$0x2] =	stream.linear.gather [spmem:s10], $0x1480, $0x38;
	[tilespmem:$0x1EF90] =	vst v63  }
0x37: {  	_ =	swait.ge [sflag:s28], $0x1480  }
0x38: {  	[sflag:s28] =	ssyncset.done $0x0  }
0x39: {  	s10 =	simm.s32 $0x0;
	[sflag:s28] =	ssyncadd.s32 $0xFFFFEB80  }
0x3a: {  	v3 =	vld [tilespmem:s10+$0xF650]  }
0x3b: {  	v1 =	vld [tilespmem:s10+$0xF660]  }
0x3c: {  	v2 =	vld [tilespmem:s10+$0xF610]  }
0x3d: {  	v6 =	vimm.f32 $0.0e+00;
	v4 =	vld [tilespmem:s10+$0xF620]  }
0x3e: {  	s11 =	simm.s32 $0x200;
	v7 =	vimm.f32 $0.0e+00;
	v8 =	vimm.f32 $0.0e+00;
	v9 =	vimm.f32 $0.0e+00;
	v5 =	vld [tilespmem:s10+$0xF630]  }
.LBB2_6:
0x3f: {  	p0 =	sne.s32 s11, $0x5000;
	v0 =	vld [tilespmem:s10+$0xF640];
	v10 =	vmov v3  }
0x40: {  	v11 =	vld [tilespmem:s10+$0xF670];
	v12 =	vmov v1  }
0x41: {  	v13 =	vld [tilespmem:s10+$0xF680];
	s10 =	sshra.s32 s11, $0x2  }
.Ltmp2:
0x42: {  	v3 =	vld [tilespmem:s10+$0xF650];
	(pc) =	sbr.rel @p0 .LBB2_6-.Ltmp2, $4  }
0x43: {  	v6 =	vadd.f32 v2, v6;
	v7 =	vadd.f32 v4, v7;
	v1 =	vld [tilespmem:s10+$0xF660]  }
0x44: {  	v8 =	vadd.f32 v5, v8;
	v2 =	vld [tilespmem:s10+$0xF610];
	v0 =	vadd.f32 v0, v9  }
0x45: {  	v6 =	vadd.f32 v10, v6;
	v7 =	vadd.f32 v12, v7;
	v4 =	vld [tilespmem:s10+$0xF620]  }
0x46: {  	s11 =	sadd.s32 $0x200, s11;
	v8 =	vadd.f32 v11, v8;
	v5 =	vld [tilespmem:s10+$0xF630];
	v9 =	vadd.f32 v13, v0  }
0x47: {  	v10 =	vld [tilespmem:s10+$0xF640]  }
0x48: {  	v11 =	vld [tilespmem:s10+$0xF670];
	s12 =	rddreg [dreg:$0x9]  }
0x49: {  	v12 =	vld [tilespmem:s10+$0xF680];
	[tilespmem:s0], [sflag:$0x1] =	stream.linear.gather [spmem:s12], $0x1480, $0x38  }
0x4a: {  	_ =	swait.ge [sflag:s1], $0x1480  }
0x4b: {  	[sflag:s1] =	ssyncset.done $0x0  }
0x4c: {  	s10 =	simm.s32 $0x0;
	[sflag:s1] =	ssyncadd.s32 $0xFFFFEB80  }
0x4d: {  	v0 =	vld [tilespmem:s10+$0x10AD0]  }
0x4e: {  	v6 =	vadd.f32 v2, v6;
	v7 =	vadd.f32 v4, v7;
	v2 =	vld [tilespmem:s10+$0x10AE0]  }
0x4f: {  	v8 =	vadd.f32 v5, v8;
	v9 =	vadd.f32 v10, v9;
	v4 =	vld [tilespmem:s10+$0x10A90]  }
0x50: {  	v5 =	vadd.f32 v3, v6;
	v6 =	vadd.f32 v1, v7;
	v3 =	vld [tilespmem:s10+$0x10AA0]  }
0x51: {  	s11 =	simm.s32 $0x200;
	v7 =	vadd.f32 v11, v8;
	v8 =	vld [tilespmem:s10+$0x10AB0];
	v9 =	vadd.f32 v12, v9  }
.LBB2_8:
0x52: {  	p0 =	sne.s32 s11, $0x5000;
	v1 =	vld [tilespmem:s10+$0x10AC0];
	v10 =	vmov v0  }
0x53: {  	v11 =	vld [tilespmem:s10+$0x10AF0];
	v12 =	vmov v2  }
0x54: {  	v13 =	vld [tilespmem:s10+$0x10B00];
	s10 =	sshra.s32 s11, $0x2  }
.Ltmp3:
0x55: {  	v0 =	vld [tilespmem:s10+$0x10AD0];
	(pc) =	sbr.rel @p0 .LBB2_8-.Ltmp3, $4  }
0x56: {  	v5 =	vadd.f32 v4, v5;
	v6 =	vadd.f32 v3, v6;
	v2 =	vld [tilespmem:s10+$0x10AE0]  }
0x57: {  	v7 =	vadd.f32 v8, v7;
	v4 =	vld [tilespmem:s10+$0x10A90];
	v1 =	vadd.f32 v1, v9  }
0x58: {  	v5 =	vadd.f32 v10, v5;
	v6 =	vadd.f32 v12, v6;
	v3 =	vld [tilespmem:s10+$0x10AA0]  }
0x59: {  	s11 =	sadd.s32 $0x200, s11;
	v7 =	vadd.f32 v11, v7;
	v8 =	vld [tilespmem:s10+$0x10AB0];
	v9 =	vadd.f32 v13, v1  }
0x5a: {  	v10 =	vld [tilespmem:s10+$0x10AC0]  }
0x5b: {  	v11 =	vld [tilespmem:s10+$0x10AF0];
	s12 =	rddreg [dreg:$0xa]  }
0x5c: {  	v12 =	vld [tilespmem:s10+$0x10B00];
	[tilespmem:s2], [sflag:$0x2] =	stream.linear.gather [spmem:s12], $0x1480, $0x38  }
0x5d: {  	_ =	swait.ge [sflag:s28], $0x1480  }
0x5e: {  	[sflag:s28] =	ssyncset.done $0x0  }
0x5f: {  	s10 =	simm.s32 $0x0;
	[sflag:s28] =	ssyncadd.s32 $0xFFFFEB80  }
0x60: {  	v1 =	vld [tilespmem:s10+$0xF650]  }
0x61: {  	v5 =	vadd.f32 v4, v5;
	v6 =	vadd.f32 v3, v6;
	v3 =	vld [tilespmem:s10+$0xF660]  }
0x62: {  	v7 =	vadd.f32 v8, v7;
	v8 =	vadd.f32 v10, v9;
	v4 =	vld [tilespmem:s10+$0xF610]  }
0x63: {  	v5 =	vadd.f32 v0, v5;
	v6 =	vadd.f32 v2, v6;
	v2 =	vld [tilespmem:s10+$0xF620]  }
0x64: {  	s11 =	simm.s32 $0x200;
	v7 =	vadd.f32 v11, v7;
	v9 =	vadd.f32 v12, v8;
	v8 =	vld [tilespmem:s10+$0xF630]  }
.LBB2_10:
0x65: {  	p0 =	sne.s32 s11, $0x5000;
	v0 =	vld [tilespmem:s10+$0xF640];
	v10 =	vmov v1  }
0x66: {  	v11 =	vld [tilespmem:s10+$0xF670];
	v12 =	vmov v3  }
0x67: {  	v13 =	vld [tilespmem:s10+$0xF680];
	s10 =	sshra.s32 s11, $0x2  }
.Ltmp4:
0x68: {  	v1 =	vld [tilespmem:s10+$0xF650];
	(pc) =	sbr.rel @p0 .LBB2_10-.Ltmp4, $4  }
0x69: {  	v5 =	vadd.f32 v4, v5;
	v6 =	vadd.f32 v2, v6;
	v3 =	vld [tilespmem:s10+$0xF660]  }
0x6a: {  	v7 =	vadd.f32 v8, v7;
	v4 =	vld [tilespmem:s10+$0xF610];
	v0 =	vadd.f32 v0, v9  }
0x6b: {  	v5 =	vadd.f32 v10, v5;
	v6 =	vadd.f32 v12, v6;
	v2 =	vld [tilespmem:s10+$0xF620]  }
0x6c: {  	s11 =	sadd.s32 $0x200, s11;
	v7 =	vadd.f32 v11, v7;
	v8 =	vld [tilespmem:s10+$0xF630];
	v9 =	vadd.f32 v13, v0  }
0x6d: {  	v10 =	vld [tilespmem:s10+$0xF640]  }
0x6e: {  	v11 =	vld [tilespmem:s10+$0xF670];
	s12 =	rddreg [dreg:$0xb]  }
0x6f: {  	v12 =	vld [tilespmem:s10+$0xF680];
	[tilespmem:s0], [sflag:$0x1] =	stream.linear.gather [spmem:s12], $0x1480, $0x38  }
0x70: {  	_ =	swait.ge [sflag:s1], $0x1480  }
0x71: {  	[sflag:s1] =	ssyncset.done $0x0  }
0x72: {  	s10 =	simm.s32 $0x0;
	[sflag:s1] =	ssyncadd.s32 $0xFFFFEB80  }
0x73: {  	v0 =	vld [tilespmem:s10+$0x10AD0]  }
0x74: {  	v5 =	vadd.f32 v4, v5;
	v6 =	vadd.f32 v2, v6;
	v2 =	vld [tilespmem:s10+$0x10AE0]  }
0x75: {  	v7 =	vadd.f32 v8, v7;
	v8 =	vadd.f32 v10, v9;
	v4 =	vld [tilespmem:s10+$0x10A90]  }
0x76: {  	v5 =	vadd.f32 v1, v5;
	v6 =	vadd.f32 v3, v6;
	v3 =	vld [tilespmem:s10+$0x10AA0]  }
0x77: {  	s11 =	simm.s32 $0x200;
	v7 =	vadd.f32 v11, v7;
	v9 =	vadd.f32 v12, v8;
	v8 =	vld [tilespmem:s10+$0x10AB0]  }
.LBB2_12:
0x78: {  	p0 =	sne.s32 s11, $0x5000;
	v1 =	vld [tilespmem:s10+$0x10AC0];
	v10 =	vmov v0  }
0x79: {  	v11 =	vld [tilespmem:s10+$0x10AF0];
	v12 =	vmov v2  }
0x7a: {  	v13 =	vld [tilespmem:s10+$0x10B00];
	s10 =	sshra.s32 s11, $0x2  }
.Ltmp5:
0x7b: {  	v0 =	vld [tilespmem:s10+$0x10AD0];
	(pc) =	sbr.rel @p0 .LBB2_12-.Ltmp5, $4  }
0x7c: {  	v5 =	vadd.f32 v4, v5;
	v6 =	vadd.f32 v3, v6;
	v2 =	vld [tilespmem:s10+$0x10AE0]  }
0x7d: {  	v7 =	vadd.f32 v8, v7;
	v4 =	vld [tilespmem:s10+$0x10A90];
	v1 =	vadd.f32 v1, v9  }
0x7e: {  	v5 =	vadd.f32 v10, v5;
	v6 =	vadd.f32 v12, v6;
	v3 =	vld [tilespmem:s10+$0x10AA0]  }
0x7f: {  	s11 =	sadd.s32 $0x200, s11;
	v7 =	vadd.f32 v11, v7;
	v8 =	vld [tilespmem:s10+$0x10AB0];
	v9 =	vadd.f32 v13, v1  }
0x80: {  	v10 =	vld [tilespmem:s10+$0x10AC0]  }
0x81: {  	v11 =	vld [tilespmem:s10+$0x10AF0]  }
0x82: {  	v12 =	vld [tilespmem:s10+$0x10B00];
	[tilespmem:s2], [sflag:$0x2] =	stream.linear.gather [spmem:s13], $0x1480, $0x38  }
0x83: {  	_ =	swait.ge [sflag:s28], $0x1480  }
0x84: {  	[sflag:s28] =	ssyncset.done $0x0  }
0x85: {  	s10 =	simm.s32 $0x0;
	[sflag:s28] =	ssyncadd.s32 $0xFFFFEB80  }
0x86: {  	v1 =	vld [tilespmem:s10+$0xF650]  }
0x87: {  	v5 =	vadd.f32 v4, v5;
	v6 =	vadd.f32 v3, v6;
	v3 =	vld [tilespmem:s10+$0xF660]  }
0x88: {  	v7 =	vadd.f32 v8, v7;
	v4 =	vld [tilespmem:s10+$0xF610];
	v8 =	vadd.f32 v10, v9  }
0x89: {  	v5 =	vadd.f32 v0, v5;
	v6 =	vadd.f32 v2, v6;
	v2 =	vld [tilespmem:s10+$0xF620]  }
0x8a: {  	s11 =	simm.s32 $0x200;
	v7 =	vadd.f32 v11, v7;
	v9 =	vadd.f32 v12, v8;
	v8 =	vld [tilespmem:s10+$0xF630]  }
.LBB2_14:
0x8b: {  	p0 =	sne.s32 s11, $0x5000;
	v0 =	vld [tilespmem:s10+$0xF640];
	v10 =	vmov v1  }
0x8c: {  	v11 =	vld [tilespmem:s10+$0xF670];
	v12 =	vmov v3  }
0x8d: {  	v13 =	vld [tilespmem:s10+$0xF680];
	s10 =	sshra.s32 s11, $0x2  }
.Ltmp6:
0x8e: {  	v1 =	vld [tilespmem:s10+$0xF650];
	(pc) =	sbr.rel @p0 .LBB2_14-.Ltmp6, $4  }
0x8f: {  	v5 =	vadd.f32 v4, v5;
	v6 =	vadd.f32 v2, v6;
	v3 =	vld [tilespmem:s10+$0xF660]  }
0x90: {  	v7 =	vadd.f32 v8, v7;
	v4 =	vld [tilespmem:s10+$0xF610];
	v0 =	vadd.f32 v0, v9  }
0x91: {  	v5 =	vadd.f32 v10, v5;
	v6 =	vadd.f32 v12, v6;
	v2 =	vld [tilespmem:s10+$0xF620]  }
0x92: {  	s11 =	sadd.s32 $0x200, s11;
	v7 =	vadd.f32 v11, v7;
	v8 =	vld [tilespmem:s10+$0xF630];
	v9 =	vadd.f32 v13, v0  }
0x93: {  	v10 =	vld [tilespmem:s10+$0xF640]  }
0x94: {  	v11 =	vld [tilespmem:s10+$0xF670]  }
0x95: {  	v12 =	vld [tilespmem:s10+$0xF680];
	[tilespmem:s0], [sflag:$0x1] =	stream.linear.gather [spmem:s14], $0x1480, $0x38  }
0x96: {  	_ =	swait.ge [sflag:s1], $0x1480  }
0x97: {  	[sflag:s1] =	ssyncset.done $0x0  }
0x98: {  	s10 =	simm.s32 $0x0;
	[sflag:s1] =	ssyncadd.s32 $0xFFFFEB80  }
0x99: {  	v0 =	vld [tilespmem:s10+$0x10AD0]  }
0x9a: {  	v5 =	vadd.f32 v4, v5;
	v6 =	vadd.f32 v2, v6;
	v2 =	vld [tilespmem:s10+$0x10AE0]  }
0x9b: {  	v7 =	vadd.f32 v8, v7;
	v4 =	vld [tilespmem:s10+$0x10A90];
	v8 =	vadd.f32 v10, v9  }
0x9c: {  	v5 =	vadd.f32 v1, v5;
	v6 =	vadd.f32 v3, v6;
	v3 =	vld [tilespmem:s10+$0x10AA0]  }
0x9d: {  	s11 =	simm.s32 $0x200;
	v7 =	vadd.f32 v11, v7;
	v9 =	vadd.f32 v12, v8;
	v8 =	vld [tilespmem:s10+$0x10AB0]  }
.LBB2_16:
0x9e: {  	p0 =	sne.s32 s11, $0x5000;
	v1 =	vld [tilespmem:s10+$0x10AC0];
	v10 =	vmov v0  }
0x9f: {  	v11 =	vld [tilespmem:s10+$0x10AF0];
	v12 =	vmov v2  }
0xa0: {  	v13 =	vld [tilespmem:s10+$0x10B00];
	s10 =	sshra.s32 s11, $0x2  }
.Ltmp7:
0xa1: {  	v0 =	vld [tilespmem:s10+$0x10AD0];
	(pc) =	sbr.rel @p0 .LBB2_16-.Ltmp7, $4  }
0xa2: {  	v5 =	vadd.f32 v4, v5;
	v6 =	vadd.f32 v3, v6;
	v2 =	vld [tilespmem:s10+$0x10AE0]  }
0xa3: {  	v7 =	vadd.f32 v8, v7;
	v4 =	vld [tilespmem:s10+$0x10A90];
	v1 =	vadd.f32 v1, v9  }
0xa4: {  	v5 =	vadd.f32 v10, v5;
	v6 =	vadd.f32 v12, v6;
	v3 =	vld [tilespmem:s10+$0x10AA0]  }
0xa5: {  	s11 =	sadd.s32 $0x200, s11;
	v7 =	vadd.f32 v11, v7;
	v8 =	vld [tilespmem:s10+$0x10AB0];
	v9 =	vadd.f32 v13, v1  }
0xa6: {  	v10 =	vld [tilespmem:s10+$0x10AC0]  }
0xa7: {  	v11 =	vld [tilespmem:s10+$0x10AF0]  }
0xa8: {  	v12 =	vld [tilespmem:s10+$0x10B00];
	[tilespmem:s2], [sflag:$0x2] =	stream.linear.gather [spmem:s15], $0x1480, $0x38  }
0xa9: {  	_ =	swait.ge [sflag:s28], $0x1480  }
0xaa: {  	[sflag:s28] =	ssyncset.done $0x0  }
0xab: {  	s10 =	simm.s32 $0x0;
	[sflag:s28] =	ssyncadd.s32 $0xFFFFEB80  }
0xac: {  	v1 =	vld [tilespmem:s10+$0xF650]  }
0xad: {  	v5 =	vadd.f32 v4, v5;
	v6 =	vadd.f32 v3, v6;
	v3 =	vld [tilespmem:s10+$0xF660]  }
0xae: {  	v7 =	vadd.f32 v8, v7;
	v4 =	vld [tilespmem:s10+$0xF610];
	v8 =	vadd.f32 v10, v9  }
0xaf: {  	v5 =	vadd.f32 v0, v5;
	v6 =	vadd.f32 v2, v6;
	v2 =	vld [tilespmem:s10+$0xF620]  }
0xb0: {  	s11 =	simm.s32 $0x200;
	v7 =	vadd.f32 v11, v7;
	v9 =	vadd.f32 v12, v8;
	v8 =	vld [tilespmem:s10+$0xF630]  }
.LBB2_18:
0xb1: {  	p0 =	sne.s32 s11, $0x5000;
	v0 =	vld [tilespmem:s10+$0xF640];
	v10 =	vmov v1  }
0xb2: {  	v11 =	vld [tilespmem:s10+$0xF670];
	v12 =	vmov v3  }
0xb3: {  	v13 =	vld [tilespmem:s10+$0xF680];
	s10 =	sshra.s32 s11, $0x2  }
.Ltmp8:
0xb4: {  	v1 =	vld [tilespmem:s10+$0xF650];
	(pc) =	sbr.rel @p0 .LBB2_18-.Ltmp8, $4  }
0xb5: {  	v5 =	vadd.f32 v4, v5;
	v6 =	vadd.f32 v2, v6;
	v3 =	vld [tilespmem:s10+$0xF660]  }
0xb6: {  	v7 =	vadd.f32 v8, v7;
	v4 =	vld [tilespmem:s10+$0xF610];
	v0 =	vadd.f32 v0, v9  }
0xb7: {  	v5 =	vadd.f32 v10, v5;
	v6 =	vadd.f32 v12, v6;
	v2 =	vld [tilespmem:s10+$0xF620]  }
0xb8: {  	s11 =	sadd.s32 $0x200, s11;
	v7 =	vadd.f32 v11, v7;
	v8 =	vld [tilespmem:s10+$0xF630];
	v9 =	vadd.f32 v13, v0  }
0xb9: {  	v10 =	vld [tilespmem:s10+$0xF640]  }
0xba: {  	v11 =	vld [tilespmem:s10+$0xF670]  }
0xbb: {  	v12 =	vld [tilespmem:s10+$0xF680];
	[tilespmem:s0], [sflag:$0x1] =	stream.linear.gather [spmem:s16], $0x1480, $0x38  }
0xbc: {  	_ =	swait.ge [sflag:s1], $0x1480  }
0xbd: {  	[sflag:s1] =	ssyncset.done $0x0  }
0xbe: {  	s10 =	simm.s32 $0x0;
	[sflag:s1] =	ssyncadd.s32 $0xFFFFEB80  }
0xbf: {  	v0 =	vld [tilespmem:s10+$0x10AD0]  }
0xc0: {  	v5 =	vadd.f32 v4, v5;
	v6 =	vadd.f32 v2, v6;
	v2 =	vld [tilespmem:s10+$0x10AE0]  }
0xc1: {  	v7 =	vadd.f32 v8, v7;
	v4 =	vld [tilespmem:s10+$0x10A90];
	v8 =	vadd.f32 v10, v9  }
0xc2: {  	v5 =	vadd.f32 v1, v5;
	v6 =	vadd.f32 v3, v6;
	v3 =	vld [tilespmem:s10+$0x10AA0]  }
0xc3: {  	s11 =	simm.s32 $0x200;
	v7 =	vadd.f32 v11, v7;
	v9 =	vadd.f32 v12, v8;
	v8 =	vld [tilespmem:s10+$0x10AB0]  }
.LBB2_20:
0xc4: {  	p0 =	sne.s32 s11, $0x5000;
	v1 =	vld [tilespmem:s10+$0x10AC0];
	v10 =	vmov v0  }
0xc5: {  	v11 =	vld [tilespmem:s10+$0x10AF0];
	v12 =	vmov v2  }
0xc6: {  	v13 =	vld [tilespmem:s10+$0x10B00];
	s10 =	sshra.s32 s11, $0x2  }
.Ltmp9:
0xc7: {  	v0 =	vld [tilespmem:s10+$0x10AD0];
	(pc) =	sbr.rel @p0 .LBB2_20-.Ltmp9, $4  }
0xc8: {  	v5 =	vadd.f32 v4, v5;
	v6 =	vadd.f32 v3, v6;
	v2 =	vld [tilespmem:s10+$0x10AE0]  }
0xc9: {  	v7 =	vadd.f32 v8, v7;
	v4 =	vld [tilespmem:s10+$0x10A90];
	v1 =	vadd.f32 v1, v9  }
0xca: {  	v5 =	vadd.f32 v10, v5;
	v6 =	vadd.f32 v12, v6;
	v3 =	vld [tilespmem:s10+$0x10AA0]  }
0xcb: {  	s11 =	sadd.s32 $0x200, s11;
	v7 =	vadd.f32 v11, v7;
	v8 =	vld [tilespmem:s10+$0x10AB0];
	v9 =	vadd.f32 v13, v1  }
0xcc: {  	v10 =	vld [tilespmem:s10+$0x10AC0]  }
0xcd: {  	v11 =	vld [tilespmem:s10+$0x10AF0]  }
0xce: {  	v12 =	vld [tilespmem:s10+$0x10B00];
	[tilespmem:s2], [sflag:$0x2] =	stream.linear.gather [spmem:s17], $0x1480, $0x38  }
0xcf: {  	_ =	swait.ge [sflag:s28], $0x1480  }
0xd0: {  	[sflag:s28] =	ssyncset.done $0x0  }
0xd1: {  	s10 =	simm.s32 $0x0;
	[sflag:s28] =	ssyncadd.s32 $0xFFFFEB80  }
0xd2: {  	v1 =	vld [tilespmem:s10+$0xF650]  }
0xd3: {  	v5 =	vadd.f32 v4, v5;
	v6 =	vadd.f32 v3, v6;
	v3 =	vld [tilespmem:s10+$0xF660]  }
0xd4: {  	v7 =	vadd.f32 v8, v7;
	v4 =	vld [tilespmem:s10+$0xF610];
	v8 =	vadd.f32 v10, v9  }
0xd5: {  	v5 =	vadd.f32 v0, v5;
	v6 =	vadd.f32 v2, v6;
	v2 =	vld [tilespmem:s10+$0xF620]  }
0xd6: {  	s11 =	simm.s32 $0x200;
	v7 =	vadd.f32 v11, v7;
	v9 =	vadd.f32 v12, v8;
	v8 =	vld [tilespmem:s10+$0xF630]  }
.LBB2_22:
0xd7: {  	p0 =	sne.s32 s11, $0x5000;
	v0 =	vld [tilespmem:s10+$0xF640];
	v10 =	vmov v1  }
0xd8: {  	v11 =	vld [tilespmem:s10+$0xF670];
	v12 =	vmov v3  }
0xd9: {  	v13 =	vld [tilespmem:s10+$0xF680];
	s10 =	sshra.s32 s11, $0x2  }
.Ltmp10:
0xda: {  	v1 =	vld [tilespmem:s10+$0xF650];
	(pc) =	sbr.rel @p0 .LBB2_22-.Ltmp10, $4  }
0xdb: {  	v5 =	vadd.f32 v4, v5;
	v6 =	vadd.f32 v2, v6;
	v3 =	vld [tilespmem:s10+$0xF660]  }
0xdc: {  	v7 =	vadd.f32 v8, v7;
	v4 =	vld [tilespmem:s10+$0xF610];
	v0 =	vadd.f32 v0, v9  }
0xdd: {  	v5 =	vadd.f32 v10, v5;
	v6 =	vadd.f32 v12, v6;
	v2 =	vld [tilespmem:s10+$0xF620]  }
0xde: {  	s11 =	sadd.s32 $0x200, s11;
	v7 =	vadd.f32 v11, v7;
	v8 =	vld [tilespmem:s10+$0xF630];
	v9 =	vadd.f32 v13, v0  }
0xdf: {  	v10 =	vld [tilespmem:s10+$0xF640]  }
0xe0: {  	v11 =	vld [tilespmem:s10+$0xF670]  }
0xe1: {  	v12 =	vld [tilespmem:s10+$0xF680];
	[tilespmem:s0], [sflag:$0x1] =	stream.linear.gather [spmem:s18], $0x1480, $0x38  }
0xe2: {  	_ =	swait.ge [sflag:s1], $0x1480  }
0xe3: {  	[sflag:s1] =	ssyncset.done $0x0  }
0xe4: {  	s10 =	simm.s32 $0x0;
	[sflag:s1] =	ssyncadd.s32 $0xFFFFEB80  }
0xe5: {  	v0 =	vld [tilespmem:s10+$0x10AD0]  }
0xe6: {  	v5 =	vadd.f32 v4, v5;
	v6 =	vadd.f32 v2, v6;
	v2 =	vld [tilespmem:s10+$0x10AE0]  }
0xe7: {  	v7 =	vadd.f32 v8, v7;
	v4 =	vld [tilespmem:s10+$0x10A90];
	v8 =	vadd.f32 v10, v9  }
0xe8: {  	v5 =	vadd.f32 v1, v5;
	v6 =	vadd.f32 v3, v6;
	v3 =	vld [tilespmem:s10+$0x10AA0]  }
0xe9: {  	s11 =	simm.s32 $0x200;
	v7 =	vadd.f32 v11, v7;
	v9 =	vadd.f32 v12, v8;
	v8 =	vld [tilespmem:s10+$0x10AB0]  }
.LBB2_24:
0xea: {  	p0 =	sne.s32 s11, $0x5000;
	v1 =	vld [tilespmem:s10+$0x10AC0];
	v10 =	vmov v0  }
0xeb: {  	v11 =	vld [tilespmem:s10+$0x10AF0];
	v12 =	vmov v2  }
0xec: {  	v13 =	vld [tilespmem:s10+$0x10B00];
	s10 =	sshra.s32 s11, $0x2  }
.Ltmp11:
0xed: {  	v0 =	vld [tilespmem:s10+$0x10AD0];
	(pc) =	sbr.rel @p0 .LBB2_24-.Ltmp11, $4  }
0xee: {  	v5 =	vadd.f32 v4, v5;
	v6 =	vadd.f32 v3, v6;
	v2 =	vld [tilespmem:s10+$0x10AE0]  }
0xef: {  	v7 =	vadd.f32 v8, v7;
	v4 =	vld [tilespmem:s10+$0x10A90];
	v1 =	vadd.f32 v1, v9  }
0xf0: {  	v5 =	vadd.f32 v10, v5;
	v6 =	vadd.f32 v12, v6;
	v3 =	vld [tilespmem:s10+$0x10AA0]  }
0xf1: {  	s11 =	sadd.s32 $0x200, s11;
	v7 =	vadd.f32 v11, v7;
	v8 =	vld [tilespmem:s10+$0x10AB0];
	v9 =	vadd.f32 v13, v1  }
0xf2: {  	v10 =	vld [tilespmem:s10+$0x10AC0]  }
0xf3: {  	v11 =	vld [tilespmem:s10+$0x10AF0]  }
0xf4: {  	v12 =	vld [tilespmem:s10+$0x10B00];
	[tilespmem:s2], [sflag:$0x2] =	stream.linear.gather [spmem:s26], $0x1480, $0x38  }
0xf5: {  	_ =	swait.ge [sflag:s28], $0x1480  }
0xf6: {  	[sflag:s28] =	ssyncset.done $0x0  }
0xf7: {  	s10 =	simm.s32 $0x0;
	[sflag:s28] =	ssyncadd.s32 $0xFFFFEB80  }
0xf8: {  	v1 =	vld [tilespmem:s10+$0xF650]  }
0xf9: {  	v5 =	vadd.f32 v4, v5;
	v6 =	vadd.f32 v3, v6;
	v3 =	vld [tilespmem:s10+$0xF660]  }
0xfa: {  	v7 =	vadd.f32 v8, v7;
	v4 =	vld [tilespmem:s10+$0xF610];
	v8 =	vadd.f32 v10, v9  }
0xfb: {  	v5 =	vadd.f32 v0, v5;
	v6 =	vadd.f32 v2, v6;
	v2 =	vld [tilespmem:s10+$0xF620]  }
0xfc: {  	s11 =	simm.s32 $0x200;
	v7 =	vadd.f32 v11, v7;
	v9 =	vadd.f32 v12, v8;
	v8 =	vld [tilespmem:s10+$0xF630]  }
.LBB2_26:
0xfd: {  	p0 =	sne.s32 s11, $0x5000;
	v0 =	vld [tilespmem:s10+$0xF640];
	v10 =	vmov v1  }
0xfe: {  	v11 =	vld [tilespmem:s10+$0xF670];
	v12 =	vmov v3  }
0xff: {  	v13 =	vld [tilespmem:s10+$0xF680];
	s10 =	sshra.s32 s11, $0x2  }
.Ltmp12:
0x100: {  	v1 =	vld [tilespmem:s10+$0xF650];
	(pc) =	sbr.rel @p0 .LBB2_26-.Ltmp12, $4  }
0x101: {  	v5 =	vadd.f32 v4, v5;
	v6 =	vadd.f32 v2, v6;
	v3 =	vld [tilespmem:s10+$0xF660]  }
0x102: {  	v7 =	vadd.f32 v8, v7;
	v4 =	vld [tilespmem:s10+$0xF610];
	v0 =	vadd.f32 v0, v9  }
0x103: {  	v5 =	vadd.f32 v10, v5;
	v6 =	vadd.f32 v12, v6;
	v2 =	vld [tilespmem:s10+$0xF620]  }
0x104: {  	s11 =	sadd.s32 $0x200, s11;
	v7 =	vadd.f32 v11, v7;
	v8 =	vld [tilespmem:s10+$0xF630];
	v9 =	vadd.f32 v13, v0  }
0x105: {  	v10 =	vld [tilespmem:s10+$0xF640]  }
0x106: {  	v11 =	vld [tilespmem:s10+$0xF670]  }
0x107: {  	v12 =	vld [tilespmem:s10+$0xF680];
	_ =	swait.ge [sflag:s1], $0x1480  }
0x108: {  	[sflag:s1] =	ssyncset.done $0x0  }
0x109: {  	s10 =	simm.s32 $0x0;
	[sflag:s1] =	ssyncadd.s32 $0xFFFFEB80  }
0x10a: {  	v0 =	vld [tilespmem:s10+$0x10AD0]  }
0x10b: {  	v5 =	vadd.f32 v4, v5;
	v6 =	vadd.f32 v2, v6;
	v2 =	vld [tilespmem:s10+$0x10AE0]  }
0x10c: {  	v4 =	vld [tilespmem:s10+$0x10A90];
	v7 =	vadd.f32 v8, v7;
	v8 =	vadd.f32 v10, v9  }
0x10d: {  	v5 =	vadd.f32 v1, v5;
	v1 =	vld [tilespmem:s10+$0x10AA0];
	v3 =	vadd.f32 v3, v6  }
0x10e: {  	s11 =	simm.s32 $0x200;
	v6 =	vadd.f32 v11, v7;
	v7 =	vld [tilespmem:s10+$0x10AB0];
	v8 =	vadd.f32 v12, v8  }
.LBB2_28:
0x10f: {  	p0 =	sne.s32 s11, $0x5000;
	v9 =	vld [tilespmem:s10+$0x10AC0];
	v10 =	vmov v0  }
0x110: {  	v11 =	vld [tilespmem:s10+$0x10AF0];
	v12 =	vmov v2  }
0x111: {  	v13 =	vld [tilespmem:s10+$0x10B00];
	s10 =	sshra.s32 s11, $0x2  }
.Ltmp13:
0x112: {  	v0 =	vld [tilespmem:s10+$0x10AD0];
	(pc) =	sbr.rel @p0 .LBB2_28-.Ltmp13, $4  }
0x113: {  	v5 =	vadd.f32 v4, v5;
	v3 =	vadd.f32 v1, v3;
	v2 =	vld [tilespmem:s10+$0x10AE0]  }
0x114: {  	v6 =	vadd.f32 v7, v6;
	v4 =	vld [tilespmem:s10+$0x10A90];
	v8 =	vadd.f32 v9, v8  }
0x115: {  	v5 =	vadd.f32 v10, v5;
	v3 =	vadd.f32 v12, v3;
	v1 =	vld [tilespmem:s10+$0x10AA0]  }
0x116: {  	s11 =	sadd.s32 $0x200, s11;
	v6 =	vadd.f32 v11, v6;
	v7 =	vld [tilespmem:s10+$0x10AB0];
	v8 =	vadd.f32 v13, v8  }
0x117: {  	v9 =	vld [tilespmem:s10+$0x10AC0]  }
0x118: {  	v10 =	vld [tilespmem:s10+$0x10AF0]  }
0x119: {  	v11 =	vld [tilespmem:s10+$0x10B00];
	_ =	sdelay $0x1  }
0x11a: {  	v4 =	vadd.f32 v4, v5;
	v1 =	vadd.f32 v1, v3  }
0x11b: {  	v3 =	vadd.f32 v7, v6;
	v5 =	vadd.f32 v9, v8  }
0x11c: {  	v0 =	vadd.f32 v0, v4;
	v1 =	vadd.f32 v2, v1  }
0x11d: {  	v2 =	vadd.f32 v10, v3;
	v3 =	vadd.f32 v11, v5;
	_ =	sdelay $0x1  }
0x11e: {  	v0 =	vadd.f32 v1, v0;
	v1 =	vadd.f32 v3, v2;
	_ =	sdelay $0x1  }
0x11f: {  	v0 =	vadd.f32 v1, v0;
	_ =	sdelay $0x1  }
0x120: {  	s11 =	simm.s32 $0x1E710;
	[tilespmem:$0x1E710] =	vst v0  }
0x121: {  	[spmem:s19] =	stream.linear.scatter [tilespmem:s11], [sflag:$0x8], $0x80, $0x38;
	[tilespmem:$0x1EF90] =	vst v63  }
0x122: {  	_ =	swait.ge [sflag:s4], $0x80  }
0x123: {  	[sflag:s4] =	ssyncset.done $0x0  }
0x124: {  	[sflag:s4] =	ssyncadd.s32 $0xFFFFFF80  }
0x125: {  	[bflag:$0x0] =	sbarrier.arrive $0xFFFF  }
0x126: {  	s11 =	simm.s32 $0x1E790;
	s12 =	rddreg [dreg:$0x2]  }
0x127: {  	[tilespmem:s11], [sflag:$0x8] =	stream.linear.gather [spmem:s12], $0x800, $0x38;
	[tilespmem:$0x1EF90] =	vst v63  }
0x128: {  	_ =	swait.ge [sflag:s4], $0x800  }
0x129: {  	[sflag:s4] =	ssyncset.done $0x0  }
0x12a: {  	[sflag:s4] =	ssyncadd.s32 $0xFFFFF800  }
0x12b: {  	v0 =	vld [tilespmem:$0x1E790]  }
0x12c: {  	v1 =	vld [tilespmem:$0x1E810]  }
0x12d: {  	v2 =	vld [tilespmem:$0x1E890]  }
0x12e: {  	v3 =	vld [tilespmem:$0x1E910]  }
0x12f: {  	v4 =	vld [tilespmem:$0x1E990]  }
0x130: {  	v5 =	vld [tilespmem:$0x1EA10]  }
0x131: {  	v6 =	vld [tilespmem:$0x1EA90]  }
0x132: {  	v7 =	vld [tilespmem:$0x1EB10]  }
0x133: {  	v8 =	vld [tilespmem:$0x1EB90]  }
0x134: {  	v9 =	vld [tilespmem:$0x1EC10]  }
0x135: {  	v10 =	vld [tilespmem:$0x1EC90]  }
0x136: {  	v11 =	vld [tilespmem:$0x1ED10]  }
0x137: {  	v12 =	vld [tilespmem:$0x1ED90]  }
0x138: {  	v13 =	vld [tilespmem:$0x1EE10]  }
0x139: {  	v14 =	vld [tilespmem:$0x1EE90]  }
0x13a: {  	v15 =	vld [tilespmem:$0x1EF10];
	_ =	swait.ge [sflag:s5], $0x1400  }
0x13b: {  	s10 =	simm.s32 $0x200;
	[sflag:s5] =	ssyncset.done $0x0  }
0x13c: {  	s11 =	simm.s32 $0x1AB10;
	s12 =	simm.s32 $0x14710;
	[sflag:s5] =	ssyncadd.s32 $0xFFFFEC00  }
.LBB2_30:
0x13d: {  	[tilespmem:s11], [sflag:$0x5] =	stream.indirect.gather [spmem:s3], $0x1, s12, s31, $0xb8;
	[tilespmem:$0x1EF90] =	vst v63  }
0x13e: {  	s11 =	smov.u32 s10;
	p0 =	seq.s32 s10, $0x4E00  }
.Ltmp14:
0x13f: {  	s10 =	sadd.s32 $0x200, s10;
	(pc) =	sbr.rel @!p0 .LBB2_30-.Ltmp14, $3  }
0x140: {  	_ =	sdelay $0x1  }
0x141: {  	s12 =	sshra.s32 s11, $0x2  }
0x142: {  	s11 =	sadd.s32 $0x1AB10, s12;
	s12 =	sadd.s32 $0x14710, s12  }
0x143: {  	v0 =	vadd.f32 v1, v0;
	_ =	sdelay $0x1  }
0x144: {  	v0 =	vadd.f32 v2, v0;
	_ =	sdelay $0x1  }
0x145: {  	v0 =	vadd.f32 v3, v0;
	_ =	sdelay $0x1  }
0x146: {  	v0 =	vadd.f32 v4, v0;
	_ =	sdelay $0x1  }
0x147: {  	v0 =	vadd.f32 v5, v0;
	_ =	sdelay $0x1  }
0x148: {  	v0 =	vadd.f32 v6, v0;
	_ =	sdelay $0x1  }
0x149: {  	v0 =	vadd.f32 v7, v0;
	_ =	sdelay $0x1  }
0x14a: {  	v0 =	vadd.f32 v8, v0;
	_ =	sdelay $0x1  }
0x14b: {  	v0 =	vadd.f32 v9, v0;
	_ =	sdelay $0x1  }
0x14c: {  	v0 =	vadd.f32 v10, v0;
	_ =	sdelay $0x1  }
0x14d: {  	v0 =	vadd.f32 v11, v0;
	_ =	sdelay $0x1  }
0x14e: {  	v0 =	vadd.f32 v12, v0;
	_ =	sdelay $0x1  }
0x14f: {  	v0 =	vadd.f32 v13, v0;
	_ =	sdelay $0x1  }
0x150: {  	v0 =	vadd.f32 v14, v0;
	_ =	sdelay $0x1  }
0x151: {  	v0 =	vadd.f32 v15, v0;
	_ =	sdelay $0x1  }
0x152: {  	(v2sf) =	vpush v0, $0x0  }
0x153: {  	(v2sf) =	vpush v0, $0x1;
	_ =	sdelay $0x1  }
0x154: {  	(v2sf) =	vpush v0, $0x2;
	_ =	sdelay $0x1  }
0x155: {  	(v2sf) =	vpush v0, $0x3;
	_ =	sdelay $0x1  }
0x156: {  	(v2sf) =	vpush v0, $0x4;
	_ =	sdelay $0x1  }
0x157: {  	(v2sf) =	vpush v0, $0x5;
	_ =	sdelay $0x1  }
0x158: {  	(v2sf) =	vpush v0, $0x6;
	_ =	sdelay $0x1  }
0x159: {  	(v2sf) =	vpush v0, $0x7  }
0x15a: {  	[tilespmem:s11], [sflag:$0x5] =	stream.indirect.gather [spmem:s3], $0x1, s12, s31, $0xb8;
	[tilespmem:$0x1EF90] =	vst v63  }
0x15b: {  	s10 =	spop (v2sf);
	(v2sf) =	vpush v0, $0x8  }
0x15c: {  	s12 =	spop (v2sf)  }
0x15d: {  	(v2sf) =	vpush v0, $0x9;
	s10 =	sadd.f32 s12, s10  }
0x15e: {  	s12 =	spop (v2sf)  }
0x15f: {  	(v2sf) =	vpush v0, $0xA;
	s10 =	sadd.f32 s10, s12  }
0x160: {  	s12 =	spop (v2sf)  }
0x161: {  	(v2sf) =	vpush v0, $0xB;
	s10 =	sadd.f32 s10, s12  }
0x162: {  	s12 =	spop (v2sf)  }
0x163: {  	(v2sf) =	vpush v0, $0xC;
	s10 =	sadd.f32 s10, s12  }
0x164: {  	s12 =	spop (v2sf)  }
0x165: {  	(v2sf) =	vpush v0, $0xD;
	s10 =	sadd.f32 s10, s12  }
0x166: {  	s12 =	spop (v2sf)  }
0x167: {  	(v2sf) =	vpush v0, $0xE;
	s10 =	sadd.f32 s10, s12  }
0x168: {  	s12 =	spop (v2sf)  }
0x169: {  	(v2sf) =	vpush v0, $0xF;
	s10 =	sadd.f32 s10, s12  }
0x16a: {  	s12 =	spop (v2sf)  }
0x16b: {  	s10 =	sadd.f32 s10, s12  }
0x16c: {  	s12 =	spop (v2sf)  }
0x16d: {  	s10 =	sadd.f32 s10, s12  }
0x16e: {  	s12 =	spop (v2sf)  }
0x16f: {  	s10 =	sadd.f32 s10, s12  }
0x170: {  	s12 =	spop (v2sf)  }
0x171: {  	s10 =	sadd.f32 s10, s12  }
0x172: {  	s12 =	spop (v2sf)  }
0x173: {  	s10 =	sadd.f32 s10, s12  }
0x174: {  	s12 =	spop (v2sf)  }
0x175: {  	s10 =	sadd.f32 s10, s12  }
0x176: {  	s12 =	spop (v2sf)  }
0x177: {  	s10 =	sadd.f32 s10, s12  }
0x178: {  	s12 =	spop (v2sf)  }
0x179: {  	s10 =	sadd.f32 s10, s12;
	_ =	sdelay $0x1  }
0x17a: {  	v0 =	vmov s10  }
0x17b: {  	v0 =	vbroadcast v0, $0x0;
	_ =	sdelay $0x1  }
0x17c: {  	v1 =	vand.u32 $0x7FFFFF, v0  }
0x17d: {  	v1 =	vor.u32 $0x3F800000, v1  }
0x17e: {  	v2 =	vmul.f32 $-5.545986820e-02, v1;
	_ =	sdelay $0x1  }
0x17f: {  	v2 =	vadd.f32 $4.405070540e-01, v2;
	_ =	sdelay $0x1  }
0x180: {  	v2 =	vmul.f32 v1, v2;
	_ =	sdelay $0x1  }
0x181: {  	v2 =	vadd.f32 $-1.455206510e+00, v2;
	_ =	sdelay $0x1  }
0x182: {  	v2 =	vmul.f32 v1, v2;
	_ =	sdelay $0x1  }
0x183: {  	s10 =	simm.s32 $0x0;
	v0 =	vshra.s32 v0, $0x17;
	v2 =	vadd.f32 $2.806994200e+00, v2  }
0x184: {  	v3 =	vld [tilespmem:s10+$0x18330];
	v0 =	vadd.s32 $0xFFFFFF81, v0  }
0x185: {  	v8 =	vld [tilespmem:s10+$0x18340];
	v0 =	vcvt.s32.f32 v0;
	v1 =	vmul.f32 v1, v2  }
0x186: {  	v5 =	vld [tilespmem:s10+$0x18350]  }
0x187: {  	v0 =	vmul.f32 $6.931471820e-01, v0;
	v2 =	vld [tilespmem:s10+$0x18370];
	v1 =	vadd.f32 $-1.736765380e+00, v1;
	_ =	sdelay $0x1  }
0x188: {  	v7 =	vand.u32 $0x7FFFFF, v3;
	v9 =	vshra.s32 v3, $0x17;
	v0 =	vadd.f32 v1, v0;
	v1 =	vld [tilespmem:s10+$0x18380]  }
0x189: {  	v10 =	vor.u32 $0x3F800000, v7;
	v7 =	vshra.s32 v8, $0x17;
	v9 =	vadd.s32 $0xFFFFFF81, v9  }
0x18a: {  	v7 =	vadd.s32 $0xFFFFFF81, v7;
	v9 =	vcvt.s32.f32 v9  }
0x18b: {  	v3 =	vand.u32 $0x7FFFFF, v5;
	v7 =	vcvt.s32.f32 v7;
	v6 =	vshra.s32 v2, $0x17  }
0x18c: {  	v22 =	vmul.f32 $6.931471820e-01, v9;
	v2 =	vand.u32 $0x7FFFFF, v2;
	v6 =	vadd.s32 $0xFFFFFF81, v6  }
0x18d: {  	v0 =	vsub.f32 $-1.736765380e+00, v0;
	v6 =	vcvt.s32.f32 v6;
	v4 =	vshra.s32 v1, $0x17  }
0x18e: {  	v12 =	vor.u32 $0x3F800000, v2;
	v1 =	vand.u32 $0x7FFFFF, v1;
	v4 =	vadd.s32 $0xFFFFFF81, v4  }
0x18f: {  	v14 =	vmul.f32 $6.931471820e-01, v6;
	v11 =	vor.u32 $0x3F800000, v1;
	v4 =	vcvt.s32.f32 v4  }
0x190: {  	v1 =	vor.u32 $0x3F800000, v3;
	v3 =	vand.u32 $0x7FFFFF, v8;
	v8 =	vmul.f32 $5.545986820e-02, v12  }
0x191: {  	v6 =	vld [tilespmem:s10+$0x18320];
	v3 =	vor.u32 $0x3F800000, v3;
	v13 =	vmul.f32 $6.931471820e-01, v4;
	v4 =	vmul.f32 $5.545986820e-02, v10  }
0x192: {  	v2 =	vshra.s32 v5, $0x17;
	v16 =	vmul.f32 $5.545986820e-02, v1;
	v15 =	vmul.f32 $5.545986820e-02, v3  }
0x193: {  	v5 =	vmul.f32 $5.545986820e-02, v11;
	v8 =	vsub.f32 $4.405070540e-01, v8;
	v4 =	vsub.f32 $4.405070540e-01, v4  }
0x194: {  	v2 =	vadd.s32 $0xFFFFFF81, v2;
	v16 =	vsub.f32 $4.405070540e-01, v16;
	v15 =	vsub.f32 $4.405070540e-01, v15  }
0x195: {  	v17 =	vld [tilespmem:s10+$0x18360];
	v18 =	vmul.f32 v10, v4;
	v4 =	vcvt.s32.f32 v2;
	v2 =	vsub.f32 $4.405070540e-01, v5  }
0x196: {  	v19 =	vshra.s32 v6, $0x17;
	v16 =	vmul.f32 v1, v16;
	v5 =	vmul.f32 v12, v8  }
0x197: {  	v15 =	vmul.f32 v3, v15;
	v18 =	vadd.f32 $-1.455206510e+00, v18;
	v20 =	vmul.f32 v11, v2  }
0x198: {  	v6 =	vand.u32 $0x7FFFFF, v6;
	v9 =	vadd.f32 $-1.455206510e+00, v16;
	v21 =	vadd.f32 $-1.455206510e+00, v5  }
0x199: {  	v8 =	vld [tilespmem:s10+$0x18310];
	v15 =	vadd.f32 $-1.455206510e+00, v15;
	v18 =	vmul.f32 v10, v18;
	v20 =	vadd.f32 $-1.455206510e+00, v20  }
0x19a: {  	v2 =	vand.u32 $0x7FFFFF, v17;
	v5 =	vor.u32 $0x3F800000, v6;
	v6 =	vmul.f32 v12, v21  }
0x19b: {  	v17 =	vshra.s32 v17, $0x17;
	v18 =	vadd.f32 $2.806994200e+00, v18;
	v20 =	vmul.f32 v11, v20  }
0x19c: {  	v63 =	vmul.f32 v1, v9;
	v16 =	vmul.f32 $5.545986820e-02, v5;
	v6 =	vadd.f32 $2.806994200e+00, v6  }
0x19d: {  	v2 =	vor.u32 $0x3F800000, v2;
	v10 =	vmul.f32 v10, v18;
	v18 =	vadd.f32 $2.806994200e+00, v20  }
0x19e: {  	v61 =	vand.u32 $0x7FFFFF, v8;
	v16 =	vsub.f32 $4.405070540e-01, v16;
	v12 =	vmul.f32 v12, v6  }
0x19f: {  	v62 =	vmul.f32 $5.545986820e-02, v2;
	v6 =	vor.u32 $0x3F800000, v61;
	v18 =	vmul.f32 v11, v18  }
0x1a0: {  	v16 =	vmul.f32 v5, v16;
	v21 =	vmul.f32 $5.545986820e-02, v6;
	v12 =	vadd.f32 v12, v0  }
0x1a1: {  	v10 =	vadd.f32 v10, v0;
	v11 =	vmul.f32 v3, v15;
	v18 =	vadd.f32 v18, v0  }
0x1a2: {  	v15 =	vadd.f32 v12, v14;
	v12 =	vsub.f32 $4.405070540e-01, v21;
	v14 =	vadd.s32 $0xFFFFFF81, v19  }
0x1a3: {  	v19 =	vcvt.s32.f32 v14;
	v14 =	vsub.f32 $4.405070540e-01, v62;
	v18 =	vadd.f32 v18, v13  }
0x1a4: {  	s11 =	simm.s32 $0x200;
	v12 =	vmul.f32 v6, v12;
	[tilespmem:s10+$0x18370] =	vst v15;
	v13 =	vadd.f32 v10, v22;
	v10 =	vadd.s32 $0xFFFFFF81, v17  }
0x1a5: {  	v15 =	vadd.f32 $2.806994200e+00, v63;
	v9 =	vmul.f32 $6.931471820e-01, v19;
	v10 =	vcvt.s32.f32 v10;
	[tilespmem:s10+$0x18380] =	vst v18  }
.LBB2_32:
0x1a6: {  	s12 =	sshra.s32 s11, $0x2;
	p0 =	sne.s32 s11, $0x4E00;
	s11 =	sadd.s32 $0x200, s11;
	v8 =	vshra.s32 v8, $0x17;
	[tilespmem:s10+$0x18330] =	vst v13;
	v11 =	vadd.f32 $2.806994200e+00, v11;
	v13 =	vmul.f32 v2, v14  }
0x1a7: {  	v14 =	vld [tilespmem:s12+$0x18380];
	v8 =	vadd.s32 $0xFFFFFF81, v8;
	v16 =	vadd.f32 $-1.455206510e+00, v16;
	v1 =	vmul.f32 v1, v15  }
0x1a8: {  	v4 =	vmul.f32 $6.931471820e-01, v4;
	v15 =	vld [tilespmem:s12+$0x18370];
	v3 =	vmul.f32 v3, v11;
	v11 =	vadd.f32 $-1.455206510e+00, v13  }
0x1a9: {  	v12 =	vadd.f32 $-1.455206510e+00, v12;
	v13 =	vmul.f32 v5, v16;
	v1 =	vadd.f32 v1, v0  }
0x1aa: {  	v7 =	vmul.f32 $6.931471820e-01, v7;
	v3 =	vadd.f32 v3, v0;
	v11 =	vmul.f32 v2, v11  }
0x1ab: {  	v8 =	vcvt.s32.f32 v8;
	v16 =	vld [tilespmem:s12+$0x18330];
	v13 =	vadd.f32 $2.806994200e+00, v13;
	v1 =	vadd.f32 v1, v4  }
0x1ac: {  	v10 =	vmul.f32 $6.931471820e-01, v10;
	v4 =	vshra.s32 v14, $0x17;
	v11 =	vadd.f32 $2.806994200e+00, v11  }
0x1ad: {  	v17 =	vshra.s32 v15, $0x17;
	v4 =	vadd.s32 $0xFFFFFF81, v4;
	v5 =	vmul.f32 v5, v13;
	[tilespmem:s10+$0x18350] =	vst v1  }
0x1ae: {  	v12 =	vmul.f32 v6, v12;
	v13 =	vld [tilespmem:s12+$0x18350];
	v1 =	vadd.s32 $0xFFFFFF81, v17;
	v4 =	vcvt.s32.f32 v4  }
0x1af: {  	v3 =	vadd.f32 v3, v7;
	v1 =	vcvt.s32.f32 v1;
	v5 =	vadd.f32 v5, v0  }
0x1b0: {  	v8 =	vmul.f32 $6.931471820e-01, v8;
	v7 =	vshra.s32 v16, $0x17;
	v16 =	vand.u32 $0x7FFFFF, v16  }
0x1b1: {  	v17 =	vmul.f32 $6.931471820e-01, v4;
	v4 =	vadd.f32 $2.806994200e+00, v12;
	v16 =	vor.u32 $0x3F800000, v16;
	[tilespmem:s10+$0x18340] =	vst v3  }
0x1b2: {  	v14 =	vand.u32 $0x7FFFFF, v14;
	v2 =	vmul.f32 v2, v11;
	v12 =	vand.u32 $0x7FFFFF, v15;
	v3 =	vld [tilespmem:s12+$0x18340]  }
0x1b3: {  	v14 =	vor.u32 $0x3F800000, v14;
	v4 =	vmul.f32 v6, v4;
	v11 =	vand.u32 $0x7FFFFF, v13  }
0x1b4: {  	v2 =	vadd.f32 v2, v0;
	v6 =	vor.u32 $0x3F800000, v12;
	v12 =	vmul.f32 $6.931471820e-01, v1  }
0x1b5: {  	v5 =	vadd.f32 v5, v9;
	v1 =	vor.u32 $0x3F800000, v11;
	v4 =	vadd.f32 v4, v0  }
0x1b6: {  	v2 =	vadd.f32 v2, v10;
	v9 =	vshra.s32 v13, $0x17;
	v11 =	vmul.f32 $5.545986820e-02, v14  }
0x1b7: {  	v10 =	vmul.f32 $5.545986820e-02, v16;
	v4 =	vadd.f32 v4, v8;
	v13 =	vand.u32 $0x7FFFFF, v3;
	[tilespmem:s10+$0x18320] =	vst v5  }
0x1b8: {  	v8 =	vshra.s32 v3, $0x17;
	v5 =	vld [tilespmem:s12+$0x18320];
	v3 =	vor.u32 $0x3F800000, v13;
	v13 =	vmul.f32 $5.545986820e-02, v6;
	[tilespmem:s10+$0x18360] =	vst v2  }
0x1b9: {  	v15 =	vmul.f32 $5.545986820e-02, v1;
	v2 =	vsub.f32 $4.405070540e-01, v10;
	v10 =	vmul.f32 $5.545986820e-02, v3;
	v18 =	vld [tilespmem:s12+$0x18360];
	[tilespmem:s10+$0x18310] =	vst v4;
	s10 =	smov.u32 s12  }
0x1ba: {  	v19 =	vadd.s32 $0xFFFFFF81, v8;
	v4 =	vadd.s32 $0xFFFFFF81, v9;
	v8 =	vsub.f32 $4.405070540e-01, v13  }
0x1bb: {  	v9 =	vsub.f32 $4.405070540e-01, v11;
	v2 =	vmul.f32 v16, v2;
	v4 =	vcvt.s32.f32 v4  }
0x1bc: {  	v11 =	vsub.f32 $4.405070540e-01, v15;
	v10 =	vsub.f32 $4.405070540e-01, v10;
	v13 =	vmul.f32 v6, v8  }
0x1bd: {  	v9 =	vmul.f32 v14, v9;
	v2 =	vadd.f32 $-1.455206510e+00, v2;
	v15 =	vshra.s32 v5, $0x17  }
0x1be: {  	v5 =	vand.u32 $0x7FFFFF, v5;
	v8 =	vld [tilespmem:s10+$0x18310];
	v20 =	vand.u32 $0x7FFFFF, v18;
	v13 =	vadd.f32 $-1.455206510e+00, v13  }
0x1bf: {  	v21 =	vadd.s32 $0xFFFFFF81, v7;
	v7 =	vmul.f32 v16, v2;
	v2 =	vor.u32 $0x3F800000, v20  }
0x1c0: {  	v9 =	vadd.f32 $-1.455206510e+00, v9;
	v5 =	vor.u32 $0x3F800000, v5;
	v13 =	vmul.f32 v6, v13  }
0x1c1: {  	v10 =	vmul.f32 v3, v10;
	v18 =	vshra.s32 v18, $0x17;
	v20 =	vadd.f32 $2.806994200e+00, v7  }
0x1c2: {  	v9 =	vmul.f32 v14, v9;
	v7 =	vcvt.s32.f32 v19;
	v13 =	vadd.f32 $2.806994200e+00, v13  }
0x1c3: {  	v11 =	vmul.f32 v1, v11;
	v16 =	vmul.f32 v16, v20;
	v19 =	vand.u32 $0x7FFFFF, v8  }
0x1c4: {  	v10 =	vadd.f32 $-1.455206510e+00, v10;
	v9 =	vadd.f32 $2.806994200e+00, v9;
	v13 =	vmul.f32 v6, v13  }
0x1c5: {  	v6 =	vor.u32 $0x3F800000, v19;
	v16 =	vadd.f32 v16, v0;
	v19 =	vcvt.s32.f32 v21  }
0x1c6: {  	v20 =	vmul.f32 $5.545986820e-02, v2;
	v9 =	vmul.f32 v14, v9;
	v13 =	vadd.f32 v13, v0  }
0x1c7: {  	v21 =	vadd.f32 $-1.455206510e+00, v11;
	v14 =	vmul.f32 $5.545986820e-02, v6;
	v19 =	vmul.f32 $6.931471820e-01, v19  }
0x1c8: {  	v22 =	vmul.f32 $5.545986820e-02, v5;
	v11 =	vmul.f32 v3, v10;
	v10 =	vadd.f32 v13, v12  }
.Ltmp15:
0x1c9: {  	v9 =	vadd.f32 v9, v0;
	v12 =	vsub.f32 $4.405070540e-01, v14;
	v13 =	vadd.s32 $0xFFFFFF81, v15;
	(pc) =	sbr.rel @p0 .LBB2_32-.Ltmp15, $4  }
0x1ca: {  	v21 =	vmul.f32 v1, v21;
	v15 =	vsub.f32 $4.405070540e-01, v22;
	v13 =	vcvt.s32.f32 v13;
	[tilespmem:s10+$0x18370] =	vst v10  }
0x1cb: {  	v17 =	vadd.f32 v9, v17;
	v14 =	vsub.f32 $4.405070540e-01, v20;
	v12 =	vmul.f32 v6, v12  }
0x1cc: {  	v10 =	vadd.s32 $0xFFFFFF81, v18;
	v9 =	vmul.f32 $6.931471820e-01, v13;
	v13 =	vadd.f32 v16, v19  }
0x1cd: {  	v16 =	vmul.f32 v5, v15;
	v15 =	vadd.f32 $2.806994200e+00, v21;
	v10 =	vcvt.s32.f32 v10;
	[tilespmem:s10+$0x18380] =	vst v17  }
0x1ce: {  	v14 =	vmul.f32 v2, v14;
	v12 =	vadd.f32 $-1.455206510e+00, v12  }
0x1cf: {  	v8 =	vshra.s32 v8, $0x17;
	v11 =	vadd.f32 $2.806994200e+00, v11;
	v16 =	vadd.f32 $-1.455206510e+00, v16  }
0x1d0: {  	v1 =	vmul.f32 v1, v15;
	v14 =	vadd.f32 $-1.455206510e+00, v14;
	v12 =	vmul.f32 v6, v12  }
0x1d1: {  	v4 =	vmul.f32 $6.931471820e-01, v4;
	v8 =	vadd.s32 $0xFFFFFF81, v8;
	v16 =	vmul.f32 v5, v16  }
0x1d2: {  	v1 =	vadd.f32 v1, v0;
	v14 =	vmul.f32 v2, v14;
	v60 =	vadd.f32 $2.806994200e+00, v12  }
0x1d3: {  	v3 =	vmul.f32 v3, v11;
	v8 =	vcvt.s32.f32 v8;
	v58 =	vadd.f32 $2.806994200e+00, v16  }
0x1d4: {  	v1 =	vadd.f32 v1, v4;
	v14 =	vadd.f32 $2.806994200e+00, v14;
	v62 =	vmul.f32 v6, v60  }
0x1d5: {  	v7 =	vmul.f32 $6.931471820e-01, v7;
	v3 =	vadd.f32 v3, v0;
	v59 =	vmul.f32 v5, v58  }
0x1d6: {  	[tilespmem:s10+$0x18350] =	vst v1;
	v1 =	vmul.f32 $6.931471820e-01, v8;
	v2 =	vmul.f32 v2, v14;
	v5 =	vadd.f32 v62, v0  }
0x1d7: {  	v3 =	vadd.f32 v3, v7;
	v61 =	vadd.f32 v59, v0  }
0x1d8: {  	[tilespmem:s10+$0x18330] =	vst v13;
	v63 =	vmul.f32 $6.931471820e-01, v10;
	v2 =	vadd.f32 v2, v0;
	v1 =	vadd.f32 v5, v1  }
0x1d9: {  	[tilespmem:s10+$0x18340] =	vst v3;
	v4 =	vadd.f32 v61, v9  }
0x1da: {  	v2 =	vadd.f32 v2, v63;
	[tilespmem:s10+$0x18310] =	vst v1  }
0x1db: {  	[tilespmem:s10+$0x18320] =	vst v4  }
0x1dc: {  	s12 =	simm.s32 $0x0;
	s11 =	simm.s32 $0x18310;
	[tilespmem:s10+$0x18360] =	vst v2  }
0x1dd: {  	[hbm4b:s20+s12] =	stream.linear.scatter [tilespmem:s11], [sflag:$0x7], $0x1400, $0x38;
	[tilespmem:$0x1EF90] =	vst v63  }
0x1de: {  	_ =	swait.ge [sflag:s7], $0x1400  }
0x1df: {  	s10 =	simm.s32 $0x200;
	[sflag:s7] =	ssyncset.done $0x0  }
0x1e0: {  	s11 =	simm.s32 $0x1BF10;
	s12 =	simm.s32 $0x15B10;
	[sflag:s7] =	ssyncadd.s32 $0xFFFFEC00  }
.LBB2_34:
0x1e1: {  	[tilespmem:s11], [sflag:$0x6] =	stream.indirect.gather [spmem:s3], $0x1, s12, s31, $0xb8;
	[tilespmem:$0x1EF90] =	vst v63  }
0x1e2: {  	s11 =	smov.u32 s10;
	p0 =	sne.s32 s10, $0x4E00  }
.Ltmp16:
0x1e3: {  	s10 =	sadd.s32 $0x200, s10;
	(pc) =	sbr.rel @p0 .LBB2_34-.Ltmp16, $3  }
0x1e4: {  	_ =	sdelay $0x1  }
0x1e5: {  	s12 =	sshra.s32 s11, $0x2  }
0x1e6: {  	s11 =	sadd.s32 $0x1BF10, s12;
	s12 =	sadd.s32 $0x15B10, s12  }
0x1e7: {  	[tilespmem:s11], [sflag:$0x6] =	stream.indirect.gather [spmem:s3], $0x1, s12, s31, $0xb8;
	[tilespmem:$0x1EF90] =	vst v63  }
0x1e8: {  	s10 =	simm.s32 $0x0  }
0x1e9: {  	v1 =	vld [tilespmem:s10+$0x19780]  }
0x1ea: {  	v2 =	vld [tilespmem:s10+$0x19770]  }
0x1eb: {  	v3 =	vld [tilespmem:s10+$0x19730]  }
0x1ec: {  	v5 =	vld [tilespmem:s10+$0x19750];
	_ =	sdelay $0x2  }
0x1ed: {  	v8 =	vld [tilespmem:s10+$0x19740];
	v4 =	vshra.s32 v1, $0x17  }
0x1ee: {  	v6 =	vshra.s32 v2, $0x17;
	v7 =	vand.u32 $0x7FFFFF, v3;
	v9 =	vshra.s32 v3, $0x17  }
0x1ef: {  	v2 =	vand.u32 $0x7FFFFF, v2;
	v1 =	vand.u32 $0x7FFFFF, v1;
	v3 =	vand.u32 $0x7FFFFF, v5  }
0x1f0: {  	v4 =	vadd.s32 $0xFFFFFF81, v4;
	v6 =	vadd.s32 $0xFFFFFF81, v6;
	v10 =	vor.u32 $0x3F800000, v7  }
0x1f1: {  	v11 =	vor.u32 $0x3F800000, v1;
	v12 =	vor.u32 $0x3F800000, v2;
	v1 =	vor.u32 $0x3F800000, v3  }
0x1f2: {  	v2 =	vshra.s32 v5, $0x17;
	v3 =	vand.u32 $0x7FFFFF, v8;
	v7 =	vshra.s32 v8, $0x17  }
0x1f3: {  	v9 =	vadd.s32 $0xFFFFFF81, v9;
	v4 =	vcvt.s32.f32 v4;
	v6 =	vcvt.s32.f32 v6  }
0x1f4: {  	v5 =	vmul.f32 $5.545986820e-02, v11;
	v3 =	vor.u32 $0x3F800000, v3;
	v8 =	vmul.f32 $5.545986820e-02, v12  }
0x1f5: {  	v16 =	vmul.f32 $5.545986820e-02, v1;
	v7 =	vadd.s32 $0xFFFFFF81, v7;
	v9 =	vcvt.s32.f32 v9  }
0x1f6: {  	v2 =	vadd.s32 $0xFFFFFF81, v2;
	v13 =	vmul.f32 $6.931471820e-01, v4;
	v4 =	vmul.f32 $5.545986820e-02, v10  }
0x1f7: {  	v15 =	vmul.f32 $5.545986820e-02, v3;
	v7 =	vcvt.s32.f32 v7;
	v16 =	vsub.f32 $4.405070540e-01, v16  }
0x1f8: {  	v14 =	vmul.f32 $6.931471820e-01, v6;
	v6 =	vld [tilespmem:s10+$0x19720];
	v8 =	vsub.f32 $4.405070540e-01, v8;
	v4 =	vsub.f32 $4.405070540e-01, v4  }
0x1f9: {  	v22 =	vmul.f32 $6.931471820e-01, v9;
	v15 =	vsub.f32 $4.405070540e-01, v15;
	v16 =	vmul.f32 v1, v16  }
0x1fa: {  	v17 =	vld [tilespmem:s10+$0x19760];
	v18 =	vmul.f32 v10, v4;
	v4 =	vcvt.s32.f32 v2;
	v2 =	vsub.f32 $4.405070540e-01, v5  }
0x1fb: {  	v15 =	vmul.f32 v3, v15;
	v5 =	vmul.f32 v12, v8  }
0x1fc: {  	v9 =	vadd.f32 $-1.455206510e+00, v16;
	v18 =	vadd.f32 $-1.455206510e+00, v18;
	v20 =	vmul.f32 v11, v2  }
0x1fd: {  	v19 =	vshra.s32 v6, $0x17;
	v6 =	vand.u32 $0x7FFFFF, v6;
	v21 =	vadd.f32 $-1.455206510e+00, v5  }
0x1fe: {  	v8 =	vld [tilespmem:s10+$0x19710];
	v15 =	vadd.f32 $-1.455206510e+00, v15;
	v18 =	vmul.f32 v10, v18;
	v20 =	vadd.f32 $-1.455206510e+00, v20  }
0x1ff: {  	v2 =	vand.u32 $0x7FFFFF, v17;
	v5 =	vor.u32 $0x3F800000, v6;
	v6 =	vmul.f32 v12, v21  }
0x200: {  	v17 =	vshra.s32 v17, $0x17;
	v18 =	vadd.f32 $2.806994200e+00, v18;
	v20 =	vmul.f32 v11, v20  }
0x201: {  	v63 =	vmul.f32 v1, v9;
	v16 =	vmul.f32 $5.545986820e-02, v5;
	v6 =	vadd.f32 $2.806994200e+00, v6  }
0x202: {  	v2 =	vor.u32 $0x3F800000, v2;
	v10 =	vmul.f32 v10, v18;
	v18 =	vadd.f32 $2.806994200e+00, v20  }
0x203: {  	v61 =	vand.u32 $0x7FFFFF, v8;
	v16 =	vsub.f32 $4.405070540e-01, v16;
	v12 =	vmul.f32 v12, v6  }
0x204: {  	v62 =	vmul.f32 $5.545986820e-02, v2;
	v6 =	vor.u32 $0x3F800000, v61;
	v18 =	vmul.f32 v11, v18  }
0x205: {  	v16 =	vmul.f32 v5, v16;
	v21 =	vmul.f32 $5.545986820e-02, v6;
	v12 =	vadd.f32 v12, v0  }
0x206: {  	v10 =	vadd.f32 v10, v0;
	v11 =	vmul.f32 v3, v15;
	v18 =	vadd.f32 v18, v0  }
0x207: {  	v15 =	vadd.f32 v12, v14;
	v12 =	vsub.f32 $4.405070540e-01, v21;
	v14 =	vadd.s32 $0xFFFFFF81, v19  }
0x208: {  	v19 =	vcvt.s32.f32 v14;
	v14 =	vsub.f32 $4.405070540e-01, v62;
	v18 =	vadd.f32 v18, v13  }
0x209: {  	s11 =	simm.s32 $0x200;
	v12 =	vmul.f32 v6, v12;
	[tilespmem:s10+$0x19770] =	vst v15;
	v13 =	vadd.f32 v10, v22;
	v10 =	vadd.s32 $0xFFFFFF81, v17  }
0x20a: {  	v15 =	vadd.f32 $2.806994200e+00, v63;
	v9 =	vmul.f32 $6.931471820e-01, v19;
	v10 =	vcvt.s32.f32 v10;
	[tilespmem:s10+$0x19780] =	vst v18  }
.LBB2_36:
0x20b: {  	s12 =	sshra.s32 s11, $0x2;
	p0 =	sne.s32 s11, $0x4E00;
	s11 =	sadd.s32 $0x200, s11;
	v8 =	vshra.s32 v8, $0x17;
	[tilespmem:s10+$0x19730] =	vst v13;
	v11 =	vadd.f32 $2.806994200e+00, v11;
	v13 =	vmul.f32 v2, v14  }
0x20c: {  	v14 =	vld [tilespmem:s12+$0x19780];
	v8 =	vadd.s32 $0xFFFFFF81, v8;
	v16 =	vadd.f32 $-1.455206510e+00, v16;
	v1 =	vmul.f32 v1, v15  }
0x20d: {  	v4 =	vmul.f32 $6.931471820e-01, v4;
	v15 =	vld [tilespmem:s12+$0x19770];
	v3 =	vmul.f32 v3, v11;
	v11 =	vadd.f32 $-1.455206510e+00, v13  }
0x20e: {  	v12 =	vadd.f32 $-1.455206510e+00, v12;
	v13 =	vmul.f32 v5, v16;
	v1 =	vadd.f32 v1, v0  }
0x20f: {  	v7 =	vmul.f32 $6.931471820e-01, v7;
	v3 =	vadd.f32 v3, v0;
	v11 =	vmul.f32 v2, v11  }
0x210: {  	v8 =	vcvt.s32.f32 v8;
	v16 =	vld [tilespmem:s12+$0x19730];
	v13 =	vadd.f32 $2.806994200e+00, v13;
	v1 =	vadd.f32 v1, v4  }
0x211: {  	v10 =	vmul.f32 $6.931471820e-01, v10;
	v4 =	vshra.s32 v14, $0x17;
	v11 =	vadd.f32 $2.806994200e+00, v11  }
0x212: {  	v17 =	vshra.s32 v15, $0x17;
	v4 =	vadd.s32 $0xFFFFFF81, v4;
	v5 =	vmul.f32 v5, v13;
	[tilespmem:s10+$0x19750] =	vst v1  }
0x213: {  	v12 =	vmul.f32 v6, v12;
	v13 =	vld [tilespmem:s12+$0x19750];
	v1 =	vadd.s32 $0xFFFFFF81, v17;
	v4 =	vcvt.s32.f32 v4  }
0x214: {  	v3 =	vadd.f32 v3, v7;
	v1 =	vcvt.s32.f32 v1;
	v5 =	vadd.f32 v5, v0  }
0x215: {  	v8 =	vmul.f32 $6.931471820e-01, v8;
	v7 =	vshra.s32 v16, $0x17;
	v16 =	vand.u32 $0x7FFFFF, v16  }
0x216: {  	v17 =	vmul.f32 $6.931471820e-01, v4;
	v4 =	vadd.f32 $2.806994200e+00, v12;
	v16 =	vor.u32 $0x3F800000, v16;
	[tilespmem:s10+$0x19740] =	vst v3  }
0x217: {  	v14 =	vand.u32 $0x7FFFFF, v14;
	v2 =	vmul.f32 v2, v11;
	v12 =	vand.u32 $0x7FFFFF, v15;
	v3 =	vld [tilespmem:s12+$0x19740]  }
0x218: {  	v14 =	vor.u32 $0x3F800000, v14;
	v4 =	vmul.f32 v6, v4;
	v11 =	vand.u32 $0x7FFFFF, v13  }
0x219: {  	v2 =	vadd.f32 v2, v0;
	v6 =	vor.u32 $0x3F800000, v12;
	v12 =	vmul.f32 $6.931471820e-01, v1  }
0x21a: {  	v5 =	vadd.f32 v5, v9;
	v1 =	vor.u32 $0x3F800000, v11;
	v4 =	vadd.f32 v4, v0  }
0x21b: {  	v2 =	vadd.f32 v2, v10;
	v9 =	vshra.s32 v13, $0x17;
	v11 =	vmul.f32 $5.545986820e-02, v14  }
0x21c: {  	v10 =	vmul.f32 $5.545986820e-02, v16;
	v4 =	vadd.f32 v4, v8;
	v13 =	vand.u32 $0x7FFFFF, v3;
	[tilespmem:s10+$0x19720] =	vst v5  }
0x21d: {  	v8 =	vshra.s32 v3, $0x17;
	v5 =	vld [tilespmem:s12+$0x19720];
	v3 =	vor.u32 $0x3F800000, v13;
	v13 =	vmul.f32 $5.545986820e-02, v6;
	[tilespmem:s10+$0x19760] =	vst v2  }
0x21e: {  	v15 =	vmul.f32 $5.545986820e-02, v1;
	v2 =	vsub.f32 $4.405070540e-01, v10;
	v10 =	vmul.f32 $5.545986820e-02, v3;
	v18 =	vld [tilespmem:s12+$0x19760];
	[tilespmem:s10+$0x19710] =	vst v4;
	s10 =	smov.u32 s12  }
0x21f: {  	v19 =	vadd.s32 $0xFFFFFF81, v8;
	v4 =	vadd.s32 $0xFFFFFF81, v9;
	v8 =	vsub.f32 $4.405070540e-01, v13  }
0x220: {  	v9 =	vsub.f32 $4.405070540e-01, v11;
	v2 =	vmul.f32 v16, v2;
	v4 =	vcvt.s32.f32 v4  }
0x221: {  	v11 =	vsub.f32 $4.405070540e-01, v15;
	v10 =	vsub.f32 $4.405070540e-01, v10;
	v13 =	vmul.f32 v6, v8  }
0x222: {  	v9 =	vmul.f32 v14, v9;
	v2 =	vadd.f32 $-1.455206510e+00, v2;
	v15 =	vshra.s32 v5, $0x17  }
0x223: {  	v5 =	vand.u32 $0x7FFFFF, v5;
	v8 =	vld [tilespmem:s10+$0x19710];
	v20 =	vand.u32 $0x7FFFFF, v18;
	v13 =	vadd.f32 $-1.455206510e+00, v13  }
0x224: {  	v21 =	vadd.s32 $0xFFFFFF81, v7;
	v7 =	vmul.f32 v16, v2;
	v2 =	vor.u32 $0x3F800000, v20  }
0x225: {  	v9 =	vadd.f32 $-1.455206510e+00, v9;
	v5 =	vor.u32 $0x3F800000, v5;
	v13 =	vmul.f32 v6, v13  }
0x226: {  	v10 =	vmul.f32 v3, v10;
	v18 =	vshra.s32 v18, $0x17;
	v20 =	vadd.f32 $2.806994200e+00, v7  }
0x227: {  	v9 =	vmul.f32 v14, v9;
	v7 =	vcvt.s32.f32 v19;
	v13 =	vadd.f32 $2.806994200e+00, v13  }
0x228: {  	v11 =	vmul.f32 v1, v11;
	v16 =	vmul.f32 v16, v20;
	v19 =	vand.u32 $0x7FFFFF, v8  }
0x229: {  	v10 =	vadd.f32 $-1.455206510e+00, v10;
	v9 =	vadd.f32 $2.806994200e+00, v9;
	v13 =	vmul.f32 v6, v13  }
0x22a: {  	v6 =	vor.u32 $0x3F800000, v19;
	v16 =	vadd.f32 v16, v0;
	v19 =	vcvt.s32.f32 v21  }
0x22b: {  	v20 =	vmul.f32 $5.545986820e-02, v2;
	v9 =	vmul.f32 v14, v9;
	v13 =	vadd.f32 v13, v0  }
0x22c: {  	v21 =	vadd.f32 $-1.455206510e+00, v11;
	v14 =	vmul.f32 $5.545986820e-02, v6;
	v19 =	vmul.f32 $6.931471820e-01, v19  }
0x22d: {  	v22 =	vmul.f32 $5.545986820e-02, v5;
	v11 =	vmul.f32 v3, v10;
	v10 =	vadd.f32 v13, v12  }
.Ltmp17:
0x22e: {  	v9 =	vadd.f32 v9, v0;
	v12 =	vsub.f32 $4.405070540e-01, v14;
	v13 =	vadd.s32 $0xFFFFFF81, v15;
	(pc) =	sbr.rel @p0 .LBB2_36-.Ltmp17, $4  }
0x22f: {  	v21 =	vmul.f32 v1, v21;
	v15 =	vsub.f32 $4.405070540e-01, v22;
	v13 =	vcvt.s32.f32 v13;
	[tilespmem:s10+$0x19770] =	vst v10  }
0x230: {  	v17 =	vadd.f32 v9, v17;
	v14 =	vsub.f32 $4.405070540e-01, v20;
	v12 =	vmul.f32 v6, v12  }
0x231: {  	v10 =	vadd.s32 $0xFFFFFF81, v18;
	v9 =	vmul.f32 $6.931471820e-01, v13;
	v13 =	vadd.f32 v16, v19  }
0x232: {  	v16 =	vmul.f32 v5, v15;
	v15 =	vadd.f32 $2.806994200e+00, v21;
	v10 =	vcvt.s32.f32 v10;
	[tilespmem:s10+$0x19780] =	vst v17  }
0x233: {  	v14 =	vmul.f32 v2, v14;
	v12 =	vadd.f32 $-1.455206510e+00, v12  }
0x234: {  	v8 =	vshra.s32 v8, $0x17;
	v11 =	vadd.f32 $2.806994200e+00, v11;
	v16 =	vadd.f32 $-1.455206510e+00, v16  }
0x235: {  	v1 =	vmul.f32 v1, v15;
	v14 =	vadd.f32 $-1.455206510e+00, v14;
	v12 =	vmul.f32 v6, v12  }
0x236: {  	v4 =	vmul.f32 $6.931471820e-01, v4;
	v8 =	vadd.s32 $0xFFFFFF81, v8;
	v16 =	vmul.f32 v5, v16  }
0x237: {  	v1 =	vadd.f32 v1, v0;
	v14 =	vmul.f32 v2, v14;
	v60 =	vadd.f32 $2.806994200e+00, v12  }
0x238: {  	v3 =	vmul.f32 v3, v11;
	v8 =	vcvt.s32.f32 v8;
	v58 =	vadd.f32 $2.806994200e+00, v16  }
0x239: {  	v1 =	vadd.f32 v1, v4;
	v14 =	vadd.f32 $2.806994200e+00, v14;
	v62 =	vmul.f32 v6, v60  }
0x23a: {  	v7 =	vmul.f32 $6.931471820e-01, v7;
	v3 =	vadd.f32 v3, v0;
	v59 =	vmul.f32 v5, v58  }
0x23b: {  	[tilespmem:s10+$0x19750] =	vst v1;
	v1 =	vmul.f32 $6.931471820e-01, v8;
	v2 =	vmul.f32 v2, v14;
	v5 =	vadd.f32 v62, v0  }
0x23c: {  	v3 =	vadd.f32 v3, v7;
	v61 =	vadd.f32 v59, v0  }
0x23d: {  	[tilespmem:s10+$0x19730] =	vst v13;
	v63 =	vmul.f32 $6.931471820e-01, v10;
	v2 =	vadd.f32 v2, v0;
	v1 =	vadd.f32 v5, v1  }
0x23e: {  	[tilespmem:s10+$0x19740] =	vst v3;
	v4 =	vadd.f32 v61, v9  }
0x23f: {  	v2 =	vadd.f32 v2, v63;
	[tilespmem:s10+$0x19710] =	vst v1  }
0x240: {  	[tilespmem:s10+$0x19720] =	vst v4  }
0x241: {  	s12 =	simm.s32 $0x0;
	s11 =	simm.s32 $0x19710;
	[tilespmem:s10+$0x19760] =	vst v2  }
0x242: {  	[hbm4b:s21+s12] =	stream.linear.scatter [tilespmem:s11], [sflag:$0x7], $0x1400, $0x38;
	[tilespmem:$0x1EF90] =	vst v63  }
0x243: {  	_ =	swait.ge [sflag:s5], $0x1400  }
0x244: {  	s10 =	simm.s32 $0x200;
	[sflag:s5] =	ssyncset.done $0x0  }
0x245: {  	s11 =	simm.s32 $0x1D310;
	s12 =	simm.s32 $0x16F10;
	[sflag:s5] =	ssyncadd.s32 $0xFFFFEC00  }
.LBB2_38:
0x246: {  	[tilespmem:s11], [sflag:$0x5] =	stream.indirect.gather [spmem:s3], $0x1, s12, s31, $0xb8;
	[tilespmem:$0x1EF90] =	vst v63  }
0x247: {  	s11 =	smov.u32 s10;
	p0 =	sne.s32 s10, $0x4E00  }
.Ltmp18:
0x248: {  	s10 =	sadd.s32 $0x200, s10;
	(pc) =	sbr.rel @p0 .LBB2_38-.Ltmp18, $3  }
0x249: {  	_ =	sdelay $0x1  }
0x24a: {  	s12 =	sshra.s32 s11, $0x2  }
0x24b: {  	s11 =	sadd.s32 $0x1D310, s12;
	s12 =	sadd.s32 $0x16F10, s12  }
0x24c: {  	[tilespmem:s11], [sflag:$0x5] =	stream.indirect.gather [spmem:s3], $0x1, s12, s31, $0xb8;
	[tilespmem:$0x1EF90] =	vst v63  }
0x24d: {  	s10 =	simm.s32 $0x0  }
0x24e: {  	v1 =	vld [tilespmem:s10+$0x1AB80]  }
0x24f: {  	v2 =	vld [tilespmem:s10+$0x1AB70]  }
0x250: {  	v3 =	vld [tilespmem:s10+$0x1AB30]  }
0x251: {  	v5 =	vld [tilespmem:s10+$0x1AB50];
	_ =	sdelay $0x2  }
0x252: {  	v8 =	vld [tilespmem:s10+$0x1AB40];
	v4 =	vshra.s32 v1, $0x17  }
0x253: {  	v6 =	vshra.s32 v2, $0x17;
	v7 =	vand.u32 $0x7FFFFF, v3;
	v9 =	vshra.s32 v3, $0x17  }
0x254: {  	v2 =	vand.u32 $0x7FFFFF, v2;
	v1 =	vand.u32 $0x7FFFFF, v1;
	v3 =	vand.u32 $0x7FFFFF, v5  }
0x255: {  	v4 =	vadd.s32 $0xFFFFFF81, v4;
	v6 =	vadd.s32 $0xFFFFFF81, v6;
	v10 =	vor.u32 $0x3F800000, v7  }
0x256: {  	v11 =	vor.u32 $0x3F800000, v1;
	v12 =	vor.u32 $0x3F800000, v2;
	v1 =	vor.u32 $0x3F800000, v3  }
0x257: {  	v2 =	vshra.s32 v5, $0x17;
	v3 =	vand.u32 $0x7FFFFF, v8;
	v7 =	vshra.s32 v8, $0x17  }
0x258: {  	v9 =	vadd.s32 $0xFFFFFF81, v9;
	v4 =	vcvt.s32.f32 v4;
	v6 =	vcvt.s32.f32 v6  }
0x259: {  	v5 =	vmul.f32 $5.545986820e-02, v11;
	v3 =	vor.u32 $0x3F800000, v3;
	v8 =	vmul.f32 $5.545986820e-02, v12  }
0x25a: {  	v16 =	vmul.f32 $5.545986820e-02, v1;
	v7 =	vadd.s32 $0xFFFFFF81, v7;
	v9 =	vcvt.s32.f32 v9  }
0x25b: {  	v2 =	vadd.s32 $0xFFFFFF81, v2;
	v13 =	vmul.f32 $6.931471820e-01, v4;
	v4 =	vmul.f32 $5.545986820e-02, v10  }
0x25c: {  	v15 =	vmul.f32 $5.545986820e-02, v3;
	v7 =	vcvt.s32.f32 v7;
	v16 =	vsub.f32 $4.405070540e-01, v16  }
0x25d: {  	v14 =	vmul.f32 $6.931471820e-01, v6;
	v6 =	vld [tilespmem:s10+$0x1AB20];
	v8 =	vsub.f32 $4.405070540e-01, v8;
	v4 =	vsub.f32 $4.405070540e-01, v4  }
0x25e: {  	v22 =	vmul.f32 $6.931471820e-01, v9;
	v15 =	vsub.f32 $4.405070540e-01, v15;
	v16 =	vmul.f32 v1, v16  }
0x25f: {  	v17 =	vld [tilespmem:s10+$0x1AB60];
	v18 =	vmul.f32 v10, v4;
	v4 =	vcvt.s32.f32 v2;
	v2 =	vsub.f32 $4.405070540e-01, v5  }
0x260: {  	v15 =	vmul.f32 v3, v15;
	v5 =	vmul.f32 v12, v8  }
0x261: {  	v9 =	vadd.f32 $-1.455206510e+00, v16;
	v18 =	vadd.f32 $-1.455206510e+00, v18;
	v20 =	vmul.f32 v11, v2  }
0x262: {  	v19 =	vshra.s32 v6, $0x17;
	v6 =	vand.u32 $0x7FFFFF, v6;
	v21 =	vadd.f32 $-1.455206510e+00, v5  }
0x263: {  	v8 =	vld [tilespmem:s10+$0x1AB10];
	v15 =	vadd.f32 $-1.455206510e+00, v15;
	v18 =	vmul.f32 v10, v18;
	v20 =	vadd.f32 $-1.455206510e+00, v20  }
0x264: {  	v2 =	vand.u32 $0x7FFFFF, v17;
	v5 =	vor.u32 $0x3F800000, v6;
	v6 =	vmul.f32 v12, v21  }
0x265: {  	v17 =	vshra.s32 v17, $0x17;
	v18 =	vadd.f32 $2.806994200e+00, v18;
	v20 =	vmul.f32 v11, v20  }
0x266: {  	v63 =	vmul.f32 v1, v9;
	v16 =	vmul.f32 $5.545986820e-02, v5;
	v6 =	vadd.f32 $2.806994200e+00, v6  }
0x267: {  	v2 =	vor.u32 $0x3F800000, v2;
	v10 =	vmul.f32 v10, v18;
	v18 =	vadd.f32 $2.806994200e+00, v20  }
0x268: {  	v61 =	vand.u32 $0x7FFFFF, v8;
	v16 =	vsub.f32 $4.405070540e-01, v16;
	v12 =	vmul.f32 v12, v6  }
0x269: {  	v62 =	vmul.f32 $5.545986820e-02, v2;
	v6 =	vor.u32 $0x3F800000, v61;
	v18 =	vmul.f32 v11, v18  }
0x26a: {  	v16 =	vmul.f32 v5, v16;
	v21 =	vmul.f32 $5.545986820e-02, v6;
	v12 =	vadd.f32 v12, v0  }
0x26b: {  	v10 =	vadd.f32 v10, v0;
	v11 =	vmul.f32 v3, v15;
	v18 =	vadd.f32 v18, v0  }
0x26c: {  	v15 =	vadd.f32 v12, v14;
	v12 =	vsub.f32 $4.405070540e-01, v21;
	v14 =	vadd.s32 $0xFFFFFF81, v19  }
0x26d: {  	v19 =	vcvt.s32.f32 v14;
	v14 =	vsub.f32 $4.405070540e-01, v62;
	v18 =	vadd.f32 v18, v13  }
0x26e: {  	s11 =	simm.s32 $0x200;
	v12 =	vmul.f32 v6, v12;
	[tilespmem:s10+$0x1AB70] =	vst v15;
	v13 =	vadd.f32 v10, v22;
	v10 =	vadd.s32 $0xFFFFFF81, v17  }
0x26f: {  	v15 =	vadd.f32 $2.806994200e+00, v63;
	v9 =	vmul.f32 $6.931471820e-01, v19;
	v10 =	vcvt.s32.f32 v10;
	[tilespmem:s10+$0x1AB80] =	vst v18  }
.LBB2_40:
0x270: {  	s12 =	sshra.s32 s11, $0x2;
	p0 =	sne.s32 s11, $0x4E00;
	s11 =	sadd.s32 $0x200, s11;
	v8 =	vshra.s32 v8, $0x17;
	[tilespmem:s10+$0x1AB30] =	vst v13;
	v11 =	vadd.f32 $2.806994200e+00, v11;
	v13 =	vmul.f32 v2, v14  }
0x271: {  	v14 =	vld [tilespmem:s12+$0x1AB80];
	v8 =	vadd.s32 $0xFFFFFF81, v8;
	v16 =	vadd.f32 $-1.455206510e+00, v16;
	v1 =	vmul.f32 v1, v15  }
0x272: {  	v4 =	vmul.f32 $6.931471820e-01, v4;
	v15 =	vld [tilespmem:s12+$0x1AB70];
	v3 =	vmul.f32 v3, v11;
	v11 =	vadd.f32 $-1.455206510e+00, v13  }
0x273: {  	v12 =	vadd.f32 $-1.455206510e+00, v12;
	v13 =	vmul.f32 v5, v16;
	v1 =	vadd.f32 v1, v0  }
0x274: {  	v7 =	vmul.f32 $6.931471820e-01, v7;
	v3 =	vadd.f32 v3, v0;
	v11 =	vmul.f32 v2, v11  }
0x275: {  	v8 =	vcvt.s32.f32 v8;
	v16 =	vld [tilespmem:s12+$0x1AB30];
	v13 =	vadd.f32 $2.806994200e+00, v13;
	v1 =	vadd.f32 v1, v4  }
0x276: {  	v10 =	vmul.f32 $6.931471820e-01, v10;
	v4 =	vshra.s32 v14, $0x17;
	v11 =	vadd.f32 $2.806994200e+00, v11  }
0x277: {  	v17 =	vshra.s32 v15, $0x17;
	v4 =	vadd.s32 $0xFFFFFF81, v4;
	v5 =	vmul.f32 v5, v13;
	[tilespmem:s10+$0x1AB50] =	vst v1  }
0x278: {  	v12 =	vmul.f32 v6, v12;
	v13 =	vld [tilespmem:s12+$0x1AB50];
	v1 =	vadd.s32 $0xFFFFFF81, v17;
	v4 =	vcvt.s32.f32 v4  }
0x279: {  	v3 =	vadd.f32 v3, v7;
	v1 =	vcvt.s32.f32 v1;
	v5 =	vadd.f32 v5, v0  }
0x27a: {  	v8 =	vmul.f32 $6.931471820e-01, v8;
	v7 =	vshra.s32 v16, $0x17;
	v16 =	vand.u32 $0x7FFFFF, v16  }
0x27b: {  	v17 =	vmul.f32 $6.931471820e-01, v4;
	v4 =	vadd.f32 $2.806994200e+00, v12;
	v16 =	vor.u32 $0x3F800000, v16;
	[tilespmem:s10+$0x1AB40] =	vst v3  }
0x27c: {  	v14 =	vand.u32 $0x7FFFFF, v14;
	v2 =	vmul.f32 v2, v11;
	v12 =	vand.u32 $0x7FFFFF, v15;
	v3 =	vld [tilespmem:s12+$0x1AB40]  }
0x27d: {  	v14 =	vor.u32 $0x3F800000, v14;
	v4 =	vmul.f32 v6, v4;
	v11 =	vand.u32 $0x7FFFFF, v13  }
0x27e: {  	v2 =	vadd.f32 v2, v0;
	v6 =	vor.u32 $0x3F800000, v12;
	v12 =	vmul.f32 $6.931471820e-01, v1  }
0x27f: {  	v5 =	vadd.f32 v5, v9;
	v1 =	vor.u32 $0x3F800000, v11;
	v4 =	vadd.f32 v4, v0  }
0x280: {  	v2 =	vadd.f32 v2, v10;
	v9 =	vshra.s32 v13, $0x17;
	v11 =	vmul.f32 $5.545986820e-02, v14  }
0x281: {  	v10 =	vmul.f32 $5.545986820e-02, v16;
	v4 =	vadd.f32 v4, v8;
	v13 =	vand.u32 $0x7FFFFF, v3;
	[tilespmem:s10+$0x1AB20] =	vst v5  }
0x282: {  	v8 =	vshra.s32 v3, $0x17;
	v5 =	vld [tilespmem:s12+$0x1AB20];
	v3 =	vor.u32 $0x3F800000, v13;
	v13 =	vmul.f32 $5.545986820e-02, v6;
	[tilespmem:s10+$0x1AB60] =	vst v2  }
0x283: {  	v15 =	vmul.f32 $5.545986820e-02, v1;
	v2 =	vsub.f32 $4.405070540e-01, v10;
	v10 =	vmul.f32 $5.545986820e-02, v3;
	v18 =	vld [tilespmem:s12+$0x1AB60];
	[tilespmem:s10+$0x1AB10] =	vst v4;
	s10 =	smov.u32 s12  }
0x284: {  	v19 =	vadd.s32 $0xFFFFFF81, v8;
	v4 =	vadd.s32 $0xFFFFFF81, v9;
	v8 =	vsub.f32 $4.405070540e-01, v13  }
0x285: {  	v9 =	vsub.f32 $4.405070540e-01, v11;
	v2 =	vmul.f32 v16, v2;
	v4 =	vcvt.s32.f32 v4  }
0x286: {  	v11 =	vsub.f32 $4.405070540e-01, v15;
	v10 =	vsub.f32 $4.405070540e-01, v10;
	v13 =	vmul.f32 v6, v8  }
0x287: {  	v9 =	vmul.f32 v14, v9;
	v2 =	vadd.f32 $-1.455206510e+00, v2;
	v15 =	vshra.s32 v5, $0x17  }
0x288: {  	v5 =	vand.u32 $0x7FFFFF, v5;
	v8 =	vld [tilespmem:s10+$0x1AB10];
	v20 =	vand.u32 $0x7FFFFF, v18;
	v13 =	vadd.f32 $-1.455206510e+00, v13  }
0x289: {  	v21 =	vadd.s32 $0xFFFFFF81, v7;
	v7 =	vmul.f32 v16, v2;
	v2 =	vor.u32 $0x3F800000, v20  }
0x28a: {  	v9 =	vadd.f32 $-1.455206510e+00, v9;
	v5 =	vor.u32 $0x3F800000, v5;
	v13 =	vmul.f32 v6, v13  }
0x28b: {  	v10 =	vmul.f32 v3, v10;
	v18 =	vshra.s32 v18, $0x17;
	v20 =	vadd.f32 $2.806994200e+00, v7  }
0x28c: {  	v9 =	vmul.f32 v14, v9;
	v7 =	vcvt.s32.f32 v19;
	v13 =	vadd.f32 $2.806994200e+00, v13  }
0x28d: {  	v11 =	vmul.f32 v1, v11;
	v16 =	vmul.f32 v16, v20;
	v19 =	vand.u32 $0x7FFFFF, v8  }
0x28e: {  	v10 =	vadd.f32 $-1.455206510e+00, v10;
	v9 =	vadd.f32 $2.806994200e+00, v9;
	v13 =	vmul.f32 v6, v13  }
0x28f: {  	v6 =	vor.u32 $0x3F800000, v19;
	v16 =	vadd.f32 v16, v0;
	v19 =	vcvt.s32.f32 v21  }
0x290: {  	v20 =	vmul.f32 $5.545986820e-02, v2;
	v9 =	vmul.f32 v14, v9;
	v13 =	vadd.f32 v13, v0  }
0x291: {  	v21 =	vadd.f32 $-1.455206510e+00, v11;
	v14 =	vmul.f32 $5.545986820e-02, v6;
	v19 =	vmul.f32 $6.931471820e-01, v19  }
0x292: {  	v22 =	vmul.f32 $5.545986820e-02, v5;
	v11 =	vmul.f32 v3, v10;
	v10 =	vadd.f32 v13, v12  }
.Ltmp19:
0x293: {  	v9 =	vadd.f32 v9, v0;
	v12 =	vsub.f32 $4.405070540e-01, v14;
	v13 =	vadd.s32 $0xFFFFFF81, v15;
	(pc) =	sbr.rel @p0 .LBB2_40-.Ltmp19, $4  }
0x294: {  	v21 =	vmul.f32 v1, v21;
	v15 =	vsub.f32 $4.405070540e-01, v22;
	v13 =	vcvt.s32.f32 v13;
	[tilespmem:s10+$0x1AB70] =	vst v10  }
0x295: {  	v17 =	vadd.f32 v9, v17;
	v14 =	vsub.f32 $4.405070540e-01, v20;
	v12 =	vmul.f32 v6, v12  }
0x296: {  	v10 =	vadd.s32 $0xFFFFFF81, v18;
	v9 =	vmul.f32 $6.931471820e-01, v13;
	v13 =	vadd.f32 v16, v19  }
0x297: {  	v16 =	vmul.f32 v5, v15;
	v15 =	vadd.f32 $2.806994200e+00, v21;
	v10 =	vcvt.s32.f32 v10;
	[tilespmem:s10+$0x1AB80] =	vst v17  }
0x298: {  	v14 =	vmul.f32 v2, v14  }
0x299: {  	v16 =	vadd.f32 $-1.455206510e+00, v16  }
0x29a: {  	v11 =	vadd.f32 $2.806994200e+00, v11;
	v14 =	vadd.f32 $-1.455206510e+00, v14  }
0x29b: {  	v12 =	vadd.f32 $-1.455206510e+00, v12;
	v4 =	vmul.f32 $6.931471820e-01, v4;
	v16 =	vmul.f32 v5, v16  }
0x29c: {  	v8 =	vshra.s32 v8, $0x17;
	v1 =	vmul.f32 v1, v15;
	v14 =	vmul.f32 v2, v14  }
0x29d: {  	v3 =	vmul.f32 v3, v11;
	v12 =	vmul.f32 v6, v12;
	v11 =	vadd.f32 $2.806994200e+00, v16  }
0x29e: {  	v7 =	vmul.f32 $6.931471820e-01, v7;
	v8 =	vadd.s32 $0xFFFFFF81, v8;
	v14 =	vadd.f32 $2.806994200e+00, v14  }
0x29f: {  	v1 =	vadd.f32 v1, v0;
	v5 =	vmul.f32 v5, v11;
	v11 =	vadd.f32 $2.806994200e+00, v12  }
0x2a0: {  	v8 =	vcvt.s32.f32 v8;
	v3 =	vadd.f32 v3, v0;
	v2 =	vmul.f32 v2, v14  }
0x2a1: {  	v1 =	vadd.f32 v1, v4;
	v4 =	vadd.f32 v5, v0;
	v5 =	vmul.f32 v6, v11  }
0x2a2: {  	[tilespmem:s10+$0x1AB30] =	vst v13;
	v3 =	vadd.f32 v3, v7;
	v6 =	vmul.f32 $6.931471820e-01, v10;
	v2 =	vadd.f32 v2, v0  }
0x2a3: {  	[tilespmem:s10+$0x1AB50] =	vst v1;
	v1 =	vmul.f32 $6.931471820e-01, v8;
	v5 =	vadd.f32 v5, v0;
	v4 =	vadd.f32 v4, v9  }
0x2a4: {  	[tilespmem:s10+$0x1AB40] =	vst v3;
	v2 =	vadd.f32 v2, v6  }
0x2a5: {  	v1 =	vadd.f32 v5, v1;
	[tilespmem:s10+$0x1AB20] =	vst v4  }
0x2a6: {  	[tilespmem:s10+$0x1AB60] =	vst v2  }
0x2a7: {  	s12 =	simm.s32 $0x0;
	s11 =	simm.s32 $0x1AB10;
	[tilespmem:s10+$0x1AB10] =	vst v1  }
0x2a8: {  	[hbm4b:s22+s12] =	stream.linear.scatter [tilespmem:s11], [sflag:$0x7], $0x1400, $0x38;
	[tilespmem:$0x1EF90] =	vst v63  }
0x2a9: {  	_ =	swait.ge [sflag:s7], $0x1400  }
0x2aa: {  	[sflag:s7] =	ssyncset.done $0x0  }
0x2ab: {  	s10 =	simm.s32 $0x0;
	[sflag:s7] =	ssyncadd.s32 $0xFFFFEC00  }
0x2ac: {  	v1 =	vld [tilespmem:s10+$0x1BF80]  }
0x2ad: {  	v2 =	vld [tilespmem:s10+$0x1BF70]  }
0x2ae: {  	v3 =	vld [tilespmem:s10+$0x1BF30]  }
0x2af: {  	v5 =	vld [tilespmem:s10+$0x1BF50];
	_ =	sdelay $0x2  }
0x2b0: {  	v8 =	vld [tilespmem:s10+$0x1BF40];
	v4 =	vshra.s32 v1, $0x17  }
0x2b1: {  	v6 =	vshra.s32 v2, $0x17;
	v7 =	vand.u32 $0x7FFFFF, v3;
	v9 =	vshra.s32 v3, $0x17  }
0x2b2: {  	v2 =	vand.u32 $0x7FFFFF, v2;
	v1 =	vand.u32 $0x7FFFFF, v1;
	v3 =	vand.u32 $0x7FFFFF, v5  }
0x2b3: {  	v4 =	vadd.s32 $0xFFFFFF81, v4;
	v6 =	vadd.s32 $0xFFFFFF81, v6;
	v10 =	vor.u32 $0x3F800000, v7  }
0x2b4: {  	v11 =	vor.u32 $0x3F800000, v1;
	v12 =	vor.u32 $0x3F800000, v2;
	v1 =	vor.u32 $0x3F800000, v3  }
0x2b5: {  	v2 =	vshra.s32 v5, $0x17;
	v3 =	vand.u32 $0x7FFFFF, v8;
	v7 =	vshra.s32 v8, $0x17  }
0x2b6: {  	v9 =	vadd.s32 $0xFFFFFF81, v9;
	v4 =	vcvt.s32.f32 v4;
	v6 =	vcvt.s32.f32 v6  }
0x2b7: {  	v5 =	vmul.f32 $5.545986820e-02, v11;
	v3 =	vor.u32 $0x3F800000, v3;
	v8 =	vmul.f32 $5.545986820e-02, v12  }
0x2b8: {  	v16 =	vmul.f32 $5.545986820e-02, v1;
	v7 =	vadd.s32 $0xFFFFFF81, v7;
	v9 =	vcvt.s32.f32 v9  }
0x2b9: {  	v2 =	vadd.s32 $0xFFFFFF81, v2;
	v13 =	vmul.f32 $6.931471820e-01, v4;
	v4 =	vmul.f32 $5.545986820e-02, v10  }
0x2ba: {  	v15 =	vmul.f32 $5.545986820e-02, v3;
	v7 =	vcvt.s32.f32 v7;
	v16 =	vsub.f32 $4.405070540e-01, v16  }
0x2bb: {  	v14 =	vmul.f32 $6.931471820e-01, v6;
	v6 =	vld [tilespmem:s10+$0x1BF20];
	v8 =	vsub.f32 $4.405070540e-01, v8;
	v4 =	vsub.f32 $4.405070540e-01, v4  }
0x2bc: {  	v22 =	vmul.f32 $6.931471820e-01, v9;
	v15 =	vsub.f32 $4.405070540e-01, v15;
	v16 =	vmul.f32 v1, v16  }
0x2bd: {  	v17 =	vld [tilespmem:s10+$0x1BF60];
	v18 =	vmul.f32 v10, v4;
	v4 =	vcvt.s32.f32 v2;
	v2 =	vsub.f32 $4.405070540e-01, v5  }
0x2be: {  	v15 =	vmul.f32 v3, v15;
	v5 =	vmul.f32 v12, v8  }
0x2bf: {  	v9 =	vadd.f32 $-1.455206510e+00, v16;
	v18 =	vadd.f32 $-1.455206510e+00, v18;
	v20 =	vmul.f32 v11, v2  }
0x2c0: {  	v19 =	vshra.s32 v6, $0x17;
	v6 =	vand.u32 $0x7FFFFF, v6;
	v21 =	vadd.f32 $-1.455206510e+00, v5  }
0x2c1: {  	v8 =	vld [tilespmem:s10+$0x1BF10];
	v15 =	vadd.f32 $-1.455206510e+00, v15;
	v18 =	vmul.f32 v10, v18;
	v20 =	vadd.f32 $-1.455206510e+00, v20  }
0x2c2: {  	v2 =	vand.u32 $0x7FFFFF, v17;
	v5 =	vor.u32 $0x3F800000, v6;
	v6 =	vmul.f32 v12, v21  }
0x2c3: {  	v17 =	vshra.s32 v17, $0x17;
	v18 =	vadd.f32 $2.806994200e+00, v18;
	v20 =	vmul.f32 v11, v20  }
0x2c4: {  	v63 =	vmul.f32 v1, v9;
	v16 =	vmul.f32 $5.545986820e-02, v5;
	v6 =	vadd.f32 $2.806994200e+00, v6  }
0x2c5: {  	v2 =	vor.u32 $0x3F800000, v2;
	v10 =	vmul.f32 v10, v18;
	v18 =	vadd.f32 $2.806994200e+00, v20  }
0x2c6: {  	v61 =	vand.u32 $0x7FFFFF, v8;
	v16 =	vsub.f32 $4.405070540e-01, v16;
	v12 =	vmul.f32 v12, v6  }
0x2c7: {  	v62 =	vmul.f32 $5.545986820e-02, v2;
	v6 =	vor.u32 $0x3F800000, v61;
	v18 =	vmul.f32 v11, v18  }
0x2c8: {  	v16 =	vmul.f32 v5, v16;
	v21 =	vmul.f32 $5.545986820e-02, v6;
	v12 =	vadd.f32 v12, v0  }
0x2c9: {  	v10 =	vadd.f32 v10, v0;
	v11 =	vmul.f32 v3, v15;
	v18 =	vadd.f32 v18, v0  }
0x2ca: {  	v15 =	vadd.f32 v12, v14;
	v12 =	vsub.f32 $4.405070540e-01, v21;
	v14 =	vadd.s32 $0xFFFFFF81, v19  }
0x2cb: {  	v19 =	vcvt.s32.f32 v14;
	v14 =	vsub.f32 $4.405070540e-01, v62;
	v18 =	vadd.f32 v18, v13  }
0x2cc: {  	s11 =	simm.s32 $0x200;
	v12 =	vmul.f32 v6, v12;
	[tilespmem:s10+$0x1BF70] =	vst v15;
	v13 =	vadd.f32 v10, v22;
	v10 =	vadd.s32 $0xFFFFFF81, v17  }
0x2cd: {  	v15 =	vadd.f32 $2.806994200e+00, v63;
	v9 =	vmul.f32 $6.931471820e-01, v19;
	v10 =	vcvt.s32.f32 v10;
	[tilespmem:s10+$0x1BF80] =	vst v18  }
.LBB2_42:
0x2ce: {  	s12 =	sshra.s32 s11, $0x2;
	p0 =	sne.s32 s11, $0x4E00;
	s11 =	sadd.s32 $0x200, s11;
	v8 =	vshra.s32 v8, $0x17;
	[tilespmem:s10+$0x1BF30] =	vst v13;
	v11 =	vadd.f32 $2.806994200e+00, v11;
	v13 =	vmul.f32 v2, v14  }
0x2cf: {  	v14 =	vld [tilespmem:s12+$0x1BF80];
	v8 =	vadd.s32 $0xFFFFFF81, v8;
	v16 =	vadd.f32 $-1.455206510e+00, v16;
	v1 =	vmul.f32 v1, v15  }
0x2d0: {  	v4 =	vmul.f32 $6.931471820e-01, v4;
	v15 =	vld [tilespmem:s12+$0x1BF70];
	v3 =	vmul.f32 v3, v11;
	v11 =	vadd.f32 $-1.455206510e+00, v13  }
0x2d1: {  	v12 =	vadd.f32 $-1.455206510e+00, v12;
	v13 =	vmul.f32 v5, v16;
	v1 =	vadd.f32 v1, v0  }
0x2d2: {  	v7 =	vmul.f32 $6.931471820e-01, v7;
	v3 =	vadd.f32 v3, v0;
	v11 =	vmul.f32 v2, v11  }
0x2d3: {  	v8 =	vcvt.s32.f32 v8;
	v16 =	vld [tilespmem:s12+$0x1BF30];
	v13 =	vadd.f32 $2.806994200e+00, v13;
	v1 =	vadd.f32 v1, v4  }
0x2d4: {  	v10 =	vmul.f32 $6.931471820e-01, v10;
	v4 =	vshra.s32 v14, $0x17;
	v11 =	vadd.f32 $2.806994200e+00, v11  }
0x2d5: {  	v17 =	vshra.s32 v15, $0x17;
	v4 =	vadd.s32 $0xFFFFFF81, v4;
	v5 =	vmul.f32 v5, v13;
	[tilespmem:s10+$0x1BF50] =	vst v1  }
0x2d6: {  	v12 =	vmul.f32 v6, v12;
	v13 =	vld [tilespmem:s12+$0x1BF50];
	v1 =	vadd.s32 $0xFFFFFF81, v17;
	v4 =	vcvt.s32.f32 v4  }
0x2d7: {  	v3 =	vadd.f32 v3, v7;
	v1 =	vcvt.s32.f32 v1;
	v5 =	vadd.f32 v5, v0  }
0x2d8: {  	v8 =	vmul.f32 $6.931471820e-01, v8;
	v7 =	vshra.s32 v16, $0x17;
	v16 =	vand.u32 $0x7FFFFF, v16  }
0x2d9: {  	v17 =	vmul.f32 $6.931471820e-01, v4;
	v4 =	vadd.f32 $2.806994200e+00, v12;
	v16 =	vor.u32 $0x3F800000, v16;
	[tilespmem:s10+$0x1BF40] =	vst v3  }
0x2da: {  	v14 =	vand.u32 $0x7FFFFF, v14;
	v2 =	vmul.f32 v2, v11;
	v12 =	vand.u32 $0x7FFFFF, v15;
	v3 =	vld [tilespmem:s12+$0x1BF40]  }
0x2db: {  	v14 =	vor.u32 $0x3F800000, v14;
	v4 =	vmul.f32 v6, v4;
	v11 =	vand.u32 $0x7FFFFF, v13  }
0x2dc: {  	v2 =	vadd.f32 v2, v0;
	v6 =	vor.u32 $0x3F800000, v12;
	v12 =	vmul.f32 $6.931471820e-01, v1  }
0x2dd: {  	v5 =	vadd.f32 v5, v9;
	v1 =	vor.u32 $0x3F800000, v11;
	v4 =	vadd.f32 v4, v0  }
0x2de: {  	v2 =	vadd.f32 v2, v10;
	v9 =	vshra.s32 v13, $0x17;
	v11 =	vmul.f32 $5.545986820e-02, v14  }
0x2df: {  	v10 =	vmul.f32 $5.545986820e-02, v16;
	v4 =	vadd.f32 v4, v8;
	v13 =	vand.u32 $0x7FFFFF, v3;
	[tilespmem:s10+$0x1BF20] =	vst v5  }
0x2e0: {  	v8 =	vshra.s32 v3, $0x17;
	v5 =	vld [tilespmem:s12+$0x1BF20];
	v3 =	vor.u32 $0x3F800000, v13;
	v13 =	vmul.f32 $5.545986820e-02, v6;
	[tilespmem:s10+$0x1BF60] =	vst v2  }
0x2e1: {  	v15 =	vmul.f32 $5.545986820e-02, v1;
	v2 =	vsub.f32 $4.405070540e-01, v10;
	v10 =	vmul.f32 $5.545986820e-02, v3;
	v18 =	vld [tilespmem:s12+$0x1BF60];
	[tilespmem:s10+$0x1BF10] =	vst v4;
	s10 =	smov.u32 s12  }
0x2e2: {  	v19 =	vadd.s32 $0xFFFFFF81, v8;
	v4 =	vadd.s32 $0xFFFFFF81, v9;
	v8 =	vsub.f32 $4.405070540e-01, v13  }
0x2e3: {  	v9 =	vsub.f32 $4.405070540e-01, v11;
	v2 =	vmul.f32 v16, v2;
	v4 =	vcvt.s32.f32 v4  }
0x2e4: {  	v11 =	vsub.f32 $4.405070540e-01, v15;
	v10 =	vsub.f32 $4.405070540e-01, v10;
	v13 =	vmul.f32 v6, v8  }
0x2e5: {  	v9 =	vmul.f32 v14, v9;
	v2 =	vadd.f32 $-1.455206510e+00, v2;
	v15 =	vshra.s32 v5, $0x17  }
0x2e6: {  	v5 =	vand.u32 $0x7FFFFF, v5;
	v8 =	vld [tilespmem:s10+$0x1BF10];
	v20 =	vand.u32 $0x7FFFFF, v18;
	v13 =	vadd.f32 $-1.455206510e+00, v13  }
0x2e7: {  	v21 =	vadd.s32 $0xFFFFFF81, v7;
	v7 =	vmul.f32 v16, v2;
	v2 =	vor.u32 $0x3F800000, v20  }
0x2e8: {  	v9 =	vadd.f32 $-1.455206510e+00, v9;
	v5 =	vor.u32 $0x3F800000, v5;
	v13 =	vmul.f32 v6, v13  }
0x2e9: {  	v10 =	vmul.f32 v3, v10;
	v18 =	vshra.s32 v18, $0x17;
	v20 =	vadd.f32 $2.806994200e+00, v7  }
0x2ea: {  	v9 =	vmul.f32 v14, v9;
	v7 =	vcvt.s32.f32 v19;
	v13 =	vadd.f32 $2.806994200e+00, v13  }
0x2eb: {  	v11 =	vmul.f32 v1, v11;
	v16 =	vmul.f32 v16, v20;
	v19 =	vand.u32 $0x7FFFFF, v8  }
0x2ec: {  	v10 =	vadd.f32 $-1.455206510e+00, v10;
	v9 =	vadd.f32 $2.806994200e+00, v9;
	v13 =	vmul.f32 v6, v13  }
0x2ed: {  	v6 =	vor.u32 $0x3F800000, v19;
	v16 =	vadd.f32 v16, v0;
	v19 =	vcvt.s32.f32 v21  }
0x2ee: {  	v20 =	vmul.f32 $5.545986820e-02, v2;
	v9 =	vmul.f32 v14, v9;
	v13 =	vadd.f32 v13, v0  }
0x2ef: {  	v21 =	vadd.f32 $-1.455206510e+00, v11;
	v14 =	vmul.f32 $5.545986820e-02, v6;
	v19 =	vmul.f32 $6.931471820e-01, v19  }
0x2f0: {  	v22 =	vmul.f32 $5.545986820e-02, v5;
	v11 =	vmul.f32 v3, v10;
	v10 =	vadd.f32 v13, v12  }
.Ltmp20:
0x2f1: {  	v9 =	vadd.f32 v9, v0;
	v12 =	vsub.f32 $4.405070540e-01, v14;
	v13 =	vadd.s32 $0xFFFFFF81, v15;
	(pc) =	sbr.rel @p0 .LBB2_42-.Ltmp20, $4  }
0x2f2: {  	v21 =	vmul.f32 v1, v21;
	v15 =	vsub.f32 $4.405070540e-01, v22;
	v13 =	vcvt.s32.f32 v13;
	[tilespmem:s10+$0x1BF70] =	vst v10  }
0x2f3: {  	v17 =	vadd.f32 v9, v17;
	v14 =	vsub.f32 $4.405070540e-01, v20;
	v12 =	vmul.f32 v6, v12  }
0x2f4: {  	v10 =	vadd.s32 $0xFFFFFF81, v18;
	v9 =	vmul.f32 $6.931471820e-01, v13;
	v13 =	vadd.f32 v16, v19  }
0x2f5: {  	v16 =	vmul.f32 v5, v15;
	v15 =	vadd.f32 $2.806994200e+00, v21;
	v10 =	vcvt.s32.f32 v10;
	[tilespmem:s10+$0x1BF80] =	vst v17  }
0x2f6: {  	v14 =	vmul.f32 v2, v14  }
0x2f7: {  	v16 =	vadd.f32 $-1.455206510e+00, v16  }
0x2f8: {  	v11 =	vadd.f32 $2.806994200e+00, v11;
	v14 =	vadd.f32 $-1.455206510e+00, v14  }
0x2f9: {  	v12 =	vadd.f32 $-1.455206510e+00, v12;
	v4 =	vmul.f32 $6.931471820e-01, v4;
	v16 =	vmul.f32 v5, v16  }
0x2fa: {  	v8 =	vshra.s32 v8, $0x17;
	v1 =	vmul.f32 v1, v15;
	v14 =	vmul.f32 v2, v14  }
0x2fb: {  	v3 =	vmul.f32 v3, v11;
	v12 =	vmul.f32 v6, v12;
	v11 =	vadd.f32 $2.806994200e+00, v16  }
0x2fc: {  	v7 =	vmul.f32 $6.931471820e-01, v7;
	v8 =	vadd.s32 $0xFFFFFF81, v8;
	v14 =	vadd.f32 $2.806994200e+00, v14  }
0x2fd: {  	v1 =	vadd.f32 v1, v0;
	v5 =	vmul.f32 v5, v11;
	v11 =	vadd.f32 $2.806994200e+00, v12  }
0x2fe: {  	v8 =	vcvt.s32.f32 v8;
	v3 =	vadd.f32 v3, v0;
	v2 =	vmul.f32 v2, v14  }
0x2ff: {  	v1 =	vadd.f32 v1, v4;
	v4 =	vadd.f32 v5, v0;
	v5 =	vmul.f32 v6, v11  }
0x300: {  	[tilespmem:s10+$0x1BF30] =	vst v13;
	v3 =	vadd.f32 v3, v7;
	v6 =	vmul.f32 $6.931471820e-01, v10;
	v2 =	vadd.f32 v2, v0  }
0x301: {  	[tilespmem:s10+$0x1BF50] =	vst v1;
	v1 =	vmul.f32 $6.931471820e-01, v8;
	v5 =	vadd.f32 v5, v0;
	v4 =	vadd.f32 v4, v9  }
0x302: {  	[tilespmem:s10+$0x1BF40] =	vst v3;
	v2 =	vadd.f32 v2, v6  }
0x303: {  	v1 =	vadd.f32 v5, v1;
	[tilespmem:s10+$0x1BF20] =	vst v4  }
0x304: {  	[tilespmem:s10+$0x1BF60] =	vst v2  }
0x305: {  	s12 =	simm.s32 $0x0;
	s11 =	simm.s32 $0x1BF10;
	[tilespmem:s10+$0x1BF10] =	vst v1  }
0x306: {  	[hbm4b:s23+s12] =	stream.linear.scatter [tilespmem:s11], [sflag:$0x7], $0x1400, $0x38;
	[tilespmem:$0x1EF90] =	vst v63  }
0x307: {  	_ =	swait.ge [sflag:s5], $0x1400  }
0x308: {  	[sflag:s5] =	ssyncset.done $0x0  }
0x309: {  	s10 =	simm.s32 $0x0;
	[sflag:s5] =	ssyncadd.s32 $0xFFFFEC00  }
0x30a: {  	v1 =	vld [tilespmem:s10+$0x1D380]  }
0x30b: {  	v2 =	vld [tilespmem:s10+$0x1D370]  }
0x30c: {  	v3 =	vld [tilespmem:s10+$0x1D330]  }
0x30d: {  	v5 =	vld [tilespmem:s10+$0x1D350];
	_ =	sdelay $0x2  }
0x30e: {  	v8 =	vld [tilespmem:s10+$0x1D340];
	v4 =	vshra.s32 v1, $0x17  }
0x30f: {  	v6 =	vshra.s32 v2, $0x17;
	v7 =	vand.u32 $0x7FFFFF, v3;
	v9 =	vshra.s32 v3, $0x17  }
0x310: {  	v2 =	vand.u32 $0x7FFFFF, v2;
	v1 =	vand.u32 $0x7FFFFF, v1;
	v3 =	vand.u32 $0x7FFFFF, v5  }
0x311: {  	v4 =	vadd.s32 $0xFFFFFF81, v4;
	v6 =	vadd.s32 $0xFFFFFF81, v6;
	v10 =	vor.u32 $0x3F800000, v7  }
0x312: {  	v11 =	vor.u32 $0x3F800000, v1;
	v12 =	vor.u32 $0x3F800000, v2;
	v1 =	vor.u32 $0x3F800000, v3  }
0x313: {  	v2 =	vshra.s32 v5, $0x17;
	v3 =	vand.u32 $0x7FFFFF, v8;
	v7 =	vshra.s32 v8, $0x17  }
0x314: {  	v9 =	vadd.s32 $0xFFFFFF81, v9;
	v4 =	vcvt.s32.f32 v4;
	v6 =	vcvt.s32.f32 v6  }
0x315: {  	v5 =	vmul.f32 $5.545986820e-02, v11;
	v3 =	vor.u32 $0x3F800000, v3;
	v8 =	vmul.f32 $5.545986820e-02, v12  }
0x316: {  	v16 =	vmul.f32 $5.545986820e-02, v1;
	v7 =	vadd.s32 $0xFFFFFF81, v7;
	v9 =	vcvt.s32.f32 v9  }
0x317: {  	v2 =	vadd.s32 $0xFFFFFF81, v2;
	v13 =	vmul.f32 $6.931471820e-01, v4;
	v4 =	vmul.f32 $5.545986820e-02, v10  }
0x318: {  	v15 =	vmul.f32 $5.545986820e-02, v3;
	v7 =	vcvt.s32.f32 v7;
	v16 =	vsub.f32 $4.405070540e-01, v16  }
0x319: {  	v14 =	vmul.f32 $6.931471820e-01, v6;
	v6 =	vld [tilespmem:s10+$0x1D320];
	v8 =	vsub.f32 $4.405070540e-01, v8;
	v4 =	vsub.f32 $4.405070540e-01, v4  }
0x31a: {  	v22 =	vmul.f32 $6.931471820e-01, v9;
	v15 =	vsub.f32 $4.405070540e-01, v15;
	v16 =	vmul.f32 v1, v16  }
0x31b: {  	v17 =	vld [tilespmem:s10+$0x1D360];
	v18 =	vmul.f32 v10, v4;
	v4 =	vcvt.s32.f32 v2;
	v2 =	vsub.f32 $4.405070540e-01, v5  }
0x31c: {  	v15 =	vmul.f32 v3, v15;
	v5 =	vmul.f32 v12, v8  }
0x31d: {  	v9 =	vadd.f32 $-1.455206510e+00, v16;
	v18 =	vadd.f32 $-1.455206510e+00, v18;
	v20 =	vmul.f32 v11, v2  }
0x31e: {  	v19 =	vshra.s32 v6, $0x17;
	v6 =	vand.u32 $0x7FFFFF, v6;
	v21 =	vadd.f32 $-1.455206510e+00, v5  }
0x31f: {  	v8 =	vld [tilespmem:s10+$0x1D310];
	v15 =	vadd.f32 $-1.455206510e+00, v15;
	v18 =	vmul.f32 v10, v18;
	v20 =	vadd.f32 $-1.455206510e+00, v20  }
0x320: {  	v2 =	vand.u32 $0x7FFFFF, v17;
	v5 =	vor.u32 $0x3F800000, v6;
	v6 =	vmul.f32 v12, v21  }
0x321: {  	v17 =	vshra.s32 v17, $0x17;
	v18 =	vadd.f32 $2.806994200e+00, v18;
	v20 =	vmul.f32 v11, v20  }
0x322: {  	v63 =	vmul.f32 v1, v9;
	v16 =	vmul.f32 $5.545986820e-02, v5;
	v6 =	vadd.f32 $2.806994200e+00, v6  }
0x323: {  	v2 =	vor.u32 $0x3F800000, v2;
	v10 =	vmul.f32 v10, v18;
	v18 =	vadd.f32 $2.806994200e+00, v20  }
0x324: {  	v61 =	vand.u32 $0x7FFFFF, v8;
	v16 =	vsub.f32 $4.405070540e-01, v16;
	v12 =	vmul.f32 v12, v6  }
0x325: {  	v62 =	vmul.f32 $5.545986820e-02, v2;
	v6 =	vor.u32 $0x3F800000, v61;
	v18 =	vmul.f32 v11, v18  }
0x326: {  	v16 =	vmul.f32 v5, v16;
	v21 =	vmul.f32 $5.545986820e-02, v6;
	v12 =	vadd.f32 v12, v0  }
0x327: {  	v10 =	vadd.f32 v10, v0;
	v11 =	vmul.f32 v3, v15;
	v18 =	vadd.f32 v18, v0  }
0x328: {  	v15 =	vadd.f32 v12, v14;
	v12 =	vsub.f32 $4.405070540e-01, v21;
	v14 =	vadd.s32 $0xFFFFFF81, v19  }
0x329: {  	v19 =	vcvt.s32.f32 v14;
	v14 =	vsub.f32 $4.405070540e-01, v62;
	v18 =	vadd.f32 v18, v13  }
0x32a: {  	s11 =	simm.s32 $0x200;
	v12 =	vmul.f32 v6, v12;
	[tilespmem:s10+$0x1D370] =	vst v15;
	v13 =	vadd.f32 v10, v22;
	v10 =	vadd.s32 $0xFFFFFF81, v17  }
0x32b: {  	v15 =	vadd.f32 $2.806994200e+00, v63;
	v9 =	vmul.f32 $6.931471820e-01, v19;
	v10 =	vcvt.s32.f32 v10;
	[tilespmem:s10+$0x1D380] =	vst v18  }
.LBB2_44:
0x32c: {  	s12 =	sshra.s32 s11, $0x2;
	p0 =	sne.s32 s11, $0x4E00;
	s11 =	sadd.s32 $0x200, s11;
	v8 =	vshra.s32 v8, $0x17;
	[tilespmem:s10+$0x1D330] =	vst v13;
	v11 =	vadd.f32 $2.806994200e+00, v11;
	v13 =	vmul.f32 v2, v14  }
0x32d: {  	v14 =	vld [tilespmem:s12+$0x1D380];
	v8 =	vadd.s32 $0xFFFFFF81, v8;
	v16 =	vadd.f32 $-1.455206510e+00, v16;
	v1 =	vmul.f32 v1, v15  }
0x32e: {  	v4 =	vmul.f32 $6.931471820e-01, v4;
	v15 =	vld [tilespmem:s12+$0x1D370];
	v3 =	vmul.f32 v3, v11;
	v11 =	vadd.f32 $-1.455206510e+00, v13  }
0x32f: {  	v12 =	vadd.f32 $-1.455206510e+00, v12;
	v13 =	vmul.f32 v5, v16;
	v1 =	vadd.f32 v1, v0  }
0x330: {  	v7 =	vmul.f32 $6.931471820e-01, v7;
	v3 =	vadd.f32 v3, v0;
	v11 =	vmul.f32 v2, v11  }
0x331: {  	v8 =	vcvt.s32.f32 v8;
	v16 =	vld [tilespmem:s12+$0x1D330];
	v13 =	vadd.f32 $2.806994200e+00, v13;
	v1 =	vadd.f32 v1, v4  }
0x332: {  	v10 =	vmul.f32 $6.931471820e-01, v10;
	v4 =	vshra.s32 v14, $0x17;
	v11 =	vadd.f32 $2.806994200e+00, v11  }
0x333: {  	v17 =	vshra.s32 v15, $0x17;
	v4 =	vadd.s32 $0xFFFFFF81, v4;
	v5 =	vmul.f32 v5, v13;
	[tilespmem:s10+$0x1D350] =	vst v1  }
0x334: {  	v12 =	vmul.f32 v6, v12;
	v13 =	vld [tilespmem:s12+$0x1D350];
	v1 =	vadd.s32 $0xFFFFFF81, v17;
	v4 =	vcvt.s32.f32 v4  }
0x335: {  	v3 =	vadd.f32 v3, v7;
	v1 =	vcvt.s32.f32 v1;
	v5 =	vadd.f32 v5, v0  }
0x336: {  	v8 =	vmul.f32 $6.931471820e-01, v8;
	v7 =	vshra.s32 v16, $0x17;
	v16 =	vand.u32 $0x7FFFFF, v16  }
0x337: {  	v17 =	vmul.f32 $6.931471820e-01, v4;
	v4 =	vadd.f32 $2.806994200e+00, v12;
	v16 =	vor.u32 $0x3F800000, v16;
	[tilespmem:s10+$0x1D340] =	vst v3  }
0x338: {  	v14 =	vand.u32 $0x7FFFFF, v14;
	v2 =	vmul.f32 v2, v11;
	v12 =	vand.u32 $0x7FFFFF, v15;
	v3 =	vld [tilespmem:s12+$0x1D340]  }
0x339: {  	v14 =	vor.u32 $0x3F800000, v14;
	v4 =	vmul.f32 v6, v4;
	v11 =	vand.u32 $0x7FFFFF, v13  }
0x33a: {  	v2 =	vadd.f32 v2, v0;
	v6 =	vor.u32 $0x3F800000, v12;
	v12 =	vmul.f32 $6.931471820e-01, v1  }
0x33b: {  	v5 =	vadd.f32 v5, v9;
	v1 =	vor.u32 $0x3F800000, v11;
	v4 =	vadd.f32 v4, v0  }
0x33c: {  	v2 =	vadd.f32 v2, v10;
	v9 =	vshra.s32 v13, $0x17;
	v11 =	vmul.f32 $5.545986820e-02, v14  }
0x33d: {  	v10 =	vmul.f32 $5.545986820e-02, v16;
	v4 =	vadd.f32 v4, v8;
	v13 =	vand.u32 $0x7FFFFF, v3;
	[tilespmem:s10+$0x1D320] =	vst v5  }
0x33e: {  	v8 =	vshra.s32 v3, $0x17;
	v5 =	vld [tilespmem:s12+$0x1D320];
	v3 =	vor.u32 $0x3F800000, v13;
	v13 =	vmul.f32 $5.545986820e-02, v6;
	[tilespmem:s10+$0x1D360] =	vst v2  }
0x33f: {  	v15 =	vmul.f32 $5.545986820e-02, v1;
	v2 =	vsub.f32 $4.405070540e-01, v10;
	v10 =	vmul.f32 $5.545986820e-02, v3;
	v18 =	vld [tilespmem:s12+$0x1D360];
	[tilespmem:s10+$0x1D310] =	vst v4;
	s10 =	smov.u32 s12  }
0x340: {  	v19 =	vadd.s32 $0xFFFFFF81, v8;
	v4 =	vadd.s32 $0xFFFFFF81, v9;
	v8 =	vsub.f32 $4.405070540e-01, v13  }
0x341: {  	v9 =	vsub.f32 $4.405070540e-01, v11;
	v2 =	vmul.f32 v16, v2;
	v4 =	vcvt.s32.f32 v4  }
0x342: {  	v11 =	vsub.f32 $4.405070540e-01, v15;
	v10 =	vsub.f32 $4.405070540e-01, v10;
	v13 =	vmul.f32 v6, v8  }
0x343: {  	v9 =	vmul.f32 v14, v9;
	v2 =	vadd.f32 $-1.455206510e+00, v2;
	v15 =	vshra.s32 v5, $0x17  }
0x344: {  	v5 =	vand.u32 $0x7FFFFF, v5;
	v8 =	vld [tilespmem:s10+$0x1D310];
	v20 =	vand.u32 $0x7FFFFF, v18;
	v13 =	vadd.f32 $-1.455206510e+00, v13  }
0x345: {  	v21 =	vadd.s32 $0xFFFFFF81, v7;
	v7 =	vmul.f32 v16, v2;
	v2 =	vor.u32 $0x3F800000, v20  }
0x346: {  	v9 =	vadd.f32 $-1.455206510e+00, v9;
	v5 =	vor.u32 $0x3F800000, v5;
	v13 =	vmul.f32 v6, v13  }
0x347: {  	v10 =	vmul.f32 v3, v10;
	v18 =	vshra.s32 v18, $0x17;
	v20 =	vadd.f32 $2.806994200e+00, v7  }
0x348: {  	v9 =	vmul.f32 v14, v9;
	v7 =	vcvt.s32.f32 v19;
	v13 =	vadd.f32 $2.806994200e+00, v13  }
0x349: {  	v11 =	vmul.f32 v1, v11;
	v16 =	vmul.f32 v16, v20;
	v19 =	vand.u32 $0x7FFFFF, v8  }
0x34a: {  	v10 =	vadd.f32 $-1.455206510e+00, v10;
	v9 =	vadd.f32 $2.806994200e+00, v9;
	v13 =	vmul.f32 v6, v13  }
0x34b: {  	v6 =	vor.u32 $0x3F800000, v19;
	v16 =	vadd.f32 v16, v0;
	v19 =	vcvt.s32.f32 v21  }
0x34c: {  	v20 =	vmul.f32 $5.545986820e-02, v2;
	v9 =	vmul.f32 v14, v9;
	v13 =	vadd.f32 v13, v0  }
0x34d: {  	v21 =	vadd.f32 $-1.455206510e+00, v11;
	v14 =	vmul.f32 $5.545986820e-02, v6;
	v19 =	vmul.f32 $6.931471820e-01, v19  }
0x34e: {  	v22 =	vmul.f32 $5.545986820e-02, v5;
	v11 =	vmul.f32 v3, v10;
	v10 =	vadd.f32 v13, v12  }
.Ltmp21:
0x34f: {  	v9 =	vadd.f32 v9, v0;
	v12 =	vsub.f32 $4.405070540e-01, v14;
	v13 =	vadd.s32 $0xFFFFFF81, v15;
	(pc) =	sbr.rel @p0 .LBB2_44-.Ltmp21, $4  }
0x350: {  	v21 =	vmul.f32 v1, v21;
	v15 =	vsub.f32 $4.405070540e-01, v22;
	v13 =	vcvt.s32.f32 v13;
	[tilespmem:s10+$0x1D370] =	vst v10  }
0x351: {  	v17 =	vadd.f32 v9, v17;
	v14 =	vsub.f32 $4.405070540e-01, v20;
	v12 =	vmul.f32 v6, v12  }
0x352: {  	v10 =	vadd.s32 $0xFFFFFF81, v18;
	v9 =	vmul.f32 $6.931471820e-01, v13;
	v13 =	vadd.f32 v16, v19  }
0x353: {  	v16 =	vmul.f32 v5, v15;
	v15 =	vadd.f32 $2.806994200e+00, v21;
	v10 =	vcvt.s32.f32 v10;
	[tilespmem:s10+$0x1D380] =	vst v17  }
0x354: {  	v14 =	vmul.f32 v2, v14;
	v12 =	vadd.f32 $-1.455206510e+00, v12  }
0x355: {  	v8 =	vshra.s32 v8, $0x17;
	v11 =	vadd.f32 $2.806994200e+00, v11;
	v16 =	vadd.f32 $-1.455206510e+00, v16  }
0x356: {  	v4 =	vmul.f32 $6.931471820e-01, v4;
	v14 =	vadd.f32 $-1.455206510e+00, v14;
	v12 =	vmul.f32 v6, v12  }
0x357: {  	v7 =	vmul.f32 $6.931471820e-01, v7;
	v8 =	vadd.s32 $0xFFFFFF81, v8;
	v16 =	vmul.f32 v5, v16  }
0x358: {  	v1 =	vmul.f32 v1, v15;
	v14 =	vmul.f32 v2, v14;
	v57 =	vadd.f32 $2.806994200e+00, v12  }
0x359: {  	v3 =	vmul.f32 v3, v11;
	v8 =	vcvt.s32.f32 v8;
	v55 =	vadd.f32 $2.806994200e+00, v16  }
0x35a: {  	v1 =	vadd.f32 v1, v0;
	v14 =	vadd.f32 $2.806994200e+00, v14;
	v60 =	vmul.f32 v6, v57  }
0x35b: {  	v3 =	vadd.f32 v3, v0;
	v62 =	vmul.f32 $6.931471820e-01, v8;
	v56 =	vmul.f32 v5, v55  }
0x35c: {  	v1 =	vadd.f32 v1, v4;
	v58 =	vmul.f32 v2, v14;
	v63 =	vadd.f32 v60, v0  }
0x35d: {  	[tilespmem:s10+$0x1D330] =	vst v13;
	v3 =	vadd.f32 v3, v7;
	v59 =	vadd.f32 v56, v0  }
0x35e: {  	v61 =	vmul.f32 $6.931471820e-01, v10;
	[tilespmem:s10+$0x1D350] =	vst v1;
	v2 =	vadd.f32 v58, v0;
	v0 =	vadd.f32 v63, v62  }
0x35f: {  	[tilespmem:s10+$0x1D340] =	vst v3;
	v4 =	vadd.f32 v59, v9  }
0x360: {  	s9 =	sadd.s32 $0x1, s9;
	v2 =	vadd.f32 v2, v61;
	[tilespmem:s10+$0x1D310] =	vst v0  }
0x361: {  	p0 =	sne.s32 s9, s25;
	[tilespmem:s10+$0x1D320] =	vst v4  }
.Ltmp22:
0x362: {  	s11 =	simm.s32 $0x0;
	s12 =	simm.s32 $0x1D310;
	[tilespmem:s10+$0x1D360] =	vst v2;
	(pc) =	sbr.rel @p0 .LBB2_1-.Ltmp22, $4  }
0x363: {  	[hbm4b:s24+s11] =	stream.linear.scatter [tilespmem:s12], [sflag:$0x7], $0x1400, $0x38;
	[tilespmem:$0x1EF90] =	vst v63  }
0x364: {  	_ =	swait.ge [sflag:s8], $0x6400  }
0x365: {  	[sflag:s8] =	ssyncset.done $0x0  }
0x366: {  	[sflag:s8] =	ssyncadd.s32 $0xFFFF9C00  }
0x367: {  	_ =	sfence.sel $0x180000  }
0x368: {  	[bflag:$0x0] =	sbarrier.arrive $0xFFFF  }
0x369: {  	_ =	strace $0x90000047  }
0x36a: {  	s0 =	stileid.u32;
	[bflag:$0x2] =	sbarrier.arrive $0xFFFF  }
0x36b: {  	p0 =	sne.s32 s0, $0x0;
	s0 =	rddreg [dreg:$0x4]  }
0x36c: {  	s0 =	sadd.s32 @!p0 $0x100000, s0  }
0x36d: {  	[sflag:s0] =	ssyncadd.tile.s32 @!p0 $0x1;
	_ =	shalt  }
.Lfunc_end2:
_tile_overlayer_lowered:
.L_overlay_start_2:
0x36e: {  	(tag) =	ssettag $0x2  }
0x36f: {  	s0 =	rddreg [dreg:$0x0];
	s2 =	stileid.u32  }
0x370: {  	s1 =	rddreg [dreg:$0x1];
	p0 =	sne.s32 s2, $0x0  }
0x371: {  	s3 =	rddreg [dreg:$0x2];
	[bflag:$0x3] =	sbarrier.arrive $0xFFFF;
	s2 =	simm.s32 @!p0 $0x1C08  }
0x372: {  	[timem:s3], [sflag:s2] =	dma.local @!p0 [hbm:s0], s1  }
0x373: {  	s0 =	simm.s32 @!p0 $0x8  }
0x374: {  	_ =	swait.ge @!p0 [sflag:s0], s1  }
0x375: {  	s1 =	ssub.s32 @!p0 $0x0, s1;
	[sflag:s0] =	ssyncset.done @!p0 $0x0  }
0x376: {  	[sflag:s0] =	ssyncadd.s32 @!p0 s1  }
0x377: {  	[bflag:$0x3] =	sbarrier.arrive $0xFFFF  }
0x378: {  	_ =	shalt  }

</sc_bundles>
